<compile_context>
chip_gen: v7x
topology: tpu7x:2x2x1
jax: 0.10.2.dev20260603
libtpu: 0.0.44.dev20260713+nightly
codegen_flags: <defaults>
</compile_context>

<pallas_src>
import functools

import jax
import jax.numpy as jnp
from jax import lax
from jax.experimental import pallas as pl
from jax.experimental.pallas import tpu as pltpu
from jax.experimental.pallas import tpu_sc as plsc

_B = 16384
_D = 128
_TD = 64
_NTIME = 365
_NC = 2
_NS = 16
_NW = _NC * _NS
_BPW = _B // _NW
_CHUNK = 64
_NCHUNK = _BPW // _CHUNK

_mesh = plsc.VectorSubcoreMesh(core_axis_name="c", subcore_axis_name="s")

_buf_set = [
    pltpu.VMEM((_CHUNK, _D), jnp.float32),
    pltpu.VMEM((_CHUNK, _D), jnp.float32),
    pltpu.VMEM((_CHUNK, _D), jnp.float32),
    pltpu.VMEM((_CHUNK, _D), jnp.float32),
    pltpu.VMEM((_CHUNK, _D), jnp.float32),
    pltpu.VMEM((_CHUNK, _D), jnp.float32),
]


@functools.partial(
    pl.kernel,
    mesh=_mesh,
    compiler_params=pltpu.CompilerParams(needs_layout_passes=False),
    out_type=jax.ShapeDtypeStruct((_B,), jnp.float32),
    scratch_types=[
        pltpu.VMEM((_BPW,), jnp.int32),
        pltpu.VMEM((_BPW,), jnp.int32),
        pltpu.VMEM((_BPW,), jnp.int32),
        pltpu.VMEM((_BPW,), jnp.int32),
        _buf_set,
        _buf_set,
        pltpu.VMEM(((_NTIME + 1) // 2, _D), jnp.float32),
        pltpu.VMEM((_BPW,), jnp.float32),
        pltpu.SemaphoreType.DMA,
        pltpu.SemaphoreType.DMA,
        pltpu.SemaphoreType.DMA,
    ],
)
def _tsimple_sc(heads_hbm, rels_hbm, tails_hbm, dates_hbm,
                eh_hbm, et_hbm, rf_hbm, ri_hbm, tf_hbm,
                out_hbm,
                idx_h, idx_r, idx_t, idx_d,
                bufs_a, bufs_b, timv, outb, sem_a, sem_b, sem_t):
    wid = lax.axis_index("s") * _NC + lax.axis_index("c")
    base = wid * _BPW

    tim_cp = pltpu.async_copy(tf_hbm, timv, sem_t)
    idx_cps = [
        pltpu.async_copy(heads_hbm.at[pl.ds(base, _BPW)], idx_h, sem_a),
        pltpu.async_copy(rels_hbm.at[pl.ds(base, _BPW)], idx_r, sem_a),
        pltpu.async_copy(tails_hbm.at[pl.ds(base, _BPW)], idx_t, sem_a),
        pltpu.async_copy(dates_hbm.at[pl.ds(base, _BPW)], idx_d, sem_a),
    ]
    for cp in idx_cps:
        cp.wait()

    def start_set(ci, bufs, sem):
        sl_c = pl.ds(ci * _CHUNK, _CHUNK)
        h1, r1, t1, h2, r2, t2 = bufs
        pltpu.async_copy(eh_hbm.at[idx_h.at[sl_c]], h1, sem)
        pltpu.async_copy(rf_hbm.at[idx_r.at[sl_c]], r1, sem)
        pltpu.async_copy(et_hbm.at[idx_t.at[sl_c]], t1, sem)
        pltpu.async_copy(eh_hbm.at[idx_t.at[sl_c]], h2, sem)
        pltpu.async_copy(ri_hbm.at[idx_r.at[sl_c]], r2, sem)
        pltpu.async_copy(et_hbm.at[idx_h.at[sl_c]], t2, sem)

    def wait_set(bufs, sem):
        for b in bufs:
            pltpu.make_async_copy(eh_hbm.at[pl.ds(0, _CHUNK)], b, sem).wait()

    lane_iota = lax.iota(jnp.int32, 16)
    idx15 = jnp.full((16, 1), 15, jnp.int32)
    gdn = lax.GatherDimensionNumbers(
        offset_dims=(), collapsed_slice_dims=(0,), start_index_map=(0,))

    def compute_set(ci, bufs):
        h1, r1, t1, h2, r2, t2 = bufs
        for g in range(_CHUNK // 16):
            dvec = idx_d[pl.ds(ci * _CHUNK + g * 16, 16)]

            def e_body(l, res):
                e = g * 16 + l
                ddv = lax.gather(
                    dvec, jnp.full((16, 1), l, jnp.int32),
                    dimension_numbers=gdn, slice_sizes=(1,),
                    mode=lax.GatherScatterMode.PROMISE_IN_BOUNDS)
                trow = ddv >> 1
                tcol0 = (ddv & 1) * _TD + lane_iota
                acc = jnp.zeros((16,), jnp.float32)
                for k in range(_D // 16):
                    sl = pl.ds(k * 16, 16)
                    term = h1[e, sl] * r1[e, sl] * t1[e, sl] \
                        + h2[e, sl] * r2[e, sl] * t2[e, sl]
                    if k < _TD // 16:
                        term = term * plsc.load_gather(
                            timv, [trow, tcol0 + 16 * k])
                    acc = acc + term
                csum = jnp.cumsum(acc)
                total = lax.gather(
                    csum, idx15, dimension_numbers=gdn, slice_sizes=(1,),
                    mode=lax.GatherScatterMode.PROMISE_IN_BOUNDS)
                return jnp.where(lane_iota == l, total, res)

            res = lax.fori_loop(0, 16, e_body, jnp.zeros((16,), jnp.float32))
            outb[pl.ds(ci * _CHUNK + g * 16, 16)] = res * 0.5

    n2 = _NCHUNK // 2
    start_set(0, bufs_a, sem_a)
    start_set(1, bufs_b, sem_b)
    tim_cp.wait()

    def pair_body(cj, carry):
        ci0 = 2 * cj
        wait_set(bufs_a, sem_a)
        compute_set(ci0, bufs_a)

        @pl.when(cj < n2 - 1)
        def _():
            start_set(ci0 + 2, bufs_a, sem_a)

        wait_set(bufs_b, sem_b)
        compute_set(ci0 + 1, bufs_b)

        @pl.when(cj < n2 - 1)
        def _():
            start_set(ci0 + 3, bufs_b, sem_b)

        return carry

    lax.fori_loop(0, n2, pair_body, 0)
    pltpu.sync_copy(outb, out_hbm.at[pl.ds(base, _BPW)])


def kernel(heads, rels, tails, dates, ent_embs_h, ent_embs_t,
           rel_embs_f, rel_embs_i, tim_embs_f):
    tim_flat = jnp.concatenate(
        [tim_embs_f, jnp.zeros((1, _TD), tim_embs_f.dtype)]).reshape(-1, _D)
    return _tsimple_sc(heads, rels, tails, dates, ent_embs_h, ent_embs_t,
                       rel_embs_f, rel_embs_i, tim_flat)

# --- scband reference (transcript-rebuilt; emitter-appended) ---
"""Pipeline reference for scband-t-simple-86698209837451 (READ-ONLY COPY).

The authoritative reference and input builder live on the scoring server;
editing this copy changes nothing except your own understanding.
"""

import jax, jax.numpy as jnp
import numpy as np

B = 16384
NENT = 100000
NREL = 500
NTIME = 365
EMB_DIM = 128
T_EMB_DIM = 64
S_EMB_DIM = 64


def _xavier(key, shape):
    fan_in, fan_out = shape[0], shape[1]
    limit = float(np.sqrt(6.0 / (fan_in + fan_out)))
    return jax.random.uniform(key, shape, dtype=jnp.float32, minval=-limit, maxval=limit)


def setup_inputs(seed: int = 0) -> dict:
    key = jax.random.key(seed)
    ks = jax.random.split(key, 9)
    heads = jax.random.randint(ks[0], (B,), 0, NENT, dtype=jnp.int32)
    rels = jax.random.randint(ks[1], (B,), 0, NREL, dtype=jnp.int32)
    tails = jax.random.randint(ks[2], (B,), 0, NENT, dtype=jnp.int32)
    dates = jax.random.randint(ks[3], (B,), 0, NTIME, dtype=jnp.int32)
    ent_embs_h = _xavier(ks[4], (NENT, EMB_DIM))
    ent_embs_t = _xavier(ks[5], (NENT, EMB_DIM))
    rel_embs_f = _xavier(ks[6], (NREL, EMB_DIM))
    rel_embs_i = _xavier(ks[7], (NREL, EMB_DIM))
    tim_embs_f = _xavier(ks[8], (NTIME, T_EMB_DIM))
    return {
        "heads": heads,
        "rels": rels,
        "tails": tails,
        "dates": dates,
        "ent_embs_h": ent_embs_h,
        "ent_embs_t": ent_embs_t,
        "rel_embs_f": rel_embs_f,
        "rel_embs_i": rel_embs_i,
        "tim_embs_f": tim_embs_f,
    }


def reference(heads, rels, tails, dates, ent_embs_h, ent_embs_t, rel_embs_f, rel_embs_i, tim_embs_f):
    # getEmbeddings
    h_embs1 = jnp.take(ent_embs_h, heads, axis=0)
    r_embs1 = jnp.take(rel_embs_f, rels, axis=0)
    t_embs1 = jnp.take(ent_embs_t, tails, axis=0)
    T_embs1 = jnp.take(tim_embs_f, dates, axis=0)
    T_embs2 = jnp.ones((dates.shape[0], S_EMB_DIM), dtype=jnp.float32)
    T_embs1 = jnp.concatenate((T_embs1, T_embs2), axis=1)
    h_embs2 = jnp.take(ent_embs_h, tails, axis=0)
    r_embs2 = jnp.take(rel_embs_i, rels, axis=0)
    t_embs2 = jnp.take(ent_embs_t, heads, axis=0)
    # forward (dropout is identity at p=0.0 / eval mode)
    scores = (h_embs1 * r_embs1 * t_embs1 * T_embs1 + h_embs2 * r_embs2 * t_embs2 * T_embs1) / 2.0
    scores = jnp.sum(scores, axis=1)
    return scores

if __name__ == "__main__":
    import jax
    _d = setup_inputs()
    print(jax.jit(kernel)(*tuple(_d.values())))

</pallas_src>

<mosaic_0001>
#map = affine_map<(d0, d1) -> (0)>
#map1 = affine_map<(d0, d1) -> (0, 0)>
module attributes {stable_mosaic.version = 14 : i64} {
  func.func @_tsimple_sc(%arg0: i32, %arg1: i32, %arg2: memref<16384xi32, #tpu.memory_space<hbm>>, %arg3: memref<16384xi32, #tpu.memory_space<hbm>>, %arg4: memref<16384xi32, #tpu.memory_space<hbm>>, %arg5: memref<16384xi32, #tpu.memory_space<hbm>>, %arg6: memref<100000x128xf32, #tpu.memory_space<hbm>>, %arg7: memref<100000x128xf32, #tpu.memory_space<hbm>>, %arg8: memref<500x128xf32, #tpu.memory_space<hbm>>, %arg9: memref<500x128xf32, #tpu.memory_space<hbm>>, %arg10: memref<183x128xf32, #tpu.memory_space<hbm>>, %arg11: memref<16384xf32, #tpu.memory_space<hbm>>, %arg12: memref<512xi32, #tpu.memory_space<vmem>>, %arg13: memref<512xi32, #tpu.memory_space<vmem>>, %arg14: memref<512xi32, #tpu.memory_space<vmem>>, %arg15: memref<512xi32, #tpu.memory_space<vmem>>, %arg16: memref<64x128xf32, #tpu.memory_space<vmem>>, %arg17: memref<64x128xf32, #tpu.memory_space<vmem>>, %arg18: memref<64x128xf32, #tpu.memory_space<vmem>>, %arg19: memref<64x128xf32, #tpu.memory_space<vmem>>, %arg20: memref<64x128xf32, #tpu.memory_space<vmem>>, %arg21: memref<64x128xf32, #tpu.memory_space<vmem>>, %arg22: memref<64x128xf32, #tpu.memory_space<vmem>>, %arg23: memref<64x128xf32, #tpu.memory_space<vmem>>, %arg24: memref<64x128xf32, #tpu.memory_space<vmem>>, %arg25: memref<64x128xf32, #tpu.memory_space<vmem>>, %arg26: memref<64x128xf32, #tpu.memory_space<vmem>>, %arg27: memref<64x128xf32, #tpu.memory_space<vmem>>, %arg28: memref<183x128xf32, #tpu.memory_space<vmem>>, %arg29: memref<512xf32, #tpu.memory_space<vmem>>, %arg30: memref<!tpu.dma_semaphore, #tpu.memory_space<semaphore_mem>>, %arg31: memref<!tpu.dma_semaphore, #tpu.memory_space<semaphore_mem>>, %arg32: memref<!tpu.dma_semaphore, #tpu.memory_space<semaphore_mem>>) attributes {dimension_semantics = [#tpu.dimension_semantics<core_parallel>, #tpu.dimension_semantics<subcore_parallel>], iteration_bounds = array<i64: 2, 16>, scalar_prefetch = 0 : i64, scratch_operands = 21 : i64, tpu.core_type = #tpu.core_type<sc_vector_subcore>, window_params = [{transform_indices = #map}, {transform_indices = #map}, {transform_indices = #map}, {transform_indices = #map}, {transform_indices = #map1}, {transform_indices = #map1}, {transform_indices = #map1}, {transform_indices = #map1}, {transform_indices = #map1}, {transform_indices = #map}]} {
    %mul3A = arith.constant 2 : i32
    %mul3A_0 = arith.muli %arg1, %mul3A : i32
    %add3A = arith.addi %mul3A_0, %arg0 : i32
    %mul3A_1 = arith.constant 512 : i32
    %mul3A_2 = arith.muli %add3A, %mul3A_1 : i32
    tpu.enqueue_dma source(%arg10 : memref<183x128xf32, #tpu.memory_space<hbm>>) target(%arg28 : memref<183x128xf32, #tpu.memory_space<vmem>>) target_semaphore(%arg32 : memref<!tpu.dma_semaphore, #tpu.memory_space<semaphore_mem>>)
    %dma_start3A = tpu.memref_slice %arg2[%mul3A_2] : memref<16384xi32, #tpu.memory_space<hbm>> -> memref<512xi32, #tpu.memory_space<hbm>>
    %dma_start3A_3 = tpu.memref_slice %arg2[%mul3A_2] : memref<16384xi32, #tpu.memory_space<hbm>> -> memref<512xi32, #tpu.memory_space<hbm>>
    tpu.enqueue_dma source(%dma_start3A_3 : memref<512xi32, #tpu.memory_space<hbm>>) target(%arg12 : memref<512xi32, #tpu.memory_space<vmem>>) target_semaphore(%arg30 : memref<!tpu.dma_semaphore, #tpu.memory_space<semaphore_mem>>)
    %dma_start3A_4 = tpu.memref_slice %arg3[%mul3A_2] : memref<16384xi32, #tpu.memory_space<hbm>> -> memref<512xi32, #tpu.memory_space<hbm>>
    %dma_start3A_5 = tpu.memref_slice %arg3[%mul3A_2] : memref<16384xi32, #tpu.memory_space<hbm>> -> memref<512xi32, #tpu.memory_space<hbm>>
    tpu.enqueue_dma source(%dma_start3A_5 : memref<512xi32, #tpu.memory_space<hbm>>) target(%arg13 : memref<512xi32, #tpu.memory_space<vmem>>) target_semaphore(%arg30 : memref<!tpu.dma_semaphore, #tpu.memory_space<semaphore_mem>>)
    %dma_start3A_6 = tpu.memref_slice %arg4[%mul3A_2] : memref<16384xi32, #tpu.memory_space<hbm>> -> memref<512xi32, #tpu.memory_space<hbm>>
    %dma_start3A_7 = tpu.memref_slice %arg4[%mul3A_2] : memref<16384xi32, #tpu.memory_space<hbm>> -> memref<512xi32, #tpu.memory_space<hbm>>
    tpu.enqueue_dma source(%dma_start3A_7 : memref<512xi32, #tpu.memory_space<hbm>>) target(%arg14 : memref<512xi32, #tpu.memory_space<vmem>>) target_semaphore(%arg30 : memref<!tpu.dma_semaphore, #tpu.memory_space<semaphore_mem>>)
    %dma_start3A_8 = tpu.memref_slice %arg5[%mul3A_2] : memref<16384xi32, #tpu.memory_space<hbm>> -> memref<512xi32, #tpu.memory_space<hbm>>
    %dma_start3A_9 = tpu.memref_slice %arg5[%mul3A_2] : memref<16384xi32, #tpu.memory_space<hbm>> -> memref<512xi32, #tpu.memory_space<hbm>>
    tpu.enqueue_dma source(%dma_start3A_9 : memref<512xi32, #tpu.memory_space<hbm>>) target(%arg15 : memref<512xi32, #tpu.memory_space<vmem>>) target_semaphore(%arg30 : memref<!tpu.dma_semaphore, #tpu.memory_space<semaphore_mem>>)
    %dma_wait3A = tpu.memref_slice %arg2[%mul3A_2] : memref<16384xi32, #tpu.memory_space<hbm>> -> memref<512xi32, #tpu.memory_space<hbm>>
    %dma_wait3A_10 = tpu.memref_slice %arg2[%mul3A_2] : memref<16384xi32, #tpu.memory_space<hbm>> -> memref<512xi32, #tpu.memory_space<hbm>>
    tpu.wait_dma2 semaphore(%arg30 : memref<!tpu.dma_semaphore, #tpu.memory_space<semaphore_mem>>) src(%dma_wait3A_10 : memref<512xi32, #tpu.memory_space<hbm>>) dst(%arg12 : memref<512xi32, #tpu.memory_space<vmem>>)
    %dma_wait3A_11 = tpu.memref_slice %arg3[%mul3A_2] : memref<16384xi32, #tpu.memory_space<hbm>> -> memref<512xi32, #tpu.memory_space<hbm>>
    %dma_wait3A_12 = tpu.memref_slice %arg3[%mul3A_2] : memref<16384xi32, #tpu.memory_space<hbm>> -> memref<512xi32, #tpu.memory_space<hbm>>
    tpu.wait_dma2 semaphore(%arg30 : memref<!tpu.dma_semaphore, #tpu.memory_space<semaphore_mem>>) src(%dma_wait3A_12 : memref<512xi32, #tpu.memory_space<hbm>>) dst(%arg13 : memref<512xi32, #tpu.memory_space<vmem>>)
    %dma_wait3A_13 = tpu.memref_slice %arg4[%mul3A_2] : memref<16384xi32, #tpu.memory_space<hbm>> -> memref<512xi32, #tpu.memory_space<hbm>>
    %dma_wait3A_14 = tpu.memref_slice %arg4[%mul3A_2] : memref<16384xi32, #tpu.memory_space<hbm>> -> memref<512xi32, #tpu.memory_space<hbm>>
    tpu.wait_dma2 semaphore(%arg30 : memref<!tpu.dma_semaphore, #tpu.memory_space<semaphore_mem>>) src(%dma_wait3A_14 : memref<512xi32, #tpu.memory_space<hbm>>) dst(%arg14 : memref<512xi32, #tpu.memory_space<vmem>>)
    %dma_wait3A_15 = tpu.memref_slice %arg5[%mul3A_2] : memref<16384xi32, #tpu.memory_space<hbm>> -> memref<512xi32, #tpu.memory_space<hbm>>
    %dma_wait3A_16 = tpu.memref_slice %arg5[%mul3A_2] : memref<16384xi32, #tpu.memory_space<hbm>> -> memref<512xi32, #tpu.memory_space<hbm>>
    tpu.wait_dma2 semaphore(%arg30 : memref<!tpu.dma_semaphore, #tpu.memory_space<semaphore_mem>>) src(%dma_wait3A_16 : memref<512xi32, #tpu.memory_space<hbm>>) dst(%arg15 : memref<512xi32, #tpu.memory_space<vmem>>)
    %iota3A = tpu.iota {dimensions = array<i32: 0>} : vector<16xi32>
    %broadcast_in_dim3A = arith.constant 15 : i32
    %broadcast_in_dim3A_17 = vector.broadcast %broadcast_in_dim3A : i32 to vector<16x1xi32>
    %dma_start3A_18 = arith.constant 0 : i32
    %dma_start3A_19 = tpu.memref_slice %arg12[%dma_start3A_18] : memref<512xi32, #tpu.memory_space<vmem>> -> memref<64xi32, #tpu.memory_space<vmem>>
    %dma_start3A_20 = arith.constant 0 : i32
    %dma_start3A_21 = arith.constant 0 : i32
    %dma_start3A_22 = tpu.memref_slice %arg6[%dma_start3A_20, %dma_start3A_21] : memref<100000x128xf32, #tpu.memory_space<hbm>> -> memref<100000x128xf32, #tpu.memory_space<hbm>>
    tpu.enqueue_indirect_dma source(%dma_start3A_22 : memref<100000x128xf32, #tpu.memory_space<hbm>>) target(%arg16 : memref<64x128xf32, #tpu.memory_space<vmem>>) offsets(%dma_start3A_19 : memref<64xi32, #tpu.memory_space<vmem>>) semaphore(%arg30 : memref<!tpu.dma_semaphore, #tpu.memory_space<semaphore_mem>>)
    %dma_start3A_23 = arith.constant 0 : i32
    %dma_start3A_24 = tpu.memref_slice %arg13[%dma_start3A_23] : memref<512xi32, #tpu.memory_space<vmem>> -> memref<64xi32, #tpu.memory_space<vmem>>
    %dma_start3A_25 = arith.constant 0 : i32
    %dma_start3A_26 = arith.constant 0 : i32
    %dma_start3A_27 = tpu.memref_slice %arg8[%dma_start3A_25, %dma_start3A_26] : memref<500x128xf32, #tpu.memory_space<hbm>> -> memref<500x128xf32, #tpu.memory_space<hbm>>
    tpu.enqueue_indirect_dma source(%dma_start3A_27 : memref<500x128xf32, #tpu.memory_space<hbm>>) target(%arg17 : memref<64x128xf32, #tpu.memory_space<vmem>>) offsets(%dma_start3A_24 : memref<64xi32, #tpu.memory_space<vmem>>) semaphore(%arg30 : memref<!tpu.dma_semaphore, #tpu.memory_space<semaphore_mem>>)
    %dma_start3A_28 = arith.constant 0 : i32
    %dma_start3A_29 = tpu.memref_slice %arg14[%dma_start3A_28] : memref<512xi32, #tpu.memory_space<vmem>> -> memref<64xi32, #tpu.memory_space<vmem>>
    %dma_start3A_30 = arith.constant 0 : i32
    %dma_start3A_31 = arith.constant 0 : i32
    %dma_start3A_32 = tpu.memref_slice %arg7[%dma_start3A_30, %dma_start3A_31] : memref<100000x128xf32, #tpu.memory_space<hbm>> -> memref<100000x128xf32, #tpu.memory_space<hbm>>
    tpu.enqueue_indirect_dma source(%dma_start3A_32 : memref<100000x128xf32, #tpu.memory_space<hbm>>) target(%arg18 : memref<64x128xf32, #tpu.memory_space<vmem>>) offsets(%dma_start3A_29 : memref<64xi32, #tpu.memory_space<vmem>>) semaphore(%arg30 : memref<!tpu.dma_semaphore, #tpu.memory_space<semaphore_mem>>)
    %dma_start3A_33 = arith.constant 0 : i32
    %dma_start3A_34 = tpu.memref_slice %arg14[%dma_start3A_33] : memref<512xi32, #tpu.memory_space<vmem>> -> memref<64xi32, #tpu.memory_space<vmem>>
    %dma_start3A_35 = arith.constant 0 : i32
    %dma_start3A_36 = arith.constant 0 : i32
    %dma_start3A_37 = tpu.memref_slice %arg6[%dma_start3A_35, %dma_start3A_36] : memref<100000x128xf32, #tpu.memory_space<hbm>> -> memref<100000x128xf32, #tpu.memory_space<hbm>>
    tpu.enqueue_indirect_dma source(%dma_start3A_37 : memref<100000x128xf32, #tpu.memory_space<hbm>>) target(%arg19 : memref<64x128xf32, #tpu.memory_space<vmem>>) offsets(%dma_start3A_34 : memref<64xi32, #tpu.memory_space<vmem>>) semaphore(%arg30 : memref<!tpu.dma_semaphore, #tpu.memory_space<semaphore_mem>>)
    %dma_start3A_38 = arith.constant 0 : i32
    %dma_start3A_39 = tpu.memref_slice %arg13[%dma_start3A_38] : memref<512xi32, #tpu.memory_space<vmem>> -> memref<64xi32, #tpu.memory_space<vmem>>
    %dma_start3A_40 = arith.constant 0 : i32
    %dma_start3A_41 = arith.constant 0 : i32
    %dma_start3A_42 = tpu.memref_slice %arg9[%dma_start3A_40, %dma_start3A_41] : memref<500x128xf32, #tpu.memory_space<hbm>> -> memref<500x128xf32, #tpu.memory_space<hbm>>
    tpu.enqueue_indirect_dma source(%dma_start3A_42 : memref<500x128xf32, #tpu.memory_space<hbm>>) target(%arg20 : memref<64x128xf32, #tpu.memory_space<vmem>>) offsets(%dma_start3A_39 : memref<64xi32, #tpu.memory_space<vmem>>) semaphore(%arg30 : memref<!tpu.dma_semaphore, #tpu.memory_space<semaphore_mem>>)
    %dma_start3A_43 = arith.constant 0 : i32
    %dma_start3A_44 = tpu.memref_slice %arg12[%dma_start3A_43] : memref<512xi32, #tpu.memory_space<vmem>> -> memref<64xi32, #tpu.memory_space<vmem>>
    %dma_start3A_45 = arith.constant 0 : i32
    %dma_start3A_46 = arith.constant 0 : i32
    %dma_start3A_47 = tpu.memref_slice %arg7[%dma_start3A_45, %dma_start3A_46] : memref<100000x128xf32, #tpu.memory_space<hbm>> -> memref<100000x128xf32, #tpu.memory_space<hbm>>
    tpu.enqueue_indirect_dma source(%dma_start3A_47 : memref<100000x128xf32, #tpu.memory_space<hbm>>) target(%arg21 : memref<64x128xf32, #tpu.memory_space<vmem>>) offsets(%dma_start3A_44 : memref<64xi32, #tpu.memory_space<vmem>>) semaphore(%arg30 : memref<!tpu.dma_semaphore, #tpu.memory_space<semaphore_mem>>)
    %dma_start3A_48 = arith.constant 64 : i32
    %dma_start3A_49 = tpu.memref_slice %arg12[%dma_start3A_48] : memref<512xi32, #tpu.memory_space<vmem>> -> memref<64xi32, #tpu.memory_space<vmem>>
    %dma_start3A_50 = arith.constant 0 : i32
    %dma_start3A_51 = arith.constant 0 : i32
    %dma_start3A_52 = tpu.memref_slice %arg6[%dma_start3A_50, %dma_start3A_51] : memref<100000x128xf32, #tpu.memory_space<hbm>> -> memref<100000x128xf32, #tpu.memory_space<hbm>>
    tpu.enqueue_indirect_dma source(%dma_start3A_52 : memref<100000x128xf32, #tpu.memory_space<hbm>>) target(%arg22 : memref<64x128xf32, #tpu.memory_space<vmem>>) offsets(%dma_start3A_49 : memref<64xi32, #tpu.memory_space<vmem>>) semaphore(%arg31 : memref<!tpu.dma_semaphore, #tpu.memory_space<semaphore_mem>>)
    %dma_start3A_53 = arith.constant 64 : i32
    %dma_start3A_54 = tpu.memref_slice %arg13[%dma_start3A_53] : memref<512xi32, #tpu.memory_space<vmem>> -> memref<64xi32, #tpu.memory_space<vmem>>
    %dma_start3A_55 = arith.constant 0 : i32
    %dma_start3A_56 = arith.constant 0 : i32
    %dma_start3A_57 = tpu.memref_slice %arg8[%dma_start3A_55, %dma_start3A_56] : memref<500x128xf32, #tpu.memory_space<hbm>> -> memref<500x128xf32, #tpu.memory_space<hbm>>
    tpu.enqueue_indirect_dma source(%dma_start3A_57 : memref<500x128xf32, #tpu.memory_space<hbm>>) target(%arg23 : memref<64x128xf32, #tpu.memory_space<vmem>>) offsets(%dma_start3A_54 : memref<64xi32, #tpu.memory_space<vmem>>) semaphore(%arg31 : memref<!tpu.dma_semaphore, #tpu.memory_space<semaphore_mem>>)
    %dma_start3A_58 = arith.constant 64 : i32
    %dma_start3A_59 = tpu.memref_slice %arg14[%dma_start3A_58] : memref<512xi32, #tpu.memory_space<vmem>> -> memref<64xi32, #tpu.memory_space<vmem>>
    %dma_start3A_60 = arith.constant 0 : i32
    %dma_start3A_61 = arith.constant 0 : i32
    %dma_start3A_62 = tpu.memref_slice %arg7[%dma_start3A_60, %dma_start3A_61] : memref<100000x128xf32, #tpu.memory_space<hbm>> -> memref<100000x128xf32, #tpu.memory_space<hbm>>
    tpu.enqueue_indirect_dma source(%dma_start3A_62 : memref<100000x128xf32, #tpu.memory_space<hbm>>) target(%arg24 : memref<64x128xf32, #tpu.memory_space<vmem>>) offsets(%dma_start3A_59 : memref<64xi32, #tpu.memory_space<vmem>>) semaphore(%arg31 : memref<!tpu.dma_semaphore, #tpu.memory_space<semaphore_mem>>)
    %dma_start3A_63 = arith.constant 64 : i32
    %dma_start3A_64 = tpu.memref_slice %arg14[%dma_start3A_63] : memref<512xi32, #tpu.memory_space<vmem>> -> memref<64xi32, #tpu.memory_space<vmem>>
    %dma_start3A_65 = arith.constant 0 : i32
    %dma_start3A_66 = arith.constant 0 : i32
    %dma_start3A_67 = tpu.memref_slice %arg6[%dma_start3A_65, %dma_start3A_66] : memref<100000x128xf32, #tpu.memory_space<hbm>> -> memref<100000x128xf32, #tpu.memory_space<hbm>>
    tpu.enqueue_indirect_dma source(%dma_start3A_67 : memref<100000x128xf32, #tpu.memory_space<hbm>>) target(%arg25 : memref<64x128xf32, #tpu.memory_space<vmem>>) offsets(%dma_start3A_64 : memref<64xi32, #tpu.memory_space<vmem>>) semaphore(%arg31 : memref<!tpu.dma_semaphore, #tpu.memory_space<semaphore_mem>>)
    %dma_start3A_68 = arith.constant 64 : i32
    %dma_start3A_69 = tpu.memref_slice %arg13[%dma_start3A_68] : memref<512xi32, #tpu.memory_space<vmem>> -> memref<64xi32, #tpu.memory_space<vmem>>
    %dma_start3A_70 = arith.constant 0 : i32
    %dma_start3A_71 = arith.constant 0 : i32
    %dma_start3A_72 = tpu.memref_slice %arg9[%dma_start3A_70, %dma_start3A_71] : memref<500x128xf32, #tpu.memory_space<hbm>> -> memref<500x128xf32, #tpu.memory_space<hbm>>
    tpu.enqueue_indirect_dma source(%dma_start3A_72 : memref<500x128xf32, #tpu.memory_space<hbm>>) target(%arg26 : memref<64x128xf32, #tpu.memory_space<vmem>>) offsets(%dma_start3A_69 : memref<64xi32, #tpu.memory_space<vmem>>) semaphore(%arg31 : memref<!tpu.dma_semaphore, #tpu.memory_space<semaphore_mem>>)
    %dma_start3A_73 = arith.constant 64 : i32
    %dma_start3A_74 = tpu.memref_slice %arg12[%dma_start3A_73] : memref<512xi32, #tpu.memory_space<vmem>> -> memref<64xi32, #tpu.memory_space<vmem>>
    %dma_start3A_75 = arith.constant 0 : i32
    %dma_start3A_76 = arith.constant 0 : i32
    %dma_start3A_77 = tpu.memref_slice %arg7[%dma_start3A_75, %dma_start3A_76] : memref<100000x128xf32, #tpu.memory_space<hbm>> -> memref<100000x128xf32, #tpu.memory_space<hbm>>
    tpu.enqueue_indirect_dma source(%dma_start3A_77 : memref<100000x128xf32, #tpu.memory_space<hbm>>) target(%arg27 : memref<64x128xf32, #tpu.memory_space<vmem>>) offsets(%dma_start3A_74 : memref<64xi32, #tpu.memory_space<vmem>>) semaphore(%arg31 : memref<!tpu.dma_semaphore, #tpu.memory_space<semaphore_mem>>)
    tpu.wait_dma2 semaphore(%arg32 : memref<!tpu.dma_semaphore, #tpu.memory_space<semaphore_mem>>) src(%arg10 : memref<183x128xf32, #tpu.memory_space<hbm>>) dst(%arg28 : memref<183x128xf32, #tpu.memory_space<vmem>>)
    %scan3A = arith.constant 0 : i32
    %scan3A_78 = arith.constant 0 : i32
    %scan3A_79 = arith.constant 4 : i32
    %scan3A_80 = arith.addi %scan3A_78, %scan3A_79 : i32
    %scan3A_81 = arith.constant 1 : i32
    scf.for %scan3A_83 = %scan3A_78 to %scan3A_80 step %scan3A_81  : i32 {
      %mul3A_84 = arith.constant 2 : i32
      %mul3A_85 = arith.muli %mul3A_84, %scan3A_83 : i32
      %dma_wait3A_86 = arith.constant 0 : i32
      %dma_wait3A_87 = arith.constant 0 : i32
      %dma_wait3A_88 = tpu.memref_slice %arg6[%dma_wait3A_86, %dma_wait3A_87] : memref<100000x128xf32, #tpu.memory_space<hbm>> -> memref<64x128xf32, #tpu.memory_space<hbm>>
      %dma_wait3A_89 = arith.constant 0 : i32
      %dma_wait3A_90 = arith.constant 0 : i32
      %dma_wait3A_91 = tpu.memref_slice %arg6[%dma_wait3A_89, %dma_wait3A_90] : memref<100000x128xf32, #tpu.memory_space<hbm>> -> memref<64x128xf32, #tpu.memory_space<hbm>>
      tpu.wait_dma2 semaphore(%arg30 : memref<!tpu.dma_semaphore, #tpu.memory_space<semaphore_mem>>) src(%dma_wait3A_91 : memref<64x128xf32, #tpu.memory_space<hbm>>) dst(%arg16 : memref<64x128xf32, #tpu.memory_space<vmem>>)
      %dma_wait3A_92 = arith.constant 0 : i32
      %dma_wait3A_93 = arith.constant 0 : i32
      %dma_wait3A_94 = tpu.memref_slice %arg6[%dma_wait3A_92, %dma_wait3A_93] : memref<100000x128xf32, #tpu.memory_space<hbm>> -> memref<64x128xf32, #tpu.memory_space<hbm>>
      %dma_wait3A_95 = arith.constant 0 : i32
      %dma_wait3A_96 = arith.constant 0 : i32
      %dma_wait3A_97 = tpu.memref_slice %arg6[%dma_wait3A_95, %dma_wait3A_96] : memref<100000x128xf32, #tpu.memory_space<hbm>> -> memref<64x128xf32, #tpu.memory_space<hbm>>
      tpu.wait_dma2 semaphore(%arg30 : memref<!tpu.dma_semaphore, #tpu.memory_space<semaphore_mem>>) src(%dma_wait3A_97 : memref<64x128xf32, #tpu.memory_space<hbm>>) dst(%arg17 : memref<64x128xf32, #tpu.memory_space<vmem>>)
      %dma_wait3A_98 = arith.constant 0 : i32
      %dma_wait3A_99 = arith.constant 0 : i32
      %dma_wait3A_100 = tpu.memref_slice %arg6[%dma_wait3A_98, %dma_wait3A_99] : memref<100000x128xf32, #tpu.memory_space<hbm>> -> memref<64x128xf32, #tpu.memory_space<hbm>>
      %dma_wait3A_101 = arith.constant 0 : i32
      %dma_wait3A_102 = arith.constant 0 : i32
      %dma_wait3A_103 = tpu.memref_slice %arg6[%dma_wait3A_101, %dma_wait3A_102] : memref<100000x128xf32, #tpu.memory_space<hbm>> -> memref<64x128xf32, #tpu.memory_space<hbm>>
      tpu.wait_dma2 semaphore(%arg30 : memref<!tpu.dma_semaphore, #tpu.memory_space<semaphore_mem>>) src(%dma_wait3A_103 : memref<64x128xf32, #tpu.memory_space<hbm>>) dst(%arg18 : memref<64x128xf32, #tpu.memory_space<vmem>>)
      %dma_wait3A_104 = arith.constant 0 : i32
      %dma_wait3A_105 = arith.constant 0 : i32
      %dma_wait3A_106 = tpu.memref_slice %arg6[%dma_wait3A_104, %dma_wait3A_105] : memref<100000x128xf32, #tpu.memory_space<hbm>> -> memref<64x128xf32, #tpu.memory_space<hbm>>
      %dma_wait3A_107 = arith.constant 0 : i32
      %dma_wait3A_108 = arith.constant 0 : i32
      %dma_wait3A_109 = tpu.memref_slice %arg6[%dma_wait3A_107, %dma_wait3A_108] : memref<100000x128xf32, #tpu.memory_space<hbm>> -> memref<64x128xf32, #tpu.memory_space<hbm>>
      tpu.wait_dma2 semaphore(%arg30 : memref<!tpu.dma_semaphore, #tpu.memory_space<semaphore_mem>>) src(%dma_wait3A_109 : memref<64x128xf32, #tpu.memory_space<hbm>>) dst(%arg19 : memref<64x128xf32, #tpu.memory_space<vmem>>)
      %dma_wait3A_110 = arith.constant 0 : i32
      %dma_wait3A_111 = arith.constant 0 : i32
      %dma_wait3A_112 = tpu.memref_slice %arg6[%dma_wait3A_110, %dma_wait3A_111] : memref<100000x128xf32, #tpu.memory_space<hbm>> -> memref<64x128xf32, #tpu.memory_space<hbm>>
      %dma_wait3A_113 = arith.constant 0 : i32
      %dma_wait3A_114 = arith.constant 0 : i32
      %dma_wait3A_115 = tpu.memref_slice %arg6[%dma_wait3A_113, %dma_wait3A_114] : memref<100000x128xf32, #tpu.memory_space<hbm>> -> memref<64x128xf32, #tpu.memory_space<hbm>>
      tpu.wait_dma2 semaphore(%arg30 : memref<!tpu.dma_semaphore, #tpu.memory_space<semaphore_mem>>) src(%dma_wait3A_115 : memref<64x128xf32, #tpu.memory_space<hbm>>) dst(%arg20 : memref<64x128xf32, #tpu.memory_space<vmem>>)
      %dma_wait3A_116 = arith.constant 0 : i32
      %dma_wait3A_117 = arith.constant 0 : i32
      %dma_wait3A_118 = tpu.memref_slice %arg6[%dma_wait3A_116, %dma_wait3A_117] : memref<100000x128xf32, #tpu.memory_space<hbm>> -> memref<64x128xf32, #tpu.memory_space<hbm>>
      %dma_wait3A_119 = arith.constant 0 : i32
      %dma_wait3A_120 = arith.constant 0 : i32
      %dma_wait3A_121 = tpu.memref_slice %arg6[%dma_wait3A_119, %dma_wait3A_120] : memref<100000x128xf32, #tpu.memory_space<hbm>> -> memref<64x128xf32, #tpu.memory_space<hbm>>
      tpu.wait_dma2 semaphore(%arg30 : memref<!tpu.dma_semaphore, #tpu.memory_space<semaphore_mem>>) src(%dma_wait3A_121 : memref<64x128xf32, #tpu.memory_space<hbm>>) dst(%arg21 : memref<64x128xf32, #tpu.memory_space<vmem>>)
      %mul3A_122 = arith.constant 64 : i32
      %mul3A_123 = arith.muli %mul3A_85, %mul3A_122 : i32
      %add3A_124 = arith.constant 0 : i32
      %add3A_125 = arith.addi %mul3A_123, %add3A_124 : i32
      %get3A = arith.index_cast %add3A_125 : i32 to index
      %get3A_126 = tpu.vector_load %arg15[%get3A] {strides = array<i32>} : memref<512xi32, #tpu.memory_space<vmem>>, vector<16xi32>,
      %broadcast_in_dim3A_127 = arith.constant 0.000000e+00 : f32
      %broadcast_in_dim3A_128 = vector.broadcast %broadcast_in_dim3A_127 : f32 to vector<16xf32>
      %scan3A_129 = arith.constant 0 : i32
      %scan3A_130 = arith.constant 16 : i32
      %scan3A_131 = arith.addi %scan3A_129, %scan3A_130 : i32
      %scan3A_132 = arith.constant 1 : i32
      %scan3A_133 = scf.for %scan3A_349 = %scan3A_129 to %scan3A_131 step %scan3A_132 iter_args(%scan3A_350 = %broadcast_in_dim3A_128) -> (vector<16xf32>)  : i32 {
        %add3A_351 = arith.constant 0 : i32
        %add3A_352 = arith.addi %add3A_351, %scan3A_349 : i32
        %broadcast_in_dim3A_353 = vector.broadcast %scan3A_349 : i32 to vector<16x1xi32>
        %gather3A = vector.shape_cast %broadcast_in_dim3A_353 : vector<16x1xi32> to vector<16xi32>
        %gather3A_354 = tpu.dynamic_gather %get3A_126[%gather3A] in [0] : vector<16xi32>, vector<16xi32> -> vector<16xi32>
        %shift_right_arithmetic3A = arith.constant 1 : i32
        %shift_right_arithmetic3A_355 = vector.broadcast %shift_right_arithmetic3A : i32 to vector<16xi32>
        %shift_right_arithmetic3A_356 = arith.shrsi %gather3A_354, %shift_right_arithmetic3A_355 : vector<16xi32>
        %and3A = arith.constant 1 : i32
        %and3A_357 = vector.broadcast %and3A : i32 to vector<16xi32>
        %and3A_358 = arith.andi %gather3A_354, %and3A_357 : vector<16xi32>
        %mul3A_359 = arith.constant 64 : i32
        %mul3A_360 = vector.broadcast %mul3A_359 : i32 to vector<16xi32>
        %mul3A_361 = arith.muli %and3A_358, %mul3A_360 : vector<16xi32>
        %add3A_362 = arith.addi %mul3A_361, %iota3A : vector<16xi32>
        %broadcast_in_dim3A_363 = arith.constant 0.000000e+00 : f32
        %broadcast_in_dim3A_364 = vector.broadcast %broadcast_in_dim3A_363 : f32 to vector<16xf32>
        %get3A_365 = arith.index_cast %add3A_352 : i32 to index
        %get3A_366 = arith.constant 0 : index
        %get3A_367 = tpu.vector_load %arg16[%get3A_365, %get3A_366] {strides = array<i32>} : memref<64x128xf32, #tpu.memory_space<vmem>>, vector<16xf32>,
        %get3A_368 = arith.index_cast %add3A_352 : i32 to index
        %get3A_369 = arith.constant 0 : index
        %get3A_370 = tpu.vector_load %arg17[%get3A_368, %get3A_369] {strides = array<i32>} : memref<64x128xf32, #tpu.memory_space<vmem>>, vector<16xf32>,
        %mul3A_371 = arith.mulf %get3A_367, %get3A_370 : vector<16xf32>
        %get3A_372 = arith.index_cast %add3A_352 : i32 to index
        %get3A_373 = arith.constant 0 : index
        %get3A_374 = tpu.vector_load %arg18[%get3A_372, %get3A_373] {strides = array<i32>} : memref<64x128xf32, #tpu.memory_space<vmem>>, vector<16xf32>,
        %mul3A_375 = arith.mulf %mul3A_371, %get3A_374 : vector<16xf32>
        %get3A_376 = arith.index_cast %add3A_352 : i32 to index
        %get3A_377 = arith.constant 0 : index
        %get3A_378 = tpu.vector_load %arg19[%get3A_376, %get3A_377] {strides = array<i32>} : memref<64x128xf32, #tpu.memory_space<vmem>>, vector<16xf32>,
        %get3A_379 = arith.index_cast %add3A_352 : i32 to index
        %get3A_380 = arith.constant 0 : index
        %get3A_381 = tpu.vector_load %arg20[%get3A_379, %get3A_380] {strides = array<i32>} : memref<64x128xf32, #tpu.memory_space<vmem>>, vector<16xf32>,
        %mul3A_382 = arith.mulf %get3A_378, %get3A_381 : vector<16xf32>
        %get3A_383 = arith.index_cast %add3A_352 : i32 to index
        %get3A_384 = arith.constant 0 : index
        %get3A_385 = tpu.vector_load %arg21[%get3A_383, %get3A_384] {strides = array<i32>} : memref<64x128xf32, #tpu.memory_space<vmem>>, vector<16xf32>,
        %mul3A_386 = arith.mulf %mul3A_382, %get3A_385 : vector<16xf32>
        %add3A_387 = arith.addf %mul3A_375, %mul3A_386 : vector<16xf32>
        %add3A_388 = arith.constant 0 : i32
        %add3A_389 = vector.broadcast %add3A_388 : i32 to vector<16xi32>
        %add3A_390 = arith.addi %add3A_362, %add3A_389 : vector<16xi32>
        %gather3A_391 = tpu.vector_load_idx %arg28[%shift_right_arithmetic3A_356, %add3A_390] : memref<183x128xf32, #tpu.memory_space<vmem>>[vector<16xi32>, vector<16xi32>], vector<16xf32>,
        %mul3A_392 = arith.mulf %add3A_387, %gather3A_391 : vector<16xf32>
        %add3A_393 = arith.addf %broadcast_in_dim3A_364, %mul3A_392 : vector<16xf32>
        %get3A_394 = arith.index_cast %add3A_352 : i32 to index
        %get3A_395 = arith.constant 16 : index
        %get3A_396 = tpu.vector_load %arg16[%get3A_394, %get3A_395] {strides = array<i32>} : memref<64x128xf32, #tpu.memory_space<vmem>>, vector<16xf32>,
        %get3A_397 = arith.index_cast %add3A_352 : i32 to index
        %get3A_398 = arith.constant 16 : index
        %get3A_399 = tpu.vector_load %arg17[%get3A_397, %get3A_398] {strides = array<i32>} : memref<64x128xf32, #tpu.memory_space<vmem>>, vector<16xf32>,
        %mul3A_400 = arith.mulf %get3A_396, %get3A_399 : vector<16xf32>
        %get3A_401 = arith.index_cast %add3A_352 : i32 to index
        %get3A_402 = arith.constant 16 : index
        %get3A_403 = tpu.vector_load %arg18[%get3A_401, %get3A_402] {strides = array<i32>} : memref<64x128xf32, #tpu.memory_space<vmem>>, vector<16xf32>,
        %mul3A_404 = arith.mulf %mul3A_400, %get3A_403 : vector<16xf32>
        %get3A_405 = arith.index_cast %add3A_352 : i32 to index
        %get3A_406 = arith.constant 16 : index
        %get3A_407 = tpu.vector_load %arg19[%get3A_405, %get3A_406] {strides = array<i32>} : memref<64x128xf32, #tpu.memory_space<vmem>>, vector<16xf32>,
        %get3A_408 = arith.index_cast %add3A_352 : i32 to index
        %get3A_409 = arith.constant 16 : index
        %get3A_410 = tpu.vector_load %arg20[%get3A_408, %get3A_409] {strides = array<i32>} : memref<64x128xf32, #tpu.memory_space<vmem>>, vector<16xf32>,
        %mul3A_411 = arith.mulf %get3A_407, %get3A_410 : vector<16xf32>
        %get3A_412 = arith.index_cast %add3A_352 : i32 to index
        %get3A_413 = arith.constant 16 : index
        %get3A_414 = tpu.vector_load %arg21[%get3A_412, %get3A_413] {strides = array<i32>} : memref<64x128xf32, #tpu.memory_space<vmem>>, vector<16xf32>,
        %mul3A_415 = arith.mulf %mul3A_411, %get3A_414 : vector<16xf32>
        %add3A_416 = arith.addf %mul3A_404, %mul3A_415 : vector<16xf32>
        %add3A_417 = arith.constant 16 : i32
        %add3A_418 = vector.broadcast %add3A_417 : i32 to vector<16xi32>
        %add3A_419 = arith.addi %add3A_362, %add3A_418 : vector<16xi32>
        %gather3A_420 = tpu.vector_load_idx %arg28[%shift_right_arithmetic3A_356, %add3A_419] : memref<183x128xf32, #tpu.memory_space<vmem>>[vector<16xi32>, vector<16xi32>], vector<16xf32>,
        %mul3A_421 = arith.mulf %add3A_416, %gather3A_420 : vector<16xf32>
        %add3A_422 = arith.addf %add3A_393, %mul3A_421 : vector<16xf32>
        %get3A_423 = arith.index_cast %add3A_352 : i32 to index
        %get3A_424 = arith.constant 32 : index
        %get3A_425 = tpu.vector_load %arg16[%get3A_423, %get3A_424] {strides = array<i32>} : memref<64x128xf32, #tpu.memory_space<vmem>>, vector<16xf32>,
        %get3A_426 = arith.index_cast %add3A_352 : i32 to index
        %get3A_427 = arith.constant 32 : index
        %get3A_428 = tpu.vector_load %arg17[%get3A_426, %get3A_427] {strides = array<i32>} : memref<64x128xf32, #tpu.memory_space<vmem>>, vector<16xf32>,
        %mul3A_429 = arith.mulf %get3A_425, %get3A_428 : vector<16xf32>
        %get3A_430 = arith.index_cast %add3A_352 : i32 to index
        %get3A_431 = arith.constant 32 : index
        %get3A_432 = tpu.vector_load %arg18[%get3A_430, %get3A_431] {strides = array<i32>} : memref<64x128xf32, #tpu.memory_space<vmem>>, vector<16xf32>,
        %mul3A_433 = arith.mulf %mul3A_429, %get3A_432 : vector<16xf32>
        %get3A_434 = arith.index_cast %add3A_352 : i32 to index
        %get3A_435 = arith.constant 32 : index
        %get3A_436 = tpu.vector_load %arg19[%get3A_434, %get3A_435] {strides = array<i32>} : memref<64x128xf32, #tpu.memory_space<vmem>>, vector<16xf32>,
        %get3A_437 = arith.index_cast %add3A_352 : i32 to index
        %get3A_438 = arith.constant 32 : index
        %get3A_439 = tpu.vector_load %arg20[%get3A_437, %get3A_438] {strides = array<i32>} : memref<64x128xf32, #tpu.memory_space<vmem>>, vector<16xf32>,
        %mul3A_440 = arith.mulf %get3A_436, %get3A_439 : vector<16xf32>
        %get3A_441 = arith.index_cast %add3A_352 : i32 to index
        %get3A_442 = arith.constant 32 : index
        %get3A_443 = tpu.vector_load %arg21[%get3A_441, %get3A_442] {strides = array<i32>} : memref<64x128xf32, #tpu.memory_space<vmem>>, vector<16xf32>,
        %mul3A_444 = arith.mulf %mul3A_440, %get3A_443 : vector<16xf32>
        %add3A_445 = arith.addf %mul3A_433, %mul3A_444 : vector<16xf32>
        %add3A_446 = arith.constant 32 : i32
        %add3A_447 = vector.broadcast %add3A_446 : i32 to vector<16xi32>
        %add3A_448 = arith.addi %add3A_362, %add3A_447 : vector<16xi32>
        %gather3A_449 = tpu.vector_load_idx %arg28[%shift_right_arithmetic3A_356, %add3A_448] : memref<183x128xf32, #tpu.memory_space<vmem>>[vector<16xi32>, vector<16xi32>], vector<16xf32>,
        %mul3A_450 = arith.mulf %add3A_445, %gather3A_449 : vector<16xf32>
        %add3A_451 = arith.addf %add3A_422, %mul3A_450 : vector<16xf32>
        %get3A_452 = arith.index_cast %add3A_352 : i32 to index
        %get3A_453 = arith.constant 48 : index
        %get3A_454 = tpu.vector_load %arg16[%get3A_452, %get3A_453] {strides = array<i32>} : memref<64x128xf32, #tpu.memory_space<vmem>>, vector<16xf32>,
        %get3A_455 = arith.index_cast %add3A_352 : i32 to index
        %get3A_456 = arith.constant 48 : index
        %get3A_457 = tpu.vector_load %arg17[%get3A_455, %get3A_456] {strides = array<i32>} : memref<64x128xf32, #tpu.memory_space<vmem>>, vector<16xf32>,
        %mul3A_458 = arith.mulf %get3A_454, %get3A_457 : vector<16xf32>
        %get3A_459 = arith.index_cast %add3A_352 : i32 to index
        %get3A_460 = arith.constant 48 : index
        %get3A_461 = tpu.vector_load %arg18[%get3A_459, %get3A_460] {strides = array<i32>} : memref<64x128xf32, #tpu.memory_space<vmem>>, vector<16xf32>,
        %mul3A_462 = arith.mulf %mul3A_458, %get3A_461 : vector<16xf32>
        %get3A_463 = arith.index_cast %add3A_352 : i32 to index
        %get3A_464 = arith.constant 48 : index
        %get3A_465 = tpu.vector_load %arg19[%get3A_463, %get3A_464] {strides = array<i32>} : memref<64x128xf32, #tpu.memory_space<vmem>>, vector<16xf32>,
        %get3A_466 = arith.index_cast %add3A_352 : i32 to index
        %get3A_467 = arith.constant 48 : index
        %get3A_468 = tpu.vector_load %arg20[%get3A_466, %get3A_467] {strides = array<i32>} : memref<64x128xf32, #tpu.memory_space<vmem>>, vector<16xf32>,
        %mul3A_469 = arith.mulf %get3A_465, %get3A_468 : vector<16xf32>
        %get3A_470 = arith.index_cast %add3A_352 : i32 to index
        %get3A_471 = arith.constant 48 : index
        %get3A_472 = tpu.vector_load %arg21[%get3A_470, %get3A_471] {strides = array<i32>} : memref<64x128xf32, #tpu.memory_space<vmem>>, vector<16xf32>,
        %mul3A_473 = arith.mulf %mul3A_469, %get3A_472 : vector<16xf32>
        %add3A_474 = arith.addf %mul3A_462, %mul3A_473 : vector<16xf32>
        %add3A_475 = arith.constant 48 : i32
        %add3A_476 = vector.broadcast %add3A_475 : i32 to vector<16xi32>
        %add3A_477 = arith.addi %add3A_362, %add3A_476 : vector<16xi32>
        %gather3A_478 = tpu.vector_load_idx %arg28[%shift_right_arithmetic3A_356, %add3A_477] : memref<183x128xf32, #tpu.memory_space<vmem>>[vector<16xi32>, vector<16xi32>], vector<16xf32>,
        %mul3A_479 = arith.mulf %add3A_474, %gather3A_478 : vector<16xf32>
        %add3A_480 = arith.addf %add3A_451, %mul3A_479 : vector<16xf32>
        %get3A_481 = arith.index_cast %add3A_352 : i32 to index
        %get3A_482 = arith.constant 64 : index
        %get3A_483 = tpu.vector_load %arg16[%get3A_481, %get3A_482] {strides = array<i32>} : memref<64x128xf32, #tpu.memory_space<vmem>>, vector<16xf32>,
        %get3A_484 = arith.index_cast %add3A_352 : i32 to index
        %get3A_485 = arith.constant 64 : index
        %get3A_486 = tpu.vector_load %arg17[%get3A_484, %get3A_485] {strides = array<i32>} : memref<64x128xf32, #tpu.memory_space<vmem>>, vector<16xf32>,
        %mul3A_487 = arith.mulf %get3A_483, %get3A_486 : vector<16xf32>
        %get3A_488 = arith.index_cast %add3A_352 : i32 to index
        %get3A_489 = arith.constant 64 : index
        %get3A_490 = tpu.vector_load %arg18[%get3A_488, %get3A_489] {strides = array<i32>} : memref<64x128xf32, #tpu.memory_space<vmem>>, vector<16xf32>,
        %mul3A_491 = arith.mulf %mul3A_487, %get3A_490 : vector<16xf32>
        %get3A_492 = arith.index_cast %add3A_352 : i32 to index
        %get3A_493 = arith.constant 64 : index
        %get3A_494 = tpu.vector_load %arg19[%get3A_492, %get3A_493] {strides = array<i32>} : memref<64x128xf32, #tpu.memory_space<vmem>>, vector<16xf32>,
        %get3A_495 = arith.index_cast %add3A_352 : i32 to index
        %get3A_496 = arith.constant 64 : index
        %get3A_497 = tpu.vector_load %arg20[%get3A_495, %get3A_496] {strides = array<i32>} : memref<64x128xf32, #tpu.memory_space<vmem>>, vector<16xf32>,
        %mul3A_498 = arith.mulf %get3A_494, %get3A_497 : vector<16xf32>
        %get3A_499 = arith.index_cast %add3A_352 : i32 to index
        %get3A_500 = arith.constant 64 : index
        %get3A_501 = tpu.vector_load %arg21[%get3A_499, %get3A_500] {strides = array<i32>} : memref<64x128xf32, #tpu.memory_space<vmem>>, vector<16xf32>,
        %mul3A_502 = arith.mulf %mul3A_498, %get3A_501 : vector<16xf32>
        %add3A_503 = arith.addf %mul3A_491, %mul3A_502 : vector<16xf32>
        %add3A_504 = arith.addf %add3A_480, %add3A_503 : vector<16xf32>
        %get3A_505 = arith.index_cast %add3A_352 : i32 to index
        %get3A_506 = arith.constant 80 : index
        %get3A_507 = tpu.vector_load %arg16[%get3A_505, %get3A_506] {strides = array<i32>} : memref<64x128xf32, #tpu.memory_space<vmem>>, vector<16xf32>,
        %get3A_508 = arith.index_cast %add3A_352 : i32 to index
        %get3A_509 = arith.constant 80 : index
        %get3A_510 = tpu.vector_load %arg17[%get3A_508, %get3A_509] {strides = array<i32>} : memref<64x128xf32, #tpu.memory_space<vmem>>, vector<16xf32>,
        %mul3A_511 = arith.mulf %get3A_507, %get3A_510 : vector<16xf32>
        %get3A_512 = arith.index_cast %add3A_352 : i32 to index
        %get3A_513 = arith.constant 80 : index
        %get3A_514 = tpu.vector_load %arg18[%get3A_512, %get3A_513] {strides = array<i32>} : memref<64x128xf32, #tpu.memory_space<vmem>>, vector<16xf32>,
        %mul3A_515 = arith.mulf %mul3A_511, %get3A_514 : vector<16xf32>
        %get3A_516 = arith.index_cast %add3A_352 : i32 to index
        %get3A_517 = arith.constant 80 : index
        %get3A_518 = tpu.vector_load %arg19[%get3A_516, %get3A_517] {strides = array<i32>} : memref<64x128xf32, #tpu.memory_space<vmem>>, vector<16xf32>,
        %get3A_519 = arith.index_cast %add3A_352 : i32 to index
        %get3A_520 = arith.constant 80 : index
        %get3A_521 = tpu.vector_load %arg20[%get3A_519, %get3A_520] {strides = array<i32>} : memref<64x128xf32, #tpu.memory_space<vmem>>, vector<16xf32>,
        %mul3A_522 = arith.mulf %get3A_518, %get3A_521 : vector<16xf32>
        %get3A_523 = arith.index_cast %add3A_352 : i32 to index
        %get3A_524 = arith.constant 80 : index
        %get3A_525 = tpu.vector_load %arg21[%get3A_523, %get3A_524] {strides = array<i32>} : memref<64x128xf32, #tpu.memory_space<vmem>>, vector<16xf32>,
        %mul3A_526 = arith.mulf %mul3A_522, %get3A_525 : vector<16xf32>
        %add3A_527 = arith.addf %mul3A_515, %mul3A_526 : vector<16xf32>
        %add3A_528 = arith.addf %add3A_504, %add3A_527 : vector<16xf32>
        %get3A_529 = arith.index_cast %add3A_352 : i32 to index
        %get3A_530 = arith.constant 96 : index
        %get3A_531 = tpu.vector_load %arg16[%get3A_529, %get3A_530] {strides = array<i32>} : memref<64x128xf32, #tpu.memory_space<vmem>>, vector<16xf32>,
        %get3A_532 = arith.index_cast %add3A_352 : i32 to index
        %get3A_533 = arith.constant 96 : index
        %get3A_534 = tpu.vector_load %arg17[%get3A_532, %get3A_533] {strides = array<i32>} : memref<64x128xf32, #tpu.memory_space<vmem>>, vector<16xf32>,
        %mul3A_535 = arith.mulf %get3A_531, %get3A_534 : vector<16xf32>
        %get3A_536 = arith.index_cast %add3A_352 : i32 to index
        %get3A_537 = arith.constant 96 : index
        %get3A_538 = tpu.vector_load %arg18[%get3A_536, %get3A_537] {strides = array<i32>} : memref<64x128xf32, #tpu.memory_space<vmem>>, vector<16xf32>,
        %mul3A_539 = arith.mulf %mul3A_535, %get3A_538 : vector<16xf32>
        %get3A_540 = arith.index_cast %add3A_352 : i32 to index
        %get3A_541 = arith.constant 96 : index
        %get3A_542 = tpu.vector_load %arg19[%get3A_540, %get3A_541] {strides = array<i32>} : memref<64x128xf32, #tpu.memory_space<vmem>>, vector<16xf32>,
        %get3A_543 = arith.index_cast %add3A_352 : i32 to index
        %get3A_544 = arith.constant 96 : index
        %get3A_545 = tpu.vector_load %arg20[%get3A_543, %get3A_544] {strides = array<i32>} : memref<64x128xf32, #tpu.memory_space<vmem>>, vector<16xf32>,
        %mul3A_546 = arith.mulf %get3A_542, %get3A_545 : vector<16xf32>
        %get3A_547 = arith.index_cast %add3A_352 : i32 to index
        %get3A_548 = arith.constant 96 : index
        %get3A_549 = tpu.vector_load %arg21[%get3A_547, %get3A_548] {strides = array<i32>} : memref<64x128xf32, #tpu.memory_space<vmem>>, vector<16xf32>,
        %mul3A_550 = arith.mulf %mul3A_546, %get3A_549 : vector<16xf32>
        %add3A_551 = arith.addf %mul3A_539, %mul3A_550 : vector<16xf32>
        %add3A_552 = arith.addf %add3A_528, %add3A_551 : vector<16xf32>
        %get3A_553 = arith.index_cast %add3A_352 : i32 to index
        %get3A_554 = arith.constant 112 : index
        %get3A_555 = tpu.vector_load %arg16[%get3A_553, %get3A_554] {strides = array<i32>} : memref<64x128xf32, #tpu.memory_space<vmem>>, vector<16xf32>,
        %get3A_556 = arith.index_cast %add3A_352 : i32 to index
        %get3A_557 = arith.constant 112 : index
        %get3A_558 = tpu.vector_load %arg17[%get3A_556, %get3A_557] {strides = array<i32>} : memref<64x128xf32, #tpu.memory_space<vmem>>, vector<16xf32>,
        %mul3A_559 = arith.mulf %get3A_555, %get3A_558 : vector<16xf32>
        %get3A_560 = arith.index_cast %add3A_352 : i32 to index
        %get3A_561 = arith.constant 112 : index
        %get3A_562 = tpu.vector_load %arg18[%get3A_560, %get3A_561] {strides = array<i32>} : memref<64x128xf32, #tpu.memory_space<vmem>>, vector<16xf32>,
        %mul3A_563 = arith.mulf %mul3A_559, %get3A_562 : vector<16xf32>
        %get3A_564 = arith.index_cast %add3A_352 : i32 to index
        %get3A_565 = arith.constant 112 : index
        %get3A_566 = tpu.vector_load %arg19[%get3A_564, %get3A_565] {strides = array<i32>} : memref<64x128xf32, #tpu.memory_space<vmem>>, vector<16xf32>,
        %get3A_567 = arith.index_cast %add3A_352 : i32 to index
        %get3A_568 = arith.constant 112 : index
        %get3A_569 = tpu.vector_load %arg20[%get3A_567, %get3A_568] {strides = array<i32>} : memref<64x128xf32, #tpu.memory_space<vmem>>, vector<16xf32>,
        %mul3A_570 = arith.mulf %get3A_566, %get3A_569 : vector<16xf32>
        %get3A_571 = arith.index_cast %add3A_352 : i32 to index
        %get3A_572 = arith.constant 112 : index
        %get3A_573 = tpu.vector_load %arg21[%get3A_571, %get3A_572] {strides = array<i32>} : memref<64x128xf32, #tpu.memory_space<vmem>>, vector<16xf32>,
        %mul3A_574 = arith.mulf %mul3A_570, %get3A_573 : vector<16xf32>
        %add3A_575 = arith.addf %mul3A_563, %mul3A_574 : vector<16xf32>
        %add3A_576 = arith.addf %add3A_552, %add3A_575 : vector<16xf32>
        %cumsum3A = arith.constant true
        %cumsum3A_577 = vector.broadcast %cumsum3A : i1 to vector<16xi1>
        %cumsum3A_578 = tpu.scan <sum>, %add3A_576 masked %cumsum3A_577 : vector<16xf32>, vector<16xi1> -> vector<16xf32>
        %gather3A_579 = vector.shape_cast %broadcast_in_dim3A_17 : vector<16x1xi32> to vector<16xi32>
        %gather3A_580 = tpu.dynamic_gather %cumsum3A_578[%gather3A_579] in [0] : vector<16xf32>, vector<16xi32> -> vector<16xf32>
        %eq3A = vector.broadcast %scan3A_349 : i32 to vector<16xi32>
        %eq3A_581 = arith.cmpi eq, %iota3A, %eq3A : vector<16xi32>
        %select_n3A = arith.select %eq3A_581, %gather3A_580, %scan3A_350 : vector<16xi1>, vector<16xf32>
        scf.yield %select_n3A : vector<16xf32>
      }
      %scan3A_134 = arith.constant 16 : i32
      %mul3A_135 = arith.constant 5.000000e-01 : f32
      %mul3A_136 = vector.broadcast %mul3A_135 : f32 to vector<16xf32>
      %mul3A_137 = arith.mulf %scan3A_133, %mul3A_136 : vector<16xf32>
      %mul3A_138 = arith.constant 64 : i32
      %mul3A_139 = arith.muli %mul3A_85, %mul3A_138 : i32
      %add3A_140 = arith.constant 0 : i32
      %add3A_141 = arith.addi %mul3A_139, %add3A_140 : i32
      %swap3A = arith.index_cast %add3A_141 : i32 to index
      %swap3A_142 = tpu.vector_load %arg29[%swap3A] {strides = array<i32>} : memref<512xf32, #tpu.memory_space<vmem>>, vector<16xf32>,
      tpu.vector_store %arg29[%swap3A], %mul3A_137 {strides = array<i32>} : memref<512xf32, #tpu.memory_space<vmem>>, vector<16xf32>,
      %mul3A_143 = arith.constant 64 : i32
      %mul3A_144 = arith.muli %mul3A_85, %mul3A_143 : i32
      %add3A_145 = arith.constant 16 : i32
      %add3A_146 = arith.addi %mul3A_144, %add3A_145 : i32
      %get3A_147 = arith.index_cast %add3A_146 : i32 to index
      %get3A_148 = tpu.vector_load %arg15[%get3A_147] {strides = array<i32>} : memref<512xi32, #tpu.memory_space<vmem>>, vector<16xi32>,
      %broadcast_in_dim3A_149 = arith.constant 0.000000e+00 : f32
      %broadcast_in_dim3A_150 = vector.broadcast %broadcast_in_dim3A_149 : f32 to vector<16xf32>
      %scan3A_151 = arith.constant 0 : i32
      %scan3A_152 = arith.constant 16 : i32
      %scan3A_153 = arith.addi %scan3A_151, %scan3A_152 : i32
      %scan3A_154 = arith.constant 1 : i32
      %scan3A_155 = scf.for %scan3A_349 = %scan3A_151 to %scan3A_153 step %scan3A_154 iter_args(%scan3A_350 = %broadcast_in_dim3A_150) -> (vector<16xf32>)  : i32 {
        %add3A_351 = arith.constant 16 : i32
        %add3A_352 = arith.addi %add3A_351, %scan3A_349 : i32
        %broadcast_in_dim3A_353 = vector.broadcast %scan3A_349 : i32 to vector<16x1xi32>
        %gather3A = vector.shape_cast %broadcast_in_dim3A_353 : vector<16x1xi32> to vector<16xi32>
        %gather3A_354 = tpu.dynamic_gather %get3A_148[%gather3A] in [0] : vector<16xi32>, vector<16xi32> -> vector<16xi32>
        %shift_right_arithmetic3A = arith.constant 1 : i32
        %shift_right_arithmetic3A_355 = vector.broadcast %shift_right_arithmetic3A : i32 to vector<16xi32>
        %shift_right_arithmetic3A_356 = arith.shrsi %gather3A_354, %shift_right_arithmetic3A_355 : vector<16xi32>
        %and3A = arith.constant 1 : i32
        %and3A_357 = vector.broadcast %and3A : i32 to vector<16xi32>
        %and3A_358 = arith.andi %gather3A_354, %and3A_357 : vector<16xi32>
        %mul3A_359 = arith.constant 64 : i32
        %mul3A_360 = vector.broadcast %mul3A_359 : i32 to vector<16xi32>
        %mul3A_361 = arith.muli %and3A_358, %mul3A_360 : vector<16xi32>
        %add3A_362 = arith.addi %mul3A_361, %iota3A : vector<16xi32>
        %broadcast_in_dim3A_363 = arith.constant 0.000000e+00 : f32
        %broadcast_in_dim3A_364 = vector.broadcast %broadcast_in_dim3A_363 : f32 to vector<16xf32>
        %get3A_365 = arith.index_cast %add3A_352 : i32 to index
        %get3A_366 = arith.constant 0 : index
        %get3A_367 = tpu.vector_load %arg16[%get3A_365, %get3A_366] {strides = array<i32>} : memref<64x128xf32, #tpu.memory_space<vmem>>, vector<16xf32>,
        %get3A_368 = arith.index_cast %add3A_352 : i32 to index
        %get3A_369 = arith.constant 0 : index
        %get3A_370 = tpu.vector_load %arg17[%get3A_368, %get3A_369] {strides = array<i32>} : memref<64x128xf32, #tpu.memory_space<vmem>>, vector<16xf32>,
        %mul3A_371 = arith.mulf %get3A_367, %get3A_370 : vector<16xf32>
        %get3A_372 = arith.index_cast %add3A_352 : i32 to index
        %get3A_373 = arith.constant 0 : index
        %get3A_374 = tpu.vector_load %arg18[%get3A_372, %get3A_373] {strides = array<i32>} : memref<64x128xf32, #tpu.memory_space<vmem>>, vector<16xf32>,
        %mul3A_375 = arith.mulf %mul3A_371, %get3A_374 : vector<16xf32>
        %get3A_376 = arith.index_cast %add3A_352 : i32 to index
        %get3A_377 = arith.constant 0 : index
        %get3A_378 = tpu.vector_load %arg19[%get3A_376, %get3A_377] {strides = array<i32>} : memref<64x128xf32, #tpu.memory_space<vmem>>, vector<16xf32>,
        %get3A_379 = arith.index_cast %add3A_352 : i32 to index
        %get3A_380 = arith.constant 0 : index
        %get3A_381 = tpu.vector_load %arg20[%get3A_379, %get3A_380] {strides = array<i32>} : memref<64x128xf32, #tpu.memory_space<vmem>>, vector<16xf32>,
        %mul3A_382 = arith.mulf %get3A_378, %get3A_381 : vector<16xf32>
        %get3A_383 = arith.index_cast %add3A_352 : i32 to index
        %get3A_384 = arith.constant 0 : index
        %get3A_385 = tpu.vector_load %arg21[%get3A_383, %get3A_384] {strides = array<i32>} : memref<64x128xf32, #tpu.memory_space<vmem>>, vector<16xf32>,
        %mul3A_386 = arith.mulf %mul3A_382, %get3A_385 : vector<16xf32>
        %add3A_387 = arith.addf %mul3A_375, %mul3A_386 : vector<16xf32>
        %add3A_388 = arith.constant 0 : i32
        %add3A_389 = vector.broadcast %add3A_388 : i32 to vector<16xi32>
        %add3A_390 = arith.addi %add3A_362, %add3A_389 : vector<16xi32>
        %gather3A_391 = tpu.vector_load_idx %arg28[%shift_right_arithmetic3A_356, %add3A_390] : memref<183x128xf32, #tpu.memory_space<vmem>>[vector<16xi32>, vector<16xi32>], vector<16xf32>,
        %mul3A_392 = arith.mulf %add3A_387, %gather3A_391 : vector<16xf32>
        %add3A_393 = arith.addf %broadcast_in_dim3A_364, %mul3A_392 : vector<16xf32>
        %get3A_394 = arith.index_cast %add3A_352 : i32 to index
        %get3A_395 = arith.constant 16 : index
        %get3A_396 = tpu.vector_load %arg16[%get3A_394, %get3A_395] {strides = array<i32>} : memref<64x128xf32, #tpu.memory_space<vmem>>, vector<16xf32>,
        %get3A_397 = arith.index_cast %add3A_352 : i32 to index
        %get3A_398 = arith.constant 16 : index
        %get3A_399 = tpu.vector_load %arg17[%get3A_397, %get3A_398] {strides = array<i32>} : memref<64x128xf32, #tpu.memory_space<vmem>>, vector<16xf32>,
        %mul3A_400 = arith.mulf %get3A_396, %get3A_399 : vector<16xf32>
        %get3A_401 = arith.index_cast %add3A_352 : i32 to index
        %get3A_402 = arith.constant 16 : index
        %get3A_403 = tpu.vector_load %arg18[%get3A_401, %get3A_402] {strides = array<i32>} : memref<64x128xf32, #tpu.memory_space<vmem>>, vector<16xf32>,
        %mul3A_404 = arith.mulf %mul3A_400, %get3A_403 : vector<16xf32>
        %get3A_405 = arith.index_cast %add3A_352 : i32 to index
        %get3A_406 = arith.constant 16 : index
        %get3A_407 = tpu.vector_load %arg19[%get3A_405, %get3A_406] {strides = array<i32>} : memref<64x128xf32, #tpu.memory_space<vmem>>, vector<16xf32>,
        %get3A_408 = arith.index_cast %add3A_352 : i32 to index
        %get3A_409 = arith.constant 16 : index
        %get3A_410 = tpu.vector_load %arg20[%get3A_408, %get3A_409] {strides = array<i32>} : memref<64x128xf32, #tpu.memory_space<vmem>>, vector<16xf32>,
        %mul3A_411 = arith.mulf %get3A_407, %get3A_410 : vector<16xf32>
        %get3A_412 = arith.index_cast %add3A_352 : i32 to index
        %get3A_413 = arith.constant 16 : index
        %get3A_414 = tpu.vector_load %arg21[%get3A_412, %get3A_413] {strides = array<i32>} : memref<64x128xf32, #tpu.memory_space<vmem>>, vector<16xf32>,
        %mul3A_415 = arith.mulf %mul3A_411, %get3A_414 : vector<16xf32>
        %add3A_416 = arith.addf %mul3A_404, %mul3A_415 : vector<16xf32>
        %add3A_417 = arith.constant 16 : i32
        %add3A_418 = vector.broadcast %add3A_417 : i32 to vector<16xi32>
        %add3A_419 = arith.addi %add3A_362, %add3A_418 : vector<16xi32>
        %gather3A_420 = tpu.vector_load_idx %arg28[%shift_right_arithmetic3A_356, %add3A_419] : memref<183x128xf32, #tpu.memory_space<vmem>>[vector<16xi32>, vector<16xi32>], vector<16xf32>,
        %mul3A_421 = arith.mulf %add3A_416, %gather3A_420 : vector<16xf32>
        %add3A_422 = arith.addf %add3A_393, %mul3A_421 : vector<16xf32>
        %get3A_423 = arith.index_cast %add3A_352 : i32 to index
        %get3A_424 = arith.constant 32 : index
        %get3A_425 = tpu.vector_load %arg16[%get3A_423, %get3A_424] {strides = array<i32>} : memref<64x128xf32, #tpu.memory_space<vmem>>, vector<16xf32>,
        %get3A_426 = arith.index_cast %add3A_352 : i32 to index
        %get3A_427 = arith.constant 32 : index
        %get3A_428 = tpu.vector_load %arg17[%get3A_426, %get3A_427] {strides = array<i32>} : memref<64x128xf32, #tpu.memory_space<vmem>>, vector<16xf32>,
        %mul3A_429 = arith.mulf %get3A_425, %get3A_428 : vector<16xf32>
        %get3A_430 = arith.index_cast %add3A_352 : i32 to index
        %get3A_431 = arith.constant 32 : index
        %get3A_432 = tpu.vector_load %arg18[%get3A_430, %get3A_431] {strides = array<i32>} : memref<64x128xf32, #tpu.memory_space<vmem>>, vector<16xf32>,
        %mul3A_433 = arith.mulf %mul3A_429, %get3A_432 : vector<16xf32>
        %get3A_434 = arith.index_cast %add3A_352 : i32 to index
        %get3A_435 = arith.constant 32 : index
        %get3A_436 = tpu.vector_load %arg19[%get3A_434, %get3A_435] {strides = array<i32>} : memref<64x128xf32, #tpu.memory_space<vmem>>, vector<16xf32>,
        %get3A_437 = arith.index_cast %add3A_352 : i32 to index
        %get3A_438 = arith.constant 32 : index
        %get3A_439 = tpu.vector_load %arg20[%get3A_437, %get3A_438] {strides = array<i32>} : memref<64x128xf32, #tpu.memory_space<vmem>>, vector<16xf32>,
        %mul3A_440 = arith.mulf %get3A_436, %get3A_439 : vector<16xf32>
        %get3A_441 = arith.index_cast %add3A_352 : i32 to index
        %get3A_442 = arith.constant 32 : index
        %get3A_443 = tpu.vector_load %arg21[%get3A_441, %get3A_442] {strides = array<i32>} : memref<64x128xf32, #tpu.memory_space<vmem>>, vector<16xf32>,
        %mul3A_444 = arith.mulf %mul3A_440, %get3A_443 : vector<16xf32>
        %add3A_445 = arith.addf %mul3A_433, %mul3A_444 : vector<16xf32>
        %add3A_446 = arith.constant 32 : i32
        %add3A_447 = vector.broadcast %add3A_446 : i32 to vector<16xi32>
        %add3A_448 = arith.addi %add3A_362, %add3A_447 : vector<16xi32>
        %gather3A_449 = tpu.vector_load_idx %arg28[%shift_right_arithmetic3A_356, %add3A_448] : memref<183x128xf32, #tpu.memory_space<vmem>>[vector<16xi32>, vector<16xi32>], vector<16xf32>,
        %mul3A_450 = arith.mulf %add3A_445, %gather3A_449 : vector<16xf32>
        %add3A_451 = arith.addf %add3A_422, %mul3A_450 : vector<16xf32>
        %get3A_452 = arith.index_cast %add3A_352 : i32 to index
        %get3A_453 = arith.constant 48 : index
        %get3A_454 = tpu.vector_load %arg16[%get3A_452, %get3A_453] {strides = array<i32>} : memref<64x128xf32, #tpu.memory_space<vmem>>, vector<16xf32>,
        %get3A_455 = arith.index_cast %add3A_352 : i32 to index
        %get3A_456 = arith.constant 48 : index
        %get3A_457 = tpu.vector_load %arg17[%get3A_455, %get3A_456] {strides = array<i32>} : memref<64x128xf32, #tpu.memory_space<vmem>>, vector<16xf32>,
        %mul3A_458 = arith.mulf %get3A_454, %get3A_457 : vector<16xf32>
        %get3A_459 = arith.index_cast %add3A_352 : i32 to index
        %get3A_460 = arith.constant 48 : index
        %get3A_461 = tpu.vector_load %arg18[%get3A_459, %get3A_460] {strides = array<i32>} : memref<64x128xf32, #tpu.memory_space<vmem>>, vector<16xf32>,
        %mul3A_462 = arith.mulf %mul3A_458, %get3A_461 : vector<16xf32>
        %get3A_463 = arith.index_cast %add3A_352 : i32 to index
        %get3A_464 = arith.constant 48 : index
        %get3A_465 = tpu.vector_load %arg19[%get3A_463, %get3A_464] {strides = array<i32>} : memref<64x128xf32, #tpu.memory_space<vmem>>, vector<16xf32>,
        %get3A_466 = arith.index_cast %add3A_352 : i32 to index
        %get3A_467 = arith.constant 48 : index
        %get3A_468 = tpu.vector_load %arg20[%get3A_466, %get3A_467] {strides = array<i32>} : memref<64x128xf32, #tpu.memory_space<vmem>>, vector<16xf32>,
        %mul3A_469 = arith.mulf %get3A_465, %get3A_468 : vector<16xf32>
        %get3A_470 = arith.index_cast %add3A_352 : i32 to index
        %get3A_471 = arith.constant 48 : index
        %get3A_472 = tpu.vector_load %arg21[%get3A_470, %get3A_471] {strides = array<i32>} : memref<64x128xf32, #tpu.memory_space<vmem>>, vector<16xf32>,
        %mul3A_473 = arith.mulf %mul3A_469, %get3A_472 : vector<16xf32>
        %add3A_474 = arith.addf %mul3A_462, %mul3A_473 : vector<16xf32>
        %add3A_475 = arith.constant 48 : i32
        %add3A_476 = vector.broadcast %add3A_475 : i32 to vector<16xi32>
        %add3A_477 = arith.addi %add3A_362, %add3A_476 : vector<16xi32>
        %gather3A_478 = tpu.vector_load_idx %arg28[%shift_right_arithmetic3A_356, %add3A_477] : memref<183x128xf32, #tpu.memory_space<vmem>>[vector<16xi32>, vector<16xi32>], vector<16xf32>,
        %mul3A_479 = arith.mulf %add3A_474, %gather3A_478 : vector<16xf32>
        %add3A_480 = arith.addf %add3A_451, %mul3A_479 : vector<16xf32>
        %get3A_481 = arith.index_cast %add3A_352 : i32 to index
        %get3A_482 = arith.constant 64 : index
        %get3A_483 = tpu.vector_load %arg16[%get3A_481, %get3A_482] {strides = array<i32>} : memref<64x128xf32, #tpu.memory_space<vmem>>, vector<16xf32>,
        %get3A_484 = arith.index_cast %add3A_352 : i32 to index
        %get3A_485 = arith.constant 64 : index
        %get3A_486 = tpu.vector_load %arg17[%get3A_484, %get3A_485] {strides = array<i32>} : memref<64x128xf32, #tpu.memory_space<vmem>>, vector<16xf32>,
        %mul3A_487 = arith.mulf %get3A_483, %get3A_486 : vector<16xf32>
        %get3A_488 = arith.index_cast %add3A_352 : i32 to index
        %get3A_489 = arith.constant 64 : index
        %get3A_490 = tpu.vector_load %arg18[%get3A_488, %get3A_489] {strides = array<i32>} : memref<64x128xf32, #tpu.memory_space<vmem>>, vector<16xf32>,
        %mul3A_491 = arith.mulf %mul3A_487, %get3A_490 : vector<16xf32>
        %get3A_492 = arith.index_cast %add3A_352 : i32 to index
        %get3A_493 = arith.constant 64 : index
        %get3A_494 = tpu.vector_load %arg19[%get3A_492, %get3A_493] {strides = array<i32>} : memref<64x128xf32, #tpu.memory_space<vmem>>, vector<16xf32>,
        %get3A_495 = arith.index_cast %add3A_352 : i32 to index
        %get3A_496 = arith.constant 64 : index
        %get3A_497 = tpu.vector_load %arg20[%get3A_495, %get3A_496] {strides = array<i32>} : memref<64x128xf32, #tpu.memory_space<vmem>>, vector<16xf32>,
        %mul3A_498 = arith.mulf %get3A_494, %get3A_497 : vector<16xf32>
        %get3A_499 = arith.index_cast %add3A_352 : i32 to index
        %get3A_500 = arith.constant 64 : index
        %get3A_501 = tpu.vector_load %arg21[%get3A_499, %get3A_500] {strides = array<i32>} : memref<64x128xf32, #tpu.memory_space<vmem>>, vector<16xf32>,
        %mul3A_502 = arith.mulf %mul3A_498, %get3A_501 : vector<16xf32>
        %add3A_503 = arith.addf %mul3A_491, %mul3A_502 : vector<16xf32>
        %add3A_504 = arith.addf %add3A_480, %add3A_503 : vector<16xf32>
        %get3A_505 = arith.index_cast %add3A_352 : i32 to index
        %get3A_506 = arith.constant 80 : index
        %get3A_507 = tpu.vector_load %arg16[%get3A_505, %get3A_506] {strides = array<i32>} : memref<64x128xf32, #tpu.memory_space<vmem>>, vector<16xf32>,
        %get3A_508 = arith.index_cast %add3A_352 : i32 to index
        %get3A_509 = arith.constant 80 : index
        %get3A_510 = tpu.vector_load %arg17[%get3A_508, %get3A_509] {strides = array<i32>} : memref<64x128xf32, #tpu.memory_space<vmem>>, vector<16xf32>,
        %mul3A_511 = arith.mulf %get3A_507, %get3A_510 : vector<16xf32>
        %get3A_512 = arith.index_cast %add3A_352 : i32 to index
        %get3A_513 = arith.constant 80 : index
        %get3A_514 = tpu.vector_load %arg18[%get3A_512, %get3A_513] {strides = array<i32>} : memref<64x128xf32, #tpu.memory_space<vmem>>, vector<16xf32>,
        %mul3A_515 = arith.mulf %mul3A_511, %get3A_514 : vector<16xf32>
        %get3A_516 = arith.index_cast %add3A_352 : i32 to index
        %get3A_517 = arith.constant 80 : index
        %get3A_518 = tpu.vector_load %arg19[%get3A_516, %get3A_517] {strides = array<i32>} : memref<64x128xf32, #tpu.memory_space<vmem>>, vector<16xf32>,
        %get3A_519 = arith.index_cast %add3A_352 : i32 to index
        %get3A_520 = arith.constant 80 : index
        %get3A_521 = tpu.vector_load %arg20[%get3A_519, %get3A_520] {strides = array<i32>} : memref<64x128xf32, #tpu.memory_space<vmem>>, vector<16xf32>,
        %mul3A_522 = arith.mulf %get3A_518, %get3A_521 : vector<16xf32>
        %get3A_523 = arith.index_cast %add3A_352 : i32 to index
        %get3A_524 = arith.constant 80 : index
        %get3A_525 = tpu.vector_load %arg21[%get3A_523, %get3A_524] {strides = array<i32>} : memref<64x128xf32, #tpu.memory_space<vmem>>, vector<16xf32>,
        %mul3A_526 = arith.mulf %mul3A_522, %get3A_525 : vector<16xf32>
        %add3A_527 = arith.addf %mul3A_515, %mul3A_526 : vector<16xf32>
        %add3A_528 = arith.addf %add3A_504, %add3A_527 : vector<16xf32>
        %get3A_529 = arith.index_cast %add3A_352 : i32 to index
        %get3A_530 = arith.constant 96 : index
        %get3A_531 = tpu.vector_load %arg16[%get3A_529, %get3A_530] {strides = array<i32>} : memref<64x128xf32, #tpu.memory_space<vmem>>, vector<16xf32>,
        %get3A_532 = arith.index_cast %add3A_352 : i32 to index
        %get3A_533 = arith.constant 96 : index
        %get3A_534 = tpu.vector_load %arg17[%get3A_532, %get3A_533] {strides = array<i32>} : memref<64x128xf32, #tpu.memory_space<vmem>>, vector<16xf32>,
        %mul3A_535 = arith.mulf %get3A_531, %get3A_534 : vector<16xf32>
        %get3A_536 = arith.index_cast %add3A_352 : i32 to index
        %get3A_537 = arith.constant 96 : index
        %get3A_538 = tpu.vector_load %arg18[%get3A_536, %get3A_537] {strides = array<i32>} : memref<64x128xf32, #tpu.memory_space<vmem>>, vector<16xf32>,
        %mul3A_539 = arith.mulf %mul3A_535, %get3A_538 : vector<16xf32>
        %get3A_540 = arith.index_cast %add3A_352 : i32 to index
        %get3A_541 = arith.constant 96 : index
        %get3A_542 = tpu.vector_load %arg19[%get3A_540, %get3A_541] {strides = array<i32>} : memref<64x128xf32, #tpu.memory_space<vmem>>, vector<16xf32>,
        %get3A_543 = arith.index_cast %add3A_352 : i32 to index
        %get3A_544 = arith.constant 96 : index
        %get3A_545 = tpu.vector_load %arg20[%get3A_543, %get3A_544] {strides = array<i32>} : memref<64x128xf32, #tpu.memory_space<vmem>>, vector<16xf32>,
        %mul3A_546 = arith.mulf %get3A_542, %get3A_545 : vector<16xf32>
        %get3A_547 = arith.index_cast %add3A_352 : i32 to index
        %get3A_548 = arith.constant 96 : index
        %get3A_549 = tpu.vector_load %arg21[%get3A_547, %get3A_548] {strides = array<i32>} : memref<64x128xf32, #tpu.memory_space<vmem>>, vector<16xf32>,
        %mul3A_550 = arith.mulf %mul3A_546, %get3A_549 : vector<16xf32>
        %add3A_551 = arith.addf %mul3A_539, %mul3A_550 : vector<16xf32>
        %add3A_552 = arith.addf %add3A_528, %add3A_551 : vector<16xf32>
        %get3A_553 = arith.index_cast %add3A_352 : i32 to index
        %get3A_554 = arith.constant 112 : index
        %get3A_555 = tpu.vector_load %arg16[%get3A_553, %get3A_554] {strides = array<i32>} : memref<64x128xf32, #tpu.memory_space<vmem>>, vector<16xf32>,
        %get3A_556 = arith.index_cast %add3A_352 : i32 to index
        %get3A_557 = arith.constant 112 : index
        %get3A_558 = tpu.vector_load %arg17[%get3A_556, %get3A_557] {strides = array<i32>} : memref<64x128xf32, #tpu.memory_space<vmem>>, vector<16xf32>,
        %mul3A_559 = arith.mulf %get3A_555, %get3A_558 : vector<16xf32>
        %get3A_560 = arith.index_cast %add3A_352 : i32 to index
        %get3A_561 = arith.constant 112 : index
        %get3A_562 = tpu.vector_load %arg18[%get3A_560, %get3A_561] {strides = array<i32>} : memref<64x128xf32, #tpu.memory_space<vmem>>, vector<16xf32>,
        %mul3A_563 = arith.mulf %mul3A_559, %get3A_562 : vector<16xf32>
        %get3A_564 = arith.index_cast %add3A_352 : i32 to index
        %get3A_565 = arith.constant 112 : index
        %get3A_566 = tpu.vector_load %arg19[%get3A_564, %get3A_565] {strides = array<i32>} : memref<64x128xf32, #tpu.memory_space<vmem>>, vector<16xf32>,
        %get3A_567 = arith.index_cast %add3A_352 : i32 to index
        %get3A_568 = arith.constant 112 : index
        %get3A_569 = tpu.vector_load %arg20[%get3A_567, %get3A_568] {strides = array<i32>} : memref<64x128xf32, #tpu.memory_space<vmem>>, vector<16xf32>,
        %mul3A_570 = arith.mulf %get3A_566, %get3A_569 : vector<16xf32>
        %get3A_571 = arith.index_cast %add3A_352 : i32 to index
        %get3A_572 = arith.constant 112 : index
        %get3A_573 = tpu.vector_load %arg21[%get3A_571, %get3A_572] {strides = array<i32>} : memref<64x128xf32, #tpu.memory_space<vmem>>, vector<16xf32>,
        %mul3A_574 = arith.mulf %mul3A_570, %get3A_573 : vector<16xf32>
        %add3A_575 = arith.addf %mul3A_563, %mul3A_574 : vector<16xf32>
        %add3A_576 = arith.addf %add3A_552, %add3A_575 : vector<16xf32>
        %cumsum3A = arith.constant true
        %cumsum3A_577 = vector.broadcast %cumsum3A : i1 to vector<16xi1>
        %cumsum3A_578 = tpu.scan <sum>, %add3A_576 masked %cumsum3A_577 : vector<16xf32>, vector<16xi1> -> vector<16xf32>
        %gather3A_579 = vector.shape_cast %broadcast_in_dim3A_17 : vector<16x1xi32> to vector<16xi32>
        %gather3A_580 = tpu.dynamic_gather %cumsum3A_578[%gather3A_579] in [0] : vector<16xf32>, vector<16xi32> -> vector<16xf32>
        %eq3A = vector.broadcast %scan3A_349 : i32 to vector<16xi32>
        %eq3A_581 = arith.cmpi eq, %iota3A, %eq3A : vector<16xi32>
        %select_n3A = arith.select %eq3A_581, %gather3A_580, %scan3A_350 : vector<16xi1>, vector<16xf32>
        scf.yield %select_n3A : vector<16xf32>
      }
      %scan3A_156 = arith.constant 16 : i32
      %mul3A_157 = arith.constant 5.000000e-01 : f32
      %mul3A_158 = vector.broadcast %mul3A_157 : f32 to vector<16xf32>
      %mul3A_159 = arith.mulf %scan3A_155, %mul3A_158 : vector<16xf32>
      %mul3A_160 = arith.constant 64 : i32
      %mul3A_161 = arith.muli %mul3A_85, %mul3A_160 : i32
      %add3A_162 = arith.constant 16 : i32
      %add3A_163 = arith.addi %mul3A_161, %add3A_162 : i32
      %swap3A_164 = arith.index_cast %add3A_163 : i32 to index
      %swap3A_165 = tpu.vector_load %arg29[%swap3A_164] {strides = array<i32>} : memref<512xf32, #tpu.memory_space<vmem>>, vector<16xf32>,
      tpu.vector_store %arg29[%swap3A_164], %mul3A_159 {strides = array<i32>} : memref<512xf32, #tpu.memory_space<vmem>>, vector<16xf32>,
      %mul3A_166 = arith.constant 64 : i32
      %mul3A_167 = arith.muli %mul3A_85, %mul3A_166 : i32
      %add3A_168 = arith.constant 32 : i32
      %add3A_169 = arith.addi %mul3A_167, %add3A_168 : i32
      %get3A_170 = arith.index_cast %add3A_169 : i32 to index
      %get3A_171 = tpu.vector_load %arg15[%get3A_170] {strides = array<i32>} : memref<512xi32, #tpu.memory_space<vmem>>, vector<16xi32>,
      %broadcast_in_dim3A_172 = arith.constant 0.000000e+00 : f32
      %broadcast_in_dim3A_173 = vector.broadcast %broadcast_in_dim3A_172 : f32 to vector<16xf32>
      %scan3A_174 = arith.constant 0 : i32
      %scan3A_175 = arith.constant 16 : i32
      %scan3A_176 = arith.addi %scan3A_174, %scan3A_175 : i32
      %scan3A_177 = arith.constant 1 : i32
      %scan3A_178 = scf.for %scan3A_349 = %scan3A_174 to %scan3A_176 step %scan3A_177 iter_args(%scan3A_350 = %broadcast_in_dim3A_173) -> (vector<16xf32>)  : i32 {
        %add3A_351 = arith.constant 32 : i32
        %add3A_352 = arith.addi %add3A_351, %scan3A_349 : i32
        %broadcast_in_dim3A_353 = vector.broadcast %scan3A_349 : i32 to vector<16x1xi32>
        %gather3A = vector.shape_cast %broadcast_in_dim3A_353 : vector<16x1xi32> to vector<16xi32>
        %gather3A_354 = tpu.dynamic_gather %get3A_171[%gather3A] in [0] : vector<16xi32>, vector<16xi32> -> vector<16xi32>
        %shift_right_arithmetic3A = arith.constant 1 : i32
        %shift_right_arithmetic3A_355 = vector.broadcast %shift_right_arithmetic3A : i32 to vector<16xi32>
        %shift_right_arithmetic3A_356 = arith.shrsi %gather3A_354, %shift_right_arithmetic3A_355 : vector<16xi32>
        %and3A = arith.constant 1 : i32
        %and3A_357 = vector.broadcast %and3A : i32 to vector<16xi32>
        %and3A_358 = arith.andi %gather3A_354, %and3A_357 : vector<16xi32>
        %mul3A_359 = arith.constant 64 : i32
        %mul3A_360 = vector.broadcast %mul3A_359 : i32 to vector<16xi32>
        %mul3A_361 = arith.muli %and3A_358, %mul3A_360 : vector<16xi32>
        %add3A_362 = arith.addi %mul3A_361, %iota3A : vector<16xi32>
        %broadcast_in_dim3A_363 = arith.constant 0.000000e+00 : f32
        %broadcast_in_dim3A_364 = vector.broadcast %broadcast_in_dim3A_363 : f32 to vector<16xf32>
        %get3A_365 = arith.index_cast %add3A_352 : i32 to index
        %get3A_366 = arith.constant 0 : index
        %get3A_367 = tpu.vector_load %arg16[%get3A_365, %get3A_366] {strides = array<i32>} : memref<64x128xf32, #tpu.memory_space<vmem>>, vector<16xf32>,
        %get3A_368 = arith.index_cast %add3A_352 : i32 to index
        %get3A_369 = arith.constant 0 : index
        %get3A_370 = tpu.vector_load %arg17[%get3A_368, %get3A_369] {strides = array<i32>} : memref<64x128xf32, #tpu.memory_space<vmem>>, vector<16xf32>,
        %mul3A_371 = arith.mulf %get3A_367, %get3A_370 : vector<16xf32>
        %get3A_372 = arith.index_cast %add3A_352 : i32 to index
        %get3A_373 = arith.constant 0 : index
        %get3A_374 = tpu.vector_load %arg18[%get3A_372, %get3A_373] {strides = array<i32>} : memref<64x128xf32, #tpu.memory_space<vmem>>, vector<16xf32>,
        %mul3A_375 = arith.mulf %mul3A_371, %get3A_374 : vector<16xf32>
        %get3A_376 = arith.index_cast %add3A_352 : i32 to index
        %get3A_377 = arith.constant 0 : index
        %get3A_378 = tpu.vector_load %arg19[%get3A_376, %get3A_377] {strides = array<i32>} : memref<64x128xf32, #tpu.memory_space<vmem>>, vector<16xf32>,
        %get3A_379 = arith.index_cast %add3A_352 : i32 to index
        %get3A_380 = arith.constant 0 : index
        %get3A_381 = tpu.vector_load %arg20[%get3A_379, %get3A_380] {strides = array<i32>} : memref<64x128xf32, #tpu.memory_space<vmem>>, vector<16xf32>,
        %mul3A_382 = arith.mulf %get3A_378, %get3A_381 : vector<16xf32>
        %get3A_383 = arith.index_cast %add3A_352 : i32 to index
        %get3A_384 = arith.constant 0 : index
        %get3A_385 = tpu.vector_load %arg21[%get3A_383, %get3A_384] {strides = array<i32>} : memref<64x128xf32, #tpu.memory_space<vmem>>, vector<16xf32>,
        %mul3A_386 = arith.mulf %mul3A_382, %get3A_385 : vector<16xf32>
        %add3A_387 = arith.addf %mul3A_375, %mul3A_386 : vector<16xf32>
        %add3A_388 = arith.constant 0 : i32
        %add3A_389 = vector.broadcast %add3A_388 : i32 to vector<16xi32>
        %add3A_390 = arith.addi %add3A_362, %add3A_389 : vector<16xi32>
        %gather3A_391 = tpu.vector_load_idx %arg28[%shift_right_arithmetic3A_356, %add3A_390] : memref<183x128xf32, #tpu.memory_space<vmem>>[vector<16xi32>, vector<16xi32>], vector<16xf32>,
        %mul3A_392 = arith.mulf %add3A_387, %gather3A_391 : vector<16xf32>
        %add3A_393 = arith.addf %broadcast_in_dim3A_364, %mul3A_392 : vector<16xf32>
        %get3A_394 = arith.index_cast %add3A_352 : i32 to index
        %get3A_395 = arith.constant 16 : index
        %get3A_396 = tpu.vector_load %arg16[%get3A_394, %get3A_395] {strides = array<i32>} : memref<64x128xf32, #tpu.memory_space<vmem>>, vector<16xf32>,
        %get3A_397 = arith.index_cast %add3A_352 : i32 to index
        %get3A_398 = arith.constant 16 : index
        %get3A_399 = tpu.vector_load %arg17[%get3A_397, %get3A_398] {strides = array<i32>} : memref<64x128xf32, #tpu.memory_space<vmem>>, vector<16xf32>,
        %mul3A_400 = arith.mulf %get3A_396, %get3A_399 : vector<16xf32>
        %get3A_401 = arith.index_cast %add3A_352 : i32 to index
        %get3A_402 = arith.constant 16 : index
        %get3A_403 = tpu.vector_load %arg18[%get3A_401, %get3A_402] {strides = array<i32>} : memref<64x128xf32, #tpu.memory_space<vmem>>, vector<16xf32>,
        %mul3A_404 = arith.mulf %mul3A_400, %get3A_403 : vector<16xf32>
        %get3A_405 = arith.index_cast %add3A_352 : i32 to index
        %get3A_406 = arith.constant 16 : index
        %get3A_407 = tpu.vector_load %arg19[%get3A_405, %get3A_406] {strides = array<i32>} : memref<64x128xf32, #tpu.memory_space<vmem>>, vector<16xf32>,
        %get3A_408 = arith.index_cast %add3A_352 : i32 to index
        %get3A_409 = arith.constant 16 : index
        %get3A_410 = tpu.vector_load %arg20[%get3A_408, %get3A_409] {strides = array<i32>} : memref<64x128xf32, #tpu.memory_space<vmem>>, vector<16xf32>,
        %mul3A_411 = arith.mulf %get3A_407, %get3A_410 : vector<16xf32>
        %get3A_412 = arith.index_cast %add3A_352 : i32 to index
        %get3A_413 = arith.constant 16 : index
        %get3A_414 = tpu.vector_load %arg21[%get3A_412, %get3A_413] {strides = array<i32>} : memref<64x128xf32, #tpu.memory_space<vmem>>, vector<16xf32>,
        %mul3A_415 = arith.mulf %mul3A_411, %get3A_414 : vector<16xf32>
        %add3A_416 = arith.addf %mul3A_404, %mul3A_415 : vector<16xf32>
        %add3A_417 = arith.constant 16 : i32
        %add3A_418 = vector.broadcast %add3A_417 : i32 to vector<16xi32>
        %add3A_419 = arith.addi %add3A_362, %add3A_418 : vector<16xi32>
        %gather3A_420 = tpu.vector_load_idx %arg28[%shift_right_arithmetic3A_356, %add3A_419] : memref<183x128xf32, #tpu.memory_space<vmem>>[vector<16xi32>, vector<16xi32>], vector<16xf32>,
        %mul3A_421 = arith.mulf %add3A_416, %gather3A_420 : vector<16xf32>
        %add3A_422 = arith.addf %add3A_393, %mul3A_421 : vector<16xf32>
        %get3A_423 = arith.index_cast %add3A_352 : i32 to index
        %get3A_424 = arith.constant 32 : index
        %get3A_425 = tpu.vector_load %arg16[%get3A_423, %get3A_424] {strides = array<i32>} : memref<64x128xf32, #tpu.memory_space<vmem>>, vector<16xf32>,
        %get3A_426 = arith.index_cast %add3A_352 : i32 to index
        %get3A_427 = arith.constant 32 : index
        %get3A_428 = tpu.vector_load %arg17[%get3A_426, %get3A_427] {strides = array<i32>} : memref<64x128xf32, #tpu.memory_space<vmem>>, vector<16xf32>,
        %mul3A_429 = arith.mulf %get3A_425, %get3A_428 : vector<16xf32>
        %get3A_430 = arith.index_cast %add3A_352 : i32 to index
        %get3A_431 = arith.constant 32 : index
        %get3A_432 = tpu.vector_load %arg18[%get3A_430, %get3A_431] {strides = array<i32>} : memref<64x128xf32, #tpu.memory_space<vmem>>, vector<16xf32>,
        %mul3A_433 = arith.mulf %mul3A_429, %get3A_432 : vector<16xf32>
        %get3A_434 = arith.index_cast %add3A_352 : i32 to index
        %get3A_435 = arith.constant 32 : index
        %get3A_436 = tpu.vector_load %arg19[%get3A_434, %get3A_435] {strides = array<i32>} : memref<64x128xf32, #tpu.memory_space<vmem>>, vector<16xf32>,
        %get3A_437 = arith.index_cast %add3A_352 : i32 to index
        %get3A_438 = arith.constant 32 : index
        %get3A_439 = tpu.vector_load %arg20[%get3A_437, %get3A_438] {strides = array<i32>} : memref<64x128xf32, #tpu.memory_space<vmem>>, vector<16xf32>,
        %mul3A_440 = arith.mulf %get3A_436, %get3A_439 : vector<16xf32>
        %get3A_441 = arith.index_cast %add3A_352 : i32 to index
        %get3A_442 = arith.constant 32 : index
        %get3A_443 = tpu.vector_load %arg21[%get3A_441, %get3A_442] {strides = array<i32>} : memref<64x128xf32, #tpu.memory_space<vmem>>, vector<16xf32>,
        %mul3A_444 = arith.mulf %mul3A_440, %get3A_443 : vector<16xf32>
        %add3A_445 = arith.addf %mul3A_433, %mul3A_444 : vector<16xf32>
        %add3A_446 = arith.constant 32 : i32
        %add3A_447 = vector.broadcast %add3A_446 : i32 to vector<16xi32>
        %add3A_448 = arith.addi %add3A_362, %add3A_447 : vector<16xi32>
        %gather3A_449 = tpu.vector_load_idx %arg28[%shift_right_arithmetic3A_356, %add3A_448] : memref<183x128xf32, #tpu.memory_space<vmem>>[vector<16xi32>, vector<16xi32>], vector<16xf32>,
        %mul3A_450 = arith.mulf %add3A_445, %gather3A_449 : vector<16xf32>
        %add3A_451 = arith.addf %add3A_422, %mul3A_450 : vector<16xf32>
        %get3A_452 = arith.index_cast %add3A_352 : i32 to index
        %get3A_453 = arith.constant 48 : index
        %get3A_454 = tpu.vector_load %arg16[%get3A_452, %get3A_453] {strides = array<i32>} : memref<64x128xf32, #tpu.memory_space<vmem>>, vector<16xf32>,
        %get3A_455 = arith.index_cast %add3A_352 : i32 to index
        %get3A_456 = arith.constant 48 : index
        %get3A_457 = tpu.vector_load %arg17[%get3A_455, %get3A_456] {strides = array<i32>} : memref<64x128xf32, #tpu.memory_space<vmem>>, vector<16xf32>,
        %mul3A_458 = arith.mulf %get3A_454, %get3A_457 : vector<16xf32>
        %get3A_459 = arith.index_cast %add3A_352 : i32 to index
        %get3A_460 = arith.constant 48 : index
        %get3A_461 = tpu.vector_load %arg18[%get3A_459, %get3A_460] {strides = array<i32>} : memref<64x128xf32, #tpu.memory_space<vmem>>, vector<16xf32>,
        %mul3A_462 = arith.mulf %mul3A_458, %get3A_461 : vector<16xf32>
        %get3A_463 = arith.index_cast %add3A_352 : i32 to index
        %get3A_464 = arith.constant 48 : index
        %get3A_465 = tpu.vector_load %arg19[%get3A_463, %get3A_464] {strides = array<i32>} : memref<64x128xf32, #tpu.memory_space<vmem>>, vector<16xf32>,
        %get3A_466 = arith.index_cast %add3A_352 : i32 to index
        %get3A_467 = arith.constant 48 : index
        %get3A_468 = tpu.vector_load %arg20[%get3A_466, %get3A_467] {strides = array<i32>} : memref<64x128xf32, #tpu.memory_space<vmem>>, vector<16xf32>,
        %mul3A_469 = arith.mulf %get3A_465, %get3A_468 : vector<16xf32>
        %get3A_470 = arith.index_cast %add3A_352 : i32 to index
        %get3A_471 = arith.constant 48 : index
        %get3A_472 = tpu.vector_load %arg21[%get3A_470, %get3A_471] {strides = array<i32>} : memref<64x128xf32, #tpu.memory_space<vmem>>, vector<16xf32>,
        %mul3A_473 = arith.mulf %mul3A_469, %get3A_472 : vector<16xf32>
        %add3A_474 = arith.addf %mul3A_462, %mul3A_473 : vector<16xf32>
        %add3A_475 = arith.constant 48 : i32
        %add3A_476 = vector.broadcast %add3A_475 : i32 to vector<16xi32>
        %add3A_477 = arith.addi %add3A_362, %add3A_476 : vector<16xi32>
        %gather3A_478 = tpu.vector_load_idx %arg28[%shift_right_arithmetic3A_356, %add3A_477] : memref<183x128xf32, #tpu.memory_space<vmem>>[vector<16xi32>, vector<16xi32>], vector<16xf32>,
        %mul3A_479 = arith.mulf %add3A_474, %gather3A_478 : vector<16xf32>
        %add3A_480 = arith.addf %add3A_451, %mul3A_479 : vector<16xf32>
        %get3A_481 = arith.index_cast %add3A_352 : i32 to index
        %get3A_482 = arith.constant 64 : index
        %get3A_483 = tpu.vector_load %arg16[%get3A_481, %get3A_482] {strides = array<i32>} : memref<64x128xf32, #tpu.memory_space<vmem>>, vector<16xf32>,
        %get3A_484 = arith.index_cast %add3A_352 : i32 to index
        %get3A_485 = arith.constant 64 : index
        %get3A_486 = tpu.vector_load %arg17[%get3A_484, %get3A_485] {strides = array<i32>} : memref<64x128xf32, #tpu.memory_space<vmem>>, vector<16xf32>,
        %mul3A_487 = arith.mulf %get3A_483, %get3A_486 : vector<16xf32>
        %get3A_488 = arith.index_cast %add3A_352 : i32 to index
        %get3A_489 = arith.constant 64 : index
        %get3A_490 = tpu.vector_load %arg18[%get3A_488, %get3A_489] {strides = array<i32>} : memref<64x128xf32, #tpu.memory_space<vmem>>, vector<16xf32>,
        %mul3A_491 = arith.mulf %mul3A_487, %get3A_490 : vector<16xf32>
        %get3A_492 = arith.index_cast %add3A_352 : i32 to index
        %get3A_493 = arith.constant 64 : index
        %get3A_494 = tpu.vector_load %arg19[%get3A_492, %get3A_493] {strides = array<i32>} : memref<64x128xf32, #tpu.memory_space<vmem>>, vector<16xf32>,
        %get3A_495 = arith.index_cast %add3A_352 : i32 to index
        %get3A_496 = arith.constant 64 : index
        %get3A_497 = tpu.vector_load %arg20[%get3A_495, %get3A_496] {strides = array<i32>} : memref<64x128xf32, #tpu.memory_space<vmem>>, vector<16xf32>,
        %mul3A_498 = arith.mulf %get3A_494, %get3A_497 : vector<16xf32>
        %get3A_499 = arith.index_cast %add3A_352 : i32 to index
        %get3A_500 = arith.constant 64 : index
        %get3A_501 = tpu.vector_load %arg21[%get3A_499, %get3A_500] {strides = array<i32>} : memref<64x128xf32, #tpu.memory_space<vmem>>, vector<16xf32>,
        %mul3A_502 = arith.mulf %mul3A_498, %get3A_501 : vector<16xf32>
        %add3A_503 = arith.addf %mul3A_491, %mul3A_502 : vector<16xf32>
        %add3A_504 = arith.addf %add3A_480, %add3A_503 : vector<16xf32>
        %get3A_505 = arith.index_cast %add3A_352 : i32 to index
        %get3A_506 = arith.constant 80 : index
        %get3A_507 = tpu.vector_load %arg16[%get3A_505, %get3A_506] {strides = array<i32>} : memref<64x128xf32, #tpu.memory_space<vmem>>, vector<16xf32>,
        %get3A_508 = arith.index_cast %add3A_352 : i32 to index
        %get3A_509 = arith.constant 80 : index
        %get3A_510 = tpu.vector_load %arg17[%get3A_508, %get3A_509] {strides = array<i32>} : memref<64x128xf32, #tpu.memory_space<vmem>>, vector<16xf32>,
        %mul3A_511 = arith.mulf %get3A_507, %get3A_510 : vector<16xf32>
        %get3A_512 = arith.index_cast %add3A_352 : i32 to index
        %get3A_513 = arith.constant 80 : index
        %get3A_514 = tpu.vector_load %arg18[%get3A_512, %get3A_513] {strides = array<i32>} : memref<64x128xf32, #tpu.memory_space<vmem>>, vector<16xf32>,
        %mul3A_515 = arith.mulf %mul3A_511, %get3A_514 : vector<16xf32>
        %get3A_516 = arith.index_cast %add3A_352 : i32 to index
        %get3A_517 = arith.constant 80 : index
        %get3A_518 = tpu.vector_load %arg19[%get3A_516, %get3A_517] {strides = array<i32>} : memref<64x128xf32, #tpu.memory_space<vmem>>, vector<16xf32>,
        %get3A_519 = arith.index_cast %add3A_352 : i32 to index
        %get3A_520 = arith.constant 80 : index
        %get3A_521 = tpu.vector_load %arg20[%get3A_519, %get3A_520] {strides = array<i32>} : memref<64x128xf32, #tpu.memory_space<vmem>>, vector<16xf32>,
        %mul3A_522 = arith.mulf %get3A_518, %get3A_521 : vector<16xf32>
        %get3A_523 = arith.index_cast %add3A_352 : i32 to index
        %get3A_524 = arith.constant 80 : index
        %get3A_525 = tpu.vector_load %arg21[%get3A_523, %get3A_524] {strides = array<i32>} : memref<64x128xf32, #tpu.memory_space<vmem>>, vector<16xf32>,
        %mul3A_526 = arith.mulf %mul3A_522, %get3A_525 : vector<16xf32>
        %add3A_527 = arith.addf %mul3A_515, %mul3A_526 : vector<16xf32>
        %add3A_528 = arith.addf %add3A_504, %add3A_527 : vector<16xf32>
        %get3A_529 = arith.index_cast %add3A_352 : i32 to index
        %get3A_530 = arith.constant 96 : index
        %get3A_531 = tpu.vector_load %arg16[%get3A_529, %get3A_530] {strides = array<i32>} : memref<64x128xf32, #tpu.memory_space<vmem>>, vector<16xf32>,
        %get3A_532 = arith.index_cast %add3A_352 : i32 to index
        %get3A_533 = arith.constant 96 : index
        %get3A_534 = tpu.vector_load %arg17[%get3A_532, %get3A_533] {strides = array<i32>} : memref<64x128xf32, #tpu.memory_space<vmem>>, vector<16xf32>,
        %mul3A_535 = arith.mulf %get3A_531, %get3A_534 : vector<16xf32>
        %get3A_536 = arith.index_cast %add3A_352 : i32 to index
        %get3A_537 = arith.constant 96 : index
        %get3A_538 = tpu.vector_load %arg18[%get3A_536, %get3A_537] {strides = array<i32>} : memref<64x128xf32, #tpu.memory_space<vmem>>, vector<16xf32>,
        %mul3A_539 = arith.mulf %mul3A_535, %get3A_538 : vector<16xf32>
        %get3A_540 = arith.index_cast %add3A_352 : i32 to index
        %get3A_541 = arith.constant 96 : index
        %get3A_542 = tpu.vector_load %arg19[%get3A_540, %get3A_541] {strides = array<i32>} : memref<64x128xf32, #tpu.memory_space<vmem>>, vector<16xf32>,
        %get3A_543 = arith.index_cast %add3A_352 : i32 to index
        %get3A_544 = arith.constant 96 : index
        %get3A_545 = tpu.vector_load %arg20[%get3A_543, %get3A_544] {strides = array<i32>} : memref<64x128xf32, #tpu.memory_space<vmem>>, vector<16xf32>,
        %mul3A_546 = arith.mulf %get3A_542, %get3A_545 : vector<16xf32>
        %get3A_547 = arith.index_cast %add3A_352 : i32 to index
        %get3A_548 = arith.constant 96 : index
        %get3A_549 = tpu.vector_load %arg21[%get3A_547, %get3A_548] {strides = array<i32>} : memref<64x128xf32, #tpu.memory_space<vmem>>, vector<16xf32>,
        %mul3A_550 = arith.mulf %mul3A_546, %get3A_549 : vector<16xf32>
        %add3A_551 = arith.addf %mul3A_539, %mul3A_550 : vector<16xf32>
        %add3A_552 = arith.addf %add3A_528, %add3A_551 : vector<16xf32>
        %get3A_553 = arith.index_cast %add3A_352 : i32 to index
        %get3A_554 = arith.constant 112 : index
        %get3A_555 = tpu.vector_load %arg16[%get3A_553, %get3A_554] {strides = array<i32>} : memref<64x128xf32, #tpu.memory_space<vmem>>, vector<16xf32>,
        %get3A_556 = arith.index_cast %add3A_352 : i32 to index
        %get3A_557 = arith.constant 112 : index
        %get3A_558 = tpu.vector_load %arg17[%get3A_556, %get3A_557] {strides = array<i32>} : memref<64x128xf32, #tpu.memory_space<vmem>>, vector<16xf32>,
        %mul3A_559 = arith.mulf %get3A_555, %get3A_558 : vector<16xf32>
        %get3A_560 = arith.index_cast %add3A_352 : i32 to index
        %get3A_561 = arith.constant 112 : index
        %get3A_562 = tpu.vector_load %arg18[%get3A_560, %get3A_561] {strides = array<i32>} : memref<64x128xf32, #tpu.memory_space<vmem>>, vector<16xf32>,
        %mul3A_563 = arith.mulf %mul3A_559, %get3A_562 : vector<16xf32>
        %get3A_564 = arith.index_cast %add3A_352 : i32 to index
        %get3A_565 = arith.constant 112 : index
        %get3A_566 = tpu.vector_load %arg19[%get3A_564, %get3A_565] {strides = array<i32>} : memref<64x128xf32, #tpu.memory_space<vmem>>, vector<16xf32>,
        %get3A_567 = arith.index_cast %add3A_352 : i32 to index
        %get3A_568 = arith.constant 112 : index
        %get3A_569 = tpu.vector_load %arg20[%get3A_567, %get3A_568] {strides = array<i32>} : memref<64x128xf32, #tpu.memory_space<vmem>>, vector<16xf32>,
        %mul3A_570 = arith.mulf %get3A_566, %get3A_569 : vector<16xf32>
        %get3A_571 = arith.index_cast %add3A_352 : i32 to index
        %get3A_572 = arith.constant 112 : index
        %get3A_573 = tpu.vector_load %arg21[%get3A_571, %get3A_572] {strides = array<i32>} : memref<64x128xf32, #tpu.memory_space<vmem>>, vector<16xf32>,
        %mul3A_574 = arith.mulf %mul3A_570, %get3A_573 : vector<16xf32>
        %add3A_575 = arith.addf %mul3A_563, %mul3A_574 : vector<16xf32>
        %add3A_576 = arith.addf %add3A_552, %add3A_575 : vector<16xf32>
        %cumsum3A = arith.constant true
        %cumsum3A_577 = vector.broadcast %cumsum3A : i1 to vector<16xi1>
        %cumsum3A_578 = tpu.scan <sum>, %add3A_576 masked %cumsum3A_577 : vector<16xf32>, vector<16xi1> -> vector<16xf32>
        %gather3A_579 = vector.shape_cast %broadcast_in_dim3A_17 : vector<16x1xi32> to vector<16xi32>
        %gather3A_580 = tpu.dynamic_gather %cumsum3A_578[%gather3A_579] in [0] : vector<16xf32>, vector<16xi32> -> vector<16xf32>
        %eq3A = vector.broadcast %scan3A_349 : i32 to vector<16xi32>
        %eq3A_581 = arith.cmpi eq, %iota3A, %eq3A : vector<16xi32>
        %select_n3A = arith.select %eq3A_581, %gather3A_580, %scan3A_350 : vector<16xi1>, vector<16xf32>
        scf.yield %select_n3A : vector<16xf32>
      }
      %scan3A_179 = arith.constant 16 : i32
      %mul3A_180 = arith.constant 5.000000e-01 : f32
      %mul3A_181 = vector.broadcast %mul3A_180 : f32 to vector<16xf32>
      %mul3A_182 = arith.mulf %scan3A_178, %mul3A_181 : vector<16xf32>
      %mul3A_183 = arith.constant 64 : i32
      %mul3A_184 = arith.muli %mul3A_85, %mul3A_183 : i32
      %add3A_185 = arith.constant 32 : i32
      %add3A_186 = arith.addi %mul3A_184, %add3A_185 : i32
      %swap3A_187 = arith.index_cast %add3A_186 : i32 to index
      %swap3A_188 = tpu.vector_load %arg29[%swap3A_187] {strides = array<i32>} : memref<512xf32, #tpu.memory_space<vmem>>, vector<16xf32>,
      tpu.vector_store %arg29[%swap3A_187], %mul3A_182 {strides = array<i32>} : memref<512xf32, #tpu.memory_space<vmem>>, vector<16xf32>,
      %mul3A_189 = arith.constant 64 : i32
      %mul3A_190 = arith.muli %mul3A_85, %mul3A_189 : i32
      %add3A_191 = arith.constant 48 : i32
      %add3A_192 = arith.addi %mul3A_190, %add3A_191 : i32
      %get3A_193 = arith.index_cast %add3A_192 : i32 to index
      %get3A_194 = tpu.vector_load %arg15[%get3A_193] {strides = array<i32>} : memref<512xi32, #tpu.memory_space<vmem>>, vector<16xi32>,
      %broadcast_in_dim3A_195 = arith.constant 0.000000e+00 : f32
      %broadcast_in_dim3A_196 = vector.broadcast %broadcast_in_dim3A_195 : f32 to vector<16xf32>
      %scan3A_197 = arith.constant 0 : i32
      %scan3A_198 = arith.constant 16 : i32
      %scan3A_199 = arith.addi %scan3A_197, %scan3A_198 : i32
      %scan3A_200 = arith.constant 1 : i32
      %scan3A_201 = scf.for %scan3A_349 = %scan3A_197 to %scan3A_199 step %scan3A_200 iter_args(%scan3A_350 = %broadcast_in_dim3A_196) -> (vector<16xf32>)  : i32 {
        %add3A_351 = arith.constant 48 : i32
        %add3A_352 = arith.addi %add3A_351, %scan3A_349 : i32
        %broadcast_in_dim3A_353 = vector.broadcast %scan3A_349 : i32 to vector<16x1xi32>
        %gather3A = vector.shape_cast %broadcast_in_dim3A_353 : vector<16x1xi32> to vector<16xi32>
        %gather3A_354 = tpu.dynamic_gather %get3A_194[%gather3A] in [0] : vector<16xi32>, vector<16xi32> -> vector<16xi32>
        %shift_right_arithmetic3A = arith.constant 1 : i32
        %shift_right_arithmetic3A_355 = vector.broadcast %shift_right_arithmetic3A : i32 to vector<16xi32>
        %shift_right_arithmetic3A_356 = arith.shrsi %gather3A_354, %shift_right_arithmetic3A_355 : vector<16xi32>
        %and3A = arith.constant 1 : i32
        %and3A_357 = vector.broadcast %and3A : i32 to vector<16xi32>
        %and3A_358 = arith.andi %gather3A_354, %and3A_357 : vector<16xi32>
        %mul3A_359 = arith.constant 64 : i32
        %mul3A_360 = vector.broadcast %mul3A_359 : i32 to vector<16xi32>
        %mul3A_361 = arith.muli %and3A_358, %mul3A_360 : vector<16xi32>
        %add3A_362 = arith.addi %mul3A_361, %iota3A : vector<16xi32>
        %broadcast_in_dim3A_363 = arith.constant 0.000000e+00 : f32
        %broadcast_in_dim3A_364 = vector.broadcast %broadcast_in_dim3A_363 : f32 to vector<16xf32>
        %get3A_365 = arith.index_cast %add3A_352 : i32 to index
        %get3A_366 = arith.constant 0 : index
        %get3A_367 = tpu.vector_load %arg16[%get3A_365, %get3A_366] {strides = array<i32>} : memref<64x128xf32, #tpu.memory_space<vmem>>, vector<16xf32>,
        %get3A_368 = arith.index_cast %add3A_352 : i32 to index
        %get3A_369 = arith.constant 0 : index
        %get3A_370 = tpu.vector_load %arg17[%get3A_368, %get3A_369] {strides = array<i32>} : memref<64x128xf32, #tpu.memory_space<vmem>>, vector<16xf32>,
        %mul3A_371 = arith.mulf %get3A_367, %get3A_370 : vector<16xf32>
        %get3A_372 = arith.index_cast %add3A_352 : i32 to index
        %get3A_373 = arith.constant 0 : index
        %get3A_374 = tpu.vector_load %arg18[%get3A_372, %get3A_373] {strides = array<i32>} : memref<64x128xf32, #tpu.memory_space<vmem>>, vector<16xf32>,
        %mul3A_375 = arith.mulf %mul3A_371, %get3A_374 : vector<16xf32>
        %get3A_376 = arith.index_cast %add3A_352 : i32 to index
        %get3A_377 = arith.constant 0 : index
        %get3A_378 = tpu.vector_load %arg19[%get3A_376, %get3A_377] {strides = array<i32>} : memref<64x128xf32, #tpu.memory_space<vmem>>, vector<16xf32>,
        %get3A_379 = arith.index_cast %add3A_352 : i32 to index
        %get3A_380 = arith.constant 0 : index
        %get3A_381 = tpu.vector_load %arg20[%get3A_379, %get3A_380] {strides = array<i32>} : memref<64x128xf32, #tpu.memory_space<vmem>>, vector<16xf32>,
        %mul3A_382 = arith.mulf %get3A_378, %get3A_381 : vector<16xf32>
        %get3A_383 = arith.index_cast %add3A_352 : i32 to index
        %get3A_384 = arith.constant 0 : index
        %get3A_385 = tpu.vector_load %arg21[%get3A_383, %get3A_384] {strides = array<i32>} : memref<64x128xf32, #tpu.memory_space<vmem>>, vector<16xf32>,
        %mul3A_386 = arith.mulf %mul3A_382, %get3A_385 : vector<16xf32>
        %add3A_387 = arith.addf %mul3A_375, %mul3A_386 : vector<16xf32>
        %add3A_388 = arith.constant 0 : i32
        %add3A_389 = vector.broadcast %add3A_388 : i32 to vector<16xi32>
        %add3A_390 = arith.addi %add3A_362, %add3A_389 : vector<16xi32>
        %gather3A_391 = tpu.vector_load_idx %arg28[%shift_right_arithmetic3A_356, %add3A_390] : memref<183x128xf32, #tpu.memory_space<vmem>>[vector<16xi32>, vector<16xi32>], vector<16xf32>,
        %mul3A_392 = arith.mulf %add3A_387, %gather3A_391 : vector<16xf32>
        %add3A_393 = arith.addf %broadcast_in_dim3A_364, %mul3A_392 : vector<16xf32>
        %get3A_394 = arith.index_cast %add3A_352 : i32 to index
        %get3A_395 = arith.constant 16 : index
        %get3A_396 = tpu.vector_load %arg16[%get3A_394, %get3A_395] {strides = array<i32>} : memref<64x128xf32, #tpu.memory_space<vmem>>, vector<16xf32>,
        %get3A_397 = arith.index_cast %add3A_352 : i32 to index
        %get3A_398 = arith.constant 16 : index
        %get3A_399 = tpu.vector_load %arg17[%get3A_397, %get3A_398] {strides = array<i32>} : memref<64x128xf32, #tpu.memory_space<vmem>>, vector<16xf32>,
        %mul3A_400 = arith.mulf %get3A_396, %get3A_399 : vector<16xf32>
        %get3A_401 = arith.index_cast %add3A_352 : i32 to index
        %get3A_402 = arith.constant 16 : index
        %get3A_403 = tpu.vector_load %arg18[%get3A_401, %get3A_402] {strides = array<i32>} : memref<64x128xf32, #tpu.memory_space<vmem>>, vector<16xf32>,
        %mul3A_404 = arith.mulf %mul3A_400, %get3A_403 : vector<16xf32>
        %get3A_405 = arith.index_cast %add3A_352 : i32 to index
        %get3A_406 = arith.constant 16 : index
        %get3A_407 = tpu.vector_load %arg19[%get3A_405, %get3A_406] {strides = array<i32>} : memref<64x128xf32, #tpu.memory_space<vmem>>, vector<16xf32>,
        %get3A_408 = arith.index_cast %add3A_352 : i32 to index
        %get3A_409 = arith.constant 16 : index
        %get3A_410 = tpu.vector_load %arg20[%get3A_408, %get3A_409] {strides = array<i32>} : memref<64x128xf32, #tpu.memory_space<vmem>>, vector<16xf32>,
        %mul3A_411 = arith.mulf %get3A_407, %get3A_410 : vector<16xf32>
        %get3A_412 = arith.index_cast %add3A_352 : i32 to index
        %get3A_413 = arith.constant 16 : index
        %get3A_414 = tpu.vector_load %arg21[%get3A_412, %get3A_413] {strides = array<i32>} : memref<64x128xf32, #tpu.memory_space<vmem>>, vector<16xf32>,
        %mul3A_415 = arith.mulf %mul3A_411, %get3A_414 : vector<16xf32>
        %add3A_416 = arith.addf %mul3A_404, %mul3A_415 : vector<16xf32>
        %add3A_417 = arith.constant 16 : i32
        %add3A_418 = vector.broadcast %add3A_417 : i32 to vector<16xi32>
        %add3A_419 = arith.addi %add3A_362, %add3A_418 : vector<16xi32>
        %gather3A_420 = tpu.vector_load_idx %arg28[%shift_right_arithmetic3A_356, %add3A_419] : memref<183x128xf32, #tpu.memory_space<vmem>>[vector<16xi32>, vector<16xi32>], vector<16xf32>,
        %mul3A_421 = arith.mulf %add3A_416, %gather3A_420 : vector<16xf32>
        %add3A_422 = arith.addf %add3A_393, %mul3A_421 : vector<16xf32>
        %get3A_423 = arith.index_cast %add3A_352 : i32 to index
        %get3A_424 = arith.constant 32 : index
        %get3A_425 = tpu.vector_load %arg16[%get3A_423, %get3A_424] {strides = array<i32>} : memref<64x128xf32, #tpu.memory_space<vmem>>, vector<16xf32>,
        %get3A_426 = arith.index_cast %add3A_352 : i32 to index
        %get3A_427 = arith.constant 32 : index
        %get3A_428 = tpu.vector_load %arg17[%get3A_426, %get3A_427] {strides = array<i32>} : memref<64x128xf32, #tpu.memory_space<vmem>>, vector<16xf32>,
        %mul3A_429 = arith.mulf %get3A_425, %get3A_428 : vector<16xf32>
        %get3A_430 = arith.index_cast %add3A_352 : i32 to index
        %get3A_431 = arith.constant 32 : index
        %get3A_432 = tpu.vector_load %arg18[%get3A_430, %get3A_431] {strides = array<i32>} : memref<64x128xf32, #tpu.memory_space<vmem>>, vector<16xf32>,
        %mul3A_433 = arith.mulf %mul3A_429, %get3A_432 : vector<16xf32>
        %get3A_434 = arith.index_cast %add3A_352 : i32 to index
        %get3A_435 = arith.constant 32 : index
        %get3A_436 = tpu.vector_load %arg19[%get3A_434, %get3A_435] {strides = array<i32>} : memref<64x128xf32, #tpu.memory_space<vmem>>, vector<16xf32>,
        %get3A_437 = arith.index_cast %add3A_352 : i32 to index
        %get3A_438 = arith.constant 32 : index
        %get3A_439 = tpu.vector_load %arg20[%get3A_437, %get3A_438] {strides = array<i32>} : memref<64x128xf32, #tpu.memory_space<vmem>>, vector<16xf32>,
        %mul3A_440 = arith.mulf %get3A_436, %get3A_439 : vector<16xf32>
        %get3A_441 = arith.index_cast %add3A_352 : i32 to index
        %get3A_442 = arith.constant 32 : index
        %get3A_443 = tpu.vector_load %arg21[%get3A_441, %get3A_442] {strides = array<i32>} : memref<64x128xf32, #tpu.memory_space<vmem>>, vector<16xf32>,
        %mul3A_444 = arith.mulf %mul3A_440, %get3A_443 : vector<16xf32>
        %add3A_445 = arith.addf %mul3A_433, %mul3A_444 : vector<16xf32>
        %add3A_446 = arith.constant 32 : i32
        %add3A_447 = vector.broadcast %add3A_446 : i32 to vector<16xi32>
        %add3A_448 = arith.addi %add3A_362, %add3A_447 : vector<16xi32>
        %gather3A_449 = tpu.vector_load_idx %arg28[%shift_right_arithmetic3A_356, %add3A_448] : memref<183x128xf32, #tpu.memory_space<vmem>>[vector<16xi32>, vector<16xi32>], vector<16xf32>,
        %mul3A_450 = arith.mulf %add3A_445, %gather3A_449 : vector<16xf32>
        %add3A_451 = arith.addf %add3A_422, %mul3A_450 : vector<16xf32>
        %get3A_452 = arith.index_cast %add3A_352 : i32 to index
        %get3A_453 = arith.constant 48 : index
        %get3A_454 = tpu.vector_load %arg16[%get3A_452, %get3A_453] {strides = array<i32>} : memref<64x128xf32, #tpu.memory_space<vmem>>, vector<16xf32>,
        %get3A_455 = arith.index_cast %add3A_352 : i32 to index
        %get3A_456 = arith.constant 48 : index
        %get3A_457 = tpu.vector_load %arg17[%get3A_455, %get3A_456] {strides = array<i32>} : memref<64x128xf32, #tpu.memory_space<vmem>>, vector<16xf32>,
        %mul3A_458 = arith.mulf %get3A_454, %get3A_457 : vector<16xf32>
        %get3A_459 = arith.index_cast %add3A_352 : i32 to index
        %get3A_460 = arith.constant 48 : index
        %get3A_461 = tpu.vector_load %arg18[%get3A_459, %get3A_460] {strides = array<i32>} : memref<64x128xf32, #tpu.memory_space<vmem>>, vector<16xf32>,
        %mul3A_462 = arith.mulf %mul3A_458, %get3A_461 : vector<16xf32>
        %get3A_463 = arith.index_cast %add3A_352 : i32 to index
        %get3A_464 = arith.constant 48 : index
        %get3A_465 = tpu.vector_load %arg19[%get3A_463, %get3A_464] {strides = array<i32>} : memref<64x128xf32, #tpu.memory_space<vmem>>, vector<16xf32>,
        %get3A_466 = arith.index_cast %add3A_352 : i32 to index
        %get3A_467 = arith.constant 48 : index
        %get3A_468 = tpu.vector_load %arg20[%get3A_466, %get3A_467] {strides = array<i32>} : memref<64x128xf32, #tpu.memory_space<vmem>>, vector<16xf32>,
        %mul3A_469 = arith.mulf %get3A_465, %get3A_468 : vector<16xf32>
        %get3A_470 = arith.index_cast %add3A_352 : i32 to index
        %get3A_471 = arith.constant 48 : index
        %get3A_472 = tpu.vector_load %arg21[%get3A_470, %get3A_471] {strides = array<i32>} : memref<64x128xf32, #tpu.memory_space<vmem>>, vector<16xf32>,
        %mul3A_473 = arith.mulf %mul3A_469, %get3A_472 : vector<16xf32>
        %add3A_474 = arith.addf %mul3A_462, %mul3A_473 : vector<16xf32>
        %add3A_475 = arith.constant 48 : i32
        %add3A_476 = vector.broadcast %add3A_475 : i32 to vector<16xi32>
        %add3A_477 = arith.addi %add3A_362, %add3A_476 : vector<16xi32>
        %gather3A_478 = tpu.vector_load_idx %arg28[%shift_right_arithmetic3A_356, %add3A_477] : memref<183x128xf32, #tpu.memory_space<vmem>>[vector<16xi32>, vector<16xi32>], vector<16xf32>,
        %mul3A_479 = arith.mulf %add3A_474, %gather3A_478 : vector<16xf32>
        %add3A_480 = arith.addf %add3A_451, %mul3A_479 : vector<16xf32>
        %get3A_481 = arith.index_cast %add3A_352 : i32 to index
        %get3A_482 = arith.constant 64 : index
        %get3A_483 = tpu.vector_load %arg16[%get3A_481, %get3A_482] {strides = array<i32>} : memref<64x128xf32, #tpu.memory_space<vmem>>, vector<16xf32>,
        %get3A_484 = arith.index_cast %add3A_352 : i32 to index
        %get3A_485 = arith.constant 64 : index
        %get3A_486 = tpu.vector_load %arg17[%get3A_484, %get3A_485] {strides = array<i32>} : memref<64x128xf32, #tpu.memory_space<vmem>>, vector<16xf32>,
        %mul3A_487 = arith.mulf %get3A_483, %get3A_486 : vector<16xf32>
        %get3A_488 = arith.index_cast %add3A_352 : i32 to index
        %get3A_489 = arith.constant 64 : index
        %get3A_490 = tpu.vector_load %arg18[%get3A_488, %get3A_489] {strides = array<i32>} : memref<64x128xf32, #tpu.memory_space<vmem>>, vector<16xf32>,
        %mul3A_491 = arith.mulf %mul3A_487, %get3A_490 : vector<16xf32>
        %get3A_492 = arith.index_cast %add3A_352 : i32 to index
        %get3A_493 = arith.constant 64 : index
        %get3A_494 = tpu.vector_load %arg19[%get3A_492, %get3A_493] {strides = array<i32>} : memref<64x128xf32, #tpu.memory_space<vmem>>, vector<16xf32>,
        %get3A_495 = arith.index_cast %add3A_352 : i32 to index
        %get3A_496 = arith.constant 64 : index
        %get3A_497 = tpu.vector_load %arg20[%get3A_495, %get3A_496] {strides = array<i32>} : memref<64x128xf32, #tpu.memory_space<vmem>>, vector<16xf32>,
        %mul3A_498 = arith.mulf %get3A_494, %get3A_497 : vector<16xf32>
        %get3A_499 = arith.index_cast %add3A_352 : i32 to index
        %get3A_500 = arith.constant 64 : index
        %get3A_501 = tpu.vector_load %arg21[%get3A_499, %get3A_500] {strides = array<i32>} : memref<64x128xf32, #tpu.memory_space<vmem>>, vector<16xf32>,
        %mul3A_502 = arith.mulf %mul3A_498, %get3A_501 : vector<16xf32>
        %add3A_503 = arith.addf %mul3A_491, %mul3A_502 : vector<16xf32>
        %add3A_504 = arith.addf %add3A_480, %add3A_503 : vector<16xf32>
        %get3A_505 = arith.index_cast %add3A_352 : i32 to index
        %get3A_506 = arith.constant 80 : index
        %get3A_507 = tpu.vector_load %arg16[%get3A_505, %get3A_506] {strides = array<i32>} : memref<64x128xf32, #tpu.memory_space<vmem>>, vector<16xf32>,
        %get3A_508 = arith.index_cast %add3A_352 : i32 to index
        %get3A_509 = arith.constant 80 : index
        %get3A_510 = tpu.vector_load %arg17[%get3A_508, %get3A_509] {strides = array<i32>} : memref<64x128xf32, #tpu.memory_space<vmem>>, vector<16xf32>,
        %mul3A_511 = arith.mulf %get3A_507, %get3A_510 : vector<16xf32>
        %get3A_512 = arith.index_cast %add3A_352 : i32 to index
        %get3A_513 = arith.constant 80 : index
        %get3A_514 = tpu.vector_load %arg18[%get3A_512, %get3A_513] {strides = array<i32>} : memref<64x128xf32, #tpu.memory_space<vmem>>, vector<16xf32>,
        %mul3A_515 = arith.mulf %mul3A_511, %get3A_514 : vector<16xf32>
        %get3A_516 = arith.index_cast %add3A_352 : i32 to index
        %get3A_517 = arith.constant 80 : index
        %get3A_518 = tpu.vector_load %arg19[%get3A_516, %get3A_517] {strides = array<i32>} : memref<64x128xf32, #tpu.memory_space<vmem>>, vector<16xf32>,
        %get3A_519 = arith.index_cast %add3A_352 : i32 to index
        %get3A_520 = arith.constant 80 : index
        %get3A_521 = tpu.vector_load %arg20[%get3A_519, %get3A_520] {strides = array<i32>} : memref<64x128xf32, #tpu.memory_space<vmem>>, vector<16xf32>,
        %mul3A_522 = arith.mulf %get3A_518, %get3A_521 : vector<16xf32>
        %get3A_523 = arith.index_cast %add3A_352 : i32 to index
        %get3A_524 = arith.constant 80 : index
        %get3A_525 = tpu.vector_load %arg21[%get3A_523, %get3A_524] {strides = array<i32>} : memref<64x128xf32, #tpu.memory_space<vmem>>, vector<16xf32>,
        %mul3A_526 = arith.mulf %mul3A_522, %get3A_525 : vector<16xf32>
        %add3A_527 = arith.addf %mul3A_515, %mul3A_526 : vector<16xf32>
        %add3A_528 = arith.addf %add3A_504, %add3A_527 : vector<16xf32>
        %get3A_529 = arith.index_cast %add3A_352 : i32 to index
        %get3A_530 = arith.constant 96 : index
        %get3A_531 = tpu.vector_load %arg16[%get3A_529, %get3A_530] {strides = array<i32>} : memref<64x128xf32, #tpu.memory_space<vmem>>, vector<16xf32>,
        %get3A_532 = arith.index_cast %add3A_352 : i32 to index
        %get3A_533 = arith.constant 96 : index
        %get3A_534 = tpu.vector_load %arg17[%get3A_532, %get3A_533] {strides = array<i32>} : memref<64x128xf32, #tpu.memory_space<vmem>>, vector<16xf32>,
        %mul3A_535 = arith.mulf %get3A_531, %get3A_534 : vector<16xf32>
        %get3A_536 = arith.index_cast %add3A_352 : i32 to index
        %get3A_537 = arith.constant 96 : index
        %get3A_538 = tpu.vector_load %arg18[%get3A_536, %get3A_537] {strides = array<i32>} : memref<64x128xf32, #tpu.memory_space<vmem>>, vector<16xf32>,
        %mul3A_539 = arith.mulf %mul3A_535, %get3A_538 : vector<16xf32>
        %get3A_540 = arith.index_cast %add3A_352 : i32 to index
        %get3A_541 = arith.constant 96 : index
        %get3A_542 = tpu.vector_load %arg19[%get3A_540, %get3A_541] {strides = array<i32>} : memref<64x128xf32, #tpu.memory_space<vmem>>, vector<16xf32>,
        %get3A_543 = arith.index_cast %add3A_352 : i32 to index
        %get3A_544 = arith.constant 96 : index
        %get3A_545 = tpu.vector_load %arg20[%get3A_543, %get3A_544] {strides = array<i32>} : memref<64x128xf32, #tpu.memory_space<vmem>>, vector<16xf32>,
        %mul3A_546 = arith.mulf %get3A_542, %get3A_545 : vector<16xf32>
        %get3A_547 = arith.index_cast %add3A_352 : i32 to index
        %get3A_548 = arith.constant 96 : index
        %get3A_549 = tpu.vector_load %arg21[%get3A_547, %get3A_548] {strides = array<i32>} : memref<64x128xf32, #tpu.memory_space<vmem>>, vector<16xf32>,
        %mul3A_550 = arith.mulf %mul3A_546, %get3A_549 : vector<16xf32>
        %add3A_551 = arith.addf %mul3A_539, %mul3A_550 : vector<16xf32>
        %add3A_552 = arith.addf %add3A_528, %add3A_551 : vector<16xf32>
        %get3A_553 = arith.index_cast %add3A_352 : i32 to index
        %get3A_554 = arith.constant 112 : index
        %get3A_555 = tpu.vector_load %arg16[%get3A_553, %get3A_554] {strides = array<i32>} : memref<64x128xf32, #tpu.memory_space<vmem>>, vector<16xf32>,
        %get3A_556 = arith.index_cast %add3A_352 : i32 to index
        %get3A_557 = arith.constant 112 : index
        %get3A_558 = tpu.vector_load %arg17[%get3A_556, %get3A_557] {strides = array<i32>} : memref<64x128xf32, #tpu.memory_space<vmem>>, vector<16xf32>,
        %mul3A_559 = arith.mulf %get3A_555, %get3A_558 : vector<16xf32>
        %get3A_560 = arith.index_cast %add3A_352 : i32 to index
        %get3A_561 = arith.constant 112 : index
        %get3A_562 = tpu.vector_load %arg18[%get3A_560, %get3A_561] {strides = array<i32>} : memref<64x128xf32, #tpu.memory_space<vmem>>, vector<16xf32>,
        %mul3A_563 = arith.mulf %mul3A_559, %get3A_562 : vector<16xf32>
        %get3A_564 = arith.index_cast %add3A_352 : i32 to index
        %get3A_565 = arith.constant 112 : index
        %get3A_566 = tpu.vector_load %arg19[%get3A_564, %get3A_565] {strides = array<i32>} : memref<64x128xf32, #tpu.memory_space<vmem>>, vector<16xf32>,
        %get3A_567 = arith.index_cast %add3A_352 : i32 to index
        %get3A_568 = arith.constant 112 : index
        %get3A_569 = tpu.vector_load %arg20[%get3A_567, %get3A_568] {strides = array<i32>} : memref<64x128xf32, #tpu.memory_space<vmem>>, vector<16xf32>,
        %mul3A_570 = arith.mulf %get3A_566, %get3A_569 : vector<16xf32>
        %get3A_571 = arith.index_cast %add3A_352 : i32 to index
        %get3A_572 = arith.constant 112 : index
        %get3A_573 = tpu.vector_load %arg21[%get3A_571, %get3A_572] {strides = array<i32>} : memref<64x128xf32, #tpu.memory_space<vmem>>, vector<16xf32>,
        %mul3A_574 = arith.mulf %mul3A_570, %get3A_573 : vector<16xf32>
        %add3A_575 = arith.addf %mul3A_563, %mul3A_574 : vector<16xf32>
        %add3A_576 = arith.addf %add3A_552, %add3A_575 : vector<16xf32>
        %cumsum3A = arith.constant true
        %cumsum3A_577 = vector.broadcast %cumsum3A : i1 to vector<16xi1>
        %cumsum3A_578 = tpu.scan <sum>, %add3A_576 masked %cumsum3A_577 : vector<16xf32>, vector<16xi1> -> vector<16xf32>
        %gather3A_579 = vector.shape_cast %broadcast_in_dim3A_17 : vector<16x1xi32> to vector<16xi32>
        %gather3A_580 = tpu.dynamic_gather %cumsum3A_578[%gather3A_579] in [0] : vector<16xf32>, vector<16xi32> -> vector<16xf32>
        %eq3A = vector.broadcast %scan3A_349 : i32 to vector<16xi32>
        %eq3A_581 = arith.cmpi eq, %iota3A, %eq3A : vector<16xi32>
        %select_n3A = arith.select %eq3A_581, %gather3A_580, %scan3A_350 : vector<16xi1>, vector<16xf32>
        scf.yield %select_n3A : vector<16xf32>
      }
      %scan3A_202 = arith.constant 16 : i32
      %mul3A_203 = arith.constant 5.000000e-01 : f32
      %mul3A_204 = vector.broadcast %mul3A_203 : f32 to vector<16xf32>
      %mul3A_205 = arith.mulf %scan3A_201, %mul3A_204 : vector<16xf32>
      %mul3A_206 = arith.constant 64 : i32
      %mul3A_207 = arith.muli %mul3A_85, %mul3A_206 : i32
      %add3A_208 = arith.constant 48 : i32
      %add3A_209 = arith.addi %mul3A_207, %add3A_208 : i32
      %swap3A_210 = arith.index_cast %add3A_209 : i32 to index
      %swap3A_211 = tpu.vector_load %arg29[%swap3A_210] {strides = array<i32>} : memref<512xf32, #tpu.memory_space<vmem>>, vector<16xf32>,
      tpu.vector_store %arg29[%swap3A_210], %mul3A_205 {strides = array<i32>} : memref<512xf32, #tpu.memory_space<vmem>>, vector<16xf32>,
      %lt3A = arith.constant 3 : i32
      %lt3A_212 = arith.cmpi slt, %scan3A_83, %lt3A : i32
      %convert_element_type3A = arith.extui %lt3A_212 : i1 to i32
      %cond3A = arith.constant 0 : i32
      %cond3A_213 = arith.cmpi ne, %convert_element_type3A, %cond3A : i32
      scf.if %cond3A_213 {
        %add3A_349 = arith.constant 2 : i32
        %add3A_350 = arith.addi %mul3A_85, %add3A_349 : i32
        %mul3A_351 = arith.constant 64 : i32
        %mul3A_352 = arith.muli %add3A_350, %mul3A_351 : i32
        %dma_start3A_353 = tpu.memref_slice %arg12[%mul3A_352] : memref<512xi32, #tpu.memory_space<vmem>> -> memref<64xi32, #tpu.memory_space<vmem>>
        %dma_start3A_354 = arith.constant 0 : i32
        %dma_start3A_355 = arith.constant 0 : i32
        %dma_start3A_356 = tpu.memref_slice %arg6[%dma_start3A_354, %dma_start3A_355] : memref<100000x128xf32, #tpu.memory_space<hbm>> -> memref<100000x128xf32, #tpu.memory_space<hbm>>
        tpu.enqueue_indirect_dma source(%dma_start3A_356 : memref<100000x128xf32, #tpu.memory_space<hbm>>) target(%arg16 : memref<64x128xf32, #tpu.memory_space<vmem>>) offsets(%dma_start3A_353 : memref<64xi32, #tpu.memory_space<vmem>>) semaphore(%arg30 : memref<!tpu.dma_semaphore, #tpu.memory_space<semaphore_mem>>)
        %dma_start3A_357 = tpu.memref_slice %arg13[%mul3A_352] : memref<512xi32, #tpu.memory_space<vmem>> -> memref<64xi32, #tpu.memory_space<vmem>>
        %dma_start3A_358 = arith.constant 0 : i32
        %dma_start3A_359 = arith.constant 0 : i32
        %dma_start3A_360 = tpu.memref_slice %arg8[%dma_start3A_358, %dma_start3A_359] : memref<500x128xf32, #tpu.memory_space<hbm>> -> memref<500x128xf32, #tpu.memory_space<hbm>>
        tpu.enqueue_indirect_dma source(%dma_start3A_360 : memref<500x128xf32, #tpu.memory_space<hbm>>) target(%arg17 : memref<64x128xf32, #tpu.memory_space<vmem>>) offsets(%dma_start3A_357 : memref<64xi32, #tpu.memory_space<vmem>>) semaphore(%arg30 : memref<!tpu.dma_semaphore, #tpu.memory_space<semaphore_mem>>)
        %dma_start3A_361 = tpu.memref_slice %arg14[%mul3A_352] : memref<512xi32, #tpu.memory_space<vmem>> -> memref<64xi32, #tpu.memory_space<vmem>>
        %dma_start3A_362 = arith.constant 0 : i32
        %dma_start3A_363 = arith.constant 0 : i32
        %dma_start3A_364 = tpu.memref_slice %arg7[%dma_start3A_362, %dma_start3A_363] : memref<100000x128xf32, #tpu.memory_space<hbm>> -> memref<100000x128xf32, #tpu.memory_space<hbm>>
        tpu.enqueue_indirect_dma source(%dma_start3A_364 : memref<100000x128xf32, #tpu.memory_space<hbm>>) target(%arg18 : memref<64x128xf32, #tpu.memory_space<vmem>>) offsets(%dma_start3A_361 : memref<64xi32, #tpu.memory_space<vmem>>) semaphore(%arg30 : memref<!tpu.dma_semaphore, #tpu.memory_space<semaphore_mem>>)
        %dma_start3A_365 = tpu.memref_slice %arg14[%mul3A_352] : memref<512xi32, #tpu.memory_space<vmem>> -> memref<64xi32, #tpu.memory_space<vmem>>
        %dma_start3A_366 = arith.constant 0 : i32
        %dma_start3A_367 = arith.constant 0 : i32
        %dma_start3A_368 = tpu.memref_slice %arg6[%dma_start3A_366, %dma_start3A_367] : memref<100000x128xf32, #tpu.memory_space<hbm>> -> memref<100000x128xf32, #tpu.memory_space<hbm>>
        tpu.enqueue_indirect_dma source(%dma_start3A_368 : memref<100000x128xf32, #tpu.memory_space<hbm>>) target(%arg19 : memref<64x128xf32, #tpu.memory_space<vmem>>) offsets(%dma_start3A_365 : memref<64xi32, #tpu.memory_space<vmem>>) semaphore(%arg30 : memref<!tpu.dma_semaphore, #tpu.memory_space<semaphore_mem>>)
        %dma_start3A_369 = tpu.memref_slice %arg13[%mul3A_352] : memref<512xi32, #tpu.memory_space<vmem>> -> memref<64xi32, #tpu.memory_space<vmem>>
        %dma_start3A_370 = arith.constant 0 : i32
        %dma_start3A_371 = arith.constant 0 : i32
        %dma_start3A_372 = tpu.memref_slice %arg9[%dma_start3A_370, %dma_start3A_371] : memref<500x128xf32, #tpu.memory_space<hbm>> -> memref<500x128xf32, #tpu.memory_space<hbm>>
        tpu.enqueue_indirect_dma source(%dma_start3A_372 : memref<500x128xf32, #tpu.memory_space<hbm>>) target(%arg20 : memref<64x128xf32, #tpu.memory_space<vmem>>) offsets(%dma_start3A_369 : memref<64xi32, #tpu.memory_space<vmem>>) semaphore(%arg30 : memref<!tpu.dma_semaphore, #tpu.memory_space<semaphore_mem>>)
        %dma_start3A_373 = tpu.memref_slice %arg12[%mul3A_352] : memref<512xi32, #tpu.memory_space<vmem>> -> memref<64xi32, #tpu.memory_space<vmem>>
        %dma_start3A_374 = arith.constant 0 : i32
        %dma_start3A_375 = arith.constant 0 : i32
        %dma_start3A_376 = tpu.memref_slice %arg7[%dma_start3A_374, %dma_start3A_375] : memref<100000x128xf32, #tpu.memory_space<hbm>> -> memref<100000x128xf32, #tpu.memory_space<hbm>>
        tpu.enqueue_indirect_dma source(%dma_start3A_376 : memref<100000x128xf32, #tpu.memory_space<hbm>>) target(%arg21 : memref<64x128xf32, #tpu.memory_space<vmem>>) offsets(%dma_start3A_373 : memref<64xi32, #tpu.memory_space<vmem>>) semaphore(%arg30 : memref<!tpu.dma_semaphore, #tpu.memory_space<semaphore_mem>>)
      } else {
      }
      %dma_wait3A_214 = arith.constant 0 : i32
      %dma_wait3A_215 = arith.constant 0 : i32
      %dma_wait3A_216 = tpu.memref_slice %arg6[%dma_wait3A_214, %dma_wait3A_215] : memref<100000x128xf32, #tpu.memory_space<hbm>> -> memref<64x128xf32, #tpu.memory_space<hbm>>
      %dma_wait3A_217 = arith.constant 0 : i32
      %dma_wait3A_218 = arith.constant 0 : i32
      %dma_wait3A_219 = tpu.memref_slice %arg6[%dma_wait3A_217, %dma_wait3A_218] : memref<100000x128xf32, #tpu.memory_space<hbm>> -> memref<64x128xf32, #tpu.memory_space<hbm>>
      tpu.wait_dma2 semaphore(%arg31 : memref<!tpu.dma_semaphore, #tpu.memory_space<semaphore_mem>>) src(%dma_wait3A_219 : memref<64x128xf32, #tpu.memory_space<hbm>>) dst(%arg22 : memref<64x128xf32, #tpu.memory_space<vmem>>)
      %dma_wait3A_220 = arith.constant 0 : i32
      %dma_wait3A_221 = arith.constant 0 : i32
      %dma_wait3A_222 = tpu.memref_slice %arg6[%dma_wait3A_220, %dma_wait3A_221] : memref<100000x128xf32, #tpu.memory_space<hbm>> -> memref<64x128xf32, #tpu.memory_space<hbm>>
      %dma_wait3A_223 = arith.constant 0 : i32
      %dma_wait3A_224 = arith.constant 0 : i32
      %dma_wait3A_225 = tpu.memref_slice %arg6[%dma_wait3A_223, %dma_wait3A_224] : memref<100000x128xf32, #tpu.memory_space<hbm>> -> memref<64x128xf32, #tpu.memory_space<hbm>>
      tpu.wait_dma2 semaphore(%arg31 : memref<!tpu.dma_semaphore, #tpu.memory_space<semaphore_mem>>) src(%dma_wait3A_225 : memref<64x128xf32, #tpu.memory_space<hbm>>) dst(%arg23 : memref<64x128xf32, #tpu.memory_space<vmem>>)
      %dma_wait3A_226 = arith.constant 0 : i32
      %dma_wait3A_227 = arith.constant 0 : i32
      %dma_wait3A_228 = tpu.memref_slice %arg6[%dma_wait3A_226, %dma_wait3A_227] : memref<100000x128xf32, #tpu.memory_space<hbm>> -> memref<64x128xf32, #tpu.memory_space<hbm>>
      %dma_wait3A_229 = arith.constant 0 : i32
      %dma_wait3A_230 = arith.constant 0 : i32
      %dma_wait3A_231 = tpu.memref_slice %arg6[%dma_wait3A_229, %dma_wait3A_230] : memref<100000x128xf32, #tpu.memory_space<hbm>> -> memref<64x128xf32, #tpu.memory_space<hbm>>
      tpu.wait_dma2 semaphore(%arg31 : memref<!tpu.dma_semaphore, #tpu.memory_space<semaphore_mem>>) src(%dma_wait3A_231 : memref<64x128xf32, #tpu.memory_space<hbm>>) dst(%arg24 : memref<64x128xf32, #tpu.memory_space<vmem>>)
      %dma_wait3A_232 = arith.constant 0 : i32
      %dma_wait3A_233 = arith.constant 0 : i32
      %dma_wait3A_234 = tpu.memref_slice %arg6[%dma_wait3A_232, %dma_wait3A_233] : memref<100000x128xf32, #tpu.memory_space<hbm>> -> memref<64x128xf32, #tpu.memory_space<hbm>>
      %dma_wait3A_235 = arith.constant 0 : i32
      %dma_wait3A_236 = arith.constant 0 : i32
      %dma_wait3A_237 = tpu.memref_slice %arg6[%dma_wait3A_235, %dma_wait3A_236] : memref<100000x128xf32, #tpu.memory_space<hbm>> -> memref<64x128xf32, #tpu.memory_space<hbm>>
      tpu.wait_dma2 semaphore(%arg31 : memref<!tpu.dma_semaphore, #tpu.memory_space<semaphore_mem>>) src(%dma_wait3A_237 : memref<64x128xf32, #tpu.memory_space<hbm>>) dst(%arg25 : memref<64x128xf32, #tpu.memory_space<vmem>>)
      %dma_wait3A_238 = arith.constant 0 : i32
      %dma_wait3A_239 = arith.constant 0 : i32
      %dma_wait3A_240 = tpu.memref_slice %arg6[%dma_wait3A_238, %dma_wait3A_239] : memref<100000x128xf32, #tpu.memory_space<hbm>> -> memref<64x128xf32, #tpu.memory_space<hbm>>
      %dma_wait3A_241 = arith.constant 0 : i32
      %dma_wait3A_242 = arith.constant 0 : i32
      %dma_wait3A_243 = tpu.memref_slice %arg6[%dma_wait3A_241, %dma_wait3A_242] : memref<100000x128xf32, #tpu.memory_space<hbm>> -> memref<64x128xf32, #tpu.memory_space<hbm>>
      tpu.wait_dma2 semaphore(%arg31 : memref<!tpu.dma_semaphore, #tpu.memory_space<semaphore_mem>>) src(%dma_wait3A_243 : memref<64x128xf32, #tpu.memory_space<hbm>>) dst(%arg26 : memref<64x128xf32, #tpu.memory_space<vmem>>)
      %dma_wait3A_244 = arith.constant 0 : i32
      %dma_wait3A_245 = arith.constant 0 : i32
      %dma_wait3A_246 = tpu.memref_slice %arg6[%dma_wait3A_244, %dma_wait3A_245] : memref<100000x128xf32, #tpu.memory_space<hbm>> -> memref<64x128xf32, #tpu.memory_space<hbm>>
      %dma_wait3A_247 = arith.constant 0 : i32
      %dma_wait3A_248 = arith.constant 0 : i32
      %dma_wait3A_249 = tpu.memref_slice %arg6[%dma_wait3A_247, %dma_wait3A_248] : memref<100000x128xf32, #tpu.memory_space<hbm>> -> memref<64x128xf32, #tpu.memory_space<hbm>>
      tpu.wait_dma2 semaphore(%arg31 : memref<!tpu.dma_semaphore, #tpu.memory_space<semaphore_mem>>) src(%dma_wait3A_249 : memref<64x128xf32, #tpu.memory_space<hbm>>) dst(%arg27 : memref<64x128xf32, #tpu.memory_space<vmem>>)
      %add3A_250 = arith.constant 1 : i32
      %add3A_251 = arith.addi %mul3A_85, %add3A_250 : i32
      %mul3A_252 = arith.constant 64 : i32
      %mul3A_253 = arith.muli %add3A_251, %mul3A_252 : i32
      %add3A_254 = arith.constant 0 : i32
      %add3A_255 = arith.addi %mul3A_253, %add3A_254 : i32
      %get3A_256 = arith.index_cast %add3A_255 : i32 to index
      %get3A_257 = tpu.vector_load %arg15[%get3A_256] {strides = array<i32>} : memref<512xi32, #tpu.memory_space<vmem>>, vector<16xi32>,
      %broadcast_in_dim3A_258 = arith.constant 0.000000e+00 : f32
      %broadcast_in_dim3A_259 = vector.broadcast %broadcast_in_dim3A_258 : f32 to vector<16xf32>
      %scan3A_260 = arith.constant 0 : i32
      %scan3A_261 = arith.constant 16 : i32
      %scan3A_262 = arith.addi %scan3A_260, %scan3A_261 : i32
      %scan3A_263 = arith.constant 1 : i32
      %scan3A_264 = scf.for %scan3A_349 = %scan3A_260 to %scan3A_262 step %scan3A_263 iter_args(%scan3A_350 = %broadcast_in_dim3A_259) -> (vector<16xf32>)  : i32 {
        %add3A_351 = arith.constant 0 : i32
        %add3A_352 = arith.addi %add3A_351, %scan3A_349 : i32
        %broadcast_in_dim3A_353 = vector.broadcast %scan3A_349 : i32 to vector<16x1xi32>
        %gather3A = vector.shape_cast %broadcast_in_dim3A_353 : vector<16x1xi32> to vector<16xi32>
        %gather3A_354 = tpu.dynamic_gather %get3A_257[%gather3A] in [0] : vector<16xi32>, vector<16xi32> -> vector<16xi32>
        %shift_right_arithmetic3A = arith.constant 1 : i32
        %shift_right_arithmetic3A_355 = vector.broadcast %shift_right_arithmetic3A : i32 to vector<16xi32>
        %shift_right_arithmetic3A_356 = arith.shrsi %gather3A_354, %shift_right_arithmetic3A_355 : vector<16xi32>
        %and3A = arith.constant 1 : i32
        %and3A_357 = vector.broadcast %and3A : i32 to vector<16xi32>
        %and3A_358 = arith.andi %gather3A_354, %and3A_357 : vector<16xi32>
        %mul3A_359 = arith.constant 64 : i32
        %mul3A_360 = vector.broadcast %mul3A_359 : i32 to vector<16xi32>
        %mul3A_361 = arith.muli %and3A_358, %mul3A_360 : vector<16xi32>
        %add3A_362 = arith.addi %mul3A_361, %iota3A : vector<16xi32>
        %broadcast_in_dim3A_363 = arith.constant 0.000000e+00 : f32
        %broadcast_in_dim3A_364 = vector.broadcast %broadcast_in_dim3A_363 : f32 to vector<16xf32>
        %get3A_365 = arith.index_cast %add3A_352 : i32 to index
        %get3A_366 = arith.constant 0 : index
        %get3A_367 = tpu.vector_load %arg22[%get3A_365, %get3A_366] {strides = array<i32>} : memref<64x128xf32, #tpu.memory_space<vmem>>, vector<16xf32>,
        %get3A_368 = arith.index_cast %add3A_352 : i32 to index
        %get3A_369 = arith.constant 0 : index
        %get3A_370 = tpu.vector_load %arg23[%get3A_368, %get3A_369] {strides = array<i32>} : memref<64x128xf32, #tpu.memory_space<vmem>>, vector<16xf32>,
        %mul3A_371 = arith.mulf %get3A_367, %get3A_370 : vector<16xf32>
        %get3A_372 = arith.index_cast %add3A_352 : i32 to index
        %get3A_373 = arith.constant 0 : index
        %get3A_374 = tpu.vector_load %arg24[%get3A_372, %get3A_373] {strides = array<i32>} : memref<64x128xf32, #tpu.memory_space<vmem>>, vector<16xf32>,
        %mul3A_375 = arith.mulf %mul3A_371, %get3A_374 : vector<16xf32>
        %get3A_376 = arith.index_cast %add3A_352 : i32 to index
        %get3A_377 = arith.constant 0 : index
        %get3A_378 = tpu.vector_load %arg25[%get3A_376, %get3A_377] {strides = array<i32>} : memref<64x128xf32, #tpu.memory_space<vmem>>, vector<16xf32>,
        %get3A_379 = arith.index_cast %add3A_352 : i32 to index
        %get3A_380 = arith.constant 0 : index
        %get3A_381 = tpu.vector_load %arg26[%get3A_379, %get3A_380] {strides = array<i32>} : memref<64x128xf32, #tpu.memory_space<vmem>>, vector<16xf32>,
        %mul3A_382 = arith.mulf %get3A_378, %get3A_381 : vector<16xf32>
        %get3A_383 = arith.index_cast %add3A_352 : i32 to index
        %get3A_384 = arith.constant 0 : index
        %get3A_385 = tpu.vector_load %arg27[%get3A_383, %get3A_384] {strides = array<i32>} : memref<64x128xf32, #tpu.memory_space<vmem>>, vector<16xf32>,
        %mul3A_386 = arith.mulf %mul3A_382, %get3A_385 : vector<16xf32>
        %add3A_387 = arith.addf %mul3A_375, %mul3A_386 : vector<16xf32>
        %add3A_388 = arith.constant 0 : i32
        %add3A_389 = vector.broadcast %add3A_388 : i32 to vector<16xi32>
        %add3A_390 = arith.addi %add3A_362, %add3A_389 : vector<16xi32>
        %gather3A_391 = tpu.vector_load_idx %arg28[%shift_right_arithmetic3A_356, %add3A_390] : memref<183x128xf32, #tpu.memory_space<vmem>>[vector<16xi32>, vector<16xi32>], vector<16xf32>,
        %mul3A_392 = arith.mulf %add3A_387, %gather3A_391 : vector<16xf32>
        %add3A_393 = arith.addf %broadcast_in_dim3A_364, %mul3A_392 : vector<16xf32>
        %get3A_394 = arith.index_cast %add3A_352 : i32 to index
        %get3A_395 = arith.constant 16 : index
        %get3A_396 = tpu.vector_load %arg22[%get3A_394, %get3A_395] {strides = array<i32>} : memref<64x128xf32, #tpu.memory_space<vmem>>, vector<16xf32>,
        %get3A_397 = arith.index_cast %add3A_352 : i32 to index
        %get3A_398 = arith.constant 16 : index
        %get3A_399 = tpu.vector_load %arg23[%get3A_397, %get3A_398] {strides = array<i32>} : memref<64x128xf32, #tpu.memory_space<vmem>>, vector<16xf32>,
        %mul3A_400 = arith.mulf %get3A_396, %get3A_399 : vector<16xf32>
        %get3A_401 = arith.index_cast %add3A_352 : i32 to index
        %get3A_402 = arith.constant 16 : index
        %get3A_403 = tpu.vector_load %arg24[%get3A_401, %get3A_402] {strides = array<i32>} : memref<64x128xf32, #tpu.memory_space<vmem>>, vector<16xf32>,
        %mul3A_404 = arith.mulf %mul3A_400, %get3A_403 : vector<16xf32>
        %get3A_405 = arith.index_cast %add3A_352 : i32 to index
        %get3A_406 = arith.constant 16 : index
        %get3A_407 = tpu.vector_load %arg25[%get3A_405, %get3A_406] {strides = array<i32>} : memref<64x128xf32, #tpu.memory_space<vmem>>, vector<16xf32>,
        %get3A_408 = arith.index_cast %add3A_352 : i32 to index
        %get3A_409 = arith.constant 16 : index
        %get3A_410 = tpu.vector_load %arg26[%get3A_408, %get3A_409] {strides = array<i32>} : memref<64x128xf32, #tpu.memory_space<vmem>>, vector<16xf32>,
        %mul3A_411 = arith.mulf %get3A_407, %get3A_410 : vector<16xf32>
        %get3A_412 = arith.index_cast %add3A_352 : i32 to index
        %get3A_413 = arith.constant 16 : index
        %get3A_414 = tpu.vector_load %arg27[%get3A_412, %get3A_413] {strides = array<i32>} : memref<64x128xf32, #tpu.memory_space<vmem>>, vector<16xf32>,
        %mul3A_415 = arith.mulf %mul3A_411, %get3A_414 : vector<16xf32>
        %add3A_416 = arith.addf %mul3A_404, %mul3A_415 : vector<16xf32>
        %add3A_417 = arith.constant 16 : i32
        %add3A_418 = vector.broadcast %add3A_417 : i32 to vector<16xi32>
        %add3A_419 = arith.addi %add3A_362, %add3A_418 : vector<16xi32>
        %gather3A_420 = tpu.vector_load_idx %arg28[%shift_right_arithmetic3A_356, %add3A_419] : memref<183x128xf32, #tpu.memory_space<vmem>>[vector<16xi32>, vector<16xi32>], vector<16xf32>,
        %mul3A_421 = arith.mulf %add3A_416, %gather3A_420 : vector<16xf32>
        %add3A_422 = arith.addf %add3A_393, %mul3A_421 : vector<16xf32>
        %get3A_423 = arith.index_cast %add3A_352 : i32 to index
        %get3A_424 = arith.constant 32 : index
        %get3A_425 = tpu.vector_load %arg22[%get3A_423, %get3A_424] {strides = array<i32>} : memref<64x128xf32, #tpu.memory_space<vmem>>, vector<16xf32>,
        %get3A_426 = arith.index_cast %add3A_352 : i32 to index
        %get3A_427 = arith.constant 32 : index
        %get3A_428 = tpu.vector_load %arg23[%get3A_426, %get3A_427] {strides = array<i32>} : memref<64x128xf32, #tpu.memory_space<vmem>>, vector<16xf32>,
        %mul3A_429 = arith.mulf %get3A_425, %get3A_428 : vector<16xf32>
        %get3A_430 = arith.index_cast %add3A_352 : i32 to index
        %get3A_431 = arith.constant 32 : index
        %get3A_432 = tpu.vector_load %arg24[%get3A_430, %get3A_431] {strides = array<i32>} : memref<64x128xf32, #tpu.memory_space<vmem>>, vector<16xf32>,
        %mul3A_433 = arith.mulf %mul3A_429, %get3A_432 : vector<16xf32>
        %get3A_434 = arith.index_cast %add3A_352 : i32 to index
        %get3A_435 = arith.constant 32 : index
        %get3A_436 = tpu.vector_load %arg25[%get3A_434, %get3A_435] {strides = array<i32>} : memref<64x128xf32, #tpu.memory_space<vmem>>, vector<16xf32>,
        %get3A_437 = arith.index_cast %add3A_352 : i32 to index
        %get3A_438 = arith.constant 32 : index
        %get3A_439 = tpu.vector_load %arg26[%get3A_437, %get3A_438] {strides = array<i32>} : memref<64x128xf32, #tpu.memory_space<vmem>>, vector<16xf32>,
        %mul3A_440 = arith.mulf %get3A_436, %get3A_439 : vector<16xf32>
        %get3A_441 = arith.index_cast %add3A_352 : i32 to index
        %get3A_442 = arith.constant 32 : index
        %get3A_443 = tpu.vector_load %arg27[%get3A_441, %get3A_442] {strides = array<i32>} : memref<64x128xf32, #tpu.memory_space<vmem>>, vector<16xf32>,
        %mul3A_444 = arith.mulf %mul3A_440, %get3A_443 : vector<16xf32>
        %add3A_445 = arith.addf %mul3A_433, %mul3A_444 : vector<16xf32>
        %add3A_446 = arith.constant 32 : i32
        %add3A_447 = vector.broadcast %add3A_446 : i32 to vector<16xi32>
        %add3A_448 = arith.addi %add3A_362, %add3A_447 : vector<16xi32>
        %gather3A_449 = tpu.vector_load_idx %arg28[%shift_right_arithmetic3A_356, %add3A_448] : memref<183x128xf32, #tpu.memory_space<vmem>>[vector<16xi32>, vector<16xi32>], vector<16xf32>,
        %mul3A_450 = arith.mulf %add3A_445, %gather3A_449 : vector<16xf32>
        %add3A_451 = arith.addf %add3A_422, %mul3A_450 : vector<16xf32>
        %get3A_452 = arith.index_cast %add3A_352 : i32 to index
        %get3A_453 = arith.constant 48 : index
        %get3A_454 = tpu.vector_load %arg22[%get3A_452, %get3A_453] {strides = array<i32>} : memref<64x128xf32, #tpu.memory_space<vmem>>, vector<16xf32>,
        %get3A_455 = arith.index_cast %add3A_352 : i32 to index
        %get3A_456 = arith.constant 48 : index
        %get3A_457 = tpu.vector_load %arg23[%get3A_455, %get3A_456] {strides = array<i32>} : memref<64x128xf32, #tpu.memory_space<vmem>>, vector<16xf32>,
        %mul3A_458 = arith.mulf %get3A_454, %get3A_457 : vector<16xf32>
        %get3A_459 = arith.index_cast %add3A_352 : i32 to index
        %get3A_460 = arith.constant 48 : index
        %get3A_461 = tpu.vector_load %arg24[%get3A_459, %get3A_460] {strides = array<i32>} : memref<64x128xf32, #tpu.memory_space<vmem>>, vector<16xf32>,
        %mul3A_462 = arith.mulf %mul3A_458, %get3A_461 : vector<16xf32>
        %get3A_463 = arith.index_cast %add3A_352 : i32 to index
        %get3A_464 = arith.constant 48 : index
        %get3A_465 = tpu.vector_load %arg25[%get3A_463, %get3A_464] {strides = array<i32>} : memref<64x128xf32, #tpu.memory_space<vmem>>, vector<16xf32>,
        %get3A_466 = arith.index_cast %add3A_352 : i32 to index
        %get3A_467 = arith.constant 48 : index
        %get3A_468 = tpu.vector_load %arg26[%get3A_466, %get3A_467] {strides = array<i32>} : memref<64x128xf32, #tpu.memory_space<vmem>>, vector<16xf32>,
        %mul3A_469 = arith.mulf %get3A_465, %get3A_468 : vector<16xf32>
        %get3A_470 = arith.index_cast %add3A_352 : i32 to index
        %get3A_471 = arith.constant 48 : index
        %get3A_472 = tpu.vector_load %arg27[%get3A_470, %get3A_471] {strides = array<i32>} : memref<64x128xf32, #tpu.memory_space<vmem>>, vector<16xf32>,
        %mul3A_473 = arith.mulf %mul3A_469, %get3A_472 : vector<16xf32>
        %add3A_474 = arith.addf %mul3A_462, %mul3A_473 : vector<16xf32>
        %add3A_475 = arith.constant 48 : i32
        %add3A_476 = vector.broadcast %add3A_475 : i32 to vector<16xi32>
        %add3A_477 = arith.addi %add3A_362, %add3A_476 : vector<16xi32>
        %gather3A_478 = tpu.vector_load_idx %arg28[%shift_right_arithmetic3A_356, %add3A_477] : memref<183x128xf32, #tpu.memory_space<vmem>>[vector<16xi32>, vector<16xi32>], vector<16xf32>,
        %mul3A_479 = arith.mulf %add3A_474, %gather3A_478 : vector<16xf32>
        %add3A_480 = arith.addf %add3A_451, %mul3A_479 : vector<16xf32>
        %get3A_481 = arith.index_cast %add3A_352 : i32 to index
        %get3A_482 = arith.constant 64 : index
        %get3A_483 = tpu.vector_load %arg22[%get3A_481, %get3A_482] {strides = array<i32>} : memref<64x128xf32, #tpu.memory_space<vmem>>, vector<16xf32>,
        %get3A_484 = arith.index_cast %add3A_352 : i32 to index
        %get3A_485 = arith.constant 64 : index
        %get3A_486 = tpu.vector_load %arg23[%get3A_484, %get3A_485] {strides = array<i32>} : memref<64x128xf32, #tpu.memory_space<vmem>>, vector<16xf32>,
        %mul3A_487 = arith.mulf %get3A_483, %get3A_486 : vector<16xf32>
        %get3A_488 = arith.index_cast %add3A_352 : i32 to index
        %get3A_489 = arith.constant 64 : index
        %get3A_490 = tpu.vector_load %arg24[%get3A_488, %get3A_489] {strides = array<i32>} : memref<64x128xf32, #tpu.memory_space<vmem>>, vector<16xf32>,
        %mul3A_491 = arith.mulf %mul3A_487, %get3A_490 : vector<16xf32>
        %get3A_492 = arith.index_cast %add3A_352 : i32 to index
        %get3A_493 = arith.constant 64 : index
        %get3A_494 = tpu.vector_load %arg25[%get3A_492, %get3A_493] {strides = array<i32>} : memref<64x128xf32, #tpu.memory_space<vmem>>, vector<16xf32>,
        %get3A_495 = arith.index_cast %add3A_352 : i32 to index
        %get3A_496 = arith.constant 64 : index
        %get3A_497 = tpu.vector_load %arg26[%get3A_495, %get3A_496] {strides = array<i32>} : memref<64x128xf32, #tpu.memory_space<vmem>>, vector<16xf32>,
        %mul3A_498 = arith.mulf %get3A_494, %get3A_497 : vector<16xf32>
        %get3A_499 = arith.index_cast %add3A_352 : i32 to index
        %get3A_500 = arith.constant 64 : index
        %get3A_501 = tpu.vector_load %arg27[%get3A_499, %get3A_500] {strides = array<i32>} : memref<64x128xf32, #tpu.memory_space<vmem>>, vector<16xf32>,
        %mul3A_502 = arith.mulf %mul3A_498, %get3A_501 : vector<16xf32>
        %add3A_503 = arith.addf %mul3A_491, %mul3A_502 : vector<16xf32>
        %add3A_504 = arith.addf %add3A_480, %add3A_503 : vector<16xf32>
        %get3A_505 = arith.index_cast %add3A_352 : i32 to index
        %get3A_506 = arith.constant 80 : index
        %get3A_507 = tpu.vector_load %arg22[%get3A_505, %get3A_506] {strides = array<i32>} : memref<64x128xf32, #tpu.memory_space<vmem>>, vector<16xf32>,
        %get3A_508 = arith.index_cast %add3A_352 : i32 to index
        %get3A_509 = arith.constant 80 : index
        %get3A_510 = tpu.vector_load %arg23[%get3A_508, %get3A_509] {strides = array<i32>} : memref<64x128xf32, #tpu.memory_space<vmem>>, vector<16xf32>,
        %mul3A_511 = arith.mulf %get3A_507, %get3A_510 : vector<16xf32>
        %get3A_512 = arith.index_cast %add3A_352 : i32 to index
        %get3A_513 = arith.constant 80 : index
        %get3A_514 = tpu.vector_load %arg24[%get3A_512, %get3A_513] {strides = array<i32>} : memref<64x128xf32, #tpu.memory_space<vmem>>, vector<16xf32>,
        %mul3A_515 = arith.mulf %mul3A_511, %get3A_514 : vector<16xf32>
        %get3A_516 = arith.index_cast %add3A_352 : i32 to index
        %get3A_517 = arith.constant 80 : index
        %get3A_518 = tpu.vector_load %arg25[%get3A_516, %get3A_517] {strides = array<i32>} : memref<64x128xf32, #tpu.memory_space<vmem>>, vector<16xf32>,
        %get3A_519 = arith.index_cast %add3A_352 : i32 to index
        %get3A_520 = arith.constant 80 : index
        %get3A_521 = tpu.vector_load %arg26[%get3A_519, %get3A_520] {strides = array<i32>} : memref<64x128xf32, #tpu.memory_space<vmem>>, vector<16xf32>,
        %mul3A_522 = arith.mulf %get3A_518, %get3A_521 : vector<16xf32>
        %get3A_523 = arith.index_cast %add3A_352 : i32 to index
        %get3A_524 = arith.constant 80 : index
        %get3A_525 = tpu.vector_load %arg27[%get3A_523, %get3A_524] {strides = array<i32>} : memref<64x128xf32, #tpu.memory_space<vmem>>, vector<16xf32>,
        %mul3A_526 = arith.mulf %mul3A_522, %get3A_525 : vector<16xf32>
        %add3A_527 = arith.addf %mul3A_515, %mul3A_526 : vector<16xf32>
        %add3A_528 = arith.addf %add3A_504, %add3A_527 : vector<16xf32>
        %get3A_529 = arith.index_cast %add3A_352 : i32 to index
        %get3A_530 = arith.constant 96 : index
        %get3A_531 = tpu.vector_load %arg22[%get3A_529, %get3A_530] {strides = array<i32>} : memref<64x128xf32, #tpu.memory_space<vmem>>, vector<16xf32>,
        %get3A_532 = arith.index_cast %add3A_352 : i32 to index
        %get3A_533 = arith.constant 96 : index
        %get3A_534 = tpu.vector_load %arg23[%get3A_532, %get3A_533] {strides = array<i32>} : memref<64x128xf32, #tpu.memory_space<vmem>>, vector<16xf32>,
        %mul3A_535 = arith.mulf %get3A_531, %get3A_534 : vector<16xf32>
        %get3A_536 = arith.index_cast %add3A_352 : i32 to index
        %get3A_537 = arith.constant 96 : index
        %get3A_538 = tpu.vector_load %arg24[%get3A_536, %get3A_537] {strides = array<i32>} : memref<64x128xf32, #tpu.memory_space<vmem>>, vector<16xf32>,
        %mul3A_539 = arith.mulf %mul3A_535, %get3A_538 : vector<16xf32>
        %get3A_540 = arith.index_cast %add3A_352 : i32 to index
        %get3A_541 = arith.constant 96 : index
        %get3A_542 = tpu.vector_load %arg25[%get3A_540, %get3A_541] {strides = array<i32>} : memref<64x128xf32, #tpu.memory_space<vmem>>, vector<16xf32>,
        %get3A_543 = arith.index_cast %add3A_352 : i32 to index
        %get3A_544 = arith.constant 96 : index
        %get3A_545 = tpu.vector_load %arg26[%get3A_543, %get3A_544] {strides = array<i32>} : memref<64x128xf32, #tpu.memory_space<vmem>>, vector<16xf32>,
        %mul3A_546 = arith.mulf %get3A_542, %get3A_545 : vector<16xf32>
        %get3A_547 = arith.index_cast %add3A_352 : i32 to index
        %get3A_548 = arith.constant 96 : index
        %get3A_549 = tpu.vector_load %arg27[%get3A_547, %get3A_548] {strides = array<i32>} : memref<64x128xf32, #tpu.memory_space<vmem>>, vector<16xf32>,
        %mul3A_550 = arith.mulf %mul3A_546, %get3A_549 : vector<16xf32>
        %add3A_551 = arith.addf %mul3A_539, %mul3A_550 : vector<16xf32>
        %add3A_552 = arith.addf %add3A_528, %add3A_551 : vector<16xf32>
        %get3A_553 = arith.index_cast %add3A_352 : i32 to index
        %get3A_554 = arith.constant 112 : index
        %get3A_555 = tpu.vector_load %arg22[%get3A_553, %get3A_554] {strides = array<i32>} : memref<64x128xf32, #tpu.memory_space<vmem>>, vector<16xf32>,
        %get3A_556 = arith.index_cast %add3A_352 : i32 to index
        %get3A_557 = arith.constant 112 : index
        %get3A_558 = tpu.vector_load %arg23[%get3A_556, %get3A_557] {strides = array<i32>} : memref<64x128xf32, #tpu.memory_space<vmem>>, vector<16xf32>,
        %mul3A_559 = arith.mulf %get3A_555, %get3A_558 : vector<16xf32>
        %get3A_560 = arith.index_cast %add3A_352 : i32 to index
        %get3A_561 = arith.constant 112 : index
        %get3A_562 = tpu.vector_load %arg24[%get3A_560, %get3A_561] {strides = array<i32>} : memref<64x128xf32, #tpu.memory_space<vmem>>, vector<16xf32>,
        %mul3A_563 = arith.mulf %mul3A_559, %get3A_562 : vector<16xf32>
        %get3A_564 = arith.index_cast %add3A_352 : i32 to index
        %get3A_565 = arith.constant 112 : index
        %get3A_566 = tpu.vector_load %arg25[%get3A_564, %get3A_565] {strides = array<i32>} : memref<64x128xf32, #tpu.memory_space<vmem>>, vector<16xf32>,
        %get3A_567 = arith.index_cast %add3A_352 : i32 to index
        %get3A_568 = arith.constant 112 : index
        %get3A_569 = tpu.vector_load %arg26[%get3A_567, %get3A_568] {strides = array<i32>} : memref<64x128xf32, #tpu.memory_space<vmem>>, vector<16xf32>,
        %mul3A_570 = arith.mulf %get3A_566, %get3A_569 : vector<16xf32>
        %get3A_571 = arith.index_cast %add3A_352 : i32 to index
        %get3A_572 = arith.constant 112 : index
        %get3A_573 = tpu.vector_load %arg27[%get3A_571, %get3A_572] {strides = array<i32>} : memref<64x128xf32, #tpu.memory_space<vmem>>, vector<16xf32>,
        %mul3A_574 = arith.mulf %mul3A_570, %get3A_573 : vector<16xf32>
        %add3A_575 = arith.addf %mul3A_563, %mul3A_574 : vector<16xf32>
        %add3A_576 = arith.addf %add3A_552, %add3A_575 : vector<16xf32>
        %cumsum3A = arith.constant true
        %cumsum3A_577 = vector.broadcast %cumsum3A : i1 to vector<16xi1>
        %cumsum3A_578 = tpu.scan <sum>, %add3A_576 masked %cumsum3A_577 : vector<16xf32>, vector<16xi1> -> vector<16xf32>
        %gather3A_579 = vector.shape_cast %broadcast_in_dim3A_17 : vector<16x1xi32> to vector<16xi32>
        %gather3A_580 = tpu.dynamic_gather %cumsum3A_578[%gather3A_579] in [0] : vector<16xf32>, vector<16xi32> -> vector<16xf32>
        %eq3A = vector.broadcast %scan3A_349 : i32 to vector<16xi32>
        %eq3A_581 = arith.cmpi eq, %iota3A, %eq3A : vector<16xi32>
        %select_n3A = arith.select %eq3A_581, %gather3A_580, %scan3A_350 : vector<16xi1>, vector<16xf32>
        scf.yield %select_n3A : vector<16xf32>
      }
      %scan3A_265 = arith.constant 16 : i32
      %mul3A_266 = arith.constant 5.000000e-01 : f32
      %mul3A_267 = vector.broadcast %mul3A_266 : f32 to vector<16xf32>
      %mul3A_268 = arith.mulf %scan3A_264, %mul3A_267 : vector<16xf32>
      %mul3A_269 = arith.constant 64 : i32
      %mul3A_270 = arith.muli %add3A_251, %mul3A_269 : i32
      %add3A_271 = arith.constant 0 : i32
      %add3A_272 = arith.addi %mul3A_270, %add3A_271 : i32
      %swap3A_273 = arith.index_cast %add3A_272 : i32 to index
      %swap3A_274 = tpu.vector_load %arg29[%swap3A_273] {strides = array<i32>} : memref<512xf32, #tpu.memory_space<vmem>>, vector<16xf32>,
      tpu.vector_store %arg29[%swap3A_273], %mul3A_268 {strides = array<i32>} : memref<512xf32, #tpu.memory_space<vmem>>, vector<16xf32>,
      %mul3A_275 = arith.constant 64 : i32
      %mul3A_276 = arith.muli %add3A_251, %mul3A_275 : i32
      %add3A_277 = arith.constant 16 : i32
      %add3A_278 = arith.addi %mul3A_276, %add3A_277 : i32
      %get3A_279 = arith.index_cast %add3A_278 : i32 to index
      %get3A_280 = tpu.vector_load %arg15[%get3A_279] {strides = array<i32>} : memref<512xi32, #tpu.memory_space<vmem>>, vector<16xi32>,
      %broadcast_in_dim3A_281 = arith.constant 0.000000e+00 : f32
      %broadcast_in_dim3A_282 = vector.broadcast %broadcast_in_dim3A_281 : f32 to vector<16xf32>
      %scan3A_283 = arith.constant 0 : i32
      %scan3A_284 = arith.constant 16 : i32
      %scan3A_285 = arith.addi %scan3A_283, %scan3A_284 : i32
      %scan3A_286 = arith.constant 1 : i32
      %scan3A_287 = scf.for %scan3A_349 = %scan3A_283 to %scan3A_285 step %scan3A_286 iter_args(%scan3A_350 = %broadcast_in_dim3A_282) -> (vector<16xf32>)  : i32 {
        %add3A_351 = arith.constant 16 : i32
        %add3A_352 = arith.addi %add3A_351, %scan3A_349 : i32
        %broadcast_in_dim3A_353 = vector.broadcast %scan3A_349 : i32 to vector<16x1xi32>
        %gather3A = vector.shape_cast %broadcast_in_dim3A_353 : vector<16x1xi32> to vector<16xi32>
        %gather3A_354 = tpu.dynamic_gather %get3A_280[%gather3A] in [0] : vector<16xi32>, vector<16xi32> -> vector<16xi32>
        %shift_right_arithmetic3A = arith.constant 1 : i32
        %shift_right_arithmetic3A_355 = vector.broadcast %shift_right_arithmetic3A : i32 to vector<16xi32>
        %shift_right_arithmetic3A_356 = arith.shrsi %gather3A_354, %shift_right_arithmetic3A_355 : vector<16xi32>
        %and3A = arith.constant 1 : i32
        %and3A_357 = vector.broadcast %and3A : i32 to vector<16xi32>
        %and3A_358 = arith.andi %gather3A_354, %and3A_357 : vector<16xi32>
        %mul3A_359 = arith.constant 64 : i32
        %mul3A_360 = vector.broadcast %mul3A_359 : i32 to vector<16xi32>
        %mul3A_361 = arith.muli %and3A_358, %mul3A_360 : vector<16xi32>
        %add3A_362 = arith.addi %mul3A_361, %iota3A : vector<16xi32>
        %broadcast_in_dim3A_363 = arith.constant 0.000000e+00 : f32
        %broadcast_in_dim3A_364 = vector.broadcast %broadcast_in_dim3A_363 : f32 to vector<16xf32>
        %get3A_365 = arith.index_cast %add3A_352 : i32 to index
        %get3A_366 = arith.constant 0 : index
        %get3A_367 = tpu.vector_load %arg22[%get3A_365, %get3A_366] {strides = array<i32>} : memref<64x128xf32, #tpu.memory_space<vmem>>, vector<16xf32>,
        %get3A_368 = arith.index_cast %add3A_352 : i32 to index
        %get3A_369 = arith.constant 0 : index
        %get3A_370 = tpu.vector_load %arg23[%get3A_368, %get3A_369] {strides = array<i32>} : memref<64x128xf32, #tpu.memory_space<vmem>>, vector<16xf32>,
        %mul3A_371 = arith.mulf %get3A_367, %get3A_370 : vector<16xf32>
        %get3A_372 = arith.index_cast %add3A_352 : i32 to index
        %get3A_373 = arith.constant 0 : index
        %get3A_374 = tpu.vector_load %arg24[%get3A_372, %get3A_373] {strides = array<i32>} : memref<64x128xf32, #tpu.memory_space<vmem>>, vector<16xf32>,
        %mul3A_375 = arith.mulf %mul3A_371, %get3A_374 : vector<16xf32>
        %get3A_376 = arith.index_cast %add3A_352 : i32 to index
        %get3A_377 = arith.constant 0 : index
        %get3A_378 = tpu.vector_load %arg25[%get3A_376, %get3A_377] {strides = array<i32>} : memref<64x128xf32, #tpu.memory_space<vmem>>, vector<16xf32>,
        %get3A_379 = arith.index_cast %add3A_352 : i32 to index
        %get3A_380 = arith.constant 0 : index
        %get3A_381 = tpu.vector_load %arg26[%get3A_379, %get3A_380] {strides = array<i32>} : memref<64x128xf32, #tpu.memory_space<vmem>>, vector<16xf32>,
        %mul3A_382 = arith.mulf %get3A_378, %get3A_381 : vector<16xf32>
        %get3A_383 = arith.index_cast %add3A_352 : i32 to index
        %get3A_384 = arith.constant 0 : index
        %get3A_385 = tpu.vector_load %arg27[%get3A_383, %get3A_384] {strides = array<i32>} : memref<64x128xf32, #tpu.memory_space<vmem>>, vector<16xf32>,
        %mul3A_386 = arith.mulf %mul3A_382, %get3A_385 : vector<16xf32>
        %add3A_387 = arith.addf %mul3A_375, %mul3A_386 : vector<16xf32>
        %add3A_388 = arith.constant 0 : i32
        %add3A_389 = vector.broadcast %add3A_388 : i32 to vector<16xi32>
        %add3A_390 = arith.addi %add3A_362, %add3A_389 : vector<16xi32>
        %gather3A_391 = tpu.vector_load_idx %arg28[%shift_right_arithmetic3A_356, %add3A_390] : memref<183x128xf32, #tpu.memory_space<vmem>>[vector<16xi32>, vector<16xi32>], vector<16xf32>,
        %mul3A_392 = arith.mulf %add3A_387, %gather3A_391 : vector<16xf32>
        %add3A_393 = arith.addf %broadcast_in_dim3A_364, %mul3A_392 : vector<16xf32>
        %get3A_394 = arith.index_cast %add3A_352 : i32 to index
        %get3A_395 = arith.constant 16 : index
        %get3A_396 = tpu.vector_load %arg22[%get3A_394, %get3A_395] {strides = array<i32>} : memref<64x128xf32, #tpu.memory_space<vmem>>, vector<16xf32>,
        %get3A_397 = arith.index_cast %add3A_352 : i32 to index
        %get3A_398 = arith.constant 16 : index
        %get3A_399 = tpu.vector_load %arg23[%get3A_397, %get3A_398] {strides = array<i32>} : memref<64x128xf32, #tpu.memory_space<vmem>>, vector<16xf32>,
        %mul3A_400 = arith.mulf %get3A_396, %get3A_399 : vector<16xf32>
        %get3A_401 = arith.index_cast %add3A_352 : i32 to index
        %get3A_402 = arith.constant 16 : index
        %get3A_403 = tpu.vector_load %arg24[%get3A_401, %get3A_402] {strides = array<i32>} : memref<64x128xf32, #tpu.memory_space<vmem>>, vector<16xf32>,
        %mul3A_404 = arith.mulf %mul3A_400, %get3A_403 : vector<16xf32>
        %get3A_405 = arith.index_cast %add3A_352 : i32 to index
        %get3A_406 = arith.constant 16 : index
        %get3A_407 = tpu.vector_load %arg25[%get3A_405, %get3A_406] {strides = array<i32>} : memref<64x128xf32, #tpu.memory_space<vmem>>, vector<16xf32>,
        %get3A_408 = arith.index_cast %add3A_352 : i32 to index
        %get3A_409 = arith.constant 16 : index
        %get3A_410 = tpu.vector_load %arg26[%get3A_408, %get3A_409] {strides = array<i32>} : memref<64x128xf32, #tpu.memory_space<vmem>>, vector<16xf32>,
        %mul3A_411 = arith.mulf %get3A_407, %get3A_410 : vector<16xf32>
        %get3A_412 = arith.index_cast %add3A_352 : i32 to index
        %get3A_413 = arith.constant 16 : index
        %get3A_414 = tpu.vector_load %arg27[%get3A_412, %get3A_413] {strides = array<i32>} : memref<64x128xf32, #tpu.memory_space<vmem>>, vector<16xf32>,
        %mul3A_415 = arith.mulf %mul3A_411, %get3A_414 : vector<16xf32>
        %add3A_416 = arith.addf %mul3A_404, %mul3A_415 : vector<16xf32>
        %add3A_417 = arith.constant 16 : i32
        %add3A_418 = vector.broadcast %add3A_417 : i32 to vector<16xi32>
        %add3A_419 = arith.addi %add3A_362, %add3A_418 : vector<16xi32>
        %gather3A_420 = tpu.vector_load_idx %arg28[%shift_right_arithmetic3A_356, %add3A_419] : memref<183x128xf32, #tpu.memory_space<vmem>>[vector<16xi32>, vector<16xi32>], vector<16xf32>,
        %mul3A_421 = arith.mulf %add3A_416, %gather3A_420 : vector<16xf32>
        %add3A_422 = arith.addf %add3A_393, %mul3A_421 : vector<16xf32>
        %get3A_423 = arith.index_cast %add3A_352 : i32 to index
        %get3A_424 = arith.constant 32 : index
        %get3A_425 = tpu.vector_load %arg22[%get3A_423, %get3A_424] {strides = array<i32>} : memref<64x128xf32, #tpu.memory_space<vmem>>, vector<16xf32>,
        %get3A_426 = arith.index_cast %add3A_352 : i32 to index
        %get3A_427 = arith.constant 32 : index
        %get3A_428 = tpu.vector_load %arg23[%get3A_426, %get3A_427] {strides = array<i32>} : memref<64x128xf32, #tpu.memory_space<vmem>>, vector<16xf32>,
        %mul3A_429 = arith.mulf %get3A_425, %get3A_428 : vector<16xf32>
        %get3A_430 = arith.index_cast %add3A_352 : i32 to index
        %get3A_431 = arith.constant 32 : index
        %get3A_432 = tpu.vector_load %arg24[%get3A_430, %get3A_431] {strides = array<i32>} : memref<64x128xf32, #tpu.memory_space<vmem>>, vector<16xf32>,
        %mul3A_433 = arith.mulf %mul3A_429, %get3A_432 : vector<16xf32>
        %get3A_434 = arith.index_cast %add3A_352 : i32 to index
        %get3A_435 = arith.constant 32 : index
        %get3A_436 = tpu.vector_load %arg25[%get3A_434, %get3A_435] {strides = array<i32>} : memref<64x128xf32, #tpu.memory_space<vmem>>, vector<16xf32>,
        %get3A_437 = arith.index_cast %add3A_352 : i32 to index
        %get3A_438 = arith.constant 32 : index
        %get3A_439 = tpu.vector_load %arg26[%get3A_437, %get3A_438] {strides = array<i32>} : memref<64x128xf32, #tpu.memory_space<vmem>>, vector<16xf32>,
        %mul3A_440 = arith.mulf %get3A_436, %get3A_439 : vector<16xf32>
        %get3A_441 = arith.index_cast %add3A_352 : i32 to index
        %get3A_442 = arith.constant 32 : index
        %get3A_443 = tpu.vector_load %arg27[%get3A_441, %get3A_442] {strides = array<i32>} : memref<64x128xf32, #tpu.memory_space<vmem>>, vector<16xf32>,
        %mul3A_444 = arith.mulf %mul3A_440, %get3A_443 : vector<16xf32>
        %add3A_445 = arith.addf %mul3A_433, %mul3A_444 : vector<16xf32>
        %add3A_446 = arith.constant 32 : i32
        %add3A_447 = vector.broadcast %add3A_446 : i32 to vector<16xi32>
        %add3A_448 = arith.addi %add3A_362, %add3A_447 : vector<16xi32>
        %gather3A_449 = tpu.vector_load_idx %arg28[%shift_right_arithmetic3A_356, %add3A_448] : memref<183x128xf32, #tpu.memory_space<vmem>>[vector<16xi32>, vector<16xi32>], vector<16xf32>,
        %mul3A_450 = arith.mulf %add3A_445, %gather3A_449 : vector<16xf32>
        %add3A_451 = arith.addf %add3A_422, %mul3A_450 : vector<16xf32>
        %get3A_452 = arith.index_cast %add3A_352 : i32 to index
        %get3A_453 = arith.constant 48 : index
        %get3A_454 = tpu.vector_load %arg22[%get3A_452, %get3A_453] {strides = array<i32>} : memref<64x128xf32, #tpu.memory_space<vmem>>, vector<16xf32>,
        %get3A_455 = arith.index_cast %add3A_352 : i32 to index
        %get3A_456 = arith.constant 48 : index
        %get3A_457 = tpu.vector_load %arg23[%get3A_455, %get3A_456] {strides = array<i32>} : memref<64x128xf32, #tpu.memory_space<vmem>>, vector<16xf32>,
        %mul3A_458 = arith.mulf %get3A_454, %get3A_457 : vector<16xf32>
        %get3A_459 = arith.index_cast %add3A_352 : i32 to index
        %get3A_460 = arith.constant 48 : index
        %get3A_461 = tpu.vector_load %arg24[%get3A_459, %get3A_460] {strides = array<i32>} : memref<64x128xf32, #tpu.memory_space<vmem>>, vector<16xf32>,
        %mul3A_462 = arith.mulf %mul3A_458, %get3A_461 : vector<16xf32>
        %get3A_463 = arith.index_cast %add3A_352 : i32 to index
        %get3A_464 = arith.constant 48 : index
        %get3A_465 = tpu.vector_load %arg25[%get3A_463, %get3A_464] {strides = array<i32>} : memref<64x128xf32, #tpu.memory_space<vmem>>, vector<16xf32>,
        %get3A_466 = arith.index_cast %add3A_352 : i32 to index
        %get3A_467 = arith.constant 48 : index
        %get3A_468 = tpu.vector_load %arg26[%get3A_466, %get3A_467] {strides = array<i32>} : memref<64x128xf32, #tpu.memory_space<vmem>>, vector<16xf32>,
        %mul3A_469 = arith.mulf %get3A_465, %get3A_468 : vector<16xf32>
        %get3A_470 = arith.index_cast %add3A_352 : i32 to index
        %get3A_471 = arith.constant 48 : index
        %get3A_472 = tpu.vector_load %arg27[%get3A_470, %get3A_471] {strides = array<i32>} : memref<64x128xf32, #tpu.memory_space<vmem>>, vector<16xf32>,
        %mul3A_473 = arith.mulf %mul3A_469, %get3A_472 : vector<16xf32>
        %add3A_474 = arith.addf %mul3A_462, %mul3A_473 : vector<16xf32>
        %add3A_475 = arith.constant 48 : i32
        %add3A_476 = vector.broadcast %add3A_475 : i32 to vector<16xi32>
        %add3A_477 = arith.addi %add3A_362, %add3A_476 : vector<16xi32>
        %gather3A_478 = tpu.vector_load_idx %arg28[%shift_right_arithmetic3A_356, %add3A_477] : memref<183x128xf32, #tpu.memory_space<vmem>>[vector<16xi32>, vector<16xi32>], vector<16xf32>,
        %mul3A_479 = arith.mulf %add3A_474, %gather3A_478 : vector<16xf32>
        %add3A_480 = arith.addf %add3A_451, %mul3A_479 : vector<16xf32>
        %get3A_481 = arith.index_cast %add3A_352 : i32 to index
        %get3A_482 = arith.constant 64 : index
        %get3A_483 = tpu.vector_load %arg22[%get3A_481, %get3A_482] {strides = array<i32>} : memref<64x128xf32, #tpu.memory_space<vmem>>, vector<16xf32>,
        %get3A_484 = arith.index_cast %add3A_352 : i32 to index
        %get3A_485 = arith.constant 64 : index
        %get3A_486 = tpu.vector_load %arg23[%get3A_484, %get3A_485] {strides = array<i32>} : memref<64x128xf32, #tpu.memory_space<vmem>>, vector<16xf32>,
        %mul3A_487 = arith.mulf %get3A_483, %get3A_486 : vector<16xf32>
        %get3A_488 = arith.index_cast %add3A_352 : i32 to index
        %get3A_489 = arith.constant 64 : index
        %get3A_490 = tpu.vector_load %arg24[%get3A_488, %get3A_489] {strides = array<i32>} : memref<64x128xf32, #tpu.memory_space<vmem>>, vector<16xf32>,
        %mul3A_491 = arith.mulf %mul3A_487, %get3A_490 : vector<16xf32>
        %get3A_492 = arith.index_cast %add3A_352 : i32 to index
        %get3A_493 = arith.constant 64 : index
        %get3A_494 = tpu.vector_load %arg25[%get3A_492, %get3A_493] {strides = array<i32>} : memref<64x128xf32, #tpu.memory_space<vmem>>, vector<16xf32>,
        %get3A_495 = arith.index_cast %add3A_352 : i32 to index
        %get3A_496 = arith.constant 64 : index
        %get3A_497 = tpu.vector_load %arg26[%get3A_495, %get3A_496] {strides = array<i32>} : memref<64x128xf32, #tpu.memory_space<vmem>>, vector<16xf32>,
        %mul3A_498 = arith.mulf %get3A_494, %get3A_497 : vector<16xf32>
        %get3A_499 = arith.index_cast %add3A_352 : i32 to index
        %get3A_500 = arith.constant 64 : index
        %get3A_501 = tpu.vector_load %arg27[%get3A_499, %get3A_500] {strides = array<i32>} : memref<64x128xf32, #tpu.memory_space<vmem>>, vector<16xf32>,
        %mul3A_502 = arith.mulf %mul3A_498, %get3A_501 : vector<16xf32>
        %add3A_503 = arith.addf %mul3A_491, %mul3A_502 : vector<16xf32>
        %add3A_504 = arith.addf %add3A_480, %add3A_503 : vector<16xf32>
        %get3A_505 = arith.index_cast %add3A_352 : i32 to index
        %get3A_506 = arith.constant 80 : index
        %get3A_507 = tpu.vector_load %arg22[%get3A_505, %get3A_506] {strides = array<i32>} : memref<64x128xf32, #tpu.memory_space<vmem>>, vector<16xf32>,
        %get3A_508 = arith.index_cast %add3A_352 : i32 to index
        %get3A_509 = arith.constant 80 : index
        %get3A_510 = tpu.vector_load %arg23[%get3A_508, %get3A_509] {strides = array<i32>} : memref<64x128xf32, #tpu.memory_space<vmem>>, vector<16xf32>,
        %mul3A_511 = arith.mulf %get3A_507, %get3A_510 : vector<16xf32>
        %get3A_512 = arith.index_cast %add3A_352 : i32 to index
        %get3A_513 = arith.constant 80 : index
        %get3A_514 = tpu.vector_load %arg24[%get3A_512, %get3A_513] {strides = array<i32>} : memref<64x128xf32, #tpu.memory_space<vmem>>, vector<16xf32>,
        %mul3A_515 = arith.mulf %mul3A_511, %get3A_514 : vector<16xf32>
        %get3A_516 = arith.index_cast %add3A_352 : i32 to index
        %get3A_517 = arith.constant 80 : index
        %get3A_518 = tpu.vector_load %arg25[%get3A_516, %get3A_517] {strides = array<i32>} : memref<64x128xf32, #tpu.memory_space<vmem>>, vector<16xf32>,
        %get3A_519 = arith.index_cast %add3A_352 : i32 to index
        %get3A_520 = arith.constant 80 : index
        %get3A_521 = tpu.vector_load %arg26[%get3A_519, %get3A_520] {strides = array<i32>} : memref<64x128xf32, #tpu.memory_space<vmem>>, vector<16xf32>,
        %mul3A_522 = arith.mulf %get3A_518, %get3A_521 : vector<16xf32>
        %get3A_523 = arith.index_cast %add3A_352 : i32 to index
        %get3A_524 = arith.constant 80 : index
        %get3A_525 = tpu.vector_load %arg27[%get3A_523, %get3A_524] {strides = array<i32>} : memref<64x128xf32, #tpu.memory_space<vmem>>, vector<16xf32>,
        %mul3A_526 = arith.mulf %mul3A_522, %get3A_525 : vector<16xf32>
        %add3A_527 = arith.addf %mul3A_515, %mul3A_526 : vector<16xf32>
        %add3A_528 = arith.addf %add3A_504, %add3A_527 : vector<16xf32>
        %get3A_529 = arith.index_cast %add3A_352 : i32 to index
        %get3A_530 = arith.constant 96 : index
        %get3A_531 = tpu.vector_load %arg22[%get3A_529, %get3A_530] {strides = array<i32>} : memref<64x128xf32, #tpu.memory_space<vmem>>, vector<16xf32>,
        %get3A_532 = arith.index_cast %add3A_352 : i32 to index
        %get3A_533 = arith.constant 96 : index
        %get3A_534 = tpu.vector_load %arg23[%get3A_532, %get3A_533] {strides = array<i32>} : memref<64x128xf32, #tpu.memory_space<vmem>>, vector<16xf32>,
        %mul3A_535 = arith.mulf %get3A_531, %get3A_534 : vector<16xf32>
        %get3A_536 = arith.index_cast %add3A_352 : i32 to index
        %get3A_537 = arith.constant 96 : index
        %get3A_538 = tpu.vector_load %arg24[%get3A_536, %get3A_537] {strides = array<i32>} : memref<64x128xf32, #tpu.memory_space<vmem>>, vector<16xf32>,
        %mul3A_539 = arith.mulf %mul3A_535, %get3A_538 : vector<16xf32>
        %get3A_540 = arith.index_cast %add3A_352 : i32 to index
        %get3A_541 = arith.constant 96 : index
        %get3A_542 = tpu.vector_load %arg25[%get3A_540, %get3A_541] {strides = array<i32>} : memref<64x128xf32, #tpu.memory_space<vmem>>, vector<16xf32>,
        %get3A_543 = arith.index_cast %add3A_352 : i32 to index
        %get3A_544 = arith.constant 96 : index
        %get3A_545 = tpu.vector_load %arg26[%get3A_543, %get3A_544] {strides = array<i32>} : memref<64x128xf32, #tpu.memory_space<vmem>>, vector<16xf32>,
        %mul3A_546 = arith.mulf %get3A_542, %get3A_545 : vector<16xf32>
        %get3A_547 = arith.index_cast %add3A_352 : i32 to index
        %get3A_548 = arith.constant 96 : index
        %get3A_549 = tpu.vector_load %arg27[%get3A_547, %get3A_548] {strides = array<i32>} : memref<64x128xf32, #tpu.memory_space<vmem>>, vector<16xf32>,
        %mul3A_550 = arith.mulf %mul3A_546, %get3A_549 : vector<16xf32>
        %add3A_551 = arith.addf %mul3A_539, %mul3A_550 : vector<16xf32>
        %add3A_552 = arith.addf %add3A_528, %add3A_551 : vector<16xf32>
        %get3A_553 = arith.index_cast %add3A_352 : i32 to index
        %get3A_554 = arith.constant 112 : index
        %get3A_555 = tpu.vector_load %arg22[%get3A_553, %get3A_554] {strides = array<i32>} : memref<64x128xf32, #tpu.memory_space<vmem>>, vector<16xf32>,
        %get3A_556 = arith.index_cast %add3A_352 : i32 to index
        %get3A_557 = arith.constant 112 : index
        %get3A_558 = tpu.vector_load %arg23[%get3A_556, %get3A_557] {strides = array<i32>} : memref<64x128xf32, #tpu.memory_space<vmem>>, vector<16xf32>,
        %mul3A_559 = arith.mulf %get3A_555, %get3A_558 : vector<16xf32>
        %get3A_560 = arith.index_cast %add3A_352 : i32 to index
        %get3A_561 = arith.constant 112 : index
        %get3A_562 = tpu.vector_load %arg24[%get3A_560, %get3A_561] {strides = array<i32>} : memref<64x128xf32, #tpu.memory_space<vmem>>, vector<16xf32>,
        %mul3A_563 = arith.mulf %mul3A_559, %get3A_562 : vector<16xf32>
        %get3A_564 = arith.index_cast %add3A_352 : i32 to index
        %get3A_565 = arith.constant 112 : index
        %get3A_566 = tpu.vector_load %arg25[%get3A_564, %get3A_565] {strides = array<i32>} : memref<64x128xf32, #tpu.memory_space<vmem>>, vector<16xf32>,
        %get3A_567 = arith.index_cast %add3A_352 : i32 to index
        %get3A_568 = arith.constant 112 : index
        %get3A_569 = tpu.vector_load %arg26[%get3A_567, %get3A_568] {strides = array<i32>} : memref<64x128xf32, #tpu.memory_space<vmem>>, vector<16xf32>,
        %mul3A_570 = arith.mulf %get3A_566, %get3A_569 : vector<16xf32>
        %get3A_571 = arith.index_cast %add3A_352 : i32 to index
        %get3A_572 = arith.constant 112 : index
        %get3A_573 = tpu.vector_load %arg27[%get3A_571, %get3A_572] {strides = array<i32>} : memref<64x128xf32, #tpu.memory_space<vmem>>, vector<16xf32>,
        %mul3A_574 = arith.mulf %mul3A_570, %get3A_573 : vector<16xf32>
        %add3A_575 = arith.addf %mul3A_563, %mul3A_574 : vector<16xf32>
        %add3A_576 = arith.addf %add3A_552, %add3A_575 : vector<16xf32>
        %cumsum3A = arith.constant true
        %cumsum3A_577 = vector.broadcast %cumsum3A : i1 to vector<16xi1>
        %cumsum3A_578 = tpu.scan <sum>, %add3A_576 masked %cumsum3A_577 : vector<16xf32>, vector<16xi1> -> vector<16xf32>
        %gather3A_579 = vector.shape_cast %broadcast_in_dim3A_17 : vector<16x1xi32> to vector<16xi32>
        %gather3A_580 = tpu.dynamic_gather %cumsum3A_578[%gather3A_579] in [0] : vector<16xf32>, vector<16xi32> -> vector<16xf32>
        %eq3A = vector.broadcast %scan3A_349 : i32 to vector<16xi32>
        %eq3A_581 = arith.cmpi eq, %iota3A, %eq3A : vector<16xi32>
        %select_n3A = arith.select %eq3A_581, %gather3A_580, %scan3A_350 : vector<16xi1>, vector<16xf32>
        scf.yield %select_n3A : vector<16xf32>
      }
      %scan3A_288 = arith.constant 16 : i32
      %mul3A_289 = arith.constant 5.000000e-01 : f32
      %mul3A_290 = vector.broadcast %mul3A_289 : f32 to vector<16xf32>
      %mul3A_291 = arith.mulf %scan3A_287, %mul3A_290 : vector<16xf32>
      %mul3A_292 = arith.constant 64 : i32
      %mul3A_293 = arith.muli %add3A_251, %mul3A_292 : i32
      %add3A_294 = arith.constant 16 : i32
      %add3A_295 = arith.addi %mul3A_293, %add3A_294 : i32
      %swap3A_296 = arith.index_cast %add3A_295 : i32 to index
      %swap3A_297 = tpu.vector_load %arg29[%swap3A_296] {strides = array<i32>} : memref<512xf32, #tpu.memory_space<vmem>>, vector<16xf32>,
      tpu.vector_store %arg29[%swap3A_296], %mul3A_291 {strides = array<i32>} : memref<512xf32, #tpu.memory_space<vmem>>, vector<16xf32>,
      %mul3A_298 = arith.constant 64 : i32
      %mul3A_299 = arith.muli %add3A_251, %mul3A_298 : i32
      %add3A_300 = arith.constant 32 : i32
      %add3A_301 = arith.addi %mul3A_299, %add3A_300 : i32
      %get3A_302 = arith.index_cast %add3A_301 : i32 to index
      %get3A_303 = tpu.vector_load %arg15[%get3A_302] {strides = array<i32>} : memref<512xi32, #tpu.memory_space<vmem>>, vector<16xi32>,
      %broadcast_in_dim3A_304 = arith.constant 0.000000e+00 : f32
      %broadcast_in_dim3A_305 = vector.broadcast %broadcast_in_dim3A_304 : f32 to vector<16xf32>
      %scan3A_306 = arith.constant 0 : i32
      %scan3A_307 = arith.constant 16 : i32
      %scan3A_308 = arith.addi %scan3A_306, %scan3A_307 : i32
      %scan3A_309 = arith.constant 1 : i32
      %scan3A_310 = scf.for %scan3A_349 = %scan3A_306 to %scan3A_308 step %scan3A_309 iter_args(%scan3A_350 = %broadcast_in_dim3A_305) -> (vector<16xf32>)  : i32 {
        %add3A_351 = arith.constant 32 : i32
        %add3A_352 = arith.addi %add3A_351, %scan3A_349 : i32
        %broadcast_in_dim3A_353 = vector.broadcast %scan3A_349 : i32 to vector<16x1xi32>
        %gather3A = vector.shape_cast %broadcast_in_dim3A_353 : vector<16x1xi32> to vector<16xi32>
        %gather3A_354 = tpu.dynamic_gather %get3A_303[%gather3A] in [0] : vector<16xi32>, vector<16xi32> -> vector<16xi32>
        %shift_right_arithmetic3A = arith.constant 1 : i32
        %shift_right_arithmetic3A_355 = vector.broadcast %shift_right_arithmetic3A : i32 to vector<16xi32>
        %shift_right_arithmetic3A_356 = arith.shrsi %gather3A_354, %shift_right_arithmetic3A_355 : vector<16xi32>
        %and3A = arith.constant 1 : i32
        %and3A_357 = vector.broadcast %and3A : i32 to vector<16xi32>
        %and3A_358 = arith.andi %gather3A_354, %and3A_357 : vector<16xi32>
        %mul3A_359 = arith.constant 64 : i32
        %mul3A_360 = vector.broadcast %mul3A_359 : i32 to vector<16xi32>
        %mul3A_361 = arith.muli %and3A_358, %mul3A_360 : vector<16xi32>
        %add3A_362 = arith.addi %mul3A_361, %iota3A : vector<16xi32>
        %broadcast_in_dim3A_363 = arith.constant 0.000000e+00 : f32
        %broadcast_in_dim3A_364 = vector.broadcast %broadcast_in_dim3A_363 : f32 to vector<16xf32>
        %get3A_365 = arith.index_cast %add3A_352 : i32 to index
        %get3A_366 = arith.constant 0 : index
        %get3A_367 = tpu.vector_load %arg22[%get3A_365, %get3A_366] {strides = array<i32>} : memref<64x128xf32, #tpu.memory_space<vmem>>, vector<16xf32>,
        %get3A_368 = arith.index_cast %add3A_352 : i32 to index
        %get3A_369 = arith.constant 0 : index
        %get3A_370 = tpu.vector_load %arg23[%get3A_368, %get3A_369] {strides = array<i32>} : memref<64x128xf32, #tpu.memory_space<vmem>>, vector<16xf32>,
        %mul3A_371 = arith.mulf %get3A_367, %get3A_370 : vector<16xf32>
        %get3A_372 = arith.index_cast %add3A_352 : i32 to index
        %get3A_373 = arith.constant 0 : index
        %get3A_374 = tpu.vector_load %arg24[%get3A_372, %get3A_373] {strides = array<i32>} : memref<64x128xf32, #tpu.memory_space<vmem>>, vector<16xf32>,
        %mul3A_375 = arith.mulf %mul3A_371, %get3A_374 : vector<16xf32>
        %get3A_376 = arith.index_cast %add3A_352 : i32 to index
        %get3A_377 = arith.constant 0 : index
        %get3A_378 = tpu.vector_load %arg25[%get3A_376, %get3A_377] {strides = array<i32>} : memref<64x128xf32, #tpu.memory_space<vmem>>, vector<16xf32>,
        %get3A_379 = arith.index_cast %add3A_352 : i32 to index
        %get3A_380 = arith.constant 0 : index
        %get3A_381 = tpu.vector_load %arg26[%get3A_379, %get3A_380] {strides = array<i32>} : memref<64x128xf32, #tpu.memory_space<vmem>>, vector<16xf32>,
        %mul3A_382 = arith.mulf %get3A_378, %get3A_381 : vector<16xf32>
        %get3A_383 = arith.index_cast %add3A_352 : i32 to index
        %get3A_384 = arith.constant 0 : index
        %get3A_385 = tpu.vector_load %arg27[%get3A_383, %get3A_384] {strides = array<i32>} : memref<64x128xf32, #tpu.memory_space<vmem>>, vector<16xf32>,
        %mul3A_386 = arith.mulf %mul3A_382, %get3A_385 : vector<16xf32>
        %add3A_387 = arith.addf %mul3A_375, %mul3A_386 : vector<16xf32>
        %add3A_388 = arith.constant 0 : i32
        %add3A_389 = vector.broadcast %add3A_388 : i32 to vector<16xi32>
        %add3A_390 = arith.addi %add3A_362, %add3A_389 : vector<16xi32>
        %gather3A_391 = tpu.vector_load_idx %arg28[%shift_right_arithmetic3A_356, %add3A_390] : memref<183x128xf32, #tpu.memory_space<vmem>>[vector<16xi32>, vector<16xi32>], vector<16xf32>,
        %mul3A_392 = arith.mulf %add3A_387, %gather3A_391 : vector<16xf32>
        %add3A_393 = arith.addf %broadcast_in_dim3A_364, %mul3A_392 : vector<16xf32>
        %get3A_394 = arith.index_cast %add3A_352 : i32 to index
        %get3A_395 = arith.constant 16 : index
        %get3A_396 = tpu.vector_load %arg22[%get3A_394, %get3A_395] {strides = array<i32>} : memref<64x128xf32, #tpu.memory_space<vmem>>, vector<16xf32>,
        %get3A_397 = arith.index_cast %add3A_352 : i32 to index
        %get3A_398 = arith.constant 16 : index
        %get3A_399 = tpu.vector_load %arg23[%get3A_397, %get3A_398] {strides = array<i32>} : memref<64x128xf32, #tpu.memory_space<vmem>>, vector<16xf32>,
        %mul3A_400 = arith.mulf %get3A_396, %get3A_399 : vector<16xf32>
        %get3A_401 = arith.index_cast %add3A_352 : i32 to index
        %get3A_402 = arith.constant 16 : index
        %get3A_403 = tpu.vector_load %arg24[%get3A_401, %get3A_402] {strides = array<i32>} : memref<64x128xf32, #tpu.memory_space<vmem>>, vector<16xf32>,
        %mul3A_404 = arith.mulf %mul3A_400, %get3A_403 : vector<16xf32>
        %get3A_405 = arith.index_cast %add3A_352 : i32 to index
        %get3A_406 = arith.constant 16 : index
        %get3A_407 = tpu.vector_load %arg25[%get3A_405, %get3A_406] {strides = array<i32>} : memref<64x128xf32, #tpu.memory_space<vmem>>, vector<16xf32>,
        %get3A_408 = arith.index_cast %add3A_352 : i32 to index
        %get3A_409 = arith.constant 16 : index
        %get3A_410 = tpu.vector_load %arg26[%get3A_408, %get3A_409] {strides = array<i32>} : memref<64x128xf32, #tpu.memory_space<vmem>>, vector<16xf32>,
        %mul3A_411 = arith.mulf %get3A_407, %get3A_410 : vector<16xf32>
        %get3A_412 = arith.index_cast %add3A_352 : i32 to index
        %get3A_413 = arith.constant 16 : index
        %get3A_414 = tpu.vector_load %arg27[%get3A_412, %get3A_413] {strides = array<i32>} : memref<64x128xf32, #tpu.memory_space<vmem>>, vector<16xf32>,
        %mul3A_415 = arith.mulf %mul3A_411, %get3A_414 : vector<16xf32>
        %add3A_416 = arith.addf %mul3A_404, %mul3A_415 : vector<16xf32>
        %add3A_417 = arith.constant 16 : i32
        %add3A_418 = vector.broadcast %add3A_417 : i32 to vector<16xi32>
        %add3A_419 = arith.addi %add3A_362, %add3A_418 : vector<16xi32>
        %gather3A_420 = tpu.vector_load_idx %arg28[%shift_right_arithmetic3A_356, %add3A_419] : memref<183x128xf32, #tpu.memory_space<vmem>>[vector<16xi32>, vector<16xi32>], vector<16xf32>,
        %mul3A_421 = arith.mulf %add3A_416, %gather3A_420 : vector<16xf32>
        %add3A_422 = arith.addf %add3A_393, %mul3A_421 : vector<16xf32>
        %get3A_423 = arith.index_cast %add3A_352 : i32 to index
        %get3A_424 = arith.constant 32 : index
        %get3A_425 = tpu.vector_load %arg22[%get3A_423, %get3A_424] {strides = array<i32>} : memref<64x128xf32, #tpu.memory_space<vmem>>, vector<16xf32>,
        %get3A_426 = arith.index_cast %add3A_352 : i32 to index
        %get3A_427 = arith.constant 32 : index
        %get3A_428 = tpu.vector_load %arg23[%get3A_426, %get3A_427] {strides = array<i32>} : memref<64x128xf32, #tpu.memory_space<vmem>>, vector<16xf32>,
        %mul3A_429 = arith.mulf %get3A_425, %get3A_428 : vector<16xf32>
        %get3A_430 = arith.index_cast %add3A_352 : i32 to index
        %get3A_431 = arith.constant 32 : index
        %get3A_432 = tpu.vector_load %arg24[%get3A_430, %get3A_431] {strides = array<i32>} : memref<64x128xf32, #tpu.memory_space<vmem>>, vector<16xf32>,
        %mul3A_433 = arith.mulf %mul3A_429, %get3A_432 : vector<16xf32>
        %get3A_434 = arith.index_cast %add3A_352 : i32 to index
        %get3A_435 = arith.constant 32 : index
        %get3A_436 = tpu.vector_load %arg25[%get3A_434, %get3A_435] {strides = array<i32>} : memref<64x128xf32, #tpu.memory_space<vmem>>, vector<16xf32>,
        %get3A_437 = arith.index_cast %add3A_352 : i32 to index
        %get3A_438 = arith.constant 32 : index
        %get3A_439 = tpu.vector_load %arg26[%get3A_437, %get3A_438] {strides = array<i32>} : memref<64x128xf32, #tpu.memory_space<vmem>>, vector<16xf32>,
        %mul3A_440 = arith.mulf %get3A_436, %get3A_439 : vector<16xf32>
        %get3A_441 = arith.index_cast %add3A_352 : i32 to index
        %get3A_442 = arith.constant 32 : index
        %get3A_443 = tpu.vector_load %arg27[%get3A_441, %get3A_442] {strides = array<i32>} : memref<64x128xf32, #tpu.memory_space<vmem>>, vector<16xf32>,
        %mul3A_444 = arith.mulf %mul3A_440, %get3A_443 : vector<16xf32>
        %add3A_445 = arith.addf %mul3A_433, %mul3A_444 : vector<16xf32>
        %add3A_446 = arith.constant 32 : i32
        %add3A_447 = vector.broadcast %add3A_446 : i32 to vector<16xi32>
        %add3A_448 = arith.addi %add3A_362, %add3A_447 : vector<16xi32>
        %gather3A_449 = tpu.vector_load_idx %arg28[%shift_right_arithmetic3A_356, %add3A_448] : memref<183x128xf32, #tpu.memory_space<vmem>>[vector<16xi32>, vector<16xi32>], vector<16xf32>,
        %mul3A_450 = arith.mulf %add3A_445, %gather3A_449 : vector<16xf32>
        %add3A_451 = arith.addf %add3A_422, %mul3A_450 : vector<16xf32>
        %get3A_452 = arith.index_cast %add3A_352 : i32 to index
        %get3A_453 = arith.constant 48 : index
        %get3A_454 = tpu.vector_load %arg22[%get3A_452, %get3A_453] {strides = array<i32>} : memref<64x128xf32, #tpu.memory_space<vmem>>, vector<16xf32>,
        %get3A_455 = arith.index_cast %add3A_352 : i32 to index
        %get3A_456 = arith.constant 48 : index
        %get3A_457 = tpu.vector_load %arg23[%get3A_455, %get3A_456] {strides = array<i32>} : memref<64x128xf32, #tpu.memory_space<vmem>>, vector<16xf32>,
        %mul3A_458 = arith.mulf %get3A_454, %get3A_457 : vector<16xf32>
        %get3A_459 = arith.index_cast %add3A_352 : i32 to index
        %get3A_460 = arith.constant 48 : index
        %get3A_461 = tpu.vector_load %arg24[%get3A_459, %get3A_460] {strides = array<i32>} : memref<64x128xf32, #tpu.memory_space<vmem>>, vector<16xf32>,
        %mul3A_462 = arith.mulf %mul3A_458, %get3A_461 : vector<16xf32>
        %get3A_463 = arith.index_cast %add3A_352 : i32 to index
        %get3A_464 = arith.constant 48 : index
        %get3A_465 = tpu.vector_load %arg25[%get3A_463, %get3A_464] {strides = array<i32>} : memref<64x128xf32, #tpu.memory_space<vmem>>, vector<16xf32>,
        %get3A_466 = arith.index_cast %add3A_352 : i32 to index
        %get3A_467 = arith.constant 48 : index
        %get3A_468 = tpu.vector_load %arg26[%get3A_466, %get3A_467] {strides = array<i32>} : memref<64x128xf32, #tpu.memory_space<vmem>>, vector<16xf32>,
        %mul3A_469 = arith.mulf %get3A_465, %get3A_468 : vector<16xf32>
        %get3A_470 = arith.index_cast %add3A_352 : i32 to index
        %get3A_471 = arith.constant 48 : index
        %get3A_472 = tpu.vector_load %arg27[%get3A_470, %get3A_471] {strides = array<i32>} : memref<64x128xf32, #tpu.memory_space<vmem>>, vector<16xf32>,
        %mul3A_473 = arith.mulf %mul3A_469, %get3A_472 : vector<16xf32>
        %add3A_474 = arith.addf %mul3A_462, %mul3A_473 : vector<16xf32>
        %add3A_475 = arith.constant 48 : i32
        %add3A_476 = vector.broadcast %add3A_475 : i32 to vector<16xi32>
        %add3A_477 = arith.addi %add3A_362, %add3A_476 : vector<16xi32>
        %gather3A_478 = tpu.vector_load_idx %arg28[%shift_right_arithmetic3A_356, %add3A_477] : memref<183x128xf32, #tpu.memory_space<vmem>>[vector<16xi32>, vector<16xi32>], vector<16xf32>,
        %mul3A_479 = arith.mulf %add3A_474, %gather3A_478 : vector<16xf32>
        %add3A_480 = arith.addf %add3A_451, %mul3A_479 : vector<16xf32>
        %get3A_481 = arith.index_cast %add3A_352 : i32 to index
        %get3A_482 = arith.constant 64 : index
        %get3A_483 = tpu.vector_load %arg22[%get3A_481, %get3A_482] {strides = array<i32>} : memref<64x128xf32, #tpu.memory_space<vmem>>, vector<16xf32>,
        %get3A_484 = arith.index_cast %add3A_352 : i32 to index
        %get3A_485 = arith.constant 64 : index
        %get3A_486 = tpu.vector_load %arg23[%get3A_484, %get3A_485] {strides = array<i32>} : memref<64x128xf32, #tpu.memory_space<vmem>>, vector<16xf32>,
        %mul3A_487 = arith.mulf %get3A_483, %get3A_486 : vector<16xf32>
        %get3A_488 = arith.index_cast %add3A_352 : i32 to index
        %get3A_489 = arith.constant 64 : index
        %get3A_490 = tpu.vector_load %arg24[%get3A_488, %get3A_489] {strides = array<i32>} : memref<64x128xf32, #tpu.memory_space<vmem>>, vector<16xf32>,
        %mul3A_491 = arith.mulf %mul3A_487, %get3A_490 : vector<16xf32>
        %get3A_492 = arith.index_cast %add3A_352 : i32 to index
        %get3A_493 = arith.constant 64 : index
        %get3A_494 = tpu.vector_load %arg25[%get3A_492, %get3A_493] {strides = array<i32>} : memref<64x128xf32, #tpu.memory_space<vmem>>, vector<16xf32>,
        %get3A_495 = arith.index_cast %add3A_352 : i32 to index
        %get3A_496 = arith.constant 64 : index
        %get3A_497 = tpu.vector_load %arg26[%get3A_495, %get3A_496] {strides = array<i32>} : memref<64x128xf32, #tpu.memory_space<vmem>>, vector<16xf32>,
        %mul3A_498 = arith.mulf %get3A_494, %get3A_497 : vector<16xf32>
        %get3A_499 = arith.index_cast %add3A_352 : i32 to index
        %get3A_500 = arith.constant 64 : index
        %get3A_501 = tpu.vector_load %arg27[%get3A_499, %get3A_500] {strides = array<i32>} : memref<64x128xf32, #tpu.memory_space<vmem>>, vector<16xf32>,
        %mul3A_502 = arith.mulf %mul3A_498, %get3A_501 : vector<16xf32>
        %add3A_503 = arith.addf %mul3A_491, %mul3A_502 : vector<16xf32>
        %add3A_504 = arith.addf %add3A_480, %add3A_503 : vector<16xf32>
        %get3A_505 = arith.index_cast %add3A_352 : i32 to index
        %get3A_506 = arith.constant 80 : index
        %get3A_507 = tpu.vector_load %arg22[%get3A_505, %get3A_506] {strides = array<i32>} : memref<64x128xf32, #tpu.memory_space<vmem>>, vector<16xf32>,
        %get3A_508 = arith.index_cast %add3A_352 : i32 to index
        %get3A_509 = arith.constant 80 : index
        %get3A_510 = tpu.vector_load %arg23[%get3A_508, %get3A_509] {strides = array<i32>} : memref<64x128xf32, #tpu.memory_space<vmem>>, vector<16xf32>,
        %mul3A_511 = arith.mulf %get3A_507, %get3A_510 : vector<16xf32>
        %get3A_512 = arith.index_cast %add3A_352 : i32 to index
        %get3A_513 = arith.constant 80 : index
        %get3A_514 = tpu.vector_load %arg24[%get3A_512, %get3A_513] {strides = array<i32>} : memref<64x128xf32, #tpu.memory_space<vmem>>, vector<16xf32>,
        %mul3A_515 = arith.mulf %mul3A_511, %get3A_514 : vector<16xf32>
        %get3A_516 = arith.index_cast %add3A_352 : i32 to index
        %get3A_517 = arith.constant 80 : index
        %get3A_518 = tpu.vector_load %arg25[%get3A_516, %get3A_517] {strides = array<i32>} : memref<64x128xf32, #tpu.memory_space<vmem>>, vector<16xf32>,
        %get3A_519 = arith.index_cast %add3A_352 : i32 to index
        %get3A_520 = arith.constant 80 : index
        %get3A_521 = tpu.vector_load %arg26[%get3A_519, %get3A_520] {strides = array<i32>} : memref<64x128xf32, #tpu.memory_space<vmem>>, vector<16xf32>,
        %mul3A_522 = arith.mulf %get3A_518, %get3A_521 : vector<16xf32>
        %get3A_523 = arith.index_cast %add3A_352 : i32 to index
        %get3A_524 = arith.constant 80 : index
        %get3A_525 = tpu.vector_load %arg27[%get3A_523, %get3A_524] {strides = array<i32>} : memref<64x128xf32, #tpu.memory_space<vmem>>, vector<16xf32>,
        %mul3A_526 = arith.mulf %mul3A_522, %get3A_525 : vector<16xf32>
        %add3A_527 = arith.addf %mul3A_515, %mul3A_526 : vector<16xf32>
        %add3A_528 = arith.addf %add3A_504, %add3A_527 : vector<16xf32>
        %get3A_529 = arith.index_cast %add3A_352 : i32 to index
        %get3A_530 = arith.constant 96 : index
        %get3A_531 = tpu.vector_load %arg22[%get3A_529, %get3A_530] {strides = array<i32>} : memref<64x128xf32, #tpu.memory_space<vmem>>, vector<16xf32>,
        %get3A_532 = arith.index_cast %add3A_352 : i32 to index
        %get3A_533 = arith.constant 96 : index
        %get3A_534 = tpu.vector_load %arg23[%get3A_532, %get3A_533] {strides = array<i32>} : memref<64x128xf32, #tpu.memory_space<vmem>>, vector<16xf32>,
        %mul3A_535 = arith.mulf %get3A_531, %get3A_534 : vector<16xf32>
        %get3A_536 = arith.index_cast %add3A_352 : i32 to index
        %get3A_537 = arith.constant 96 : index
        %get3A_538 = tpu.vector_load %arg24[%get3A_536, %get3A_537] {strides = array<i32>} : memref<64x128xf32, #tpu.memory_space<vmem>>, vector<16xf32>,
        %mul3A_539 = arith.mulf %mul3A_535, %get3A_538 : vector<16xf32>
        %get3A_540 = arith.index_cast %add3A_352 : i32 to index
        %get3A_541 = arith.constant 96 : index
        %get3A_542 = tpu.vector_load %arg25[%get3A_540, %get3A_541] {strides = array<i32>} : memref<64x128xf32, #tpu.memory_space<vmem>>, vector<16xf32>,
        %get3A_543 = arith.index_cast %add3A_352 : i32 to index
        %get3A_544 = arith.constant 96 : index
        %get3A_545 = tpu.vector_load %arg26[%get3A_543, %get3A_544] {strides = array<i32>} : memref<64x128xf32, #tpu.memory_space<vmem>>, vector<16xf32>,
        %mul3A_546 = arith.mulf %get3A_542, %get3A_545 : vector<16xf32>
        %get3A_547 = arith.index_cast %add3A_352 : i32 to index
        %get3A_548 = arith.constant 96 : index
        %get3A_549 = tpu.vector_load %arg27[%get3A_547, %get3A_548] {strides = array<i32>} : memref<64x128xf32, #tpu.memory_space<vmem>>, vector<16xf32>,
        %mul3A_550 = arith.mulf %mul3A_546, %get3A_549 : vector<16xf32>
        %add3A_551 = arith.addf %mul3A_539, %mul3A_550 : vector<16xf32>
        %add3A_552 = arith.addf %add3A_528, %add3A_551 : vector<16xf32>
        %get3A_553 = arith.index_cast %add3A_352 : i32 to index
        %get3A_554 = arith.constant 112 : index
        %get3A_555 = tpu.vector_load %arg22[%get3A_553, %get3A_554] {strides = array<i32>} : memref<64x128xf32, #tpu.memory_space<vmem>>, vector<16xf32>,
        %get3A_556 = arith.index_cast %add3A_352 : i32 to index
        %get3A_557 = arith.constant 112 : index
        %get3A_558 = tpu.vector_load %arg23[%get3A_556, %get3A_557] {strides = array<i32>} : memref<64x128xf32, #tpu.memory_space<vmem>>, vector<16xf32>,
        %mul3A_559 = arith.mulf %get3A_555, %get3A_558 : vector<16xf32>
        %get3A_560 = arith.index_cast %add3A_352 : i32 to index
        %get3A_561 = arith.constant 112 : index
        %get3A_562 = tpu.vector_load %arg24[%get3A_560, %get3A_561] {strides = array<i32>} : memref<64x128xf32, #tpu.memory_space<vmem>>, vector<16xf32>,
        %mul3A_563 = arith.mulf %mul3A_559, %get3A_562 : vector<16xf32>
        %get3A_564 = arith.index_cast %add3A_352 : i32 to index
        %get3A_565 = arith.constant 112 : index
        %get3A_566 = tpu.vector_load %arg25[%get3A_564, %get3A_565] {strides = array<i32>} : memref<64x128xf32, #tpu.memory_space<vmem>>, vector<16xf32>,
        %get3A_567 = arith.index_cast %add3A_352 : i32 to index
        %get3A_568 = arith.constant 112 : index
        %get3A_569 = tpu.vector_load %arg26[%get3A_567, %get3A_568] {strides = array<i32>} : memref<64x128xf32, #tpu.memory_space<vmem>>, vector<16xf32>,
        %mul3A_570 = arith.mulf %get3A_566, %get3A_569 : vector<16xf32>
        %get3A_571 = arith.index_cast %add3A_352 : i32 to index
        %get3A_572 = arith.constant 112 : index
        %get3A_573 = tpu.vector_load %arg27[%get3A_571, %get3A_572] {strides = array<i32>} : memref<64x128xf32, #tpu.memory_space<vmem>>, vector<16xf32>,
        %mul3A_574 = arith.mulf %mul3A_570, %get3A_573 : vector<16xf32>
        %add3A_575 = arith.addf %mul3A_563, %mul3A_574 : vector<16xf32>
        %add3A_576 = arith.addf %add3A_552, %add3A_575 : vector<16xf32>
        %cumsum3A = arith.constant true
        %cumsum3A_577 = vector.broadcast %cumsum3A : i1 to vector<16xi1>
        %cumsum3A_578 = tpu.scan <sum>, %add3A_576 masked %cumsum3A_577 : vector<16xf32>, vector<16xi1> -> vector<16xf32>
        %gather3A_579 = vector.shape_cast %broadcast_in_dim3A_17 : vector<16x1xi32> to vector<16xi32>
        %gather3A_580 = tpu.dynamic_gather %cumsum3A_578[%gather3A_579] in [0] : vector<16xf32>, vector<16xi32> -> vector<16xf32>
        %eq3A = vector.broadcast %scan3A_349 : i32 to vector<16xi32>
        %eq3A_581 = arith.cmpi eq, %iota3A, %eq3A : vector<16xi32>
        %select_n3A = arith.select %eq3A_581, %gather3A_580, %scan3A_350 : vector<16xi1>, vector<16xf32>
        scf.yield %select_n3A : vector<16xf32>
      }
      %scan3A_311 = arith.constant 16 : i32
      %mul3A_312 = arith.constant 5.000000e-01 : f32
      %mul3A_313 = vector.broadcast %mul3A_312 : f32 to vector<16xf32>
      %mul3A_314 = arith.mulf %scan3A_310, %mul3A_313 : vector<16xf32>
      %mul3A_315 = arith.constant 64 : i32
      %mul3A_316 = arith.muli %add3A_251, %mul3A_315 : i32
      %add3A_317 = arith.constant 32 : i32
      %add3A_318 = arith.addi %mul3A_316, %add3A_317 : i32
      %swap3A_319 = arith.index_cast %add3A_318 : i32 to index
      %swap3A_320 = tpu.vector_load %arg29[%swap3A_319] {strides = array<i32>} : memref<512xf32, #tpu.memory_space<vmem>>, vector<16xf32>,
      tpu.vector_store %arg29[%swap3A_319], %mul3A_314 {strides = array<i32>} : memref<512xf32, #tpu.memory_space<vmem>>, vector<16xf32>,
      %mul3A_321 = arith.constant 64 : i32
      %mul3A_322 = arith.muli %add3A_251, %mul3A_321 : i32
      %add3A_323 = arith.constant 48 : i32
      %add3A_324 = arith.addi %mul3A_322, %add3A_323 : i32
      %get3A_325 = arith.index_cast %add3A_324 : i32 to index
      %get3A_326 = tpu.vector_load %arg15[%get3A_325] {strides = array<i32>} : memref<512xi32, #tpu.memory_space<vmem>>, vector<16xi32>,
      %broadcast_in_dim3A_327 = arith.constant 0.000000e+00 : f32
      %broadcast_in_dim3A_328 = vector.broadcast %broadcast_in_dim3A_327 : f32 to vector<16xf32>
      %scan3A_329 = arith.constant 0 : i32
      %scan3A_330 = arith.constant 16 : i32
      %scan3A_331 = arith.addi %scan3A_329, %scan3A_330 : i32
      %scan3A_332 = arith.constant 1 : i32
      %scan3A_333 = scf.for %scan3A_349 = %scan3A_329 to %scan3A_331 step %scan3A_332 iter_args(%scan3A_350 = %broadcast_in_dim3A_328) -> (vector<16xf32>)  : i32 {
        %add3A_351 = arith.constant 48 : i32
        %add3A_352 = arith.addi %add3A_351, %scan3A_349 : i32
        %broadcast_in_dim3A_353 = vector.broadcast %scan3A_349 : i32 to vector<16x1xi32>
        %gather3A = vector.shape_cast %broadcast_in_dim3A_353 : vector<16x1xi32> to vector<16xi32>
        %gather3A_354 = tpu.dynamic_gather %get3A_326[%gather3A] in [0] : vector<16xi32>, vector<16xi32> -> vector<16xi32>
        %shift_right_arithmetic3A = arith.constant 1 : i32
        %shift_right_arithmetic3A_355 = vector.broadcast %shift_right_arithmetic3A : i32 to vector<16xi32>
        %shift_right_arithmetic3A_356 = arith.shrsi %gather3A_354, %shift_right_arithmetic3A_355 : vector<16xi32>
        %and3A = arith.constant 1 : i32
        %and3A_357 = vector.broadcast %and3A : i32 to vector<16xi32>
        %and3A_358 = arith.andi %gather3A_354, %and3A_357 : vector<16xi32>
        %mul3A_359 = arith.constant 64 : i32
        %mul3A_360 = vector.broadcast %mul3A_359 : i32 to vector<16xi32>
        %mul3A_361 = arith.muli %and3A_358, %mul3A_360 : vector<16xi32>
        %add3A_362 = arith.addi %mul3A_361, %iota3A : vector<16xi32>
        %broadcast_in_dim3A_363 = arith.constant 0.000000e+00 : f32
        %broadcast_in_dim3A_364 = vector.broadcast %broadcast_in_dim3A_363 : f32 to vector<16xf32>
        %get3A_365 = arith.index_cast %add3A_352 : i32 to index
        %get3A_366 = arith.constant 0 : index
        %get3A_367 = tpu.vector_load %arg22[%get3A_365, %get3A_366] {strides = array<i32>} : memref<64x128xf32, #tpu.memory_space<vmem>>, vector<16xf32>,
        %get3A_368 = arith.index_cast %add3A_352 : i32 to index
        %get3A_369 = arith.constant 0 : index
        %get3A_370 = tpu.vector_load %arg23[%get3A_368, %get3A_369] {strides = array<i32>} : memref<64x128xf32, #tpu.memory_space<vmem>>, vector<16xf32>,
        %mul3A_371 = arith.mulf %get3A_367, %get3A_370 : vector<16xf32>
        %get3A_372 = arith.index_cast %add3A_352 : i32 to index
        %get3A_373 = arith.constant 0 : index
        %get3A_374 = tpu.vector_load %arg24[%get3A_372, %get3A_373] {strides = array<i32>} : memref<64x128xf32, #tpu.memory_space<vmem>>, vector<16xf32>,
        %mul3A_375 = arith.mulf %mul3A_371, %get3A_374 : vector<16xf32>
        %get3A_376 = arith.index_cast %add3A_352 : i32 to index
        %get3A_377 = arith.constant 0 : index
        %get3A_378 = tpu.vector_load %arg25[%get3A_376, %get3A_377] {strides = array<i32>} : memref<64x128xf32, #tpu.memory_space<vmem>>, vector<16xf32>,
        %get3A_379 = arith.index_cast %add3A_352 : i32 to index
        %get3A_380 = arith.constant 0 : index
        %get3A_381 = tpu.vector_load %arg26[%get3A_379, %get3A_380] {strides = array<i32>} : memref<64x128xf32, #tpu.memory_space<vmem>>, vector<16xf32>,
        %mul3A_382 = arith.mulf %get3A_378, %get3A_381 : vector<16xf32>
        %get3A_383 = arith.index_cast %add3A_352 : i32 to index
        %get3A_384 = arith.constant 0 : index
        %get3A_385 = tpu.vector_load %arg27[%get3A_383, %get3A_384] {strides = array<i32>} : memref<64x128xf32, #tpu.memory_space<vmem>>, vector<16xf32>,
        %mul3A_386 = arith.mulf %mul3A_382, %get3A_385 : vector<16xf32>
        %add3A_387 = arith.addf %mul3A_375, %mul3A_386 : vector<16xf32>
        %add3A_388 = arith.constant 0 : i32
        %add3A_389 = vector.broadcast %add3A_388 : i32 to vector<16xi32>
        %add3A_390 = arith.addi %add3A_362, %add3A_389 : vector<16xi32>
        %gather3A_391 = tpu.vector_load_idx %arg28[%shift_right_arithmetic3A_356, %add3A_390] : memref<183x128xf32, #tpu.memory_space<vmem>>[vector<16xi32>, vector<16xi32>], vector<16xf32>,
        %mul3A_392 = arith.mulf %add3A_387, %gather3A_391 : vector<16xf32>
        %add3A_393 = arith.addf %broadcast_in_dim3A_364, %mul3A_392 : vector<16xf32>
        %get3A_394 = arith.index_cast %add3A_352 : i32 to index
        %get3A_395 = arith.constant 16 : index
        %get3A_396 = tpu.vector_load %arg22[%get3A_394, %get3A_395] {strides = array<i32>} : memref<64x128xf32, #tpu.memory_space<vmem>>, vector<16xf32>,
        %get3A_397 = arith.index_cast %add3A_352 : i32 to index
        %get3A_398 = arith.constant 16 : index
        %get3A_399 = tpu.vector_load %arg23[%get3A_397, %get3A_398] {strides = array<i32>} : memref<64x128xf32, #tpu.memory_space<vmem>>, vector<16xf32>,
        %mul3A_400 = arith.mulf %get3A_396, %get3A_399 : vector<16xf32>
        %get3A_401 = arith.index_cast %add3A_352 : i32 to index
        %get3A_402 = arith.constant 16 : index
        %get3A_403 = tpu.vector_load %arg24[%get3A_401, %get3A_402] {strides = array<i32>} : memref<64x128xf32, #tpu.memory_space<vmem>>, vector<16xf32>,
        %mul3A_404 = arith.mulf %mul3A_400, %get3A_403 : vector<16xf32>
        %get3A_405 = arith.index_cast %add3A_352 : i32 to index
        %get3A_406 = arith.constant 16 : index
        %get3A_407 = tpu.vector_load %arg25[%get3A_405, %get3A_406] {strides = array<i32>} : memref<64x128xf32, #tpu.memory_space<vmem>>, vector<16xf32>,
        %get3A_408 = arith.index_cast %add3A_352 : i32 to index
        %get3A_409 = arith.constant 16 : index
        %get3A_410 = tpu.vector_load %arg26[%get3A_408, %get3A_409] {strides = array<i32>} : memref<64x128xf32, #tpu.memory_space<vmem>>, vector<16xf32>,
        %mul3A_411 = arith.mulf %get3A_407, %get3A_410 : vector<16xf32>
        %get3A_412 = arith.index_cast %add3A_352 : i32 to index
        %get3A_413 = arith.constant 16 : index
        %get3A_414 = tpu.vector_load %arg27[%get3A_412, %get3A_413] {strides = array<i32>} : memref<64x128xf32, #tpu.memory_space<vmem>>, vector<16xf32>,
        %mul3A_415 = arith.mulf %mul3A_411, %get3A_414 : vector<16xf32>
        %add3A_416 = arith.addf %mul3A_404, %mul3A_415 : vector<16xf32>
        %add3A_417 = arith.constant 16 : i32
        %add3A_418 = vector.broadcast %add3A_417 : i32 to vector<16xi32>
        %add3A_419 = arith.addi %add3A_362, %add3A_418 : vector<16xi32>
        %gather3A_420 = tpu.vector_load_idx %arg28[%shift_right_arithmetic3A_356, %add3A_419] : memref<183x128xf32, #tpu.memory_space<vmem>>[vector<16xi32>, vector<16xi32>], vector<16xf32>,
        %mul3A_421 = arith.mulf %add3A_416, %gather3A_420 : vector<16xf32>
        %add3A_422 = arith.addf %add3A_393, %mul3A_421 : vector<16xf32>
        %get3A_423 = arith.index_cast %add3A_352 : i32 to index
        %get3A_424 = arith.constant 32 : index
        %get3A_425 = tpu.vector_load %arg22[%get3A_423, %get3A_424] {strides = array<i32>} : memref<64x128xf32, #tpu.memory_space<vmem>>, vector<16xf32>,
        %get3A_426 = arith.index_cast %add3A_352 : i32 to index
        %get3A_427 = arith.constant 32 : index
        %get3A_428 = tpu.vector_load %arg23[%get3A_426, %get3A_427] {strides = array<i32>} : memref<64x128xf32, #tpu.memory_space<vmem>>, vector<16xf32>,
        %mul3A_429 = arith.mulf %get3A_425, %get3A_428 : vector<16xf32>
        %get3A_430 = arith.index_cast %add3A_352 : i32 to index
        %get3A_431 = arith.constant 32 : index
        %get3A_432 = tpu.vector_load %arg24[%get3A_430, %get3A_431] {strides = array<i32>} : memref<64x128xf32, #tpu.memory_space<vmem>>, vector<16xf32>,
        %mul3A_433 = arith.mulf %mul3A_429, %get3A_432 : vector<16xf32>
        %get3A_434 = arith.index_cast %add3A_352 : i32 to index
        %get3A_435 = arith.constant 32 : index
        %get3A_436 = tpu.vector_load %arg25[%get3A_434, %get3A_435] {strides = array<i32>} : memref<64x128xf32, #tpu.memory_space<vmem>>, vector<16xf32>,
        %get3A_437 = arith.index_cast %add3A_352 : i32 to index
        %get3A_438 = arith.constant 32 : index
        %get3A_439 = tpu.vector_load %arg26[%get3A_437, %get3A_438] {strides = array<i32>} : memref<64x128xf32, #tpu.memory_space<vmem>>, vector<16xf32>,
        %mul3A_440 = arith.mulf %get3A_436, %get3A_439 : vector<16xf32>
        %get3A_441 = arith.index_cast %add3A_352 : i32 to index
        %get3A_442 = arith.constant 32 : index
        %get3A_443 = tpu.vector_load %arg27[%get3A_441, %get3A_442] {strides = array<i32>} : memref<64x128xf32, #tpu.memory_space<vmem>>, vector<16xf32>,
        %mul3A_444 = arith.mulf %mul3A_440, %get3A_443 : vector<16xf32>
        %add3A_445 = arith.addf %mul3A_433, %mul3A_444 : vector<16xf32>
        %add3A_446 = arith.constant 32 : i32
        %add3A_447 = vector.broadcast %add3A_446 : i32 to vector<16xi32>
        %add3A_448 = arith.addi %add3A_362, %add3A_447 : vector<16xi32>
        %gather3A_449 = tpu.vector_load_idx %arg28[%shift_right_arithmetic3A_356, %add3A_448] : memref<183x128xf32, #tpu.memory_space<vmem>>[vector<16xi32>, vector<16xi32>], vector<16xf32>,
        %mul3A_450 = arith.mulf %add3A_445, %gather3A_449 : vector<16xf32>
        %add3A_451 = arith.addf %add3A_422, %mul3A_450 : vector<16xf32>
        %get3A_452 = arith.index_cast %add3A_352 : i32 to index
        %get3A_453 = arith.constant 48 : index
        %get3A_454 = tpu.vector_load %arg22[%get3A_452, %get3A_453] {strides = array<i32>} : memref<64x128xf32, #tpu.memory_space<vmem>>, vector<16xf32>,
        %get3A_455 = arith.index_cast %add3A_352 : i32 to index
        %get3A_456 = arith.constant 48 : index
        %get3A_457 = tpu.vector_load %arg23[%get3A_455, %get3A_456] {strides = array<i32>} : memref<64x128xf32, #tpu.memory_space<vmem>>, vector<16xf32>,
        %mul3A_458 = arith.mulf %get3A_454, %get3A_457 : vector<16xf32>
        %get3A_459 = arith.index_cast %add3A_352 : i32 to index
        %get3A_460 = arith.constant 48 : index
        %get3A_461 = tpu.vector_load %arg24[%get3A_459, %get3A_460] {strides = array<i32>} : memref<64x128xf32, #tpu.memory_space<vmem>>, vector<16xf32>,
        %mul3A_462 = arith.mulf %mul3A_458, %get3A_461 : vector<16xf32>
        %get3A_463 = arith.index_cast %add3A_352 : i32 to index
        %get3A_464 = arith.constant 48 : index
        %get3A_465 = tpu.vector_load %arg25[%get3A_463, %get3A_464] {strides = array<i32>} : memref<64x128xf32, #tpu.memory_space<vmem>>, vector<16xf32>,
        %get3A_466 = arith.index_cast %add3A_352 : i32 to index
        %get3A_467 = arith.constant 48 : index
        %get3A_468 = tpu.vector_load %arg26[%get3A_466, %get3A_467] {strides = array<i32>} : memref<64x128xf32, #tpu.memory_space<vmem>>, vector<16xf32>,
        %mul3A_469 = arith.mulf %get3A_465, %get3A_468 : vector<16xf32>
        %get3A_470 = arith.index_cast %add3A_352 : i32 to index
        %get3A_471 = arith.constant 48 : index
        %get3A_472 = tpu.vector_load %arg27[%get3A_470, %get3A_471] {strides = array<i32>} : memref<64x128xf32, #tpu.memory_space<vmem>>, vector<16xf32>,
        %mul3A_473 = arith.mulf %mul3A_469, %get3A_472 : vector<16xf32>
        %add3A_474 = arith.addf %mul3A_462, %mul3A_473 : vector<16xf32>
        %add3A_475 = arith.constant 48 : i32
        %add3A_476 = vector.broadcast %add3A_475 : i32 to vector<16xi32>
        %add3A_477 = arith.addi %add3A_362, %add3A_476 : vector<16xi32>
        %gather3A_478 = tpu.vector_load_idx %arg28[%shift_right_arithmetic3A_356, %add3A_477] : memref<183x128xf32, #tpu.memory_space<vmem>>[vector<16xi32>, vector<16xi32>], vector<16xf32>,
        %mul3A_479 = arith.mulf %add3A_474, %gather3A_478 : vector<16xf32>
        %add3A_480 = arith.addf %add3A_451, %mul3A_479 : vector<16xf32>
        %get3A_481 = arith.index_cast %add3A_352 : i32 to index
        %get3A_482 = arith.constant 64 : index
        %get3A_483 = tpu.vector_load %arg22[%get3A_481, %get3A_482] {strides = array<i32>} : memref<64x128xf32, #tpu.memory_space<vmem>>, vector<16xf32>,
        %get3A_484 = arith.index_cast %add3A_352 : i32 to index
        %get3A_485 = arith.constant 64 : index
        %get3A_486 = tpu.vector_load %arg23[%get3A_484, %get3A_485] {strides = array<i32>} : memref<64x128xf32, #tpu.memory_space<vmem>>, vector<16xf32>,
        %mul3A_487 = arith.mulf %get3A_483, %get3A_486 : vector<16xf32>
        %get3A_488 = arith.index_cast %add3A_352 : i32 to index
        %get3A_489 = arith.constant 64 : index
        %get3A_490 = tpu.vector_load %arg24[%get3A_488, %get3A_489] {strides = array<i32>} : memref<64x128xf32, #tpu.memory_space<vmem>>, vector<16xf32>,
        %mul3A_491 = arith.mulf %mul3A_487, %get3A_490 : vector<16xf32>
        %get3A_492 = arith.index_cast %add3A_352 : i32 to index
        %get3A_493 = arith.constant 64 : index
        %get3A_494 = tpu.vector_load %arg25[%get3A_492, %get3A_493] {strides = array<i32>} : memref<64x128xf32, #tpu.memory_space<vmem>>, vector<16xf32>,
        %get3A_495 = arith.index_cast %add3A_352 : i32 to index
        %get3A_496 = arith.constant 64 : index
        %get3A_497 = tpu.vector_load %arg26[%get3A_495, %get3A_496] {strides = array<i32>} : memref<64x128xf32, #tpu.memory_space<vmem>>, vector<16xf32>,
        %mul3A_498 = arith.mulf %get3A_494, %get3A_497 : vector<16xf32>
        %get3A_499 = arith.index_cast %add3A_352 : i32 to index
        %get3A_500 = arith.constant 64 : index
        %get3A_501 = tpu.vector_load %arg27[%get3A_499, %get3A_500] {strides = array<i32>} : memref<64x128xf32, #tpu.memory_space<vmem>>, vector<16xf32>,
        %mul3A_502 = arith.mulf %mul3A_498, %get3A_501 : vector<16xf32>
        %add3A_503 = arith.addf %mul3A_491, %mul3A_502 : vector<16xf32>
        %add3A_504 = arith.addf %add3A_480, %add3A_503 : vector<16xf32>
        %get3A_505 = arith.index_cast %add3A_352 : i32 to index
        %get3A_506 = arith.constant 80 : index
        %get3A_507 = tpu.vector_load %arg22[%get3A_505, %get3A_506] {strides = array<i32>} : memref<64x128xf32, #tpu.memory_space<vmem>>, vector<16xf32>,
        %get3A_508 = arith.index_cast %add3A_352 : i32 to index
        %get3A_509 = arith.constant 80 : index
        %get3A_510 = tpu.vector_load %arg23[%get3A_508, %get3A_509] {strides = array<i32>} : memref<64x128xf32, #tpu.memory_space<vmem>>, vector<16xf32>,
        %mul3A_511 = arith.mulf %get3A_507, %get3A_510 : vector<16xf32>
        %get3A_512 = arith.index_cast %add3A_352 : i32 to index
        %get3A_513 = arith.constant 80 : index
        %get3A_514 = tpu.vector_load %arg24[%get3A_512, %get3A_513] {strides = array<i32>} : memref<64x128xf32, #tpu.memory_space<vmem>>, vector<16xf32>,
        %mul3A_515 = arith.mulf %mul3A_511, %get3A_514 : vector<16xf32>
        %get3A_516 = arith.index_cast %add3A_352 : i32 to index
        %get3A_517 = arith.constant 80 : index
        %get3A_518 = tpu.vector_load %arg25[%get3A_516, %get3A_517] {strides = array<i32>} : memref<64x128xf32, #tpu.memory_space<vmem>>, vector<16xf32>,
        %get3A_519 = arith.index_cast %add3A_352 : i32 to index
        %get3A_520 = arith.constant 80 : index
        %get3A_521 = tpu.vector_load %arg26[%get3A_519, %get3A_520] {strides = array<i32>} : memref<64x128xf32, #tpu.memory_space<vmem>>, vector<16xf32>,
        %mul3A_522 = arith.mulf %get3A_518, %get3A_521 : vector<16xf32>
        %get3A_523 = arith.index_cast %add3A_352 : i32 to index
        %get3A_524 = arith.constant 80 : index
        %get3A_525 = tpu.vector_load %arg27[%get3A_523, %get3A_524] {strides = array<i32>} : memref<64x128xf32, #tpu.memory_space<vmem>>, vector<16xf32>,
        %mul3A_526 = arith.mulf %mul3A_522, %get3A_525 : vector<16xf32>
        %add3A_527 = arith.addf %mul3A_515, %mul3A_526 : vector<16xf32>
        %add3A_528 = arith.addf %add3A_504, %add3A_527 : vector<16xf32>
        %get3A_529 = arith.index_cast %add3A_352 : i32 to index
        %get3A_530 = arith.constant 96 : index
        %get3A_531 = tpu.vector_load %arg22[%get3A_529, %get3A_530] {strides = array<i32>} : memref<64x128xf32, #tpu.memory_space<vmem>>, vector<16xf32>,
        %get3A_532 = arith.index_cast %add3A_352 : i32 to index
        %get3A_533 = arith.constant 96 : index
        %get3A_534 = tpu.vector_load %arg23[%get3A_532, %get3A_533] {strides = array<i32>} : memref<64x128xf32, #tpu.memory_space<vmem>>, vector<16xf32>,
        %mul3A_535 = arith.mulf %get3A_531, %get3A_534 : vector<16xf32>
        %get3A_536 = arith.index_cast %add3A_352 : i32 to index
        %get3A_537 = arith.constant 96 : index
        %get3A_538 = tpu.vector_load %arg24[%get3A_536, %get3A_537] {strides = array<i32>} : memref<64x128xf32, #tpu.memory_space<vmem>>, vector<16xf32>,
        %mul3A_539 = arith.mulf %mul3A_535, %get3A_538 : vector<16xf32>
        %get3A_540 = arith.index_cast %add3A_352 : i32 to index
        %get3A_541 = arith.constant 96 : index
        %get3A_542 = tpu.vector_load %arg25[%get3A_540, %get3A_541] {strides = array<i32>} : memref<64x128xf32, #tpu.memory_space<vmem>>, vector<16xf32>,
        %get3A_543 = arith.index_cast %add3A_352 : i32 to index
        %get3A_544 = arith.constant 96 : index
        %get3A_545 = tpu.vector_load %arg26[%get3A_543, %get3A_544] {strides = array<i32>} : memref<64x128xf32, #tpu.memory_space<vmem>>, vector<16xf32>,
        %mul3A_546 = arith.mulf %get3A_542, %get3A_545 : vector<16xf32>
        %get3A_547 = arith.index_cast %add3A_352 : i32 to index
        %get3A_548 = arith.constant 96 : index
        %get3A_549 = tpu.vector_load %arg27[%get3A_547, %get3A_548] {strides = array<i32>} : memref<64x128xf32, #tpu.memory_space<vmem>>, vector<16xf32>,
        %mul3A_550 = arith.mulf %mul3A_546, %get3A_549 : vector<16xf32>
        %add3A_551 = arith.addf %mul3A_539, %mul3A_550 : vector<16xf32>
        %add3A_552 = arith.addf %add3A_528, %add3A_551 : vector<16xf32>
        %get3A_553 = arith.index_cast %add3A_352 : i32 to index
        %get3A_554 = arith.constant 112 : index
        %get3A_555 = tpu.vector_load %arg22[%get3A_553, %get3A_554] {strides = array<i32>} : memref<64x128xf32, #tpu.memory_space<vmem>>, vector<16xf32>,
        %get3A_556 = arith.index_cast %add3A_352 : i32 to index
        %get3A_557 = arith.constant 112 : index
        %get3A_558 = tpu.vector_load %arg23[%get3A_556, %get3A_557] {strides = array<i32>} : memref<64x128xf32, #tpu.memory_space<vmem>>, vector<16xf32>,
        %mul3A_559 = arith.mulf %get3A_555, %get3A_558 : vector<16xf32>
        %get3A_560 = arith.index_cast %add3A_352 : i32 to index
        %get3A_561 = arith.constant 112 : index
        %get3A_562 = tpu.vector_load %arg24[%get3A_560, %get3A_561] {strides = array<i32>} : memref<64x128xf32, #tpu.memory_space<vmem>>, vector<16xf32>,
        %mul3A_563 = arith.mulf %mul3A_559, %get3A_562 : vector<16xf32>
        %get3A_564 = arith.index_cast %add3A_352 : i32 to index
        %get3A_565 = arith.constant 112 : index
        %get3A_566 = tpu.vector_load %arg25[%get3A_564, %get3A_565] {strides = array<i32>} : memref<64x128xf32, #tpu.memory_space<vmem>>, vector<16xf32>,
        %get3A_567 = arith.index_cast %add3A_352 : i32 to index
        %get3A_568 = arith.constant 112 : index
        %get3A_569 = tpu.vector_load %arg26[%get3A_567, %get3A_568] {strides = array<i32>} : memref<64x128xf32, #tpu.memory_space<vmem>>, vector<16xf32>,
        %mul3A_570 = arith.mulf %get3A_566, %get3A_569 : vector<16xf32>
        %get3A_571 = arith.index_cast %add3A_352 : i32 to index
        %get3A_572 = arith.constant 112 : index
        %get3A_573 = tpu.vector_load %arg27[%get3A_571, %get3A_572] {strides = array<i32>} : memref<64x128xf32, #tpu.memory_space<vmem>>, vector<16xf32>,
        %mul3A_574 = arith.mulf %mul3A_570, %get3A_573 : vector<16xf32>
        %add3A_575 = arith.addf %mul3A_563, %mul3A_574 : vector<16xf32>
        %add3A_576 = arith.addf %add3A_552, %add3A_575 : vector<16xf32>
        %cumsum3A = arith.constant true
        %cumsum3A_577 = vector.broadcast %cumsum3A : i1 to vector<16xi1>
        %cumsum3A_578 = tpu.scan <sum>, %add3A_576 masked %cumsum3A_577 : vector<16xf32>, vector<16xi1> -> vector<16xf32>
        %gather3A_579 = vector.shape_cast %broadcast_in_dim3A_17 : vector<16x1xi32> to vector<16xi32>
        %gather3A_580 = tpu.dynamic_gather %cumsum3A_578[%gather3A_579] in [0] : vector<16xf32>, vector<16xi32> -> vector<16xf32>
        %eq3A = vector.broadcast %scan3A_349 : i32 to vector<16xi32>
        %eq3A_581 = arith.cmpi eq, %iota3A, %eq3A : vector<16xi32>
        %select_n3A = arith.select %eq3A_581, %gather3A_580, %scan3A_350 : vector<16xi1>, vector<16xf32>
        scf.yield %select_n3A : vector<16xf32>
      }
      %scan3A_334 = arith.constant 16 : i32
      %mul3A_335 = arith.constant 5.000000e-01 : f32
      %mul3A_336 = vector.broadcast %mul3A_335 : f32 to vector<16xf32>
      %mul3A_337 = arith.mulf %scan3A_333, %mul3A_336 : vector<16xf32>
      %mul3A_338 = arith.constant 64 : i32
      %mul3A_339 = arith.muli %add3A_251, %mul3A_338 : i32
      %add3A_340 = arith.constant 48 : i32
      %add3A_341 = arith.addi %mul3A_339, %add3A_340 : i32
      %swap3A_342 = arith.index_cast %add3A_341 : i32 to index
      %swap3A_343 = tpu.vector_load %arg29[%swap3A_342] {strides = array<i32>} : memref<512xf32, #tpu.memory_space<vmem>>, vector<16xf32>,
      tpu.vector_store %arg29[%swap3A_342], %mul3A_337 {strides = array<i32>} : memref<512xf32, #tpu.memory_space<vmem>>, vector<16xf32>,
      %lt3A_344 = arith.constant 3 : i32
      %lt3A_345 = arith.cmpi slt, %scan3A_83, %lt3A_344 : i32
      %convert_element_type3A_346 = arith.extui %lt3A_345 : i1 to i32
      %cond3A_347 = arith.constant 0 : i32
      %cond3A_348 = arith.cmpi ne, %convert_element_type3A_346, %cond3A_347 : i32
      scf.if %cond3A_348 {
        %add3A_349 = arith.constant 3 : i32
        %add3A_350 = arith.addi %mul3A_85, %add3A_349 : i32
        %mul3A_351 = arith.constant 64 : i32
        %mul3A_352 = arith.muli %add3A_350, %mul3A_351 : i32
        %dma_start3A_353 = tpu.memref_slice %arg12[%mul3A_352] : memref<512xi32, #tpu.memory_space<vmem>> -> memref<64xi32, #tpu.memory_space<vmem>>
        %dma_start3A_354 = arith.constant 0 : i32
        %dma_start3A_355 = arith.constant 0 : i32
        %dma_start3A_356 = tpu.memref_slice %arg6[%dma_start3A_354, %dma_start3A_355] : memref<100000x128xf32, #tpu.memory_space<hbm>> -> memref<100000x128xf32, #tpu.memory_space<hbm>>
        tpu.enqueue_indirect_dma source(%dma_start3A_356 : memref<100000x128xf32, #tpu.memory_space<hbm>>) target(%arg22 : memref<64x128xf32, #tpu.memory_space<vmem>>) offsets(%dma_start3A_353 : memref<64xi32, #tpu.memory_space<vmem>>) semaphore(%arg31 : memref<!tpu.dma_semaphore, #tpu.memory_space<semaphore_mem>>)
        %dma_start3A_357 = tpu.memref_slice %arg13[%mul3A_352] : memref<512xi32, #tpu.memory_space<vmem>> -> memref<64xi32, #tpu.memory_space<vmem>>
        %dma_start3A_358 = arith.constant 0 : i32
        %dma_start3A_359 = arith.constant 0 : i32
        %dma_start3A_360 = tpu.memref_slice %arg8[%dma_start3A_358, %dma_start3A_359] : memref<500x128xf32, #tpu.memory_space<hbm>> -> memref<500x128xf32, #tpu.memory_space<hbm>>
        tpu.enqueue_indirect_dma source(%dma_start3A_360 : memref<500x128xf32, #tpu.memory_space<hbm>>) target(%arg23 : memref<64x128xf32, #tpu.memory_space<vmem>>) offsets(%dma_start3A_357 : memref<64xi32, #tpu.memory_space<vmem>>) semaphore(%arg31 : memref<!tpu.dma_semaphore, #tpu.memory_space<semaphore_mem>>)
        %dma_start3A_361 = tpu.memref_slice %arg14[%mul3A_352] : memref<512xi32, #tpu.memory_space<vmem>> -> memref<64xi32, #tpu.memory_space<vmem>>
        %dma_start3A_362 = arith.constant 0 : i32
        %dma_start3A_363 = arith.constant 0 : i32
        %dma_start3A_364 = tpu.memref_slice %arg7[%dma_start3A_362, %dma_start3A_363] : memref<100000x128xf32, #tpu.memory_space<hbm>> -> memref<100000x128xf32, #tpu.memory_space<hbm>>
        tpu.enqueue_indirect_dma source(%dma_start3A_364 : memref<100000x128xf32, #tpu.memory_space<hbm>>) target(%arg24 : memref<64x128xf32, #tpu.memory_space<vmem>>) offsets(%dma_start3A_361 : memref<64xi32, #tpu.memory_space<vmem>>) semaphore(%arg31 : memref<!tpu.dma_semaphore, #tpu.memory_space<semaphore_mem>>)
        %dma_start3A_365 = tpu.memref_slice %arg14[%mul3A_352] : memref<512xi32, #tpu.memory_space<vmem>> -> memref<64xi32, #tpu.memory_space<vmem>>
        %dma_start3A_366 = arith.constant 0 : i32
        %dma_start3A_367 = arith.constant 0 : i32
        %dma_start3A_368 = tpu.memref_slice %arg6[%dma_start3A_366, %dma_start3A_367] : memref<100000x128xf32, #tpu.memory_space<hbm>> -> memref<100000x128xf32, #tpu.memory_space<hbm>>
        tpu.enqueue_indirect_dma source(%dma_start3A_368 : memref<100000x128xf32, #tpu.memory_space<hbm>>) target(%arg25 : memref<64x128xf32, #tpu.memory_space<vmem>>) offsets(%dma_start3A_365 : memref<64xi32, #tpu.memory_space<vmem>>) semaphore(%arg31 : memref<!tpu.dma_semaphore, #tpu.memory_space<semaphore_mem>>)
        %dma_start3A_369 = tpu.memref_slice %arg13[%mul3A_352] : memref<512xi32, #tpu.memory_space<vmem>> -> memref<64xi32, #tpu.memory_space<vmem>>
        %dma_start3A_370 = arith.constant 0 : i32
        %dma_start3A_371 = arith.constant 0 : i32
        %dma_start3A_372 = tpu.memref_slice %arg9[%dma_start3A_370, %dma_start3A_371] : memref<500x128xf32, #tpu.memory_space<hbm>> -> memref<500x128xf32, #tpu.memory_space<hbm>>
        tpu.enqueue_indirect_dma source(%dma_start3A_372 : memref<500x128xf32, #tpu.memory_space<hbm>>) target(%arg26 : memref<64x128xf32, #tpu.memory_space<vmem>>) offsets(%dma_start3A_369 : memref<64xi32, #tpu.memory_space<vmem>>) semaphore(%arg31 : memref<!tpu.dma_semaphore, #tpu.memory_space<semaphore_mem>>)
        %dma_start3A_373 = tpu.memref_slice %arg12[%mul3A_352] : memref<512xi32, #tpu.memory_space<vmem>> -> memref<64xi32, #tpu.memory_space<vmem>>
        %dma_start3A_374 = arith.constant 0 : i32
        %dma_start3A_375 = arith.constant 0 : i32
        %dma_start3A_376 = tpu.memref_slice %arg7[%dma_start3A_374, %dma_start3A_375] : memref<100000x128xf32, #tpu.memory_space<hbm>> -> memref<100000x128xf32, #tpu.memory_space<hbm>>
        tpu.enqueue_indirect_dma source(%dma_start3A_376 : memref<100000x128xf32, #tpu.memory_space<hbm>>) target(%arg27 : memref<64x128xf32, #tpu.memory_space<vmem>>) offsets(%dma_start3A_373 : memref<64xi32, #tpu.memory_space<vmem>>) semaphore(%arg31 : memref<!tpu.dma_semaphore, #tpu.memory_space<semaphore_mem>>)
      } else {
      }
    }
    %scan3A_82 = arith.constant 4 : i32
    "tpu.region"() ({
      %run_scoped3A = tpu.sem_alloc : memref<!tpu.dma_semaphore, #tpu.memory_space<semaphore_mem>>
      %dma_start3A_83 = tpu.memref_slice %arg11[%mul3A_2] : memref<16384xf32, #tpu.memory_space<hbm>> -> memref<512xf32, #tpu.memory_space<hbm>>
      %dma_start3A_84 = tpu.memref_slice %arg11[%mul3A_2] : memref<16384xf32, #tpu.memory_space<hbm>> -> memref<512xf32, #tpu.memory_space<hbm>>
      tpu.enqueue_dma source(%arg29 : memref<512xf32, #tpu.memory_space<vmem>>) target(%dma_start3A_84 : memref<512xf32, #tpu.memory_space<hbm>>) target_semaphore(%run_scoped3A : memref<!tpu.dma_semaphore, #tpu.memory_space<semaphore_mem>>)
      %dma_wait3A_85 = tpu.memref_slice %arg11[%mul3A_2] : memref<16384xf32, #tpu.memory_space<hbm>> -> memref<512xf32, #tpu.memory_space<hbm>>
      %dma_wait3A_86 = tpu.memref_slice %arg11[%mul3A_2] : memref<16384xf32, #tpu.memory_space<hbm>> -> memref<512xf32, #tpu.memory_space<hbm>>
      tpu.wait_dma2 semaphore(%run_scoped3A : memref<!tpu.dma_semaphore, #tpu.memory_space<semaphore_mem>>) src(%arg29 : memref<512xf32, #tpu.memory_space<vmem>>) dst(%dma_wait3A_86 : memref<512xf32, #tpu.memory_space<hbm>>)
      tpu.yield
    }) : () -> ()
    return
  }
}

</mosaic_0001>

<sc_bundles>
// kernel: kernel.3.cloned.1.call-start
scs
__scs_entry_jumppad:
0x0: {  	(pc) =	sbr.rel $0x88, $3  }
0x1: {  	(tag) =	ssettag $0x0;
	lr =	simm.s32 $0x1  }
0x2: {  	[smem:$0x3F98] =	sst lr;
	_ =	strace $0xD0000000  }
0x3: {  	_ = 	snop  }
0x4: {  	_ = 	snop  }
0x5: {  	_ = 	snop  }
0x6: {  	_ = 	snop  }
0x7: {  	_ = 	snop  }
__scs_overlays_trampoline_lowered:
0x8: {  	[smem:$0x3FA7] =	sst s0  }
0x9: {  	[smem:$0x3FA8] =	sst s1  }
0xa: {  	[smem:$0x3FA9] =	sst s2  }
0xb: {  	[smem:$0x3FAA] =	sst s3  }
0xc: {  	[smem:$0x3FAB] =	sst s4  }
0xd: {  	[smem:$0x3FAC] =	sst s5  }
0xe: {  	[smem:$0x3FAD] =	sst s6  }
0xf: {  	[smem:$0x3FAE] =	sst s7  }
0x10: {  	[smem:$0x3FAF] =	sst s8  }
0x11: {  	[smem:$0x3FB0] =	sst s9;
	s0 =	simm.s32 @!p0 $0x0  }
0x12: {  	s1 =	sld [smem:$0x3F96];
	s0 =	simm.s32 @p0 $0x1  }
0x13: {  	[smem:$0x3FB1] =	sst s0;
	s0 =	simm.s32 @!p1 $0x0  }
0x14: {  	s2 =	sld [smem:$0x3F95];
	s0 =	simm.s32 @p1 $0x1  }
0x15: {  	[smem:$0x3FB2] =	sst s0;
	s0 =	simm.s32 @!p2 $0x0  }
0x16: {  	s3 =	sld [smem:$0x3FDB];
	s0 =	simm.s32 @p2 $0x1  }
0x17: {  	s4 =	simm.s32 $0x1BF5;
	[smem:$0x3FB4] =	sst s0  }
0x18: {  	s0 =	sld [smem:$0x3F97];
	_ =	swait.ge [sflag:s4], $0x0  }
0x19: {  	s7 =	sld [smem:$0x3F98]  }
0x1a: {  	s8 =	sadd.s32 $0xFFFFE003, lr  }
0x1b: {  	s9 =	sadd.s32 $0xFFFFFEF7, lr;
	s5 =	simm.s32 $0xFFFFFFFF;
	p2 =	slt.u32 s8, $0xFFFFF086  }
0x1c: {  	p1 =	slt.u32 s9, $0xF7A;
	s5 =	simm.s32 @!p2 $0x0  }
0x1d: {  	s5 =	simm.s32 @p1 $0x1;
	p0 =	seq.s32 s7, s2  }
0x1e: {  	s7 =	smul.u32 @!p0 $0xF7A, s2;
	p2 =	seq.s32 @!p0 s5, $0x0  }
0x1f: {  	s9 =	smul.u32 $0xF7A, s1;
	s8 =	simm.s32 @!p0 $0x1BF5;
	p2 =	por !p2, p0  }
0x20: {  	[sflag:s8] =	ssyncset.s32 @!p0 $0xFFFFF086;
	s6 =	sadd.s32 @!p0 s3, s7;
	s7 =	simm.s32 @!p0 $0x108  }
0x21: {  	s3 =	sadd.s32 s3, s9;
	s6 =	sadd.s32 @!p0 $0x88, s6;
	s7 =	simm.s32 @p2 $0x1082  }
0x22: {  	[simem:s7], [sflag:s8] =	dma.local @!p0 [hbm:s6], $0xF7A  }
0x23: {  	s9 =	sor.u32 $0xD0000000, s2;
	s6 =	simm.s32 $0x108;
	_ =	swait.ge @!p0 [sflag:s8], $0x0  }
0x24: {  	s3 =	sadd.s32 $0x88, s3;
	s6 =	simm.s32 @!p1 $0x1082;
	[sflag:s4] =	ssyncset.s32 $0xFFFFF086  }
0x25: {  	[simem:s6], [sflag:s4] =	dma.local [hbm:s3], $0xF7A  }
0x26: {  	[smem:$0x3F98] =	sst s1;
	(tag) =	ssettag s2;
	_ =	strace s9  }
0x27: {  	s1 =	sld [smem:$0x3FA8]  }
0x28: {  	s2 =	sld [smem:$0x3FA9]  }
0x29: {  	s4 =	sld [smem:$0x3FAB]  }
0x2a: {  	p0 =	seq.s32 s5, $0x0;
	s5 =	sld [smem:$0x3FAC]  }
0x2b: {  	s6 =	sld [smem:$0x3FAD]  }
0x2c: {  	s7 =	sld [smem:$0x3FAE]  }
0x2d: {  	s3 =	simm.s32 $0x108;
	s8 =	sld [smem:$0x3FAF]  }
0x2e: {  	s3 =	simm.s32 @!p0 $0x1082;
	s9 =	sld [smem:$0x3FB0]  }
0x2f: {  	lr =	sadd.s32 s0, s3;
	s0 =	sld [smem:$0x3FA7]  }
0x30: {  	s3 =	sld [smem:$0x3FAA]  }
0x31: {  	[smem:$0x3FB3] =	sst s10  }
0x32: {  	s10 =	sld [smem:$0x3FB1];
	_ =	sdelay $0x3  }
0x33: {  	p0 =	seq.s32 s10, $0x1;
	s10 =	sld [smem:$0x3FB3];
	_ =	sdelay $0x3  }
0x34: {  	[smem:$0x3FB3] =	sst s10  }
0x35: {  	s10 =	sld [smem:$0x3FB2];
	_ =	sdelay $0x3  }
0x36: {  	p1 =	seq.s32 s10, $0x1;
	s10 =	sld [smem:$0x3FB3];
	_ =	sdelay $0x3  }
0x37: {  	[smem:$0x3FB3] =	sst s10  }
0x38: {  	s10 =	sld [smem:$0x3FB4]  }
0x39: {  	_ = 	snop;
	(pc) =	sbr.ind lr, $3  }
0x3a: {  	_ = 	snop  }
0x3b: {  	_ = 	snop  }
0x3c: {  	p2 =	seq.s32 s10, $0x1;
	s10 =	sld [smem:$0x3FB3]  }
0x3d: {  	_ =	shalt  }
0x3e: {  	_ =	shalt  }
0x3f: {  	_ =	shalt  }
0x40: {  	_ =	shalt  }
0x41: {  	_ =	shalt  }
0x42: {  	_ =	shalt  }
0x43: {  	_ =	shalt  }
0x44: {  	_ =	shalt  }
0x45: {  	_ =	shalt  }
0x46: {  	_ =	shalt  }
0x47: {  	_ =	shalt  }
0x48: {  	_ =	shalt  }
0x49: {  	_ =	shalt  }
0x4a: {  	_ =	shalt  }
0x4b: {  	_ =	shalt  }
0x4c: {  	_ =	shalt  }
0x4d: {  	_ =	shalt  }
0x4e: {  	_ =	shalt  }
0x4f: {  	_ =	shalt  }
0x50: {  	_ =	shalt  }
0x51: {  	_ =	shalt  }
0x52: {  	_ =	shalt  }
0x53: {  	_ =	shalt  }
0x54: {  	_ =	shalt  }
0x55: {  	_ =	shalt  }
0x56: {  	_ =	shalt  }
0x57: {  	_ =	shalt  }
0x58: {  	_ =	shalt  }
0x59: {  	_ =	shalt  }
0x5a: {  	_ =	shalt  }
0x5b: {  	_ =	shalt  }
0x5c: {  	_ =	shalt  }
0x5d: {  	_ =	shalt  }
0x5e: {  	_ =	shalt  }
0x5f: {  	_ =	shalt  }
0x60: {  	_ =	shalt  }
0x61: {  	_ =	shalt  }
0x62: {  	_ =	shalt  }
0x63: {  	_ =	shalt  }
0x64: {  	_ =	shalt  }
0x65: {  	_ =	shalt  }
0x66: {  	_ =	shalt  }
0x67: {  	_ =	shalt  }
0x68: {  	_ =	shalt  }
0x69: {  	_ =	shalt  }
0x6a: {  	_ =	shalt  }
0x6b: {  	_ =	shalt  }
0x6c: {  	_ =	shalt  }
0x6d: {  	_ =	shalt  }
0x6e: {  	_ =	shalt  }
0x6f: {  	_ =	shalt  }
0x70: {  	_ =	shalt  }
0x71: {  	_ =	shalt  }
0x72: {  	_ =	shalt  }
0x73: {  	_ =	shalt  }
0x74: {  	_ =	shalt  }
0x75: {  	_ =	shalt  }
0x76: {  	_ =	shalt  }
0x77: {  	_ =	shalt  }
0x78: {  	_ =	shalt  }
0x79: {  	_ =	shalt  }
0x7a: {  	_ =	shalt  }
0x7b: {  	_ =	shalt  }
0x7c: {  	_ =	shalt  }
0x7d: {  	_ =	shalt  }
0x7e: {  	_ =	shalt  }
0x7f: {  	_ =	shalt  }
0x80: {  	_ =	shalt  }
0x81: {  	_ =	shalt  }
0x82: {  	_ =	shalt  }
0x83: {  	_ =	shalt  }
0x84: {  	_ =	shalt  }
0x85: {  	_ =	shalt  }
0x86: {  	_ =	shalt  }
0x87: {  	_ =	shalt  }
.Lfunc_end0:
.L_simem_size_0:
called_computation_lowered:
.L_overlay_start_0:
0x88: {  	s2 =	sld [smem:$0x3FD9]  }
0x89: {  	s3 =	sld [smem:$0x3FFE];
	_ =	sdelay $0x1  }
0x8a: {  	s1 =	srdreg.scid  }
0x8b: {  	s0 =	sand.u32 $0x1, s1  }
0x8c: {  	s17 =	sshll.u32 s0, $0xA;
	s2 =	sadd.s32 s3, s2  }
0x8d: {  	s2 =	sadd.s32 s2, s17  }
0x8e: {  	[smem:$0x3FBF] =	sst s2  }
0x8f: {  	_ = 	snop  }
0x90: {  	s2 =	sld [smem:$0x3FC9]  }
0x91: {  	s18 =	sld [smem:$0x3FC8]  }
0x92: {  	s4 =	sld [smem:$0x3FC7]  }
0x93: {  	s5 =	sld [smem:$0x3FC6]  }
0x94: {  	s6 =	sld [smem:$0x3FC5]  }
0x95: {  	s7 =	sld [smem:$0x3FC4]  }
0x96: {  	s8 =	sld [smem:$0x3FC3]  }
0x97: {  	s9 =	sld [smem:$0x3FC2]  }
0x98: {  	s10 =	sld [smem:$0x3FD0];
	(tm) =	ssettm $0x1  }
0x99: {  	s11 =	sld [smem:$0x3FFB];
	_ =	sdelay $0x3  }
0x9a: {  	_ =	strace s11  }
0x9b: {  	s11 =	sld [smem:$0x3FFC];
	_ =	sdelay $0x3  }
0x9c: {  	_ =	strace s11  }
0x9d: {  	s11 =	sld [smem:$0x3FFD];
	_ =	sdelay $0x3  }
0x9e: {  	_ =	strace s11  }
0x9f: {  	_ =	strace $0x8FFFFFFF  }
0xa0: {  	s19 =	sld [smem:$0x3FDB];
	_ =	sdelay $0x1  }
0xa1: {  	s12 =	simm.s32 $_scs_section_size  }
0xa2: {  	s13 =	simm.s32 $_size__tile_overlayer_lowered;
	s14 =	simm.s32 $_tile_overlayer_lowered  }
0xa3: {  	s22 =	simm.s32 $0x1BFF;
	s21 =	sshll.u32 s14, $0x1;
	s11 =	sadd.s32 s12, s19  }
0xa4: {  	s15 =	simm.s32 $0x0;
	s20 =	sshll.u32 s13, $0x1;
	s13 =	sadd.s32 s21, s11  }
0xa5: {  	[timem:s15], [sflag:s22] =	dma.local [hbm:s13], s20  }
0xa6: {  	_ =	swait.ge [sflag:s22], s20  }
0xa7: {  	s12 =	ssub.s32 $0x0, s20;
	[sflag:s22] =	ssyncset.done $0x0  }
0xa8: {  	[sflag:s22] =	ssyncadd.s32 s12;
	_ =	sdelay $0x1  }
0xa9: {  	s23 =	simm.s32 $0x1B8B  }
0xaa: {  	_ =	swait.ge [sflag:s23], $0x1  }
0xab: {  	[sflag:s23] =	ssyncset.done $0x0  }
0xac: {  	s25 =	simm.s32 $0x1B8E;
	s24 =	sld [smem:$0x3FFE];
	[sflag:s23] =	ssyncadd.s32 $0xFFFFFFFF  }
0xad: {  	s26 =	simm.s32 $execute0_lowered;
	[smem:$0x3FD2] =	sst s25  }
0xae: {  	s13 =	sshll.u32 s26, $0x1;
	_ =	strace $0x80000046;
	[dreg:$0x1] =	wrdreg $0xFFFFFFFF  }
0xaf: {  	s28 =	simm.s32 $_size_execute0_lowered;
	s11 =	sadd.s32 s11, s13;
	[dreg:$0x0] =	wrdreg $0x0  }
0xb0: {  	s13 =	sshll.u32 s28, $0x1;
	[dreg:$0x2] =	wrdreg s11  }
0xb1: {  	[dreg:$0x3] =	wrdreg s13  }
0xb2: {  	[dreg:$0x4] =	wrdreg $0xC0  }
0xb3: {  	_ =	task [dreg:s15], $0x5FFFF  }
0xb4: {  	[dreg:$0x1] =	wrdreg $0xFFFFFFFF  }
0xb5: {  	[dreg:$0x0] =	wrdreg $0x60  }
0xb6: {  	[dreg:$0x2] =	wrdreg s2  }
0xb7: {  	[dreg:$0x3] =	wrdreg s18  }
0xb8: {  	[dreg:$0x4] =	wrdreg s4  }
0xb9: {  	[dreg:$0x5] =	wrdreg s5  }
0xba: {  	[dreg:$0x6] =	wrdreg s6  }
0xbb: {  	[dreg:$0x7] =	wrdreg s7  }
0xbc: {  	[dreg:$0x8] =	wrdreg s8  }
0xbd: {  	[dreg:$0x9] =	wrdreg s9  }
0xbe: {  	[dreg:$0xa] =	wrdreg s24  }
0xbf: {  	[dreg:$0xb] =	wrdreg s10  }
0xc0: {  	[dreg:$0xc] =	wrdreg $0x9  }
0xc1: {  	_ =	task.clear_ibuf [dreg:s15], $0xDFFFF;
	_ =	strace $0x90000046  }
0xc2: {  	s29 =	simm.s32 $0x9;
	_ =	strace $0x80000048  }
0xc3: {  	_ =	swait.ge [sflag:s29], $0x1  }
0xc4: {  	[sflag:s29] =	ssyncadd.s32 $0xFFFFFFFF  }
0xc5: {  	_ =	strace $0x90000048  }
0xc6: {  	_ =	sfence  }
0xc7: {  	s30 =	sld [smem:$0x0];
	_ =	sdelay $0x2  }
0xc8: {  	s31 =	sshll.u32 s1, $0xD;
	s1 =	sshrl.u32 s1, $0x2  }
0xc9: {  	s3 =	sand.u32 $0x4000, s31;
	s1 =	sadd.s32 s1, s30  }
0xca: {  	s0 =	sor.u32 s3, s0;
	s1 =	sshll.u32 s1, $0x11  }
0xcb: {  	s0 =	sor.u32 s1, s0  }
0xcc: {  	s0 =	sadd.s32 $0x8F2B, s0  }
0xcd: {  	[sflag:s0] =	ssyncadd.remote.s32 $0x1  }
0xce: {  	_ =	sfence.sel $0xFFFF  }
0xcf: {  	[dreg:$0x0] =	wrdreg $0xFFFFFFFF;
	(pc) =	sbr.abs _section_cstart, $3  }
0xd0: {  	[dreg:$0x1] =	wrdreg $0xFFFFFFFF  }
0xd1: {  	_ =	task.clear_ibuf [dreg:s15], $0x2FFFF;
	_ =	strace $0x9FFFFFFF  }
0xd2: {  	(tm) =	ssettm $0x7FFFFFFF  }
0xd3: {  	_ =	shalt  }
tec
execute0_lowered:
.L_overlay_start_1:
0x0: {  	(tag) =	ssettag $0x1  }
0x1: {  	s0 =	rddreg [dreg:$0x0]  }
0x2: {  	s5 =	rddreg [dreg:$0x1]  }
0x3: {  	s7 =	rddreg [dreg:$0x2]  }
0x4: {  	s8 =	rddreg [dreg:$0x3]  }
0x5: {  	s1 =	rddreg [dreg:$0x4]  }
0x6: {  	s2 =	rddreg [dreg:$0x5]  }
0x7: {  	s3 =	rddreg [dreg:$0x6]  }
0x8: {  	s4 =	rddreg [dreg:$0x7]  }
0x9: {  	s9 =	rddreg [dreg:$0x8]  }
0xa: {  	s10 =	rddreg [dreg:$0x9];
	s6 =	simm.s32 $0x0;
	s11 =	srdreg.scid  }
0xb: {  	s13 =	stileid.u32;
	s15 =	simm.s32 $0x200;
	s16 =	simm.s32 $0x400  }
0xc: {  	s18 =	simm.s32 $0x1;
	s19 =	simm.s32 $0x40;
	s29 =	simm.s32 $0xE800  }
0xd: {  	s31 =	simm.s32 $0x10800;
	s17 =	simm.s32 $0x16800;
	s20 =	simm.s32 $0x3  }
0xe: {  	s21 =	simm.s32 $0x2;
	s23 =	simm.s32 $0x4;
	s11 =	sand.u32 $0x1, s11  }
0xf: {  	s13 =	sshll.u32 s13, $0x7;
	s12 =	ssub.s32 $0x2, s11;
	s11 =	sshll.u32 s11, $0x6  }
0x10: {  	[smem:$0x7FF] =	sst s6;
	s9 =	sadd.s32 $0x400, s9;
	s11 =	sor.u32 s11, s13  }
0x11: {  	_ =	strace $0x80000047;
	[dreg:$0xb] =	wrdreg s9;
	s0 =	sadd.s32 s0, s11  }
0x12: {  	s14 =	sshrl.u32 s12, $0x1;
	s25 =	sadd.s32 s5, s11;
	[dreg:$0xc] =	wrdreg s0  }
.Ltmp0:
0x13: {  	s26 =	sadd.s32 s7, s11;
	[dreg:$0xd] =	wrdreg s25;
	(pc) =	sbr.rel .LBB2_1-.Ltmp0, $4  }
0x14: {  	s24 =	ssub.s32 s12, s14;
	s28 =	sadd.s32 s8, s11;
	[dreg:$0xe] =	wrdreg s26  }
0x15: {  	s30 =	sadd.s32 s10, s11;
	s14 =	simm.s32 $0x18800;
	[dreg:$0xf] =	wrdreg s28  }
0x16: {  	v0 =	vlaneseq.u32;
	v4 =	vimm.s32 $0xF;
	s5 =	simm.s32 $0x14800;
	[dreg:$0x10] =	wrdreg s30;
	s13 =	smax.u32 s24, $0x1  }
0x17: {  	v1 =	vor.u32 $0x10, v0;
	v2 =	vor.u32 $0x20, v0;
	v3 =	vor.u32 $0x30, v0;
	s26 =	simm.s32 $0xC800;
	s0 =	simm.s32 $0x12800;
	s24 =	simm.s32 $0x0  }
.LBB2_20:
0x18: {  	s24 =	sadd.s32 $0x1, s24  }
0x19: {  	p0 =	sne.s32 s24, s13  }
.Ltmp1:
0x1a: {  	s7 =	rddreg [dreg:$0x10];
	s8 =	simm.s32 $0x1E400;
	(pc) =	sbr.rel @!p0 .LBB2_21-.Ltmp1, $4  }
0x1b: {  	[hbm4b:s7+s6] =	stream.linear.scatter [tilespmem:s8], [sflag:$0x4], $0x200, $0x38;
	[tilespmem:$0x1E600] =	vst v63  }
0x1c: {  	_ =	swait.ge [sflag:s23], $0x200  }
0x1d: {  	[sflag:s23] =	ssyncset.done $0x0  }
0x1e: {  	[sflag:s23] =	ssyncadd.s32 $0xFFFFFE00  }
.LBB2_1:
0x1f: {  	s7 =	rddreg [dreg:$0xb]  }
0x20: {  	[tilespmem:s14], [sflag:$0x3] =	stream.linear.gather [hbm4b:s7+s6], $0x5B80, $0x38;
	[tilespmem:$0x1E600] =	vst v63  }
0x21: {  	s22 =	rddreg [dreg:$0xc]  }
0x22: {  	[tilespmem:s6], [sflag:$0x1] =	stream.linear.gather [hbm4b:s22+s6], $0x200, $0x38;
	[tilespmem:$0x1E600] =	vst v63  }
0x23: {  	s25 =	rddreg [dreg:$0xd]  }
0x24: {  	[tilespmem:s15], [sflag:$0x1] =	stream.linear.gather [hbm4b:s25+s6], $0x200, $0x38;
	[tilespmem:$0x1E600] =	vst v63  }
0x25: {  	s28 =	rddreg [dreg:$0xe]  }
0x26: {  	[tilespmem:s16], [sflag:$0x1] =	stream.linear.gather [hbm4b:s28+s6], $0x200, $0x38;
	[tilespmem:$0x1E600] =	vst v63  }
0x27: {  	s30 =	rddreg [dreg:$0xf];
	s8 =	simm.s32 $0x600  }
0x28: {  	[tilespmem:s8], [sflag:$0x1] =	stream.linear.gather [hbm4b:s30+s6], $0x200, $0x38;
	[tilespmem:$0x1E600] =	vst v63  }
0x29: {  	_ =	swait.ge [sflag:s18], $0x200  }
0x2a: {  	[sflag:s18] =	ssyncset.done $0x0  }
0x2b: {  	[sflag:s18] =	ssyncadd.s32 $0xFFFFFE00  }
0x2c: {  	_ =	swait.ge [sflag:s18], $0x200  }
0x2d: {  	[sflag:s18] =	ssyncset.done $0x0  }
0x2e: {  	[sflag:s18] =	ssyncadd.s32 $0xFFFFFE00  }
0x2f: {  	_ =	swait.ge [sflag:s18], $0x200  }
0x30: {  	[sflag:s18] =	ssyncset.done $0x0  }
0x31: {  	[sflag:s18] =	ssyncadd.s32 $0xFFFFFE00  }
0x32: {  	_ =	swait.ge [sflag:s18], $0x200  }
0x33: {  	[sflag:s18] =	ssyncset.done $0x0  }
0x34: {  	s9 =	simm.s32 $0x800;
	[sflag:s18] =	ssyncadd.s32 $0xFFFFFE00  }
0x35: {  	[tilespmem:s9], [sflag:$0x1] =	stream.indirect.gather [hbm4b:s1+s19], $0x80, s6, s19, $0xb8;
	[tilespmem:$0x1E600] =	vst v63  }
0x36: {  	s10 =	simm.s32 $0x2800  }
0x37: {  	[tilespmem:s10], [sflag:$0x1] =	stream.indirect.gather [hbm4b:s3+s19], $0x80, s15, s19, $0xb8;
	[tilespmem:$0x1E600] =	vst v63  }
0x38: {  	s11 =	simm.s32 $0x4800  }
0x39: {  	[tilespmem:s11], [sflag:$0x1] =	stream.indirect.gather [hbm4b:s2+s19], $0x80, s16, s19, $0xb8;
	[tilespmem:$0x1E600] =	vst v63  }
0x3a: {  	s12 =	simm.s32 $0x6800  }
0x3b: {  	[tilespmem:s12], [sflag:$0x1] =	stream.indirect.gather [hbm4b:s1+s19], $0x80, s16, s19, $0xb8;
	[tilespmem:$0x1E600] =	vst v63  }
0x3c: {  	s22 =	simm.s32 $0x8800  }
0x3d: {  	[tilespmem:s22], [sflag:$0x1] =	stream.indirect.gather [hbm4b:s4+s19], $0x80, s15, s19, $0xb8;
	[tilespmem:$0x1E600] =	vst v63  }
0x3e: {  	s25 =	simm.s32 $0xA800  }
0x3f: {  	[tilespmem:s25], [sflag:$0x1] =	stream.indirect.gather [hbm4b:s2+s19], $0x80, s6, s19, $0xb8;
	[tilespmem:$0x1E600] =	vst v63  }
0x40: {  	_ = 	snop  }
0x41: {  	[tilespmem:s26], [sflag:$0x2] =	stream.indirect.gather [hbm4b:s1+s19], $0x80, s19, s19, $0xb8;
	[tilespmem:$0x1E600] =	vst v63  }
0x42: {  	s28 =	simm.s32 $0x240  }
0x43: {  	[tilespmem:s29], [sflag:$0x2] =	stream.indirect.gather [hbm4b:s3+s19], $0x80, s28, s19, $0xb8;
	[tilespmem:$0x1E600] =	vst v63  }
0x44: {  	s30 =	simm.s32 $0x440  }
0x45: {  	[tilespmem:s31], [sflag:$0x2] =	stream.indirect.gather [hbm4b:s2+s19], $0x80, s30, s19, $0xb8;
	[tilespmem:$0x1E600] =	vst v63  }
0x46: {  	_ = 	snop  }
0x47: {  	[tilespmem:s0], [sflag:$0x2] =	stream.indirect.gather [hbm4b:s1+s19], $0x80, s30, s19, $0xb8;
	[tilespmem:$0x1E600] =	vst v63  }
0x48: {  	_ = 	snop  }
0x49: {  	[tilespmem:s5], [sflag:$0x2] =	stream.indirect.gather [hbm4b:s4+s19], $0x80, s28, s19, $0xb8;
	[tilespmem:$0x1E600] =	vst v63  }
0x4a: {  	_ = 	snop  }
0x4b: {  	[tilespmem:s17], [sflag:$0x2] =	stream.indirect.gather [hbm4b:s2+s19], $0x80, s19, s19, $0xb8;
	[tilespmem:$0x1E600] =	vst v63  }
0x4c: {  	_ =	swait.ge [sflag:s20], $0x5B80  }
0x4d: {  	[sflag:s20] =	ssyncset.done $0x0  }
0x4e: {  	s25 =	simm.s32 $0x0;
	[sflag:s20] =	ssyncadd.s32 $0xFFFFA480  }
.LBB2_2:
0x4f: {  	_ =	swait.ge [sflag:s18], $0x2000  }
0x50: {  	[sflag:s18] =	ssyncset.done $0x0  }
0x51: {  	[sflag:s18] =	ssyncadd.s32 $0xFFFFE000  }
0x52: {  	_ =	swait.ge [sflag:s18], $0x2000  }
0x53: {  	[sflag:s18] =	ssyncset.done $0x0  }
0x54: {  	[sflag:s18] =	ssyncadd.s32 $0xFFFFE000  }
0x55: {  	_ =	swait.ge [sflag:s18], $0x2000  }
0x56: {  	[sflag:s18] =	ssyncset.done $0x0  }
0x57: {  	[sflag:s18] =	ssyncadd.s32 $0xFFFFE000  }
0x58: {  	_ =	swait.ge [sflag:s18], $0x2000  }
0x59: {  	[sflag:s18] =	ssyncset.done $0x0  }
0x5a: {  	[sflag:s18] =	ssyncadd.s32 $0xFFFFE000  }
0x5b: {  	_ =	swait.ge [sflag:s18], $0x2000  }
0x5c: {  	[sflag:s18] =	ssyncset.done $0x0  }
0x5d: {  	[sflag:s18] =	ssyncadd.s32 $0xFFFFE000  }
0x5e: {  	_ =	swait.ge [sflag:s18], $0x2000  }
0x5f: {  	[sflag:s18] =	ssyncset.done $0x0  }
0x60: {  	s22 =	sshll.u32 s25, $0x7;
	[sflag:s18] =	ssyncadd.s32 $0xFFFFE000  }
0x61: {  	s28 =	simm.s32 $0x4840;
	v11 =	vld [tilespmem:s22+$0x600]  }
0x62: {  	s9 =	simm.s32 $0x840;
	v7 =	vld [tilespmem:s28+$0x20]  }
0x63: {  	s10 =	simm.s32 $0x2840;
	v19 =	vld [tilespmem:s9+$0x30]  }
0x64: {  	s11 =	simm.s32 $0x6840;
	v20 =	vld [tilespmem:s10+$0x30]  }
0x65: {  	v5 =	vld [tilespmem:s11+$0x30]  }
0x66: {  	v9 =	vld [tilespmem:s28+$0x10]  }
0x67: {  	v23 =	vld [tilespmem:s9+$0x20]  }
0x68: {  	v25 =	vld [tilespmem:s10+$0x20]  }
0x69: {  	v10 =	vld [tilespmem:s11+$0x20]  }
0x6a: {  	v12 =	vld [tilespmem:s28+$0x0]  }
0x6b: {  	v26 =	vld [tilespmem:s9+$0x10]  }
0x6c: {  	v27 =	vld [tilespmem:s10+$0x10]  }
0x6d: {  	v13 =	vld [tilespmem:s11+$0x10]  }
0x6e: {  	v14 =	vld [tilespmem:s9+$0x0]  }
0x6f: {  	v15 =	vld [tilespmem:s10+$0x0]  }
0x70: {  	v16 =	vld [tilespmem:s11+$0x0]  }
0x71: {  	s7 =	simm.s32 $0xA840;
	v17 =	vld [tilespmem:s28+$0xFFFFFFF0]  }
0x72: {  	v18 =	vld [tilespmem:s7+$0xFFFFFFF0]  }
0x73: {  	v21 =	vld [tilespmem:s28+$0xFFFFFFE0]  }
0x74: {  	v32 =	vld [tilespmem:s9+$0xFFFFFFF0]  }
0x75: {  	v33 =	vld [tilespmem:s10+$0xFFFFFFF0]  }
0x76: {  	s8 =	simm.s32 $0x8840;
	v22 =	vld [tilespmem:s11+$0xFFFFFFF0]  }
0x77: {  	v24 =	vld [tilespmem:s8+$0xFFFFFFF0]  }
0x78: {  	v28 =	vld [tilespmem:s28+$0xFFFFFFD0]  }
0x79: {  	v29 =	vld [tilespmem:s9+$0xFFFFFFE0]  }
0x7a: {  	v30 =	vld [tilespmem:s10+$0xFFFFFFE0]  }
0x7b: {  	v31 =	vld [tilespmem:s11+$0xFFFFFFE0]  }
0x7c: {  	v34 =	vld [tilespmem:s28+$0xFFFFFFC0]  }
0x7d: {  	v35 =	vld [tilespmem:s9+$0xFFFFFFD0]  }
0x7e: {  	s12 =	simm.s32 $0x0;
	v36 =	vld [tilespmem:s10+$0xFFFFFFD0]  }
0x7f: {  	v6 =	vimm.f32 $0.0e+00;
	s30 =	simm.s32 $0x1;
	v8 =	vmov s12;
	v37 =	vld [tilespmem:s11+$0xFFFFFFD0]  }
.LBB2_3:
0x80: {  	p0 =	sne.s32 s30, $0xF;
	v38 =	vperm.xlane v11, v8;
	v39 =	vld [tilespmem:s9+$0xFFFFFFC0]  }
0x81: {  	v40 =	vld [tilespmem:s10+$0xFFFFFFC0]  }
0x82: {  	v38 =	vshll.u32 v38, $0x6;
	v41 =	vld [tilespmem:s11+$0xFFFFFFC0]  }
0x83: {  	v42 =	vld [tilespmem:s8+$0xFFFFFFC0];
	v43 =	vor.u32 v0, v38  }
0x84: {  	v44 =	vld [tilespmem:s8+$0xFFFFFFD0]  }
0x85: {  	v46 =	vor.u32 v1, v38;
	v45 =	vld [tilespmem:s7+$0xFFFFFFC0]  }
0x86: {  	v23 =	vmul.f32 v25, v23;
	v25 =	vmul.f32 v20, v19;
	v47 =	vld [tilespmem:s8+$0xFFFFFFE0]  }
0x87: {  	v32 =	vmul.f32 v33, v32;
	v26 =	vmul.f32 v27, v26;
	v20 =	vor.u32 v2, v38;
	v19 =	vld [tilespmem:s7+$0xFFFFFFD0]  }
0x88: {  	v27 =	vmul.f32 v40, v39;
	v33 =	vmul.f32 v42, v41;
	v39 =	vld.idx.msk [tilespmem:v43+s14+$0x0], $0xffff  }
0x89: {  	v35 =	vmul.f32 v36, v35;
	v38 =	vor.u32 v3, v38;
	v36 =	vmul.f32 v44, v37;
	v37 =	vld [tilespmem:s7+$0xFFFFFFE0]  }
0x8a: {  	v27 =	vmul.f32 v34, v27;
	v33 =	vmul.f32 v45, v33;
	v34 =	vld.idx.msk [tilespmem:v46+s14+$0x0], $0xffff  }
0x8b: {  	v29 =	vmul.f32 v30, v29;
	v30 =	vmul.f32 v47, v31;
	v31 =	vld [tilespmem:s8+$0x0]  }
0x8c: {  	v28 =	vmul.f32 v28, v35;
	v27 =	vadd.f32 v33, v27;
	v19 =	vmul.f32 v19, v36;
	v20 =	vld.idx.msk [tilespmem:v20+s14+$0x0], $0xffff  }
0x8d: {  	v22 =	vmul.f32 v24, v22;
	v21 =	vmul.f32 v21, v29;
	v24 =	vld [tilespmem:s8+$0x10]  }
0x8e: {  	v27 =	vmul.f32 v27, v39;
	v19 =	vadd.f32 v19, v28;
	v28 =	vmul.f32 v37, v30;
	v29 =	vld.idx.msk [tilespmem:v38+s14+$0x0], $0xffff  }
0x8f: {  	v17 =	vmul.f32 v17, v32;
	v18 =	vmul.f32 v18, v22;
	v22 =	vld [tilespmem:s7+$0x0]  }
0x90: {  	v27 =	vadd.f32 $0.0e+00, v27;
	v19 =	vmul.f32 v19, v34;
	v21 =	vadd.f32 v28, v21;
	v28 =	vld [tilespmem:s8+$0x20]  }
0x91: {  	v14 =	vmul.f32 v15, v14;
	v15 =	vmul.f32 v31, v16;
	v16 =	vld [tilespmem:s7+$0x10]  }
0x92: {  	v17 =	vadd.f32 v18, v17;
	v19 =	vadd.f32 v19, v27;
	v20 =	vmul.f32 v21, v20;
	v18 =	vld [tilespmem:s8+$0x30]  }
0x93: {  	v12 =	vmul.f32 v12, v14;
	v13 =	vmul.f32 v24, v13;
	v14 =	vld [tilespmem:s7+$0x20]  }
0x94: {  	v17 =	vmul.f32 v17, v29;
	v19 =	vadd.f32 v20, v19;
	v15 =	vmul.f32 v22, v15;
	v21 =	vld [tilespmem:s28+$0x30]  }
0x95: {  	v9 =	vmul.f32 v9, v26;
	s28 =	sadd.s32 $0x80, s28;
	v10 =	vmul.f32 v28, v10;
	v22 =	vld [tilespmem:s7+$0x30]  }
0x96: {  	s9 =	sadd.s32 $0x80, s9;
	v24 =	vld [tilespmem:s28+$0x20];
	v17 =	vadd.f32 v17, v19;
	v12 =	vadd.f32 v15, v12;
	v13 =	vmul.f32 v16, v13  }
0x97: {  	s10 =	sadd.s32 $0x80, s10;
	v7 =	vmul.f32 v7, v23;
	v19 =	vld [tilespmem:s9+$0x30];
	v15 =	vmul.f32 v18, v5  }
0x98: {  	s11 =	sadd.s32 $0x80, s11;
	v20 =	vld [tilespmem:s10+$0x30];
	v12 =	vadd.f32 v12, v17;
	v13 =	vadd.f32 v13, v9;
	v10 =	vmul.f32 v14, v10  }
0x99: {  	v5 =	vld [tilespmem:s11+$0x30];
	v14 =	vmul.f32 v21, v25  }
0x9a: {  	v9 =	vld [tilespmem:s28+$0x10];
	v12 =	vadd.f32 v13, v12;
	v10 =	vadd.f32 v10, v7;
	v13 =	vmul.f32 v22, v15  }
0x9b: {  	v23 =	vld [tilespmem:s9+$0x20];
	v7 =	vmov v24  }
0x9c: {  	v25 =	vld [tilespmem:s10+$0x20];
	v15 =	vadd.f32 v10, v12;
	v13 =	vadd.f32 v13, v14  }
0x9d: {  	v10 =	vld [tilespmem:s11+$0x20]  }
0x9e: {  	v12 =	vld [tilespmem:s28+$0x0];
	v13 =	vadd.f32 v13, v15  }
0x9f: {  	v26 =	vld [tilespmem:s9+$0x10]  }
0xa0: {  	v27 =	vld [tilespmem:s10+$0x10];
	(xrf2) =	vadd.scan.msk.f32 $0xffff, v13  }
0xa1: {  	v13 =	vld [tilespmem:s11+$0x10]  }
0xa2: {  	v14 =	vld [tilespmem:s9+$0x0]  }
0xa3: {  	v15 =	vld [tilespmem:s10+$0x0]  }
0xa4: {  	v16 =	vld [tilespmem:s11+$0x0]  }
0xa5: {  	s7 =	sadd.s32 $0x80, s7;
	v17 =	vld [tilespmem:s28+$0xFFFFFFF0]  }
0xa6: {  	v18 =	vld [tilespmem:s7+$0xFFFFFFF0]  }
0xa7: {  	v21 =	vld [tilespmem:s28+$0xFFFFFFE0]  }
0xa8: {  	v32 =	vld [tilespmem:s9+$0xFFFFFFF0]  }
0xa9: {  	v33 =	vld [tilespmem:s10+$0xFFFFFFF0]  }
0xaa: {  	s8 =	sadd.s32 $0x80, s8;
	v22 =	vld [tilespmem:s11+$0xFFFFFFF0];
	v28, _, _ =	vpop (xrf2)  }
0xab: {  	v24 =	vld [tilespmem:s8+$0xFFFFFFF0];
	v30 =	vperm.xlane v28, v4  }
0xac: {  	vm0 =	veq.s32 v8, v0;
	v28 =	vld [tilespmem:s28+$0xFFFFFFD0]  }
0xad: {  	v29 =	vld [tilespmem:s9+$0xFFFFFFE0];
	v6 =	vsel vm0, v30, v6  }
0xae: {  	v30 =	vld [tilespmem:s10+$0xFFFFFFE0]  }
.Ltmp2:
0xaf: {  	v31 =	vld [tilespmem:s11+$0xFFFFFFE0];
	(pc) =	sbr.rel @p0 .LBB2_3-.Ltmp2, $4  }
0xb0: {  	v34 =	vld [tilespmem:s28+$0xFFFFFFC0]  }
0xb1: {  	v35 =	vld [tilespmem:s9+$0xFFFFFFD0]  }
0xb2: {  	v36 =	vld [tilespmem:s10+$0xFFFFFFD0]  }
0xb3: {  	v8 =	vmov s30;
	s30 =	sadd.s32 $0x1, s30;
	v37 =	vld [tilespmem:s11+$0xFFFFFFD0]  }
0xb4: {  	v38 =	vld [tilespmem:s9+$0xFFFFFFC0]  }
0xb5: {  	v11 =	vperm.xlane v11, v8;
	v39 =	vld [tilespmem:s10+$0xFFFFFFC0]  }
0xb6: {  	v40 =	vld [tilespmem:s11+$0xFFFFFFC0]  }
0xb7: {  	v41 =	vld [tilespmem:s8+$0xFFFFFFC0];
	v11 =	vshll.u32 v11, $0x6  }
0xb8: {  	v43 =	vld [tilespmem:s8+$0xFFFFFFD0];
	v42 =	vor.u32 v0, v11  }
0xb9: {  	v44 =	vld [tilespmem:s7+$0xFFFFFFC0];
	v23 =	vmul.f32 v25, v23  }
0xba: {  	v46 =	vld [tilespmem:s8+$0xFFFFFFE0];
	v19 =	vmul.f32 v20, v19;
	v32 =	vmul.f32 v33, v32;
	v45 =	vor.u32 v1, v11  }
0xbb: {  	v20 =	vld [tilespmem:s7+$0xFFFFFFD0];
	v26 =	vmul.f32 v27, v26;
	v22 =	vmul.f32 v24, v22  }
0xbc: {  	v62 =	vld [tilespmem:s7+$0xFFFFFFE0];
	v25 =	vor.u32 v2, v11;
	v27 =	vmul.f32 v39, v38;
	v59 =	vmul.f32 v41, v40  }
0xbd: {  	v35 =	vmul.f32 v36, v35;
	v61 =	vmul.f32 v43, v37;
	v60 =	vld.idx.msk [tilespmem:v42+s14+$0x0], $0xffff  }
0xbe: {  	v24 =	vld [tilespmem:s8+$0x10];
	v11 =	vor.u32 v3, v11;
	v27 =	vmul.f32 v34, v27;
	v33 =	vmul.f32 v44, v59  }
0xbf: {  	v29 =	vmul.f32 v30, v29;
	v30 =	vmul.f32 v46, v31;
	v63 =	vld.idx.msk [tilespmem:v45+s14+$0x0], $0xffff  }
0xc0: {  	v31 =	vld [tilespmem:s8+$0x0];
	v28 =	vmul.f32 v28, v35;
	v20 =	vmul.f32 v20, v61;
	v27 =	vadd.f32 v33, v27  }
0xc1: {  	v21 =	vmul.f32 v21, v29;
	v18 =	vmul.f32 v18, v22;
	v25 =	vld.idx.msk [tilespmem:v25+s14+$0x0], $0xffff  }
0xc2: {  	v22 =	vld [tilespmem:s7+$0x0];
	v20 =	vadd.f32 v20, v28;
	v28 =	vmul.f32 v62, v30;
	v27 =	vmul.f32 v27, v60  }
0xc3: {  	v14 =	vmul.f32 v15, v14;
	v17 =	vmul.f32 v17, v32;
	v11 =	vld.idx.msk [tilespmem:v11+s14+$0x0], $0xffff  }
0xc4: {  	v21 =	vadd.f32 v28, v21;
	v28 =	vld [tilespmem:s8+$0x20];
	v20 =	vmul.f32 v20, v63;
	v27 =	vadd.f32 $0.0e+00, v27  }
0xc5: {  	v12 =	vmul.f32 v12, v14;
	v15 =	vmul.f32 v31, v16;
	v16 =	vld [tilespmem:s7+$0x10]  }
0xc6: {  	v14 =	vld [tilespmem:s7+$0x20];
	v17 =	vadd.f32 v18, v17;
	v21 =	vmul.f32 v21, v25;
	v20 =	vadd.f32 v20, v27  }
0xc7: {  	v18 =	vld [tilespmem:s8+$0x30];
	v13 =	vmul.f32 v24, v13  }
0xc8: {  	v15 =	vmul.f32 v22, v15;
	v11 =	vmul.f32 v17, v11;
	v17 =	vld [tilespmem:s28+$0x30];
	v20 =	vadd.f32 v21, v20  }
0xc9: {  	v9 =	vmul.f32 v9, v26;
	v10 =	vmul.f32 v28, v10;
	v21 =	vld [tilespmem:s7+$0x30]  }
0xca: {  	v12 =	vadd.f32 v15, v12;
	v13 =	vmul.f32 v16, v13;
	v11 =	vadd.f32 v11, v20  }
0xcb: {  	v7 =	vmul.f32 v7, v23;
	v10 =	vmul.f32 v14, v10  }
0xcc: {  	v5 =	vmul.f32 v18, v5;
	v9 =	vadd.f32 v13, v9;
	v11 =	vadd.f32 v12, v11  }
0xcd: {  	v7 =	vadd.f32 v10, v7  }
0xce: {  	v12 =	vmul.f32 v17, v19;
	v5 =	vmul.f32 v21, v5;
	v9 =	vadd.f32 v9, v11;
	_ =	sdelay $0x1  }
0xcf: {  	v5 =	vadd.f32 v5, v12;
	v7 =	vadd.f32 v7, v9;
	_ =	sdelay $0x1  }
0xd0: {  	v5 =	vadd.f32 v5, v7;
	_ =	sdelay $0x1  }
0xd1: {  	(xrf2) =	vadd.scan.msk.f32 $0xffff, v5;
	_ =	sdelay $0x9  }
0xd2: {  	v5, _, _ =	vpop (xrf2)  }
0xd3: {  	v5 =	vperm.xlane v5, v4  }
0xd4: {  	vm0 =	veq.s32 v8, v0  }
0xd5: {  	v5 =	vsel vm0, v5, v6  }
0xd6: {  	v5 =	vmul.f32 $5.000000000e-01, v5;
	_ =	sdelay $0x1  }
0xd7: {  	s28 =	simm.s32 $0x5070;
	v11 =	vld [tilespmem:s22+$0x610];
	[tilespmem:s22+$0x1E400] =	vst v5  }
0xd8: {  	s9 =	simm.s32 $0x1070;
	v6 =	vld [tilespmem:s28+$0xFFFFFFF0]  }
0xd9: {  	s10 =	simm.s32 $0x3070;
	v19 =	vld [tilespmem:s9+$0x0]  }
0xda: {  	s11 =	simm.s32 $0x7070;
	v20 =	vld [tilespmem:s10+$0x0]  }
0xdb: {  	v5 =	vld [tilespmem:s11+$0x0]  }
0xdc: {  	v9 =	vld [tilespmem:s28+$0xFFFFFFE0]  }
0xdd: {  	v23 =	vld [tilespmem:s9+$0xFFFFFFF0]  }
0xde: {  	v25 =	vld [tilespmem:s10+$0xFFFFFFF0]  }
0xdf: {  	v10 =	vld [tilespmem:s11+$0xFFFFFFF0]  }
0xe0: {  	v12 =	vld [tilespmem:s28+$0xFFFFFFD0]  }
0xe1: {  	v26 =	vld [tilespmem:s9+$0xFFFFFFE0]  }
0xe2: {  	v27 =	vld [tilespmem:s10+$0xFFFFFFE0]  }
0xe3: {  	v13 =	vld [tilespmem:s11+$0xFFFFFFE0]  }
0xe4: {  	v14 =	vld [tilespmem:s9+$0xFFFFFFD0]  }
0xe5: {  	v15 =	vld [tilespmem:s10+$0xFFFFFFD0]  }
0xe6: {  	v16 =	vld [tilespmem:s11+$0xFFFFFFD0]  }
0xe7: {  	s7 =	simm.s32 $0xB070;
	v17 =	vld [tilespmem:s28+$0xFFFFFFC0]  }
0xe8: {  	v18 =	vld [tilespmem:s7+$0xFFFFFFC0]  }
0xe9: {  	v21 =	vld [tilespmem:s28+$0xFFFFFFB0]  }
0xea: {  	v32 =	vld [tilespmem:s9+$0xFFFFFFC0]  }
0xeb: {  	v33 =	vld [tilespmem:s10+$0xFFFFFFC0]  }
0xec: {  	s8 =	simm.s32 $0x9070;
	v22 =	vld [tilespmem:s11+$0xFFFFFFC0]  }
0xed: {  	v24 =	vld [tilespmem:s8+$0xFFFFFFC0]  }
0xee: {  	v28 =	vld [tilespmem:s28+$0xFFFFFFA0]  }
0xef: {  	v29 =	vld [tilespmem:s9+$0xFFFFFFB0]  }
0xf0: {  	v30 =	vld [tilespmem:s10+$0xFFFFFFB0]  }
0xf1: {  	v31 =	vld [tilespmem:s11+$0xFFFFFFB0]  }
0xf2: {  	v34 =	vld [tilespmem:s28+$0xFFFFFF90]  }
0xf3: {  	v35 =	vld [tilespmem:s9+$0xFFFFFFA0]  }
0xf4: {  	s12 =	simm.s32 $0x0;
	v36 =	vld [tilespmem:s10+$0xFFFFFFA0]  }
0xf5: {  	s30 =	sor.u32 $0x10, s22;
	v8 =	vmov s12;
	s12 =	simm.s32 $0x1;
	v7 =	vimm.f32 $0.0e+00;
	v37 =	vld [tilespmem:s11+$0xFFFFFFA0]  }
.LBB2_5:
0xf6: {  	p0 =	sne.s32 s12, $0xF;
	v38 =	vperm.xlane v11, v8;
	v39 =	vld [tilespmem:s9+$0xFFFFFF90]  }
0xf7: {  	v40 =	vld [tilespmem:s10+$0xFFFFFF90]  }
0xf8: {  	v38 =	vshll.u32 v38, $0x6;
	v41 =	vld [tilespmem:s11+$0xFFFFFF90]  }
0xf9: {  	v42 =	vld [tilespmem:s8+$0xFFFFFF90];
	v43 =	vor.u32 v0, v38  }
0xfa: {  	v44 =	vld [tilespmem:s8+$0xFFFFFFA0]  }
0xfb: {  	v46 =	vor.u32 v1, v38;
	v45 =	vld [tilespmem:s7+$0xFFFFFF90]  }
0xfc: {  	v23 =	vmul.f32 v25, v23;
	v25 =	vmul.f32 v20, v19;
	v47 =	vld [tilespmem:s8+$0xFFFFFFB0]  }
0xfd: {  	v32 =	vmul.f32 v33, v32;
	v26 =	vmul.f32 v27, v26;
	v20 =	vor.u32 v2, v38;
	v19 =	vld [tilespmem:s7+$0xFFFFFFA0]  }
0xfe: {  	v27 =	vmul.f32 v40, v39;
	v33 =	vmul.f32 v42, v41;
	v39 =	vld.idx.msk [tilespmem:v43+s14+$0x0], $0xffff  }
0xff: {  	v35 =	vmul.f32 v36, v35;
	v38 =	vor.u32 v3, v38;
	v36 =	vmul.f32 v44, v37;
	v37 =	vld [tilespmem:s7+$0xFFFFFFB0]  }
0x100: {  	v27 =	vmul.f32 v34, v27;
	v33 =	vmul.f32 v45, v33;
	v34 =	vld.idx.msk [tilespmem:v46+s14+$0x0], $0xffff  }
0x101: {  	v29 =	vmul.f32 v30, v29;
	v30 =	vmul.f32 v47, v31;
	v31 =	vld [tilespmem:s8+$0xFFFFFFD0]  }
0x102: {  	v28 =	vmul.f32 v28, v35;
	v27 =	vadd.f32 v33, v27;
	v19 =	vmul.f32 v19, v36;
	v20 =	vld.idx.msk [tilespmem:v20+s14+$0x0], $0xffff  }
0x103: {  	v22 =	vmul.f32 v24, v22;
	v21 =	vmul.f32 v21, v29;
	v24 =	vld [tilespmem:s8+$0xFFFFFFE0]  }
0x104: {  	v27 =	vmul.f32 v27, v39;
	v19 =	vadd.f32 v19, v28;
	v28 =	vmul.f32 v37, v30;
	v29 =	vld.idx.msk [tilespmem:v38+s14+$0x0], $0xffff  }
0x105: {  	v17 =	vmul.f32 v17, v32;
	v18 =	vmul.f32 v18, v22;
	v22 =	vld [tilespmem:s7+$0xFFFFFFD0]  }
0x106: {  	v27 =	vadd.f32 $0.0e+00, v27;
	v19 =	vmul.f32 v19, v34;
	v21 =	vadd.f32 v28, v21;
	v28 =	vld [tilespmem:s8+$0xFFFFFFF0]  }
0x107: {  	v14 =	vmul.f32 v15, v14;
	v15 =	vmul.f32 v31, v16;
	v16 =	vld [tilespmem:s7+$0xFFFFFFE0]  }
0x108: {  	v17 =	vadd.f32 v18, v17;
	v19 =	vadd.f32 v19, v27;
	v20 =	vmul.f32 v21, v20;
	v18 =	vld [tilespmem:s8+$0x0]  }
0x109: {  	v12 =	vmul.f32 v12, v14;
	v13 =	vmul.f32 v24, v13;
	v14 =	vld [tilespmem:s7+$0xFFFFFFF0]  }
0x10a: {  	v17 =	vmul.f32 v17, v29;
	v19 =	vadd.f32 v20, v19;
	v15 =	vmul.f32 v22, v15;
	v21 =	vld [tilespmem:s28+$0x0]  }
0x10b: {  	v9 =	vmul.f32 v9, v26;
	s28 =	sadd.s32 $0x80, s28;
	v10 =	vmul.f32 v28, v10;
	v22 =	vld [tilespmem:s7+$0x0]  }
0x10c: {  	s9 =	sadd.s32 $0x80, s9;
	v24 =	vld [tilespmem:s28+$0xFFFFFFF0];
	v17 =	vadd.f32 v17, v19;
	v12 =	vadd.f32 v15, v12;
	v13 =	vmul.f32 v16, v13  }
0x10d: {  	s10 =	sadd.s32 $0x80, s10;
	v6 =	vmul.f32 v6, v23;
	v19 =	vld [tilespmem:s9+$0x0];
	v15 =	vmul.f32 v18, v5  }
0x10e: {  	s11 =	sadd.s32 $0x80, s11;
	v20 =	vld [tilespmem:s10+$0x0];
	v12 =	vadd.f32 v12, v17;
	v13 =	vadd.f32 v13, v9;
	v10 =	vmul.f32 v14, v10  }
0x10f: {  	v5 =	vld [tilespmem:s11+$0x0];
	v14 =	vmul.f32 v21, v25  }
0x110: {  	v9 =	vld [tilespmem:s28+$0xFFFFFFE0];
	v12 =	vadd.f32 v13, v12;
	v10 =	vadd.f32 v10, v6;
	v13 =	vmul.f32 v22, v15  }
0x111: {  	v23 =	vld [tilespmem:s9+$0xFFFFFFF0];
	v6 =	vmov v24  }
0x112: {  	v25 =	vld [tilespmem:s10+$0xFFFFFFF0];
	v15 =	vadd.f32 v10, v12;
	v13 =	vadd.f32 v13, v14  }
0x113: {  	v10 =	vld [tilespmem:s11+$0xFFFFFFF0]  }
0x114: {  	v12 =	vld [tilespmem:s28+$0xFFFFFFD0];
	v13 =	vadd.f32 v13, v15  }
0x115: {  	v26 =	vld [tilespmem:s9+$0xFFFFFFE0]  }
0x116: {  	v27 =	vld [tilespmem:s10+$0xFFFFFFE0];
	(xrf2) =	vadd.scan.msk.f32 $0xffff, v13  }
0x117: {  	v13 =	vld [tilespmem:s11+$0xFFFFFFE0]  }
0x118: {  	v14 =	vld [tilespmem:s9+$0xFFFFFFD0]  }
0x119: {  	v15 =	vld [tilespmem:s10+$0xFFFFFFD0]  }
0x11a: {  	v16 =	vld [tilespmem:s11+$0xFFFFFFD0]  }
0x11b: {  	s7 =	sadd.s32 $0x80, s7;
	v17 =	vld [tilespmem:s28+$0xFFFFFFC0]  }
0x11c: {  	v18 =	vld [tilespmem:s7+$0xFFFFFFC0]  }
0x11d: {  	v21 =	vld [tilespmem:s28+$0xFFFFFFB0]  }
0x11e: {  	v32 =	vld [tilespmem:s9+$0xFFFFFFC0]  }
0x11f: {  	v33 =	vld [tilespmem:s10+$0xFFFFFFC0]  }
0x120: {  	s8 =	sadd.s32 $0x80, s8;
	v22 =	vld [tilespmem:s11+$0xFFFFFFC0];
	v28, _, _ =	vpop (xrf2)  }
0x121: {  	v24 =	vld [tilespmem:s8+$0xFFFFFFC0];
	v30 =	vperm.xlane v28, v4  }
0x122: {  	vm0 =	veq.s32 v8, v0;
	v28 =	vld [tilespmem:s28+$0xFFFFFFA0]  }
0x123: {  	v29 =	vld [tilespmem:s9+$0xFFFFFFB0];
	v7 =	vsel vm0, v30, v7  }
0x124: {  	v30 =	vld [tilespmem:s10+$0xFFFFFFB0]  }
.Ltmp3:
0x125: {  	v31 =	vld [tilespmem:s11+$0xFFFFFFB0];
	(pc) =	sbr.rel @p0 .LBB2_5-.Ltmp3, $4  }
0x126: {  	v34 =	vld [tilespmem:s28+$0xFFFFFF90]  }
0x127: {  	v35 =	vld [tilespmem:s9+$0xFFFFFFA0]  }
0x128: {  	v36 =	vld [tilespmem:s10+$0xFFFFFFA0]  }
0x129: {  	v8 =	vmov s12;
	s12 =	sadd.s32 $0x1, s12;
	v37 =	vld [tilespmem:s11+$0xFFFFFFA0]  }
0x12a: {  	v38 =	vld [tilespmem:s9+$0xFFFFFF90]  }
0x12b: {  	v11 =	vperm.xlane v11, v8;
	v39 =	vld [tilespmem:s10+$0xFFFFFF90]  }
0x12c: {  	v40 =	vld [tilespmem:s11+$0xFFFFFF90]  }
0x12d: {  	v41 =	vld [tilespmem:s8+$0xFFFFFF90];
	v11 =	vshll.u32 v11, $0x6  }
0x12e: {  	v43 =	vld [tilespmem:s8+$0xFFFFFFA0];
	v42 =	vor.u32 v0, v11  }
0x12f: {  	v44 =	vld [tilespmem:s7+$0xFFFFFF90];
	v23 =	vmul.f32 v25, v23  }
0x130: {  	v46 =	vld [tilespmem:s8+$0xFFFFFFB0];
	v19 =	vmul.f32 v20, v19;
	v32 =	vmul.f32 v33, v32;
	v45 =	vor.u32 v1, v11  }
0x131: {  	v20 =	vld [tilespmem:s7+$0xFFFFFFA0];
	v26 =	vmul.f32 v27, v26;
	v22 =	vmul.f32 v24, v22  }
0x132: {  	v62 =	vld [tilespmem:s7+$0xFFFFFFB0];
	v25 =	vor.u32 v2, v11;
	v27 =	vmul.f32 v39, v38;
	v59 =	vmul.f32 v41, v40  }
0x133: {  	v35 =	vmul.f32 v36, v35;
	v61 =	vmul.f32 v43, v37;
	v60 =	vld.idx.msk [tilespmem:v42+s14+$0x0], $0xffff  }
0x134: {  	v24 =	vld [tilespmem:s8+$0xFFFFFFE0];
	v11 =	vor.u32 v3, v11;
	v27 =	vmul.f32 v34, v27;
	v33 =	vmul.f32 v44, v59  }
0x135: {  	v29 =	vmul.f32 v30, v29;
	v30 =	vmul.f32 v46, v31;
	v63 =	vld.idx.msk [tilespmem:v45+s14+$0x0], $0xffff  }
0x136: {  	v31 =	vld [tilespmem:s8+$0xFFFFFFD0];
	v28 =	vmul.f32 v28, v35;
	v20 =	vmul.f32 v20, v61;
	v27 =	vadd.f32 v33, v27  }
0x137: {  	v21 =	vmul.f32 v21, v29;
	v18 =	vmul.f32 v18, v22;
	v25 =	vld.idx.msk [tilespmem:v25+s14+$0x0], $0xffff  }
0x138: {  	v22 =	vld [tilespmem:s7+$0xFFFFFFD0];
	v20 =	vadd.f32 v20, v28;
	v28 =	vmul.f32 v62, v30;
	v27 =	vmul.f32 v27, v60  }
0x139: {  	v14 =	vmul.f32 v15, v14;
	v17 =	vmul.f32 v17, v32;
	v11 =	vld.idx.msk [tilespmem:v11+s14+$0x0], $0xffff  }
0x13a: {  	v21 =	vadd.f32 v28, v21;
	v28 =	vld [tilespmem:s8+$0xFFFFFFF0];
	v20 =	vmul.f32 v20, v63;
	v27 =	vadd.f32 $0.0e+00, v27  }
0x13b: {  	v12 =	vmul.f32 v12, v14;
	v15 =	vmul.f32 v31, v16;
	v16 =	vld [tilespmem:s7+$0xFFFFFFE0]  }
0x13c: {  	v14 =	vld [tilespmem:s7+$0xFFFFFFF0];
	v17 =	vadd.f32 v18, v17;
	v21 =	vmul.f32 v21, v25;
	v20 =	vadd.f32 v20, v27  }
0x13d: {  	v18 =	vld [tilespmem:s8+$0x0];
	v13 =	vmul.f32 v24, v13  }
0x13e: {  	v15 =	vmul.f32 v22, v15;
	v11 =	vmul.f32 v17, v11;
	v17 =	vld [tilespmem:s28+$0x0];
	v20 =	vadd.f32 v21, v20  }
0x13f: {  	v9 =	vmul.f32 v9, v26;
	v10 =	vmul.f32 v28, v10;
	v21 =	vld [tilespmem:s7+$0x0]  }
0x140: {  	v12 =	vadd.f32 v15, v12;
	v13 =	vmul.f32 v16, v13;
	v11 =	vadd.f32 v11, v20  }
0x141: {  	v6 =	vmul.f32 v6, v23;
	v10 =	vmul.f32 v14, v10  }
0x142: {  	v5 =	vmul.f32 v18, v5;
	v9 =	vadd.f32 v13, v9;
	v11 =	vadd.f32 v12, v11  }
0x143: {  	v6 =	vadd.f32 v10, v6  }
0x144: {  	v12 =	vmul.f32 v17, v19;
	v5 =	vmul.f32 v21, v5;
	v9 =	vadd.f32 v9, v11;
	_ =	sdelay $0x1  }
0x145: {  	v5 =	vadd.f32 v5, v12;
	v6 =	vadd.f32 v6, v9;
	_ =	sdelay $0x1  }
0x146: {  	v5 =	vadd.f32 v5, v6;
	_ =	sdelay $0x1  }
0x147: {  	(xrf2) =	vadd.scan.msk.f32 $0xffff, v5;
	_ =	sdelay $0x9  }
0x148: {  	v5, _, _ =	vpop (xrf2)  }
0x149: {  	v5 =	vperm.xlane v5, v4  }
0x14a: {  	vm0 =	veq.s32 v8, v0  }
0x14b: {  	v5 =	vsel vm0, v5, v7  }
0x14c: {  	v5 =	vmul.f32 $5.000000000e-01, v5;
	_ =	sdelay $0x1  }
0x14d: {  	[tilespmem:s30+$0x1E400] =	vst v5  }
0x14e: {  	s28 =	simm.s32 $0x5870;
	v11 =	vld [tilespmem:s22+$0x620]  }
0x14f: {  	s9 =	simm.s32 $0x1870;
	v6 =	vld [tilespmem:s28+$0xFFFFFFF0]  }
0x150: {  	s10 =	simm.s32 $0x3870;
	v19 =	vld [tilespmem:s9+$0x0]  }
0x151: {  	s11 =	simm.s32 $0x7870;
	v20 =	vld [tilespmem:s10+$0x0]  }
0x152: {  	v5 =	vld [tilespmem:s11+$0x0]  }
0x153: {  	v9 =	vld [tilespmem:s28+$0xFFFFFFE0]  }
0x154: {  	v23 =	vld [tilespmem:s9+$0xFFFFFFF0]  }
0x155: {  	v25 =	vld [tilespmem:s10+$0xFFFFFFF0]  }
0x156: {  	v10 =	vld [tilespmem:s11+$0xFFFFFFF0]  }
0x157: {  	v12 =	vld [tilespmem:s28+$0xFFFFFFD0]  }
0x158: {  	v26 =	vld [tilespmem:s9+$0xFFFFFFE0]  }
0x159: {  	v27 =	vld [tilespmem:s10+$0xFFFFFFE0]  }
0x15a: {  	v13 =	vld [tilespmem:s11+$0xFFFFFFE0]  }
0x15b: {  	v14 =	vld [tilespmem:s9+$0xFFFFFFD0]  }
0x15c: {  	v15 =	vld [tilespmem:s10+$0xFFFFFFD0]  }
0x15d: {  	v16 =	vld [tilespmem:s11+$0xFFFFFFD0]  }
0x15e: {  	s7 =	simm.s32 $0xB870;
	v17 =	vld [tilespmem:s28+$0xFFFFFFC0]  }
0x15f: {  	v18 =	vld [tilespmem:s7+$0xFFFFFFC0]  }
0x160: {  	v21 =	vld [tilespmem:s28+$0xFFFFFFB0]  }
0x161: {  	v32 =	vld [tilespmem:s9+$0xFFFFFFC0]  }
0x162: {  	v33 =	vld [tilespmem:s10+$0xFFFFFFC0]  }
0x163: {  	s8 =	simm.s32 $0x9870;
	v22 =	vld [tilespmem:s11+$0xFFFFFFC0]  }
0x164: {  	v24 =	vld [tilespmem:s8+$0xFFFFFFC0]  }
0x165: {  	v28 =	vld [tilespmem:s28+$0xFFFFFFA0]  }
0x166: {  	v29 =	vld [tilespmem:s9+$0xFFFFFFB0]  }
0x167: {  	v30 =	vld [tilespmem:s10+$0xFFFFFFB0]  }
0x168: {  	v31 =	vld [tilespmem:s11+$0xFFFFFFB0]  }
0x169: {  	v34 =	vld [tilespmem:s28+$0xFFFFFF90]  }
0x16a: {  	v35 =	vld [tilespmem:s9+$0xFFFFFFA0]  }
0x16b: {  	s12 =	simm.s32 $0x0;
	v36 =	vld [tilespmem:s10+$0xFFFFFFA0]  }
0x16c: {  	v8 =	vmov s12;
	s12 =	simm.s32 $0x1;
	v7 =	vimm.f32 $0.0e+00;
	s30 =	sor.u32 $0x20, s22;
	v37 =	vld [tilespmem:s11+$0xFFFFFFA0]  }
.LBB2_7:
0x16d: {  	p0 =	sne.s32 s12, $0xF;
	v38 =	vperm.xlane v11, v8;
	v39 =	vld [tilespmem:s9+$0xFFFFFF90]  }
0x16e: {  	v40 =	vld [tilespmem:s10+$0xFFFFFF90]  }
0x16f: {  	v38 =	vshll.u32 v38, $0x6;
	v41 =	vld [tilespmem:s11+$0xFFFFFF90]  }
0x170: {  	v42 =	vld [tilespmem:s8+$0xFFFFFF90];
	v43 =	vor.u32 v0, v38  }
0x171: {  	v44 =	vld [tilespmem:s8+$0xFFFFFFA0]  }
0x172: {  	v46 =	vor.u32 v1, v38;
	v45 =	vld [tilespmem:s7+$0xFFFFFF90]  }
0x173: {  	v23 =	vmul.f32 v25, v23;
	v25 =	vmul.f32 v20, v19;
	v47 =	vld [tilespmem:s8+$0xFFFFFFB0]  }
0x174: {  	v32 =	vmul.f32 v33, v32;
	v26 =	vmul.f32 v27, v26;
	v20 =	vor.u32 v2, v38;
	v19 =	vld [tilespmem:s7+$0xFFFFFFA0]  }
0x175: {  	v27 =	vmul.f32 v40, v39;
	v33 =	vmul.f32 v42, v41;
	v39 =	vld.idx.msk [tilespmem:v43+s14+$0x0], $0xffff  }
0x176: {  	v35 =	vmul.f32 v36, v35;
	v38 =	vor.u32 v3, v38;
	v36 =	vmul.f32 v44, v37;
	v37 =	vld [tilespmem:s7+$0xFFFFFFB0]  }
0x177: {  	v27 =	vmul.f32 v34, v27;
	v33 =	vmul.f32 v45, v33;
	v34 =	vld.idx.msk [tilespmem:v46+s14+$0x0], $0xffff  }
0x178: {  	v29 =	vmul.f32 v30, v29;
	v30 =	vmul.f32 v47, v31;
	v31 =	vld [tilespmem:s8+$0xFFFFFFD0]  }
0x179: {  	v28 =	vmul.f32 v28, v35;
	v27 =	vadd.f32 v33, v27;
	v19 =	vmul.f32 v19, v36;
	v20 =	vld.idx.msk [tilespmem:v20+s14+$0x0], $0xffff  }
0x17a: {  	v22 =	vmul.f32 v24, v22;
	v21 =	vmul.f32 v21, v29;
	v24 =	vld [tilespmem:s8+$0xFFFFFFE0]  }
0x17b: {  	v27 =	vmul.f32 v27, v39;
	v19 =	vadd.f32 v19, v28;
	v28 =	vmul.f32 v37, v30;
	v29 =	vld.idx.msk [tilespmem:v38+s14+$0x0], $0xffff  }
0x17c: {  	v17 =	vmul.f32 v17, v32;
	v18 =	vmul.f32 v18, v22;
	v22 =	vld [tilespmem:s7+$0xFFFFFFD0]  }
0x17d: {  	v27 =	vadd.f32 $0.0e+00, v27;
	v19 =	vmul.f32 v19, v34;
	v21 =	vadd.f32 v28, v21;
	v28 =	vld [tilespmem:s8+$0xFFFFFFF0]  }
0x17e: {  	v14 =	vmul.f32 v15, v14;
	v15 =	vmul.f32 v31, v16;
	v16 =	vld [tilespmem:s7+$0xFFFFFFE0]  }
0x17f: {  	v17 =	vadd.f32 v18, v17;
	v19 =	vadd.f32 v19, v27;
	v20 =	vmul.f32 v21, v20;
	v18 =	vld [tilespmem:s8+$0x0]  }
0x180: {  	v12 =	vmul.f32 v12, v14;
	v13 =	vmul.f32 v24, v13;
	v14 =	vld [tilespmem:s7+$0xFFFFFFF0]  }
0x181: {  	v17 =	vmul.f32 v17, v29;
	v19 =	vadd.f32 v20, v19;
	v15 =	vmul.f32 v22, v15;
	v21 =	vld [tilespmem:s28+$0x0]  }
0x182: {  	v9 =	vmul.f32 v9, v26;
	s28 =	sadd.s32 $0x80, s28;
	v10 =	vmul.f32 v28, v10;
	v22 =	vld [tilespmem:s7+$0x0]  }
0x183: {  	s9 =	sadd.s32 $0x80, s9;
	v24 =	vld [tilespmem:s28+$0xFFFFFFF0];
	v17 =	vadd.f32 v17, v19;
	v12 =	vadd.f32 v15, v12;
	v13 =	vmul.f32 v16, v13  }
0x184: {  	s10 =	sadd.s32 $0x80, s10;
	v6 =	vmul.f32 v6, v23;
	v19 =	vld [tilespmem:s9+$0x0];
	v15 =	vmul.f32 v18, v5  }
0x185: {  	s11 =	sadd.s32 $0x80, s11;
	v20 =	vld [tilespmem:s10+$0x0];
	v12 =	vadd.f32 v12, v17;
	v13 =	vadd.f32 v13, v9;
	v10 =	vmul.f32 v14, v10  }
0x186: {  	v5 =	vld [tilespmem:s11+$0x0];
	v14 =	vmul.f32 v21, v25  }
0x187: {  	v9 =	vld [tilespmem:s28+$0xFFFFFFE0];
	v12 =	vadd.f32 v13, v12;
	v10 =	vadd.f32 v10, v6;
	v13 =	vmul.f32 v22, v15  }
0x188: {  	v23 =	vld [tilespmem:s9+$0xFFFFFFF0];
	v6 =	vmov v24  }
0x189: {  	v25 =	vld [tilespmem:s10+$0xFFFFFFF0];
	v15 =	vadd.f32 v10, v12;
	v13 =	vadd.f32 v13, v14  }
0x18a: {  	v10 =	vld [tilespmem:s11+$0xFFFFFFF0]  }
0x18b: {  	v12 =	vld [tilespmem:s28+$0xFFFFFFD0];
	v13 =	vadd.f32 v13, v15  }
0x18c: {  	v26 =	vld [tilespmem:s9+$0xFFFFFFE0]  }
0x18d: {  	v27 =	vld [tilespmem:s10+$0xFFFFFFE0];
	(xrf2) =	vadd.scan.msk.f32 $0xffff, v13  }
0x18e: {  	v13 =	vld [tilespmem:s11+$0xFFFFFFE0]  }
0x18f: {  	v14 =	vld [tilespmem:s9+$0xFFFFFFD0]  }
0x190: {  	v15 =	vld [tilespmem:s10+$0xFFFFFFD0]  }
0x191: {  	v16 =	vld [tilespmem:s11+$0xFFFFFFD0]  }
0x192: {  	s7 =	sadd.s32 $0x80, s7;
	v17 =	vld [tilespmem:s28+$0xFFFFFFC0]  }
0x193: {  	v18 =	vld [tilespmem:s7+$0xFFFFFFC0]  }
0x194: {  	v21 =	vld [tilespmem:s28+$0xFFFFFFB0]  }
0x195: {  	v32 =	vld [tilespmem:s9+$0xFFFFFFC0]  }
0x196: {  	v33 =	vld [tilespmem:s10+$0xFFFFFFC0]  }
0x197: {  	s8 =	sadd.s32 $0x80, s8;
	v22 =	vld [tilespmem:s11+$0xFFFFFFC0];
	v28, _, _ =	vpop (xrf2)  }
0x198: {  	v24 =	vld [tilespmem:s8+$0xFFFFFFC0];
	v30 =	vperm.xlane v28, v4  }
0x199: {  	vm0 =	veq.s32 v8, v0;
	v28 =	vld [tilespmem:s28+$0xFFFFFFA0]  }
0x19a: {  	v29 =	vld [tilespmem:s9+$0xFFFFFFB0];
	v7 =	vsel vm0, v30, v7  }
0x19b: {  	v30 =	vld [tilespmem:s10+$0xFFFFFFB0]  }
.Ltmp4:
0x19c: {  	v31 =	vld [tilespmem:s11+$0xFFFFFFB0];
	(pc) =	sbr.rel @p0 .LBB2_7-.Ltmp4, $4  }
0x19d: {  	v34 =	vld [tilespmem:s28+$0xFFFFFF90]  }
0x19e: {  	v35 =	vld [tilespmem:s9+$0xFFFFFFA0]  }
0x19f: {  	v36 =	vld [tilespmem:s10+$0xFFFFFFA0]  }
0x1a0: {  	v8 =	vmov s12;
	s12 =	sadd.s32 $0x1, s12;
	v37 =	vld [tilespmem:s11+$0xFFFFFFA0]  }
0x1a1: {  	v38 =	vld [tilespmem:s9+$0xFFFFFF90]  }
0x1a2: {  	v11 =	vperm.xlane v11, v8;
	v39 =	vld [tilespmem:s10+$0xFFFFFF90]  }
0x1a3: {  	v40 =	vld [tilespmem:s11+$0xFFFFFF90]  }
0x1a4: {  	v41 =	vld [tilespmem:s8+$0xFFFFFF90];
	v11 =	vshll.u32 v11, $0x6  }
0x1a5: {  	v43 =	vld [tilespmem:s8+$0xFFFFFFA0];
	v42 =	vor.u32 v0, v11  }
0x1a6: {  	v44 =	vld [tilespmem:s7+$0xFFFFFF90];
	v23 =	vmul.f32 v25, v23  }
0x1a7: {  	v46 =	vld [tilespmem:s8+$0xFFFFFFB0];
	v19 =	vmul.f32 v20, v19;
	v32 =	vmul.f32 v33, v32;
	v45 =	vor.u32 v1, v11  }
0x1a8: {  	v20 =	vld [tilespmem:s7+$0xFFFFFFA0];
	v26 =	vmul.f32 v27, v26;
	v22 =	vmul.f32 v24, v22  }
0x1a9: {  	v62 =	vld [tilespmem:s7+$0xFFFFFFB0];
	v25 =	vor.u32 v2, v11;
	v27 =	vmul.f32 v39, v38;
	v59 =	vmul.f32 v41, v40  }
0x1aa: {  	v35 =	vmul.f32 v36, v35;
	v61 =	vmul.f32 v43, v37;
	v60 =	vld.idx.msk [tilespmem:v42+s14+$0x0], $0xffff  }
0x1ab: {  	v24 =	vld [tilespmem:s8+$0xFFFFFFE0];
	v11 =	vor.u32 v3, v11;
	v27 =	vmul.f32 v34, v27;
	v33 =	vmul.f32 v44, v59  }
0x1ac: {  	v29 =	vmul.f32 v30, v29;
	v30 =	vmul.f32 v46, v31;
	v63 =	vld.idx.msk [tilespmem:v45+s14+$0x0], $0xffff  }
0x1ad: {  	v31 =	vld [tilespmem:s8+$0xFFFFFFD0];
	v28 =	vmul.f32 v28, v35;
	v20 =	vmul.f32 v20, v61;
	v27 =	vadd.f32 v33, v27  }
0x1ae: {  	v21 =	vmul.f32 v21, v29;
	v18 =	vmul.f32 v18, v22;
	v25 =	vld.idx.msk [tilespmem:v25+s14+$0x0], $0xffff  }
0x1af: {  	v22 =	vld [tilespmem:s7+$0xFFFFFFD0];
	v20 =	vadd.f32 v20, v28;
	v28 =	vmul.f32 v62, v30;
	v27 =	vmul.f32 v27, v60  }
0x1b0: {  	v14 =	vmul.f32 v15, v14;
	v17 =	vmul.f32 v17, v32;
	v11 =	vld.idx.msk [tilespmem:v11+s14+$0x0], $0xffff  }
0x1b1: {  	v21 =	vadd.f32 v28, v21;
	v28 =	vld [tilespmem:s8+$0xFFFFFFF0];
	v20 =	vmul.f32 v20, v63;
	v27 =	vadd.f32 $0.0e+00, v27  }
0x1b2: {  	v12 =	vmul.f32 v12, v14;
	v15 =	vmul.f32 v31, v16;
	v16 =	vld [tilespmem:s7+$0xFFFFFFE0]  }
0x1b3: {  	v14 =	vld [tilespmem:s7+$0xFFFFFFF0];
	v17 =	vadd.f32 v18, v17;
	v21 =	vmul.f32 v21, v25;
	v20 =	vadd.f32 v20, v27  }
0x1b4: {  	v18 =	vld [tilespmem:s8+$0x0];
	v13 =	vmul.f32 v24, v13  }
0x1b5: {  	v15 =	vmul.f32 v22, v15;
	v11 =	vmul.f32 v17, v11;
	v17 =	vld [tilespmem:s28+$0x0];
	v20 =	vadd.f32 v21, v20  }
0x1b6: {  	v9 =	vmul.f32 v9, v26;
	v10 =	vmul.f32 v28, v10;
	v21 =	vld [tilespmem:s7+$0x0]  }
0x1b7: {  	v12 =	vadd.f32 v15, v12;
	v13 =	vmul.f32 v16, v13;
	v11 =	vadd.f32 v11, v20  }
0x1b8: {  	v6 =	vmul.f32 v6, v23;
	v10 =	vmul.f32 v14, v10  }
0x1b9: {  	v5 =	vmul.f32 v18, v5;
	v9 =	vadd.f32 v13, v9;
	v11 =	vadd.f32 v12, v11  }
0x1ba: {  	v6 =	vadd.f32 v10, v6  }
0x1bb: {  	v12 =	vmul.f32 v17, v19;
	v5 =	vmul.f32 v21, v5;
	v9 =	vadd.f32 v9, v11;
	_ =	sdelay $0x1  }
0x1bc: {  	v5 =	vadd.f32 v5, v12;
	v6 =	vadd.f32 v6, v9;
	_ =	sdelay $0x1  }
0x1bd: {  	v5 =	vadd.f32 v5, v6;
	_ =	sdelay $0x1  }
0x1be: {  	(xrf2) =	vadd.scan.msk.f32 $0xffff, v5;
	_ =	sdelay $0x9  }
0x1bf: {  	v5, _, _ =	vpop (xrf2)  }
0x1c0: {  	v5 =	vperm.xlane v5, v4  }
0x1c1: {  	vm0 =	veq.s32 v8, v0  }
0x1c2: {  	v5 =	vsel vm0, v5, v7  }
0x1c3: {  	v5 =	vmul.f32 $5.000000000e-01, v5;
	_ =	sdelay $0x1  }
0x1c4: {  	[tilespmem:s30+$0x1E400] =	vst v5  }
0x1c5: {  	s28 =	simm.s32 $0x6070;
	v11 =	vld [tilespmem:s22+$0x630]  }
0x1c6: {  	s9 =	simm.s32 $0x2070;
	v6 =	vld [tilespmem:s28+$0xFFFFFFF0]  }
0x1c7: {  	s10 =	simm.s32 $0x4070;
	v19 =	vld [tilespmem:s9+$0x0]  }
0x1c8: {  	s11 =	simm.s32 $0x8070;
	v20 =	vld [tilespmem:s10+$0x0]  }
0x1c9: {  	v5 =	vld [tilespmem:s11+$0x0]  }
0x1ca: {  	v9 =	vld [tilespmem:s28+$0xFFFFFFE0]  }
0x1cb: {  	v23 =	vld [tilespmem:s9+$0xFFFFFFF0]  }
0x1cc: {  	v25 =	vld [tilespmem:s10+$0xFFFFFFF0]  }
0x1cd: {  	v10 =	vld [tilespmem:s11+$0xFFFFFFF0]  }
0x1ce: {  	v12 =	vld [tilespmem:s28+$0xFFFFFFD0]  }
0x1cf: {  	v26 =	vld [tilespmem:s9+$0xFFFFFFE0]  }
0x1d0: {  	v27 =	vld [tilespmem:s10+$0xFFFFFFE0]  }
0x1d1: {  	v13 =	vld [tilespmem:s11+$0xFFFFFFE0]  }
0x1d2: {  	v14 =	vld [tilespmem:s9+$0xFFFFFFD0]  }
0x1d3: {  	v15 =	vld [tilespmem:s10+$0xFFFFFFD0]  }
0x1d4: {  	v16 =	vld [tilespmem:s11+$0xFFFFFFD0]  }
0x1d5: {  	s7 =	simm.s32 $0xC070;
	v17 =	vld [tilespmem:s28+$0xFFFFFFC0]  }
0x1d6: {  	v18 =	vld [tilespmem:s7+$0xFFFFFFC0]  }
0x1d7: {  	v21 =	vld [tilespmem:s28+$0xFFFFFFB0]  }
0x1d8: {  	v32 =	vld [tilespmem:s9+$0xFFFFFFC0]  }
0x1d9: {  	v33 =	vld [tilespmem:s10+$0xFFFFFFC0]  }
0x1da: {  	s8 =	simm.s32 $0xA070;
	v22 =	vld [tilespmem:s11+$0xFFFFFFC0]  }
0x1db: {  	v24 =	vld [tilespmem:s8+$0xFFFFFFC0]  }
0x1dc: {  	v28 =	vld [tilespmem:s28+$0xFFFFFFA0]  }
0x1dd: {  	v29 =	vld [tilespmem:s9+$0xFFFFFFB0]  }
0x1de: {  	v30 =	vld [tilespmem:s10+$0xFFFFFFB0]  }
0x1df: {  	v31 =	vld [tilespmem:s11+$0xFFFFFFB0]  }
0x1e0: {  	v34 =	vld [tilespmem:s28+$0xFFFFFF90]  }
0x1e1: {  	v35 =	vld [tilespmem:s9+$0xFFFFFFA0]  }
0x1e2: {  	s12 =	simm.s32 $0x0;
	v36 =	vld [tilespmem:s10+$0xFFFFFFA0]  }
0x1e3: {  	v8 =	vmov s12;
	s12 =	simm.s32 $0x1;
	v7 =	vimm.f32 $0.0e+00;
	s30 =	sor.u32 $0x30, s22;
	v37 =	vld [tilespmem:s11+$0xFFFFFFA0]  }
.LBB2_9:
0x1e4: {  	p0 =	sne.s32 s12, $0xF;
	v38 =	vperm.xlane v11, v8;
	v39 =	vld [tilespmem:s9+$0xFFFFFF90]  }
0x1e5: {  	v40 =	vld [tilespmem:s10+$0xFFFFFF90]  }
0x1e6: {  	v38 =	vshll.u32 v38, $0x6;
	v41 =	vld [tilespmem:s11+$0xFFFFFF90]  }
0x1e7: {  	v42 =	vld [tilespmem:s8+$0xFFFFFF90];
	v43 =	vor.u32 v0, v38  }
0x1e8: {  	v44 =	vld [tilespmem:s8+$0xFFFFFFA0]  }
0x1e9: {  	v46 =	vor.u32 v1, v38;
	v45 =	vld [tilespmem:s7+$0xFFFFFF90]  }
0x1ea: {  	v23 =	vmul.f32 v25, v23;
	v25 =	vmul.f32 v20, v19;
	v47 =	vld [tilespmem:s8+$0xFFFFFFB0]  }
0x1eb: {  	v32 =	vmul.f32 v33, v32;
	v26 =	vmul.f32 v27, v26;
	v20 =	vor.u32 v2, v38;
	v19 =	vld [tilespmem:s7+$0xFFFFFFA0]  }
0x1ec: {  	v27 =	vmul.f32 v40, v39;
	v33 =	vmul.f32 v42, v41;
	v39 =	vld.idx.msk [tilespmem:v43+s14+$0x0], $0xffff  }
0x1ed: {  	v35 =	vmul.f32 v36, v35;
	v38 =	vor.u32 v3, v38;
	v36 =	vmul.f32 v44, v37;
	v37 =	vld [tilespmem:s7+$0xFFFFFFB0]  }
0x1ee: {  	v27 =	vmul.f32 v34, v27;
	v33 =	vmul.f32 v45, v33;
	v34 =	vld.idx.msk [tilespmem:v46+s14+$0x0], $0xffff  }
0x1ef: {  	v29 =	vmul.f32 v30, v29;
	v30 =	vmul.f32 v47, v31;
	v31 =	vld [tilespmem:s8+$0xFFFFFFD0]  }
0x1f0: {  	v28 =	vmul.f32 v28, v35;
	v27 =	vadd.f32 v33, v27;
	v19 =	vmul.f32 v19, v36;
	v20 =	vld.idx.msk [tilespmem:v20+s14+$0x0], $0xffff  }
0x1f1: {  	v22 =	vmul.f32 v24, v22;
	v21 =	vmul.f32 v21, v29;
	v24 =	vld [tilespmem:s8+$0xFFFFFFE0]  }
0x1f2: {  	v27 =	vmul.f32 v27, v39;
	v19 =	vadd.f32 v19, v28;
	v28 =	vmul.f32 v37, v30;
	v29 =	vld.idx.msk [tilespmem:v38+s14+$0x0], $0xffff  }
0x1f3: {  	v17 =	vmul.f32 v17, v32;
	v18 =	vmul.f32 v18, v22;
	v22 =	vld [tilespmem:s7+$0xFFFFFFD0]  }
0x1f4: {  	v27 =	vadd.f32 $0.0e+00, v27;
	v19 =	vmul.f32 v19, v34;
	v21 =	vadd.f32 v28, v21;
	v28 =	vld [tilespmem:s8+$0xFFFFFFF0]  }
0x1f5: {  	v14 =	vmul.f32 v15, v14;
	v15 =	vmul.f32 v31, v16;
	v16 =	vld [tilespmem:s7+$0xFFFFFFE0]  }
0x1f6: {  	v17 =	vadd.f32 v18, v17;
	v19 =	vadd.f32 v19, v27;
	v20 =	vmul.f32 v21, v20;
	v18 =	vld [tilespmem:s8+$0x0]  }
0x1f7: {  	v12 =	vmul.f32 v12, v14;
	v13 =	vmul.f32 v24, v13;
	v14 =	vld [tilespmem:s7+$0xFFFFFFF0]  }
0x1f8: {  	v17 =	vmul.f32 v17, v29;
	v19 =	vadd.f32 v20, v19;
	v15 =	vmul.f32 v22, v15;
	v21 =	vld [tilespmem:s28+$0x0]  }
0x1f9: {  	v9 =	vmul.f32 v9, v26;
	s28 =	sadd.s32 $0x80, s28;
	v10 =	vmul.f32 v28, v10;
	v22 =	vld [tilespmem:s7+$0x0]  }
0x1fa: {  	s9 =	sadd.s32 $0x80, s9;
	v24 =	vld [tilespmem:s28+$0xFFFFFFF0];
	v17 =	vadd.f32 v17, v19;
	v12 =	vadd.f32 v15, v12;
	v13 =	vmul.f32 v16, v13  }
0x1fb: {  	s10 =	sadd.s32 $0x80, s10;
	v6 =	vmul.f32 v6, v23;
	v19 =	vld [tilespmem:s9+$0x0];
	v15 =	vmul.f32 v18, v5  }
0x1fc: {  	s11 =	sadd.s32 $0x80, s11;
	v20 =	vld [tilespmem:s10+$0x0];
	v12 =	vadd.f32 v12, v17;
	v13 =	vadd.f32 v13, v9;
	v10 =	vmul.f32 v14, v10  }
0x1fd: {  	v5 =	vld [tilespmem:s11+$0x0];
	v14 =	vmul.f32 v21, v25  }
0x1fe: {  	v9 =	vld [tilespmem:s28+$0xFFFFFFE0];
	v12 =	vadd.f32 v13, v12;
	v10 =	vadd.f32 v10, v6;
	v13 =	vmul.f32 v22, v15  }
0x1ff: {  	v23 =	vld [tilespmem:s9+$0xFFFFFFF0];
	v6 =	vmov v24  }
0x200: {  	v25 =	vld [tilespmem:s10+$0xFFFFFFF0];
	v15 =	vadd.f32 v10, v12;
	v13 =	vadd.f32 v13, v14  }
0x201: {  	v10 =	vld [tilespmem:s11+$0xFFFFFFF0]  }
0x202: {  	v12 =	vld [tilespmem:s28+$0xFFFFFFD0];
	v13 =	vadd.f32 v13, v15  }
0x203: {  	v26 =	vld [tilespmem:s9+$0xFFFFFFE0]  }
0x204: {  	v27 =	vld [tilespmem:s10+$0xFFFFFFE0];
	(xrf2) =	vadd.scan.msk.f32 $0xffff, v13  }
0x205: {  	v13 =	vld [tilespmem:s11+$0xFFFFFFE0]  }
0x206: {  	v14 =	vld [tilespmem:s9+$0xFFFFFFD0]  }
0x207: {  	v15 =	vld [tilespmem:s10+$0xFFFFFFD0]  }
0x208: {  	v16 =	vld [tilespmem:s11+$0xFFFFFFD0]  }
0x209: {  	s7 =	sadd.s32 $0x80, s7;
	v17 =	vld [tilespmem:s28+$0xFFFFFFC0]  }
0x20a: {  	v18 =	vld [tilespmem:s7+$0xFFFFFFC0]  }
0x20b: {  	v21 =	vld [tilespmem:s28+$0xFFFFFFB0]  }
0x20c: {  	v32 =	vld [tilespmem:s9+$0xFFFFFFC0]  }
0x20d: {  	v33 =	vld [tilespmem:s10+$0xFFFFFFC0]  }
0x20e: {  	s8 =	sadd.s32 $0x80, s8;
	v22 =	vld [tilespmem:s11+$0xFFFFFFC0];
	v28, _, _ =	vpop (xrf2)  }
0x20f: {  	v24 =	vld [tilespmem:s8+$0xFFFFFFC0];
	v30 =	vperm.xlane v28, v4  }
0x210: {  	vm0 =	veq.s32 v8, v0;
	v28 =	vld [tilespmem:s28+$0xFFFFFFA0]  }
0x211: {  	v29 =	vld [tilespmem:s9+$0xFFFFFFB0];
	v7 =	vsel vm0, v30, v7  }
0x212: {  	v30 =	vld [tilespmem:s10+$0xFFFFFFB0]  }
.Ltmp5:
0x213: {  	v31 =	vld [tilespmem:s11+$0xFFFFFFB0];
	(pc) =	sbr.rel @p0 .LBB2_9-.Ltmp5, $4  }
0x214: {  	v34 =	vld [tilespmem:s28+$0xFFFFFF90]  }
0x215: {  	v35 =	vld [tilespmem:s9+$0xFFFFFFA0]  }
0x216: {  	v36 =	vld [tilespmem:s10+$0xFFFFFFA0]  }
0x217: {  	v8 =	vmov s12;
	s12 =	sadd.s32 $0x1, s12;
	v37 =	vld [tilespmem:s11+$0xFFFFFFA0]  }
0x218: {  	v38 =	vld [tilespmem:s9+$0xFFFFFF90]  }
0x219: {  	v11 =	vperm.xlane v11, v8;
	v39 =	vld [tilespmem:s10+$0xFFFFFF90]  }
0x21a: {  	v40 =	vld [tilespmem:s11+$0xFFFFFF90]  }
0x21b: {  	v41 =	vld [tilespmem:s8+$0xFFFFFF90];
	v11 =	vshll.u32 v11, $0x6  }
0x21c: {  	v43 =	vld [tilespmem:s8+$0xFFFFFFA0];
	v42 =	vor.u32 v0, v11  }
0x21d: {  	v44 =	vld [tilespmem:s7+$0xFFFFFF90];
	v23 =	vmul.f32 v25, v23  }
0x21e: {  	v46 =	vld [tilespmem:s8+$0xFFFFFFB0];
	v19 =	vmul.f32 v20, v19;
	v32 =	vmul.f32 v33, v32;
	v45 =	vor.u32 v1, v11  }
0x21f: {  	v20 =	vld [tilespmem:s7+$0xFFFFFFA0];
	v26 =	vmul.f32 v27, v26;
	v22 =	vmul.f32 v24, v22  }
0x220: {  	v62 =	vld [tilespmem:s7+$0xFFFFFFB0];
	v25 =	vor.u32 v2, v11;
	v27 =	vmul.f32 v39, v38;
	v59 =	vmul.f32 v41, v40  }
0x221: {  	v35 =	vmul.f32 v36, v35;
	v61 =	vmul.f32 v43, v37;
	v60 =	vld.idx.msk [tilespmem:v42+s14+$0x0], $0xffff  }
0x222: {  	v24 =	vld [tilespmem:s8+$0xFFFFFFE0];
	v11 =	vor.u32 v3, v11;
	v27 =	vmul.f32 v34, v27;
	v33 =	vmul.f32 v44, v59  }
0x223: {  	v29 =	vmul.f32 v30, v29;
	v30 =	vmul.f32 v46, v31;
	v63 =	vld.idx.msk [tilespmem:v45+s14+$0x0], $0xffff  }
0x224: {  	v31 =	vld [tilespmem:s8+$0xFFFFFFD0];
	v28 =	vmul.f32 v28, v35;
	v20 =	vmul.f32 v20, v61;
	v27 =	vadd.f32 v33, v27  }
0x225: {  	v21 =	vmul.f32 v21, v29;
	v18 =	vmul.f32 v18, v22;
	v25 =	vld.idx.msk [tilespmem:v25+s14+$0x0], $0xffff  }
0x226: {  	v22 =	vld [tilespmem:s7+$0xFFFFFFD0];
	v20 =	vadd.f32 v20, v28;
	v28 =	vmul.f32 v62, v30;
	v27 =	vmul.f32 v27, v60  }
0x227: {  	v14 =	vmul.f32 v15, v14;
	v17 =	vmul.f32 v17, v32;
	v11 =	vld.idx.msk [tilespmem:v11+s14+$0x0], $0xffff  }
0x228: {  	v21 =	vadd.f32 v28, v21;
	v28 =	vld [tilespmem:s8+$0xFFFFFFF0];
	v20 =	vmul.f32 v20, v63;
	v27 =	vadd.f32 $0.0e+00, v27  }
0x229: {  	v12 =	vmul.f32 v12, v14;
	v15 =	vmul.f32 v31, v16;
	v16 =	vld [tilespmem:s7+$0xFFFFFFE0]  }
0x22a: {  	v14 =	vld [tilespmem:s7+$0xFFFFFFF0];
	v17 =	vadd.f32 v18, v17;
	v21 =	vmul.f32 v21, v25;
	v20 =	vadd.f32 v20, v27  }
0x22b: {  	v18 =	vld [tilespmem:s8+$0x0];
	v13 =	vmul.f32 v24, v13  }
0x22c: {  	v15 =	vmul.f32 v22, v15;
	v11 =	vmul.f32 v17, v11;
	v17 =	vld [tilespmem:s28+$0x0];
	v20 =	vadd.f32 v21, v20  }
0x22d: {  	v9 =	vmul.f32 v9, v26;
	v10 =	vmul.f32 v28, v10;
	v21 =	vld [tilespmem:s7+$0x0]  }
0x22e: {  	v12 =	vadd.f32 v15, v12;
	v13 =	vmul.f32 v16, v13;
	v11 =	vadd.f32 v11, v20  }
0x22f: {  	v6 =	vmul.f32 v6, v23;
	v10 =	vmul.f32 v14, v10  }
0x230: {  	v5 =	vmul.f32 v18, v5;
	v9 =	vadd.f32 v13, v9;
	v11 =	vadd.f32 v12, v11  }
0x231: {  	v6 =	vadd.f32 v10, v6  }
0x232: {  	v12 =	vmul.f32 v17, v19;
	v5 =	vmul.f32 v21, v5;
	v9 =	vadd.f32 v9, v11;
	_ =	sdelay $0x1  }
0x233: {  	v5 =	vadd.f32 v5, v12;
	v6 =	vadd.f32 v6, v9;
	_ =	sdelay $0x1  }
0x234: {  	v5 =	vadd.f32 v5, v6;
	_ =	sdelay $0x1  }
0x235: {  	(xrf2) =	vadd.scan.msk.f32 $0xffff, v5;
	_ =	sdelay $0x9  }
0x236: {  	v5, _, _ =	vpop (xrf2)  }
0x237: {  	v5 =	vperm.xlane v5, v4  }
0x238: {  	vm0 =	veq.s32 v8, v0  }
0x239: {  	v5 =	vsel vm0, v5, v7  }
0x23a: {  	v5 =	vmul.f32 $5.000000000e-01, v5  }
0x23b: {  	p0 =	seq.s32 s25, $0x3  }
0x23c: {  	s9 =	simm.s32 @!p0 $0x800;
	s8 =	simm.s32 @!p0 $0x40;
	s7 =	sadd.s32 @!p0 $0x80, s22;
	[tilespmem:s30+$0x1E400] =	vst v5  }
0x23d: {  	[tilespmem:s9], [sflag:$0x1] =	stream.indirect.gather @!p0 [hbm4b:s1+s8], $0x80, s7, s8, $0xb8;
	[tilespmem:$0x1E600] =	vst v63  }
0x23e: {  	s10 =	simm.s32 @!p0 $0x2800;
	s9 =	sadd.s32 @!p0 $0x280, s22  }
0x23f: {  	[tilespmem:s10], [sflag:$0x1] =	stream.indirect.gather @!p0 [hbm4b:s3+s8], $0x80, s9, s8, $0xb8;
	[tilespmem:$0x1E600] =	vst v63  }
0x240: {  	s11 =	simm.s32 @!p0 $0x4800;
	s10 =	sadd.s32 @!p0 $0x480, s22  }
0x241: {  	[tilespmem:s11], [sflag:$0x1] =	stream.indirect.gather @!p0 [hbm4b:s2+s8], $0x80, s10, s8, $0xb8;
	[tilespmem:$0x1E600] =	vst v63  }
0x242: {  	s11 =	simm.s32 @!p0 $0x6800  }
0x243: {  	[tilespmem:s11], [sflag:$0x1] =	stream.indirect.gather @!p0 [hbm4b:s1+s8], $0x80, s10, s8, $0xb8;
	[tilespmem:$0x1E600] =	vst v63  }
0x244: {  	s10 =	simm.s32 @!p0 $0x8800  }
0x245: {  	[tilespmem:s10], [sflag:$0x1] =	stream.indirect.gather @!p0 [hbm4b:s4+s8], $0x80, s9, s8, $0xb8;
	[tilespmem:$0x1E600] =	vst v63  }
0x246: {  	s9 =	simm.s32 @!p0 $0xA800  }
0x247: {  	[tilespmem:s9], [sflag:$0x1] =	stream.indirect.gather @!p0 [hbm4b:s2+s8], $0x80, s7, s8, $0xb8;
	[tilespmem:$0x1E600] =	vst v63  }
0x248: {  	_ =	swait.ge [sflag:s21], $0x2000  }
0x249: {  	[sflag:s21] =	ssyncset.done $0x0  }
0x24a: {  	[sflag:s21] =	ssyncadd.s32 $0xFFFFE000  }
0x24b: {  	_ =	swait.ge [sflag:s21], $0x2000  }
0x24c: {  	[sflag:s21] =	ssyncset.done $0x0  }
0x24d: {  	[sflag:s21] =	ssyncadd.s32 $0xFFFFE000  }
0x24e: {  	_ =	swait.ge [sflag:s21], $0x2000  }
0x24f: {  	[sflag:s21] =	ssyncset.done $0x0  }
0x250: {  	[sflag:s21] =	ssyncadd.s32 $0xFFFFE000  }
0x251: {  	_ =	swait.ge [sflag:s21], $0x2000  }
0x252: {  	[sflag:s21] =	ssyncset.done $0x0  }
0x253: {  	[sflag:s21] =	ssyncadd.s32 $0xFFFFE000  }
0x254: {  	_ =	swait.ge [sflag:s21], $0x2000  }
0x255: {  	[sflag:s21] =	ssyncset.done $0x0  }
0x256: {  	[sflag:s21] =	ssyncadd.s32 $0xFFFFE000  }
0x257: {  	_ =	swait.ge [sflag:s21], $0x2000  }
0x258: {  	[sflag:s21] =	ssyncset.done $0x0  }
0x259: {  	[sflag:s21] =	ssyncadd.s32 $0xFFFFE000  }
0x25a: {  	s28 =	simm.s32 $0x10840;
	v11 =	vld [tilespmem:s22+$0x640]  }
0x25b: {  	s9 =	simm.s32 $0xC840;
	v6 =	vld [tilespmem:s28+$0x20]  }
0x25c: {  	s10 =	simm.s32 $0xE840;
	v19 =	vld [tilespmem:s9+$0x30]  }
0x25d: {  	s11 =	simm.s32 $0x12840;
	v20 =	vld [tilespmem:s10+$0x30]  }
0x25e: {  	v5 =	vld [tilespmem:s11+$0x30]  }
0x25f: {  	v9 =	vld [tilespmem:s28+$0x10]  }
0x260: {  	v23 =	vld [tilespmem:s9+$0x20]  }
0x261: {  	v25 =	vld [tilespmem:s10+$0x20]  }
0x262: {  	v10 =	vld [tilespmem:s11+$0x20]  }
0x263: {  	v12 =	vld [tilespmem:s28+$0x0]  }
0x264: {  	v26 =	vld [tilespmem:s9+$0x10]  }
0x265: {  	v27 =	vld [tilespmem:s10+$0x10]  }
0x266: {  	v13 =	vld [tilespmem:s11+$0x10]  }
0x267: {  	v14 =	vld [tilespmem:s9+$0x0]  }
0x268: {  	v15 =	vld [tilespmem:s10+$0x0]  }
0x269: {  	v16 =	vld [tilespmem:s11+$0x0]  }
0x26a: {  	s7 =	simm.s32 $0x16840;
	v17 =	vld [tilespmem:s28+$0xFFFFFFF0]  }
0x26b: {  	v18 =	vld [tilespmem:s7+$0xFFFFFFF0]  }
0x26c: {  	v21 =	vld [tilespmem:s28+$0xFFFFFFE0]  }
0x26d: {  	v32 =	vld [tilespmem:s9+$0xFFFFFFF0]  }
0x26e: {  	v33 =	vld [tilespmem:s10+$0xFFFFFFF0]  }
0x26f: {  	s8 =	simm.s32 $0x14840;
	v22 =	vld [tilespmem:s11+$0xFFFFFFF0]  }
0x270: {  	v24 =	vld [tilespmem:s8+$0xFFFFFFF0]  }
0x271: {  	v28 =	vld [tilespmem:s28+$0xFFFFFFD0]  }
0x272: {  	v29 =	vld [tilespmem:s9+$0xFFFFFFE0]  }
0x273: {  	v30 =	vld [tilespmem:s10+$0xFFFFFFE0]  }
0x274: {  	v31 =	vld [tilespmem:s11+$0xFFFFFFE0]  }
0x275: {  	v34 =	vld [tilespmem:s28+$0xFFFFFFC0]  }
0x276: {  	v35 =	vld [tilespmem:s9+$0xFFFFFFD0]  }
0x277: {  	s12 =	simm.s32 $0x0;
	v36 =	vld [tilespmem:s10+$0xFFFFFFD0]  }
0x278: {  	v8 =	vmov s12;
	s12 =	simm.s32 $0x1;
	v7 =	vimm.f32 $0.0e+00;
	s30 =	sor.u32 $0x40, s22;
	v37 =	vld [tilespmem:s11+$0xFFFFFFD0]  }
.LBB2_11:
0x279: {  	p1 =	sne.s32 s12, $0xF;
	v38 =	vperm.xlane v11, v8;
	v39 =	vld [tilespmem:s9+$0xFFFFFFC0]  }
0x27a: {  	v40 =	vld [tilespmem:s10+$0xFFFFFFC0]  }
0x27b: {  	v38 =	vshll.u32 v38, $0x6;
	v41 =	vld [tilespmem:s11+$0xFFFFFFC0]  }
0x27c: {  	v42 =	vld [tilespmem:s8+$0xFFFFFFC0];
	v43 =	vor.u32 v0, v38  }
0x27d: {  	v44 =	vld [tilespmem:s8+$0xFFFFFFD0]  }
0x27e: {  	v46 =	vor.u32 v1, v38;
	v45 =	vld [tilespmem:s7+$0xFFFFFFC0]  }
0x27f: {  	v23 =	vmul.f32 v25, v23;
	v25 =	vmul.f32 v20, v19;
	v47 =	vld [tilespmem:s8+$0xFFFFFFE0]  }
0x280: {  	v32 =	vmul.f32 v33, v32;
	v26 =	vmul.f32 v27, v26;
	v20 =	vor.u32 v2, v38;
	v19 =	vld [tilespmem:s7+$0xFFFFFFD0]  }
0x281: {  	v27 =	vmul.f32 v40, v39;
	v33 =	vmul.f32 v42, v41;
	v39 =	vld.idx.msk [tilespmem:v43+s14+$0x0], $0xffff  }
0x282: {  	v35 =	vmul.f32 v36, v35;
	v38 =	vor.u32 v3, v38;
	v36 =	vmul.f32 v44, v37;
	v37 =	vld [tilespmem:s7+$0xFFFFFFE0]  }
0x283: {  	v27 =	vmul.f32 v34, v27;
	v33 =	vmul.f32 v45, v33;
	v34 =	vld.idx.msk [tilespmem:v46+s14+$0x0], $0xffff  }
0x284: {  	v29 =	vmul.f32 v30, v29;
	v30 =	vmul.f32 v47, v31;
	v31 =	vld [tilespmem:s8+$0x0]  }
0x285: {  	v28 =	vmul.f32 v28, v35;
	v27 =	vadd.f32 v33, v27;
	v19 =	vmul.f32 v19, v36;
	v20 =	vld.idx.msk [tilespmem:v20+s14+$0x0], $0xffff  }
0x286: {  	v22 =	vmul.f32 v24, v22;
	v21 =	vmul.f32 v21, v29;
	v24 =	vld [tilespmem:s8+$0x10]  }
0x287: {  	v27 =	vmul.f32 v27, v39;
	v19 =	vadd.f32 v19, v28;
	v28 =	vmul.f32 v37, v30;
	v29 =	vld.idx.msk [tilespmem:v38+s14+$0x0], $0xffff  }
0x288: {  	v17 =	vmul.f32 v17, v32;
	v18 =	vmul.f32 v18, v22;
	v22 =	vld [tilespmem:s7+$0x0]  }
0x289: {  	v27 =	vadd.f32 $0.0e+00, v27;
	v19 =	vmul.f32 v19, v34;
	v21 =	vadd.f32 v28, v21;
	v28 =	vld [tilespmem:s8+$0x20]  }
0x28a: {  	v14 =	vmul.f32 v15, v14;
	v15 =	vmul.f32 v31, v16;
	v16 =	vld [tilespmem:s7+$0x10]  }
0x28b: {  	v17 =	vadd.f32 v18, v17;
	v19 =	vadd.f32 v19, v27;
	v20 =	vmul.f32 v21, v20;
	v18 =	vld [tilespmem:s8+$0x30]  }
0x28c: {  	v12 =	vmul.f32 v12, v14;
	v13 =	vmul.f32 v24, v13;
	v14 =	vld [tilespmem:s7+$0x20]  }
0x28d: {  	v17 =	vmul.f32 v17, v29;
	v19 =	vadd.f32 v20, v19;
	v15 =	vmul.f32 v22, v15;
	v21 =	vld [tilespmem:s28+$0x30]  }
0x28e: {  	v9 =	vmul.f32 v9, v26;
	s28 =	sadd.s32 $0x80, s28;
	v10 =	vmul.f32 v28, v10;
	v22 =	vld [tilespmem:s7+$0x30]  }
0x28f: {  	s9 =	sadd.s32 $0x80, s9;
	v24 =	vld [tilespmem:s28+$0x20];
	v17 =	vadd.f32 v17, v19;
	v12 =	vadd.f32 v15, v12;
	v13 =	vmul.f32 v16, v13  }
0x290: {  	s10 =	sadd.s32 $0x80, s10;
	v6 =	vmul.f32 v6, v23;
	v19 =	vld [tilespmem:s9+$0x30];
	v15 =	vmul.f32 v18, v5  }
0x291: {  	s11 =	sadd.s32 $0x80, s11;
	v20 =	vld [tilespmem:s10+$0x30];
	v12 =	vadd.f32 v12, v17;
	v13 =	vadd.f32 v13, v9;
	v10 =	vmul.f32 v14, v10  }
0x292: {  	v5 =	vld [tilespmem:s11+$0x30];
	v14 =	vmul.f32 v21, v25  }
0x293: {  	v9 =	vld [tilespmem:s28+$0x10];
	v12 =	vadd.f32 v13, v12;
	v10 =	vadd.f32 v10, v6;
	v13 =	vmul.f32 v22, v15  }
0x294: {  	v23 =	vld [tilespmem:s9+$0x20];
	v6 =	vmov v24  }
0x295: {  	v25 =	vld [tilespmem:s10+$0x20];
	v15 =	vadd.f32 v10, v12;
	v13 =	vadd.f32 v13, v14  }
0x296: {  	v10 =	vld [tilespmem:s11+$0x20]  }
0x297: {  	v12 =	vld [tilespmem:s28+$0x0];
	v13 =	vadd.f32 v13, v15  }
0x298: {  	v26 =	vld [tilespmem:s9+$0x10]  }
0x299: {  	v27 =	vld [tilespmem:s10+$0x10];
	(xrf2) =	vadd.scan.msk.f32 $0xffff, v13  }
0x29a: {  	v13 =	vld [tilespmem:s11+$0x10]  }
0x29b: {  	v14 =	vld [tilespmem:s9+$0x0]  }
0x29c: {  	v15 =	vld [tilespmem:s10+$0x0]  }
0x29d: {  	v16 =	vld [tilespmem:s11+$0x0]  }
0x29e: {  	s7 =	sadd.s32 $0x80, s7;
	v17 =	vld [tilespmem:s28+$0xFFFFFFF0]  }
0x29f: {  	v18 =	vld [tilespmem:s7+$0xFFFFFFF0]  }
0x2a0: {  	v21 =	vld [tilespmem:s28+$0xFFFFFFE0]  }
0x2a1: {  	v32 =	vld [tilespmem:s9+$0xFFFFFFF0]  }
0x2a2: {  	v33 =	vld [tilespmem:s10+$0xFFFFFFF0]  }
0x2a3: {  	s8 =	sadd.s32 $0x80, s8;
	v22 =	vld [tilespmem:s11+$0xFFFFFFF0];
	v28, _, _ =	vpop (xrf2)  }
0x2a4: {  	v24 =	vld [tilespmem:s8+$0xFFFFFFF0];
	v30 =	vperm.xlane v28, v4  }
0x2a5: {  	vm0 =	veq.s32 v8, v0;
	v28 =	vld [tilespmem:s28+$0xFFFFFFD0]  }
0x2a6: {  	v29 =	vld [tilespmem:s9+$0xFFFFFFE0];
	v7 =	vsel vm0, v30, v7  }
0x2a7: {  	v30 =	vld [tilespmem:s10+$0xFFFFFFE0]  }
.Ltmp6:
0x2a8: {  	v31 =	vld [tilespmem:s11+$0xFFFFFFE0];
	(pc) =	sbr.rel @p1 .LBB2_11-.Ltmp6, $4  }
0x2a9: {  	v34 =	vld [tilespmem:s28+$0xFFFFFFC0]  }
0x2aa: {  	v35 =	vld [tilespmem:s9+$0xFFFFFFD0]  }
0x2ab: {  	v36 =	vld [tilespmem:s10+$0xFFFFFFD0]  }
0x2ac: {  	v8 =	vmov s12;
	s12 =	sadd.s32 $0x1, s12;
	v37 =	vld [tilespmem:s11+$0xFFFFFFD0]  }
0x2ad: {  	v38 =	vld [tilespmem:s9+$0xFFFFFFC0]  }
0x2ae: {  	v11 =	vperm.xlane v11, v8;
	v39 =	vld [tilespmem:s10+$0xFFFFFFC0]  }
0x2af: {  	v40 =	vld [tilespmem:s11+$0xFFFFFFC0]  }
0x2b0: {  	v41 =	vld [tilespmem:s8+$0xFFFFFFC0];
	v11 =	vshll.u32 v11, $0x6  }
0x2b1: {  	v43 =	vld [tilespmem:s8+$0xFFFFFFD0];
	v42 =	vor.u32 v0, v11  }
0x2b2: {  	v44 =	vld [tilespmem:s7+$0xFFFFFFC0];
	v23 =	vmul.f32 v25, v23  }
0x2b3: {  	v46 =	vld [tilespmem:s8+$0xFFFFFFE0];
	v19 =	vmul.f32 v20, v19;
	v32 =	vmul.f32 v33, v32;
	v45 =	vor.u32 v1, v11  }
0x2b4: {  	v20 =	vld [tilespmem:s7+$0xFFFFFFD0];
	v26 =	vmul.f32 v27, v26;
	v22 =	vmul.f32 v24, v22  }
0x2b5: {  	v62 =	vld [tilespmem:s7+$0xFFFFFFE0];
	v25 =	vor.u32 v2, v11;
	v27 =	vmul.f32 v39, v38;
	v59 =	vmul.f32 v41, v40  }
0x2b6: {  	v35 =	vmul.f32 v36, v35;
	v61 =	vmul.f32 v43, v37;
	v60 =	vld.idx.msk [tilespmem:v42+s14+$0x0], $0xffff  }
0x2b7: {  	v24 =	vld [tilespmem:s8+$0x10];
	v11 =	vor.u32 v3, v11;
	v27 =	vmul.f32 v34, v27;
	v33 =	vmul.f32 v44, v59  }
0x2b8: {  	v29 =	vmul.f32 v30, v29;
	v30 =	vmul.f32 v46, v31;
	v63 =	vld.idx.msk [tilespmem:v45+s14+$0x0], $0xffff  }
0x2b9: {  	v31 =	vld [tilespmem:s8+$0x0];
	v28 =	vmul.f32 v28, v35;
	v20 =	vmul.f32 v20, v61;
	v27 =	vadd.f32 v33, v27  }
0x2ba: {  	v21 =	vmul.f32 v21, v29;
	v18 =	vmul.f32 v18, v22;
	v25 =	vld.idx.msk [tilespmem:v25+s14+$0x0], $0xffff  }
0x2bb: {  	v22 =	vld [tilespmem:s7+$0x0];
	v20 =	vadd.f32 v20, v28;
	v28 =	vmul.f32 v62, v30;
	v27 =	vmul.f32 v27, v60  }
0x2bc: {  	v14 =	vmul.f32 v15, v14;
	v17 =	vmul.f32 v17, v32;
	v11 =	vld.idx.msk [tilespmem:v11+s14+$0x0], $0xffff  }
0x2bd: {  	v21 =	vadd.f32 v28, v21;
	v28 =	vld [tilespmem:s8+$0x20];
	v20 =	vmul.f32 v20, v63;
	v27 =	vadd.f32 $0.0e+00, v27  }
0x2be: {  	v12 =	vmul.f32 v12, v14;
	v15 =	vmul.f32 v31, v16;
	v16 =	vld [tilespmem:s7+$0x10]  }
0x2bf: {  	v14 =	vld [tilespmem:s7+$0x20];
	v17 =	vadd.f32 v18, v17;
	v21 =	vmul.f32 v21, v25;
	v20 =	vadd.f32 v20, v27  }
0x2c0: {  	v18 =	vld [tilespmem:s8+$0x30];
	v13 =	vmul.f32 v24, v13  }
0x2c1: {  	v15 =	vmul.f32 v22, v15;
	v11 =	vmul.f32 v17, v11;
	v17 =	vld [tilespmem:s28+$0x30];
	v20 =	vadd.f32 v21, v20  }
0x2c2: {  	v9 =	vmul.f32 v9, v26;
	v10 =	vmul.f32 v28, v10;
	v21 =	vld [tilespmem:s7+$0x30]  }
0x2c3: {  	v12 =	vadd.f32 v15, v12;
	v13 =	vmul.f32 v16, v13;
	v11 =	vadd.f32 v11, v20  }
0x2c4: {  	v6 =	vmul.f32 v6, v23;
	v10 =	vmul.f32 v14, v10  }
0x2c5: {  	v5 =	vmul.f32 v18, v5;
	v9 =	vadd.f32 v13, v9;
	v11 =	vadd.f32 v12, v11  }
0x2c6: {  	v6 =	vadd.f32 v10, v6  }
0x2c7: {  	v12 =	vmul.f32 v17, v19;
	v5 =	vmul.f32 v21, v5;
	v9 =	vadd.f32 v9, v11;
	_ =	sdelay $0x1  }
0x2c8: {  	v5 =	vadd.f32 v5, v12;
	v6 =	vadd.f32 v6, v9;
	_ =	sdelay $0x1  }
0x2c9: {  	v5 =	vadd.f32 v5, v6;
	_ =	sdelay $0x1  }
0x2ca: {  	(xrf2) =	vadd.scan.msk.f32 $0xffff, v5;
	_ =	sdelay $0x9  }
0x2cb: {  	v5, _, _ =	vpop (xrf2)  }
0x2cc: {  	v5 =	vperm.xlane v5, v4  }
0x2cd: {  	vm0 =	veq.s32 v8, v0  }
0x2ce: {  	v5 =	vsel vm0, v5, v7  }
0x2cf: {  	v5 =	vmul.f32 $5.000000000e-01, v5;
	_ =	sdelay $0x1  }
0x2d0: {  	[tilespmem:s30+$0x1E400] =	vst v5  }
0x2d1: {  	s28 =	simm.s32 $0x11070;
	v11 =	vld [tilespmem:s22+$0x650]  }
0x2d2: {  	s9 =	simm.s32 $0xD070;
	v6 =	vld [tilespmem:s28+$0xFFFFFFF0]  }
0x2d3: {  	s10 =	simm.s32 $0xF070;
	v19 =	vld [tilespmem:s9+$0x0]  }
0x2d4: {  	s11 =	simm.s32 $0x13070;
	v20 =	vld [tilespmem:s10+$0x0]  }
0x2d5: {  	v5 =	vld [tilespmem:s11+$0x0]  }
0x2d6: {  	v9 =	vld [tilespmem:s28+$0xFFFFFFE0]  }
0x2d7: {  	v23 =	vld [tilespmem:s9+$0xFFFFFFF0]  }
0x2d8: {  	v25 =	vld [tilespmem:s10+$0xFFFFFFF0]  }
0x2d9: {  	v10 =	vld [tilespmem:s11+$0xFFFFFFF0]  }
0x2da: {  	v12 =	vld [tilespmem:s28+$0xFFFFFFD0]  }
0x2db: {  	v26 =	vld [tilespmem:s9+$0xFFFFFFE0]  }
0x2dc: {  	v27 =	vld [tilespmem:s10+$0xFFFFFFE0]  }
0x2dd: {  	v13 =	vld [tilespmem:s11+$0xFFFFFFE0]  }
0x2de: {  	v14 =	vld [tilespmem:s9+$0xFFFFFFD0]  }
0x2df: {  	v15 =	vld [tilespmem:s10+$0xFFFFFFD0]  }
0x2e0: {  	v16 =	vld [tilespmem:s11+$0xFFFFFFD0]  }
0x2e1: {  	s7 =	simm.s32 $0x17070;
	v17 =	vld [tilespmem:s28+$0xFFFFFFC0]  }
0x2e2: {  	v18 =	vld [tilespmem:s7+$0xFFFFFFC0]  }
0x2e3: {  	v21 =	vld [tilespmem:s28+$0xFFFFFFB0]  }
0x2e4: {  	v32 =	vld [tilespmem:s9+$0xFFFFFFC0]  }
0x2e5: {  	v33 =	vld [tilespmem:s10+$0xFFFFFFC0]  }
0x2e6: {  	s8 =	simm.s32 $0x15070;
	v22 =	vld [tilespmem:s11+$0xFFFFFFC0]  }
0x2e7: {  	v24 =	vld [tilespmem:s8+$0xFFFFFFC0]  }
0x2e8: {  	v28 =	vld [tilespmem:s28+$0xFFFFFFA0]  }
0x2e9: {  	v29 =	vld [tilespmem:s9+$0xFFFFFFB0]  }
0x2ea: {  	v30 =	vld [tilespmem:s10+$0xFFFFFFB0]  }
0x2eb: {  	v31 =	vld [tilespmem:s11+$0xFFFFFFB0]  }
0x2ec: {  	v34 =	vld [tilespmem:s28+$0xFFFFFF90]  }
0x2ed: {  	v35 =	vld [tilespmem:s9+$0xFFFFFFA0]  }
0x2ee: {  	s12 =	simm.s32 $0x0;
	v36 =	vld [tilespmem:s10+$0xFFFFFFA0]  }
0x2ef: {  	v8 =	vmov s12;
	s12 =	simm.s32 $0x1;
	v7 =	vimm.f32 $0.0e+00;
	s30 =	sor.u32 $0x50, s22;
	v37 =	vld [tilespmem:s11+$0xFFFFFFA0]  }
.LBB2_13:
0x2f0: {  	p1 =	sne.s32 s12, $0xF;
	v38 =	vperm.xlane v11, v8;
	v39 =	vld [tilespmem:s9+$0xFFFFFF90]  }
0x2f1: {  	v40 =	vld [tilespmem:s10+$0xFFFFFF90]  }
0x2f2: {  	v38 =	vshll.u32 v38, $0x6;
	v41 =	vld [tilespmem:s11+$0xFFFFFF90]  }
0x2f3: {  	v42 =	vld [tilespmem:s8+$0xFFFFFF90];
	v43 =	vor.u32 v0, v38  }
0x2f4: {  	v44 =	vld [tilespmem:s8+$0xFFFFFFA0]  }
0x2f5: {  	v46 =	vor.u32 v1, v38;
	v45 =	vld [tilespmem:s7+$0xFFFFFF90]  }
0x2f6: {  	v23 =	vmul.f32 v25, v23;
	v25 =	vmul.f32 v20, v19;
	v47 =	vld [tilespmem:s8+$0xFFFFFFB0]  }
0x2f7: {  	v32 =	vmul.f32 v33, v32;
	v26 =	vmul.f32 v27, v26;
	v20 =	vor.u32 v2, v38;
	v19 =	vld [tilespmem:s7+$0xFFFFFFA0]  }
0x2f8: {  	v27 =	vmul.f32 v40, v39;
	v33 =	vmul.f32 v42, v41;
	v39 =	vld.idx.msk [tilespmem:v43+s14+$0x0], $0xffff  }
0x2f9: {  	v35 =	vmul.f32 v36, v35;
	v38 =	vor.u32 v3, v38;
	v36 =	vmul.f32 v44, v37;
	v37 =	vld [tilespmem:s7+$0xFFFFFFB0]  }
0x2fa: {  	v27 =	vmul.f32 v34, v27;
	v33 =	vmul.f32 v45, v33;
	v34 =	vld.idx.msk [tilespmem:v46+s14+$0x0], $0xffff  }
0x2fb: {  	v29 =	vmul.f32 v30, v29;
	v30 =	vmul.f32 v47, v31;
	v31 =	vld [tilespmem:s8+$0xFFFFFFD0]  }
0x2fc: {  	v28 =	vmul.f32 v28, v35;
	v27 =	vadd.f32 v33, v27;
	v19 =	vmul.f32 v19, v36;
	v20 =	vld.idx.msk [tilespmem:v20+s14+$0x0], $0xffff  }
0x2fd: {  	v22 =	vmul.f32 v24, v22;
	v21 =	vmul.f32 v21, v29;
	v24 =	vld [tilespmem:s8+$0xFFFFFFE0]  }
0x2fe: {  	v27 =	vmul.f32 v27, v39;
	v19 =	vadd.f32 v19, v28;
	v28 =	vmul.f32 v37, v30;
	v29 =	vld.idx.msk [tilespmem:v38+s14+$0x0], $0xffff  }
0x2ff: {  	v17 =	vmul.f32 v17, v32;
	v18 =	vmul.f32 v18, v22;
	v22 =	vld [tilespmem:s7+$0xFFFFFFD0]  }
0x300: {  	v27 =	vadd.f32 $0.0e+00, v27;
	v19 =	vmul.f32 v19, v34;
	v21 =	vadd.f32 v28, v21;
	v28 =	vld [tilespmem:s8+$0xFFFFFFF0]  }
0x301: {  	v14 =	vmul.f32 v15, v14;
	v15 =	vmul.f32 v31, v16;
	v16 =	vld [tilespmem:s7+$0xFFFFFFE0]  }
0x302: {  	v17 =	vadd.f32 v18, v17;
	v19 =	vadd.f32 v19, v27;
	v20 =	vmul.f32 v21, v20;
	v18 =	vld [tilespmem:s8+$0x0]  }
0x303: {  	v12 =	vmul.f32 v12, v14;
	v13 =	vmul.f32 v24, v13;
	v14 =	vld [tilespmem:s7+$0xFFFFFFF0]  }
0x304: {  	v17 =	vmul.f32 v17, v29;
	v19 =	vadd.f32 v20, v19;
	v15 =	vmul.f32 v22, v15;
	v21 =	vld [tilespmem:s28+$0x0]  }
0x305: {  	v9 =	vmul.f32 v9, v26;
	s28 =	sadd.s32 $0x80, s28;
	v10 =	vmul.f32 v28, v10;
	v22 =	vld [tilespmem:s7+$0x0]  }
0x306: {  	s9 =	sadd.s32 $0x80, s9;
	v24 =	vld [tilespmem:s28+$0xFFFFFFF0];
	v17 =	vadd.f32 v17, v19;
	v12 =	vadd.f32 v15, v12;
	v13 =	vmul.f32 v16, v13  }
0x307: {  	s10 =	sadd.s32 $0x80, s10;
	v6 =	vmul.f32 v6, v23;
	v19 =	vld [tilespmem:s9+$0x0];
	v15 =	vmul.f32 v18, v5  }
0x308: {  	s11 =	sadd.s32 $0x80, s11;
	v20 =	vld [tilespmem:s10+$0x0];
	v12 =	vadd.f32 v12, v17;
	v13 =	vadd.f32 v13, v9;
	v10 =	vmul.f32 v14, v10  }
0x309: {  	v5 =	vld [tilespmem:s11+$0x0];
	v14 =	vmul.f32 v21, v25  }
0x30a: {  	v9 =	vld [tilespmem:s28+$0xFFFFFFE0];
	v12 =	vadd.f32 v13, v12;
	v10 =	vadd.f32 v10, v6;
	v13 =	vmul.f32 v22, v15  }
0x30b: {  	v23 =	vld [tilespmem:s9+$0xFFFFFFF0];
	v6 =	vmov v24  }
0x30c: {  	v25 =	vld [tilespmem:s10+$0xFFFFFFF0];
	v15 =	vadd.f32 v10, v12;
	v13 =	vadd.f32 v13, v14  }
0x30d: {  	v10 =	vld [tilespmem:s11+$0xFFFFFFF0]  }
0x30e: {  	v12 =	vld [tilespmem:s28+$0xFFFFFFD0];
	v13 =	vadd.f32 v13, v15  }
0x30f: {  	v26 =	vld [tilespmem:s9+$0xFFFFFFE0]  }
0x310: {  	v27 =	vld [tilespmem:s10+$0xFFFFFFE0];
	(xrf2) =	vadd.scan.msk.f32 $0xffff, v13  }
0x311: {  	v13 =	vld [tilespmem:s11+$0xFFFFFFE0]  }
0x312: {  	v14 =	vld [tilespmem:s9+$0xFFFFFFD0]  }
0x313: {  	v15 =	vld [tilespmem:s10+$0xFFFFFFD0]  }
0x314: {  	v16 =	vld [tilespmem:s11+$0xFFFFFFD0]  }
0x315: {  	s7 =	sadd.s32 $0x80, s7;
	v17 =	vld [tilespmem:s28+$0xFFFFFFC0]  }
0x316: {  	v18 =	vld [tilespmem:s7+$0xFFFFFFC0]  }
0x317: {  	v21 =	vld [tilespmem:s28+$0xFFFFFFB0]  }
0x318: {  	v32 =	vld [tilespmem:s9+$0xFFFFFFC0]  }
0x319: {  	v33 =	vld [tilespmem:s10+$0xFFFFFFC0]  }
0x31a: {  	s8 =	sadd.s32 $0x80, s8;
	v22 =	vld [tilespmem:s11+$0xFFFFFFC0];
	v28, _, _ =	vpop (xrf2)  }
0x31b: {  	v24 =	vld [tilespmem:s8+$0xFFFFFFC0];
	v30 =	vperm.xlane v28, v4  }
0x31c: {  	vm0 =	veq.s32 v8, v0;
	v28 =	vld [tilespmem:s28+$0xFFFFFFA0]  }
0x31d: {  	v29 =	vld [tilespmem:s9+$0xFFFFFFB0];
	v7 =	vsel vm0, v30, v7  }
0x31e: {  	v30 =	vld [tilespmem:s10+$0xFFFFFFB0]  }
.Ltmp7:
0x31f: {  	v31 =	vld [tilespmem:s11+$0xFFFFFFB0];
	(pc) =	sbr.rel @p1 .LBB2_13-.Ltmp7, $4  }
0x320: {  	v34 =	vld [tilespmem:s28+$0xFFFFFF90]  }
0x321: {  	v35 =	vld [tilespmem:s9+$0xFFFFFFA0]  }
0x322: {  	v36 =	vld [tilespmem:s10+$0xFFFFFFA0]  }
0x323: {  	v8 =	vmov s12;
	s12 =	sadd.s32 $0x1, s12;
	v37 =	vld [tilespmem:s11+$0xFFFFFFA0]  }
0x324: {  	v38 =	vld [tilespmem:s9+$0xFFFFFF90]  }
0x325: {  	v11 =	vperm.xlane v11, v8;
	v39 =	vld [tilespmem:s10+$0xFFFFFF90]  }
0x326: {  	v40 =	vld [tilespmem:s11+$0xFFFFFF90]  }
0x327: {  	v41 =	vld [tilespmem:s8+$0xFFFFFF90];
	v11 =	vshll.u32 v11, $0x6  }
0x328: {  	v43 =	vld [tilespmem:s8+$0xFFFFFFA0];
	v42 =	vor.u32 v0, v11  }
0x329: {  	v44 =	vld [tilespmem:s7+$0xFFFFFF90];
	v23 =	vmul.f32 v25, v23  }
0x32a: {  	v46 =	vld [tilespmem:s8+$0xFFFFFFB0];
	v19 =	vmul.f32 v20, v19;
	v32 =	vmul.f32 v33, v32;
	v45 =	vor.u32 v1, v11  }
0x32b: {  	v20 =	vld [tilespmem:s7+$0xFFFFFFA0];
	v26 =	vmul.f32 v27, v26;
	v22 =	vmul.f32 v24, v22  }
0x32c: {  	v62 =	vld [tilespmem:s7+$0xFFFFFFB0];
	v25 =	vor.u32 v2, v11;
	v27 =	vmul.f32 v39, v38;
	v59 =	vmul.f32 v41, v40  }
0x32d: {  	v35 =	vmul.f32 v36, v35;
	v61 =	vmul.f32 v43, v37;
	v60 =	vld.idx.msk [tilespmem:v42+s14+$0x0], $0xffff  }
0x32e: {  	v24 =	vld [tilespmem:s8+$0xFFFFFFE0];
	v11 =	vor.u32 v3, v11;
	v27 =	vmul.f32 v34, v27;
	v33 =	vmul.f32 v44, v59  }
0x32f: {  	v29 =	vmul.f32 v30, v29;
	v30 =	vmul.f32 v46, v31;
	v63 =	vld.idx.msk [tilespmem:v45+s14+$0x0], $0xffff  }
0x330: {  	v31 =	vld [tilespmem:s8+$0xFFFFFFD0];
	v28 =	vmul.f32 v28, v35;
	v20 =	vmul.f32 v20, v61;
	v27 =	vadd.f32 v33, v27  }
0x331: {  	v21 =	vmul.f32 v21, v29;
	v18 =	vmul.f32 v18, v22;
	v25 =	vld.idx.msk [tilespmem:v25+s14+$0x0], $0xffff  }
0x332: {  	v22 =	vld [tilespmem:s7+$0xFFFFFFD0];
	v20 =	vadd.f32 v20, v28;
	v28 =	vmul.f32 v62, v30;
	v27 =	vmul.f32 v27, v60  }
0x333: {  	v14 =	vmul.f32 v15, v14;
	v17 =	vmul.f32 v17, v32;
	v11 =	vld.idx.msk [tilespmem:v11+s14+$0x0], $0xffff  }
0x334: {  	v21 =	vadd.f32 v28, v21;
	v28 =	vld [tilespmem:s8+$0xFFFFFFF0];
	v20 =	vmul.f32 v20, v63;
	v27 =	vadd.f32 $0.0e+00, v27  }
0x335: {  	v12 =	vmul.f32 v12, v14;
	v15 =	vmul.f32 v31, v16;
	v16 =	vld [tilespmem:s7+$0xFFFFFFE0]  }
0x336: {  	v14 =	vld [tilespmem:s7+$0xFFFFFFF0];
	v17 =	vadd.f32 v18, v17;
	v21 =	vmul.f32 v21, v25;
	v20 =	vadd.f32 v20, v27  }
0x337: {  	v18 =	vld [tilespmem:s8+$0x0];
	v13 =	vmul.f32 v24, v13  }
0x338: {  	v15 =	vmul.f32 v22, v15;
	v11 =	vmul.f32 v17, v11;
	v17 =	vld [tilespmem:s28+$0x0];
	v20 =	vadd.f32 v21, v20  }
0x339: {  	v9 =	vmul.f32 v9, v26;
	v10 =	vmul.f32 v28, v10;
	v21 =	vld [tilespmem:s7+$0x0]  }
0x33a: {  	v12 =	vadd.f32 v15, v12;
	v13 =	vmul.f32 v16, v13;
	v11 =	vadd.f32 v11, v20  }
0x33b: {  	v6 =	vmul.f32 v6, v23;
	v10 =	vmul.f32 v14, v10  }
0x33c: {  	v5 =	vmul.f32 v18, v5;
	v9 =	vadd.f32 v13, v9;
	v11 =	vadd.f32 v12, v11  }
0x33d: {  	v6 =	vadd.f32 v10, v6  }
0x33e: {  	v12 =	vmul.f32 v17, v19;
	v5 =	vmul.f32 v21, v5;
	v9 =	vadd.f32 v9, v11;
	_ =	sdelay $0x1  }
0x33f: {  	v5 =	vadd.f32 v5, v12;
	v6 =	vadd.f32 v6, v9;
	_ =	sdelay $0x1  }
0x340: {  	v5 =	vadd.f32 v5, v6;
	_ =	sdelay $0x1  }
0x341: {  	(xrf2) =	vadd.scan.msk.f32 $0xffff, v5;
	_ =	sdelay $0x9  }
0x342: {  	v5, _, _ =	vpop (xrf2)  }
0x343: {  	v5 =	vperm.xlane v5, v4  }
0x344: {  	vm0 =	veq.s32 v8, v0  }
0x345: {  	v5 =	vsel vm0, v5, v7  }
0x346: {  	v5 =	vmul.f32 $5.000000000e-01, v5;
	_ =	sdelay $0x1  }
0x347: {  	[tilespmem:s30+$0x1E400] =	vst v5  }
0x348: {  	s28 =	simm.s32 $0x11870;
	v11 =	vld [tilespmem:s22+$0x660]  }
0x349: {  	s9 =	simm.s32 $0xD870;
	v6 =	vld [tilespmem:s28+$0xFFFFFFF0]  }
0x34a: {  	s10 =	simm.s32 $0xF870;
	v19 =	vld [tilespmem:s9+$0x0]  }
0x34b: {  	s11 =	simm.s32 $0x13870;
	v20 =	vld [tilespmem:s10+$0x0]  }
0x34c: {  	v5 =	vld [tilespmem:s11+$0x0]  }
0x34d: {  	v9 =	vld [tilespmem:s28+$0xFFFFFFE0]  }
0x34e: {  	v23 =	vld [tilespmem:s9+$0xFFFFFFF0]  }
0x34f: {  	v25 =	vld [tilespmem:s10+$0xFFFFFFF0]  }
0x350: {  	v10 =	vld [tilespmem:s11+$0xFFFFFFF0]  }
0x351: {  	v12 =	vld [tilespmem:s28+$0xFFFFFFD0]  }
0x352: {  	v26 =	vld [tilespmem:s9+$0xFFFFFFE0]  }
0x353: {  	v27 =	vld [tilespmem:s10+$0xFFFFFFE0]  }
0x354: {  	v13 =	vld [tilespmem:s11+$0xFFFFFFE0]  }
0x355: {  	v14 =	vld [tilespmem:s9+$0xFFFFFFD0]  }
0x356: {  	v15 =	vld [tilespmem:s10+$0xFFFFFFD0]  }
0x357: {  	v16 =	vld [tilespmem:s11+$0xFFFFFFD0]  }
0x358: {  	s7 =	simm.s32 $0x17870;
	v17 =	vld [tilespmem:s28+$0xFFFFFFC0]  }
0x359: {  	v18 =	vld [tilespmem:s7+$0xFFFFFFC0]  }
0x35a: {  	v21 =	vld [tilespmem:s28+$0xFFFFFFB0]  }
0x35b: {  	v32 =	vld [tilespmem:s9+$0xFFFFFFC0]  }
0x35c: {  	v33 =	vld [tilespmem:s10+$0xFFFFFFC0]  }
0x35d: {  	s8 =	simm.s32 $0x15870;
	v22 =	vld [tilespmem:s11+$0xFFFFFFC0]  }
0x35e: {  	v24 =	vld [tilespmem:s8+$0xFFFFFFC0]  }
0x35f: {  	v28 =	vld [tilespmem:s28+$0xFFFFFFA0]  }
0x360: {  	v29 =	vld [tilespmem:s9+$0xFFFFFFB0]  }
0x361: {  	v30 =	vld [tilespmem:s10+$0xFFFFFFB0]  }
0x362: {  	v31 =	vld [tilespmem:s11+$0xFFFFFFB0]  }
0x363: {  	v34 =	vld [tilespmem:s28+$0xFFFFFF90]  }
0x364: {  	v35 =	vld [tilespmem:s9+$0xFFFFFFA0]  }
0x365: {  	s12 =	simm.s32 $0x0;
	v36 =	vld [tilespmem:s10+$0xFFFFFFA0]  }
0x366: {  	v8 =	vmov s12;
	s12 =	simm.s32 $0x1;
	v7 =	vimm.f32 $0.0e+00;
	s30 =	sor.u32 $0x60, s22;
	v37 =	vld [tilespmem:s11+$0xFFFFFFA0]  }
.LBB2_15:
0x367: {  	p1 =	sne.s32 s12, $0xF;
	v38 =	vperm.xlane v11, v8;
	v39 =	vld [tilespmem:s9+$0xFFFFFF90]  }
0x368: {  	v40 =	vld [tilespmem:s10+$0xFFFFFF90]  }
0x369: {  	v38 =	vshll.u32 v38, $0x6;
	v41 =	vld [tilespmem:s11+$0xFFFFFF90]  }
0x36a: {  	v42 =	vld [tilespmem:s8+$0xFFFFFF90];
	v43 =	vor.u32 v0, v38  }
0x36b: {  	v44 =	vld [tilespmem:s8+$0xFFFFFFA0]  }
0x36c: {  	v46 =	vor.u32 v1, v38;
	v45 =	vld [tilespmem:s7+$0xFFFFFF90]  }
0x36d: {  	v23 =	vmul.f32 v25, v23;
	v25 =	vmul.f32 v20, v19;
	v47 =	vld [tilespmem:s8+$0xFFFFFFB0]  }
0x36e: {  	v32 =	vmul.f32 v33, v32;
	v26 =	vmul.f32 v27, v26;
	v20 =	vor.u32 v2, v38;
	v19 =	vld [tilespmem:s7+$0xFFFFFFA0]  }
0x36f: {  	v27 =	vmul.f32 v40, v39;
	v33 =	vmul.f32 v42, v41;
	v39 =	vld.idx.msk [tilespmem:v43+s14+$0x0], $0xffff  }
0x370: {  	v35 =	vmul.f32 v36, v35;
	v38 =	vor.u32 v3, v38;
	v36 =	vmul.f32 v44, v37;
	v37 =	vld [tilespmem:s7+$0xFFFFFFB0]  }
0x371: {  	v27 =	vmul.f32 v34, v27;
	v33 =	vmul.f32 v45, v33;
	v34 =	vld.idx.msk [tilespmem:v46+s14+$0x0], $0xffff  }
0x372: {  	v29 =	vmul.f32 v30, v29;
	v30 =	vmul.f32 v47, v31;
	v31 =	vld [tilespmem:s8+$0xFFFFFFD0]  }
0x373: {  	v28 =	vmul.f32 v28, v35;
	v27 =	vadd.f32 v33, v27;
	v19 =	vmul.f32 v19, v36;
	v20 =	vld.idx.msk [tilespmem:v20+s14+$0x0], $0xffff  }
0x374: {  	v22 =	vmul.f32 v24, v22;
	v21 =	vmul.f32 v21, v29;
	v24 =	vld [tilespmem:s8+$0xFFFFFFE0]  }
0x375: {  	v27 =	vmul.f32 v27, v39;
	v19 =	vadd.f32 v19, v28;
	v28 =	vmul.f32 v37, v30;
	v29 =	vld.idx.msk [tilespmem:v38+s14+$0x0], $0xffff  }
0x376: {  	v17 =	vmul.f32 v17, v32;
	v18 =	vmul.f32 v18, v22;
	v22 =	vld [tilespmem:s7+$0xFFFFFFD0]  }
0x377: {  	v27 =	vadd.f32 $0.0e+00, v27;
	v19 =	vmul.f32 v19, v34;
	v21 =	vadd.f32 v28, v21;
	v28 =	vld [tilespmem:s8+$0xFFFFFFF0]  }
0x378: {  	v14 =	vmul.f32 v15, v14;
	v15 =	vmul.f32 v31, v16;
	v16 =	vld [tilespmem:s7+$0xFFFFFFE0]  }
0x379: {  	v17 =	vadd.f32 v18, v17;
	v19 =	vadd.f32 v19, v27;
	v20 =	vmul.f32 v21, v20;
	v18 =	vld [tilespmem:s8+$0x0]  }
0x37a: {  	v12 =	vmul.f32 v12, v14;
	v13 =	vmul.f32 v24, v13;
	v14 =	vld [tilespmem:s7+$0xFFFFFFF0]  }
0x37b: {  	v17 =	vmul.f32 v17, v29;
	v19 =	vadd.f32 v20, v19;
	v15 =	vmul.f32 v22, v15;
	v21 =	vld [tilespmem:s28+$0x0]  }
0x37c: {  	v9 =	vmul.f32 v9, v26;
	s28 =	sadd.s32 $0x80, s28;
	v10 =	vmul.f32 v28, v10;
	v22 =	vld [tilespmem:s7+$0x0]  }
0x37d: {  	s9 =	sadd.s32 $0x80, s9;
	v24 =	vld [tilespmem:s28+$0xFFFFFFF0];
	v17 =	vadd.f32 v17, v19;
	v12 =	vadd.f32 v15, v12;
	v13 =	vmul.f32 v16, v13  }
0x37e: {  	s10 =	sadd.s32 $0x80, s10;
	v6 =	vmul.f32 v6, v23;
	v19 =	vld [tilespmem:s9+$0x0];
	v15 =	vmul.f32 v18, v5  }
0x37f: {  	s11 =	sadd.s32 $0x80, s11;
	v20 =	vld [tilespmem:s10+$0x0];
	v12 =	vadd.f32 v12, v17;
	v13 =	vadd.f32 v13, v9;
	v10 =	vmul.f32 v14, v10  }
0x380: {  	v5 =	vld [tilespmem:s11+$0x0];
	v14 =	vmul.f32 v21, v25  }
0x381: {  	v9 =	vld [tilespmem:s28+$0xFFFFFFE0];
	v12 =	vadd.f32 v13, v12;
	v10 =	vadd.f32 v10, v6;
	v13 =	vmul.f32 v22, v15  }
0x382: {  	v23 =	vld [tilespmem:s9+$0xFFFFFFF0];
	v6 =	vmov v24  }
0x383: {  	v25 =	vld [tilespmem:s10+$0xFFFFFFF0];
	v15 =	vadd.f32 v10, v12;
	v13 =	vadd.f32 v13, v14  }
0x384: {  	v10 =	vld [tilespmem:s11+$0xFFFFFFF0]  }
0x385: {  	v12 =	vld [tilespmem:s28+$0xFFFFFFD0];
	v13 =	vadd.f32 v13, v15  }
0x386: {  	v26 =	vld [tilespmem:s9+$0xFFFFFFE0]  }
0x387: {  	v27 =	vld [tilespmem:s10+$0xFFFFFFE0];
	(xrf2) =	vadd.scan.msk.f32 $0xffff, v13  }
0x388: {  	v13 =	vld [tilespmem:s11+$0xFFFFFFE0]  }
0x389: {  	v14 =	vld [tilespmem:s9+$0xFFFFFFD0]  }
0x38a: {  	v15 =	vld [tilespmem:s10+$0xFFFFFFD0]  }
0x38b: {  	v16 =	vld [tilespmem:s11+$0xFFFFFFD0]  }
0x38c: {  	s7 =	sadd.s32 $0x80, s7;
	v17 =	vld [tilespmem:s28+$0xFFFFFFC0]  }
0x38d: {  	v18 =	vld [tilespmem:s7+$0xFFFFFFC0]  }
0x38e: {  	v21 =	vld [tilespmem:s28+$0xFFFFFFB0]  }
0x38f: {  	v32 =	vld [tilespmem:s9+$0xFFFFFFC0]  }
0x390: {  	v33 =	vld [tilespmem:s10+$0xFFFFFFC0]  }
0x391: {  	s8 =	sadd.s32 $0x80, s8;
	v22 =	vld [tilespmem:s11+$0xFFFFFFC0];
	v28, _, _ =	vpop (xrf2)  }
0x392: {  	v24 =	vld [tilespmem:s8+$0xFFFFFFC0];
	v30 =	vperm.xlane v28, v4  }
0x393: {  	vm0 =	veq.s32 v8, v0;
	v28 =	vld [tilespmem:s28+$0xFFFFFFA0]  }
0x394: {  	v29 =	vld [tilespmem:s9+$0xFFFFFFB0];
	v7 =	vsel vm0, v30, v7  }
0x395: {  	v30 =	vld [tilespmem:s10+$0xFFFFFFB0]  }
.Ltmp8:
0x396: {  	v31 =	vld [tilespmem:s11+$0xFFFFFFB0];
	(pc) =	sbr.rel @p1 .LBB2_15-.Ltmp8, $4  }
0x397: {  	v34 =	vld [tilespmem:s28+$0xFFFFFF90]  }
0x398: {  	v35 =	vld [tilespmem:s9+$0xFFFFFFA0]  }
0x399: {  	v36 =	vld [tilespmem:s10+$0xFFFFFFA0]  }
0x39a: {  	v8 =	vmov s12;
	s12 =	sadd.s32 $0x1, s12;
	v37 =	vld [tilespmem:s11+$0xFFFFFFA0]  }
0x39b: {  	v38 =	vld [tilespmem:s9+$0xFFFFFF90]  }
0x39c: {  	v11 =	vperm.xlane v11, v8;
	v39 =	vld [tilespmem:s10+$0xFFFFFF90]  }
0x39d: {  	v40 =	vld [tilespmem:s11+$0xFFFFFF90]  }
0x39e: {  	v41 =	vld [tilespmem:s8+$0xFFFFFF90];
	v11 =	vshll.u32 v11, $0x6  }
0x39f: {  	v43 =	vld [tilespmem:s8+$0xFFFFFFA0];
	v42 =	vor.u32 v0, v11  }
0x3a0: {  	v44 =	vld [tilespmem:s7+$0xFFFFFF90];
	v23 =	vmul.f32 v25, v23  }
0x3a1: {  	v46 =	vld [tilespmem:s8+$0xFFFFFFB0];
	v19 =	vmul.f32 v20, v19;
	v32 =	vmul.f32 v33, v32;
	v45 =	vor.u32 v1, v11  }
0x3a2: {  	v20 =	vld [tilespmem:s7+$0xFFFFFFA0];
	v26 =	vmul.f32 v27, v26;
	v22 =	vmul.f32 v24, v22  }
0x3a3: {  	v62 =	vld [tilespmem:s7+$0xFFFFFFB0];
	v25 =	vor.u32 v2, v11;
	v27 =	vmul.f32 v39, v38;
	v59 =	vmul.f32 v41, v40  }
0x3a4: {  	v35 =	vmul.f32 v36, v35;
	v61 =	vmul.f32 v43, v37;
	v60 =	vld.idx.msk [tilespmem:v42+s14+$0x0], $0xffff  }
0x3a5: {  	v24 =	vld [tilespmem:s8+$0xFFFFFFE0];
	v11 =	vor.u32 v3, v11;
	v27 =	vmul.f32 v34, v27;
	v33 =	vmul.f32 v44, v59  }
0x3a6: {  	v29 =	vmul.f32 v30, v29;
	v30 =	vmul.f32 v46, v31;
	v63 =	vld.idx.msk [tilespmem:v45+s14+$0x0], $0xffff  }
0x3a7: {  	v31 =	vld [tilespmem:s8+$0xFFFFFFD0];
	v28 =	vmul.f32 v28, v35;
	v20 =	vmul.f32 v20, v61;
	v27 =	vadd.f32 v33, v27  }
0x3a8: {  	v21 =	vmul.f32 v21, v29;
	v18 =	vmul.f32 v18, v22;
	v25 =	vld.idx.msk [tilespmem:v25+s14+$0x0], $0xffff  }
0x3a9: {  	v22 =	vld [tilespmem:s7+$0xFFFFFFD0];
	v20 =	vadd.f32 v20, v28;
	v28 =	vmul.f32 v62, v30;
	v27 =	vmul.f32 v27, v60  }
0x3aa: {  	v14 =	vmul.f32 v15, v14;
	v17 =	vmul.f32 v17, v32;
	v11 =	vld.idx.msk [tilespmem:v11+s14+$0x0], $0xffff  }
0x3ab: {  	v21 =	vadd.f32 v28, v21;
	v28 =	vld [tilespmem:s8+$0xFFFFFFF0];
	v20 =	vmul.f32 v20, v63;
	v27 =	vadd.f32 $0.0e+00, v27  }
0x3ac: {  	v12 =	vmul.f32 v12, v14;
	v15 =	vmul.f32 v31, v16;
	v16 =	vld [tilespmem:s7+$0xFFFFFFE0]  }
0x3ad: {  	v14 =	vld [tilespmem:s7+$0xFFFFFFF0];
	v17 =	vadd.f32 v18, v17;
	v21 =	vmul.f32 v21, v25;
	v20 =	vadd.f32 v20, v27  }
0x3ae: {  	v18 =	vld [tilespmem:s8+$0x0];
	v13 =	vmul.f32 v24, v13  }
0x3af: {  	v15 =	vmul.f32 v22, v15;
	v11 =	vmul.f32 v17, v11;
	v17 =	vld [tilespmem:s28+$0x0];
	v20 =	vadd.f32 v21, v20  }
0x3b0: {  	v9 =	vmul.f32 v9, v26;
	v10 =	vmul.f32 v28, v10;
	v21 =	vld [tilespmem:s7+$0x0]  }
0x3b1: {  	v12 =	vadd.f32 v15, v12;
	v13 =	vmul.f32 v16, v13;
	v11 =	vadd.f32 v11, v20  }
0x3b2: {  	v6 =	vmul.f32 v6, v23;
	v10 =	vmul.f32 v14, v10  }
0x3b3: {  	v5 =	vmul.f32 v18, v5;
	v9 =	vadd.f32 v13, v9;
	v11 =	vadd.f32 v12, v11  }
0x3b4: {  	v6 =	vadd.f32 v10, v6  }
0x3b5: {  	v12 =	vmul.f32 v17, v19;
	v5 =	vmul.f32 v21, v5;
	v9 =	vadd.f32 v9, v11;
	_ =	sdelay $0x1  }
0x3b6: {  	v5 =	vadd.f32 v5, v12;
	v6 =	vadd.f32 v6, v9;
	_ =	sdelay $0x1  }
0x3b7: {  	v5 =	vadd.f32 v5, v6;
	_ =	sdelay $0x1  }
0x3b8: {  	(xrf2) =	vadd.scan.msk.f32 $0xffff, v5;
	_ =	sdelay $0x9  }
0x3b9: {  	v5, _, _ =	vpop (xrf2)  }
0x3ba: {  	v5 =	vperm.xlane v5, v4  }
0x3bb: {  	vm0 =	veq.s32 v8, v0  }
0x3bc: {  	v5 =	vsel vm0, v5, v7  }
0x3bd: {  	v5 =	vmul.f32 $5.000000000e-01, v5;
	_ =	sdelay $0x1  }
0x3be: {  	[tilespmem:s30+$0x1E400] =	vst v5  }
0x3bf: {  	s28 =	simm.s32 $0x12070;
	v11 =	vld [tilespmem:s22+$0x670]  }
0x3c0: {  	s9 =	simm.s32 $0xE070;
	v6 =	vld [tilespmem:s28+$0xFFFFFFF0]  }
0x3c1: {  	s10 =	simm.s32 $0x10070;
	v19 =	vld [tilespmem:s9+$0x0]  }
0x3c2: {  	s11 =	simm.s32 $0x14070;
	v20 =	vld [tilespmem:s10+$0x0]  }
0x3c3: {  	v5 =	vld [tilespmem:s11+$0x0]  }
0x3c4: {  	v9 =	vld [tilespmem:s28+$0xFFFFFFE0]  }
0x3c5: {  	v23 =	vld [tilespmem:s9+$0xFFFFFFF0]  }
0x3c6: {  	v25 =	vld [tilespmem:s10+$0xFFFFFFF0]  }
0x3c7: {  	v10 =	vld [tilespmem:s11+$0xFFFFFFF0]  }
0x3c8: {  	v12 =	vld [tilespmem:s28+$0xFFFFFFD0]  }
0x3c9: {  	v26 =	vld [tilespmem:s9+$0xFFFFFFE0]  }
0x3ca: {  	v27 =	vld [tilespmem:s10+$0xFFFFFFE0]  }
0x3cb: {  	v13 =	vld [tilespmem:s11+$0xFFFFFFE0]  }
0x3cc: {  	v14 =	vld [tilespmem:s9+$0xFFFFFFD0]  }
0x3cd: {  	v15 =	vld [tilespmem:s10+$0xFFFFFFD0]  }
0x3ce: {  	v16 =	vld [tilespmem:s11+$0xFFFFFFD0]  }
0x3cf: {  	s7 =	simm.s32 $0x18070;
	v17 =	vld [tilespmem:s28+$0xFFFFFFC0]  }
0x3d0: {  	v18 =	vld [tilespmem:s7+$0xFFFFFFC0]  }
0x3d1: {  	v21 =	vld [tilespmem:s28+$0xFFFFFFB0]  }
0x3d2: {  	v32 =	vld [tilespmem:s9+$0xFFFFFFC0]  }
0x3d3: {  	v33 =	vld [tilespmem:s10+$0xFFFFFFC0]  }
0x3d4: {  	s8 =	simm.s32 $0x16070;
	v22 =	vld [tilespmem:s11+$0xFFFFFFC0]  }
0x3d5: {  	v24 =	vld [tilespmem:s8+$0xFFFFFFC0]  }
0x3d6: {  	v28 =	vld [tilespmem:s28+$0xFFFFFFA0]  }
0x3d7: {  	v29 =	vld [tilespmem:s9+$0xFFFFFFB0]  }
0x3d8: {  	v30 =	vld [tilespmem:s10+$0xFFFFFFB0]  }
0x3d9: {  	v31 =	vld [tilespmem:s11+$0xFFFFFFB0]  }
0x3da: {  	v34 =	vld [tilespmem:s28+$0xFFFFFF90]  }
0x3db: {  	v35 =	vld [tilespmem:s9+$0xFFFFFFA0]  }
0x3dc: {  	s12 =	simm.s32 $0x0;
	v36 =	vld [tilespmem:s10+$0xFFFFFFA0]  }
0x3dd: {  	v8 =	vmov s12;
	s12 =	simm.s32 $0x1;
	v7 =	vimm.f32 $0.0e+00;
	s30 =	sor.u32 $0x70, s22;
	v37 =	vld [tilespmem:s11+$0xFFFFFFA0]  }
.LBB2_17:
0x3de: {  	p1 =	sne.s32 s12, $0xF;
	v38 =	vperm.xlane v11, v8;
	v39 =	vld [tilespmem:s9+$0xFFFFFF90]  }
0x3df: {  	v40 =	vld [tilespmem:s10+$0xFFFFFF90]  }
0x3e0: {  	v38 =	vshll.u32 v38, $0x6;
	v41 =	vld [tilespmem:s11+$0xFFFFFF90]  }
0x3e1: {  	v42 =	vld [tilespmem:s8+$0xFFFFFF90];
	v43 =	vor.u32 v0, v38  }
0x3e2: {  	v44 =	vld [tilespmem:s8+$0xFFFFFFA0]  }
0x3e3: {  	v46 =	vor.u32 v1, v38;
	v45 =	vld [tilespmem:s7+$0xFFFFFF90]  }
0x3e4: {  	v23 =	vmul.f32 v25, v23;
	v25 =	vmul.f32 v20, v19;
	v47 =	vld [tilespmem:s8+$0xFFFFFFB0]  }
0x3e5: {  	v32 =	vmul.f32 v33, v32;
	v26 =	vmul.f32 v27, v26;
	v20 =	vor.u32 v2, v38;
	v19 =	vld [tilespmem:s7+$0xFFFFFFA0]  }
0x3e6: {  	v27 =	vmul.f32 v40, v39;
	v33 =	vmul.f32 v42, v41;
	v39 =	vld.idx.msk [tilespmem:v43+s14+$0x0], $0xffff  }
0x3e7: {  	v35 =	vmul.f32 v36, v35;
	v38 =	vor.u32 v3, v38;
	v36 =	vmul.f32 v44, v37;
	v37 =	vld [tilespmem:s7+$0xFFFFFFB0]  }
0x3e8: {  	v27 =	vmul.f32 v34, v27;
	v33 =	vmul.f32 v45, v33;
	v34 =	vld.idx.msk [tilespmem:v46+s14+$0x0], $0xffff  }
0x3e9: {  	v29 =	vmul.f32 v30, v29;
	v30 =	vmul.f32 v47, v31;
	v31 =	vld [tilespmem:s8+$0xFFFFFFD0]  }
0x3ea: {  	v28 =	vmul.f32 v28, v35;
	v27 =	vadd.f32 v33, v27;
	v19 =	vmul.f32 v19, v36;
	v20 =	vld.idx.msk [tilespmem:v20+s14+$0x0], $0xffff  }
0x3eb: {  	v22 =	vmul.f32 v24, v22;
	v21 =	vmul.f32 v21, v29;
	v24 =	vld [tilespmem:s8+$0xFFFFFFE0]  }
0x3ec: {  	v27 =	vmul.f32 v27, v39;
	v19 =	vadd.f32 v19, v28;
	v28 =	vmul.f32 v37, v30;
	v29 =	vld.idx.msk [tilespmem:v38+s14+$0x0], $0xffff  }
0x3ed: {  	v17 =	vmul.f32 v17, v32;
	v18 =	vmul.f32 v18, v22;
	v22 =	vld [tilespmem:s7+$0xFFFFFFD0]  }
0x3ee: {  	v27 =	vadd.f32 $0.0e+00, v27;
	v19 =	vmul.f32 v19, v34;
	v21 =	vadd.f32 v28, v21;
	v28 =	vld [tilespmem:s8+$0xFFFFFFF0]  }
0x3ef: {  	v14 =	vmul.f32 v15, v14;
	v15 =	vmul.f32 v31, v16;
	v16 =	vld [tilespmem:s7+$0xFFFFFFE0]  }
0x3f0: {  	v17 =	vadd.f32 v18, v17;
	v19 =	vadd.f32 v19, v27;
	v20 =	vmul.f32 v21, v20;
	v18 =	vld [tilespmem:s8+$0x0]  }
0x3f1: {  	v12 =	vmul.f32 v12, v14;
	v13 =	vmul.f32 v24, v13;
	v14 =	vld [tilespmem:s7+$0xFFFFFFF0]  }
0x3f2: {  	v17 =	vmul.f32 v17, v29;
	v19 =	vadd.f32 v20, v19;
	v15 =	vmul.f32 v22, v15;
	v21 =	vld [tilespmem:s28+$0x0]  }
0x3f3: {  	v9 =	vmul.f32 v9, v26;
	s28 =	sadd.s32 $0x80, s28;
	v10 =	vmul.f32 v28, v10;
	v22 =	vld [tilespmem:s7+$0x0]  }
0x3f4: {  	s9 =	sadd.s32 $0x80, s9;
	v24 =	vld [tilespmem:s28+$0xFFFFFFF0];
	v17 =	vadd.f32 v17, v19;
	v12 =	vadd.f32 v15, v12;
	v13 =	vmul.f32 v16, v13  }
0x3f5: {  	s10 =	sadd.s32 $0x80, s10;
	v6 =	vmul.f32 v6, v23;
	v19 =	vld [tilespmem:s9+$0x0];
	v15 =	vmul.f32 v18, v5  }
0x3f6: {  	s11 =	sadd.s32 $0x80, s11;
	v20 =	vld [tilespmem:s10+$0x0];
	v12 =	vadd.f32 v12, v17;
	v13 =	vadd.f32 v13, v9;
	v10 =	vmul.f32 v14, v10  }
0x3f7: {  	v5 =	vld [tilespmem:s11+$0x0];
	v14 =	vmul.f32 v21, v25  }
0x3f8: {  	v9 =	vld [tilespmem:s28+$0xFFFFFFE0];
	v12 =	vadd.f32 v13, v12;
	v10 =	vadd.f32 v10, v6;
	v13 =	vmul.f32 v22, v15  }
0x3f9: {  	v23 =	vld [tilespmem:s9+$0xFFFFFFF0];
	v6 =	vmov v24  }
0x3fa: {  	v25 =	vld [tilespmem:s10+$0xFFFFFFF0];
	v15 =	vadd.f32 v10, v12;
	v13 =	vadd.f32 v13, v14  }
0x3fb: {  	v10 =	vld [tilespmem:s11+$0xFFFFFFF0]  }
0x3fc: {  	v12 =	vld [tilespmem:s28+$0xFFFFFFD0];
	v13 =	vadd.f32 v13, v15  }
0x3fd: {  	v26 =	vld [tilespmem:s9+$0xFFFFFFE0]  }
0x3fe: {  	v27 =	vld [tilespmem:s10+$0xFFFFFFE0];
	(xrf2) =	vadd.scan.msk.f32 $0xffff, v13  }
0x3ff: {  	v13 =	vld [tilespmem:s11+$0xFFFFFFE0]  }
0x400: {  	v14 =	vld [tilespmem:s9+$0xFFFFFFD0]  }
0x401: {  	v15 =	vld [tilespmem:s10+$0xFFFFFFD0]  }
0x402: {  	v16 =	vld [tilespmem:s11+$0xFFFFFFD0]  }
0x403: {  	s7 =	sadd.s32 $0x80, s7;
	v17 =	vld [tilespmem:s28+$0xFFFFFFC0]  }
0x404: {  	v18 =	vld [tilespmem:s7+$0xFFFFFFC0]  }
0x405: {  	v21 =	vld [tilespmem:s28+$0xFFFFFFB0]  }
0x406: {  	v32 =	vld [tilespmem:s9+$0xFFFFFFC0]  }
0x407: {  	v33 =	vld [tilespmem:s10+$0xFFFFFFC0]  }
0x408: {  	s8 =	sadd.s32 $0x80, s8;
	v22 =	vld [tilespmem:s11+$0xFFFFFFC0];
	v28, _, _ =	vpop (xrf2)  }
0x409: {  	v24 =	vld [tilespmem:s8+$0xFFFFFFC0];
	v30 =	vperm.xlane v28, v4  }
0x40a: {  	vm0 =	veq.s32 v8, v0;
	v28 =	vld [tilespmem:s28+$0xFFFFFFA0]  }
0x40b: {  	v29 =	vld [tilespmem:s9+$0xFFFFFFB0];
	v7 =	vsel vm0, v30, v7  }
0x40c: {  	v30 =	vld [tilespmem:s10+$0xFFFFFFB0]  }
.Ltmp9:
0x40d: {  	v31 =	vld [tilespmem:s11+$0xFFFFFFB0];
	(pc) =	sbr.rel @p1 .LBB2_17-.Ltmp9, $4  }
0x40e: {  	v34 =	vld [tilespmem:s28+$0xFFFFFF90]  }
0x40f: {  	v35 =	vld [tilespmem:s9+$0xFFFFFFA0]  }
0x410: {  	v36 =	vld [tilespmem:s10+$0xFFFFFFA0]  }
0x411: {  	v8 =	vmov s12;
	s12 =	sadd.s32 $0x1, s12;
	v37 =	vld [tilespmem:s11+$0xFFFFFFA0]  }
0x412: {  	v38 =	vld [tilespmem:s9+$0xFFFFFF90]  }
0x413: {  	v11 =	vperm.xlane v11, v8;
	v39 =	vld [tilespmem:s10+$0xFFFFFF90]  }
0x414: {  	v40 =	vld [tilespmem:s11+$0xFFFFFF90]  }
0x415: {  	v41 =	vld [tilespmem:s8+$0xFFFFFF90];
	v11 =	vshll.u32 v11, $0x6  }
0x416: {  	v43 =	vld [tilespmem:s8+$0xFFFFFFA0];
	v42 =	vor.u32 v0, v11  }
0x417: {  	v44 =	vld [tilespmem:s7+$0xFFFFFF90]  }
0x418: {  	v46 =	vld [tilespmem:s8+$0xFFFFFFB0];
	v23 =	vmul.f32 v25, v23;
	v19 =	vmul.f32 v20, v19;
	v45 =	vor.u32 v1, v11  }
0x419: {  	v61 =	vld [tilespmem:s7+$0xFFFFFFA0];
	v32 =	vmul.f32 v33, v32;
	v26 =	vmul.f32 v27, v26  }
0x41a: {  	v49 =	vld [tilespmem:s7+$0xFFFFFFB0];
	v62 =	vor.u32 v2, v11;
	v63 =	vmul.f32 v39, v38;
	v41 =	vmul.f32 v41, v40  }
0x41b: {  	v35 =	vmul.f32 v36, v35;
	v48 =	vmul.f32 v43, v37;
	v47 =	vld.idx.msk [tilespmem:v42+s14+$0x0], $0xffff  }
0x41c: {  	v52 =	vld [tilespmem:s8+$0xFFFFFFD0];
	v11 =	vor.u32 v3, v11;
	v27 =	vmul.f32 v34, v63;
	v33 =	vmul.f32 v44, v41  }
0x41d: {  	v29 =	vmul.f32 v30, v29;
	v51 =	vmul.f32 v46, v31;
	v50 =	vld.idx.msk [tilespmem:v45+s14+$0x0], $0xffff  }
0x41e: {  	v53 =	vld [tilespmem:s8+$0xFFFFFFE0];
	v28 =	vmul.f32 v28, v35;
	v20 =	vmul.f32 v61, v48;
	v27 =	vadd.f32 v33, v27  }
0x41f: {  	v22 =	vmul.f32 v24, v22;
	v21 =	vmul.f32 v21, v29;
	v25 =	vld.idx.msk [tilespmem:v62+s14+$0x0], $0xffff  }
0x420: {  	v55 =	vld [tilespmem:s7+$0xFFFFFFD0];
	v54 =	vmul.f32 v49, v51;
	v20 =	vadd.f32 v20, v28;
	v27 =	vmul.f32 v27, v47  }
0x421: {  	v17 =	vmul.f32 v17, v32;
	v18 =	vmul.f32 v18, v22;
	v11 =	vld.idx.msk [tilespmem:v11+s14+$0x0], $0xffff  }
0x422: {  	v56 =	vld [tilespmem:s8+$0xFFFFFFF0];
	v21 =	vadd.f32 v54, v21;
	v20 =	vmul.f32 v20, v50;
	v27 =	vadd.f32 $0.0e+00, v27  }
0x423: {  	v14 =	vmul.f32 v15, v14;
	v58 =	vld [tilespmem:s7+$0xFFFFFFE0];
	v17 =	vadd.f32 v18, v17  }
0x424: {  	v60 =	vld [tilespmem:s7+$0xFFFFFFF0];
	v57 =	vmul.f32 v52, v16;
	v21 =	vmul.f32 v21, v25;
	v20 =	vadd.f32 v20, v27  }
0x425: {  	v59 =	vld [tilespmem:s8+$0x0];
	v12 =	vmul.f32 v12, v14;
	v13 =	vmul.f32 v53, v13  }
0x426: {  	v15 =	vmul.f32 v55, v57;
	v61 =	vld [tilespmem:s28+$0x0];
	v11 =	vmul.f32 v17, v11;
	v20 =	vadd.f32 v21, v20  }
0x427: {  	v9 =	vmul.f32 v9, v26;
	v10 =	vmul.f32 v56, v10;
	v62 =	vld [tilespmem:s7+$0x0]  }
0x428: {  	v13 =	vmul.f32 v58, v13;
	v12 =	vadd.f32 v15, v12;
	v11 =	vadd.f32 v11, v20  }
0x429: {  	v6 =	vmul.f32 v6, v23;
	v10 =	vmul.f32 v60, v10  }
0x42a: {  	v5 =	vmul.f32 v59, v5;
	v9 =	vadd.f32 v13, v9;
	v11 =	vadd.f32 v12, v11  }
0x42b: {  	v6 =	vadd.f32 v10, v6  }
0x42c: {  	v63 =	vmul.f32 v61, v19;
	v5 =	vmul.f32 v62, v5;
	v9 =	vadd.f32 v9, v11;
	_ =	sdelay $0x1  }
0x42d: {  	v5 =	vadd.f32 v5, v63;
	v6 =	vadd.f32 v6, v9;
	_ =	sdelay $0x1  }
0x42e: {  	v5 =	vadd.f32 v5, v6;
	_ =	sdelay $0x1  }
0x42f: {  	(xrf2) =	vadd.scan.msk.f32 $0xffff, v5;
	_ =	sdelay $0x9  }
0x430: {  	v5, _, _ =	vpop (xrf2)  }
0x431: {  	v5 =	vperm.xlane v5, v4  }
.Ltmp10:
0x432: {  	vm0 =	veq.s32 v8, v0;
	(pc) =	sbr.rel @p0 .LBB2_20-.Ltmp10, $3  }
0x433: {  	v5 =	vsel vm0, v5, v7  }
0x434: {  	v5 =	vmul.f32 $5.000000000e-01, v5;
	_ =	sdelay $0x1  }
0x435: {  	[tilespmem:s30+$0x1E400] =	vst v5  }
0x436: {  	s7 =	sadd.s32 $0xC0, s22  }
0x437: {  	[tilespmem:s26], [sflag:$0x2] =	stream.indirect.gather [hbm4b:s1+s19], $0x80, s7, s19, $0xb8;
	[tilespmem:$0x1E600] =	vst v63  }
0x438: {  	s8 =	sadd.s32 $0x2C0, s22  }
0x439: {  	[tilespmem:s29], [sflag:$0x2] =	stream.indirect.gather [hbm4b:s3+s19], $0x80, s8, s19, $0xb8;
	[tilespmem:$0x1E600] =	vst v63  }
0x43a: {  	s9 =	sadd.s32 $0x4C0, s22  }
0x43b: {  	[tilespmem:s31], [sflag:$0x2] =	stream.indirect.gather [hbm4b:s2+s19], $0x80, s9, s19, $0xb8;
	[tilespmem:$0x1E600] =	vst v63  }
0x43c: {  	_ = 	snop  }
0x43d: {  	[tilespmem:s0], [sflag:$0x2] =	stream.indirect.gather [hbm4b:s1+s19], $0x80, s9, s19, $0xb8;
	[tilespmem:$0x1E600] =	vst v63  }
.Ltmp11:
0x43e: {  	_ = 	snop;
	(pc) =	sbr.rel .LBB2_2-.Ltmp11, $4  }
0x43f: {  	_ = 	snop  }
0x440: {  	[tilespmem:s5], [sflag:$0x2] =	stream.indirect.gather [hbm4b:s4+s19], $0x80, s8, s19, $0xb8;
	[tilespmem:$0x1E600] =	vst v63  }
0x441: {  	s25 =	sadd.s32 $0x1, s25  }
0x442: {  	[tilespmem:s17], [sflag:$0x2] =	stream.indirect.gather [hbm4b:s2+s19], $0x80, s7, s19, $0xb8;
	[tilespmem:$0x1E600] =	vst v63  }
.LBB2_21:
0x443: {  	_ =	sfence.sel $0x180000  }
0x444: {  	[bflag:$0x0] =	sbarrier.arrive $0xFFFF  }
0x445: {  	_ =	strace $0x90000047  }
0x446: {  	s0 =	stileid.u32;
	[bflag:$0x2] =	sbarrier.arrive $0xFFFF  }
0x447: {  	p0 =	sne.s32 s0, $0x0;
	s0 =	rddreg [dreg:$0xa]  }
0x448: {  	s0 =	sadd.s32 @!p0 $0x100000, s0  }
0x449: {  	[sflag:s0] =	ssyncadd.tile.s32 @!p0 $0x1;
	_ =	shalt  }
.Lfunc_end2:
_tile_overlayer_lowered:
.L_overlay_start_2:
0x44a: {  	(tag) =	ssettag $0x2  }
0x44b: {  	s0 =	rddreg [dreg:$0x0];
	s2 =	stileid.u32  }
0x44c: {  	s1 =	rddreg [dreg:$0x1];
	p0 =	sne.s32 s2, $0x0  }
0x44d: {  	s3 =	rddreg [dreg:$0x2];
	[bflag:$0x3] =	sbarrier.arrive $0xFFFF;
	s2 =	simm.s32 @!p0 $0x1C04  }
0x44e: {  	[timem:s3], [sflag:s2] =	dma.local @!p0 [hbm:s0], s1  }
0x44f: {  	s0 =	simm.s32 @!p0 $0x4  }
0x450: {  	_ =	swait.ge @!p0 [sflag:s0], s1  }
0x451: {  	s1 =	ssub.s32 @!p0 $0x0, s1;
	[sflag:s0] =	ssyncset.done @!p0 $0x0  }
0x452: {  	[sflag:s0] =	ssyncadd.s32 @!p0 s1  }
0x453: {  	[bflag:$0x3] =	sbarrier.arrive $0xFFFF  }
0x454: {  	_ =	shalt  }

</sc_bundles>
